<compile_context>
chip_gen: v7x
topology: tpu7x:2x2x1
jax: 0.10.2.dev20260603
libtpu: 0.0.44.dev20260713+nightly
codegen_flags: <defaults>
</compile_context>

<pallas_src>
import functools

import jax
import jax.numpy as jnp
from jax import lax
from jax.experimental import pallas as pl
from jax.experimental.pallas import tpu as pltpu
from jax.experimental.pallas import tpu_sc as plsc

N = 10000
D = 256
HALF = 128
NC = 2
NS = 16
EB = 128
NBT = 80
E_PAD = NS * EB * NBT
JUNK = N
RPT = 632
ACC_ROWS = 10008
LAST = N - (NS - 1) * RPT

_MESH = plsc.VectorSubcoreMesh(
    core_axis_name="c", subcore_axis_name="s", num_cores=NC, num_subcores=NS)


def _deg_body(dst3, ones_in, zeros_in, degp0, degp1, didx_v, ones_v, deg_sp):
    c = lax.axis_index("c")
    t = lax.axis_index("s")

    @pl.when(t < NS - 1)
    def _():
        pltpu.sync_copy(zeros_in, deg_sp.at[pl.ds(t * RPT, RPT)])

    @pl.when(t == NS - 1)
    def _():
        pltpu.sync_copy(zeros_in.at[pl.ds(0, LAST)],
                        deg_sp.at[pl.ds((NS - 1) * RPT, LAST)])

    pltpu.sync_copy(ones_in, ones_v)
    pltpu.sync_copy(dst3.at[t, pl.ds(c * (NBT // NC), NBT // NC)], didx_v)
    plsc.subcore_barrier()

    @pl.loop(0, NBT // NC)
    def _(b):
        pltpu.sync_copy(ones_v, deg_sp.at[didx_v.at[b]], add=True)

    plsc.subcore_barrier()

    def copy_out(dst_ref):
        @pl.when(t < NS - 1)
        def _():
            pltpu.sync_copy(deg_sp.at[pl.ds(t * RPT, RPT)],
                            dst_ref.at[pl.ds(t * RPT, RPT)])

        @pl.when(t == NS - 1)
        def _():
            pltpu.sync_copy(deg_sp.at[pl.ds((NS - 1) * RPT, LAST)],
                            dst_ref.at[pl.ds((NS - 1) * RPT, LAST)])

    @pl.when(c == 0)
    def _():
        copy_out(degp0)

    @pl.when(c == 1)
    def _():
        copy_out(degp1)


_deg_call = pl.kernel(
    _deg_body,
    out_type=[jax.ShapeDtypeStruct((N, HALF), jnp.float32)] * 2,
    mesh=_MESH,
    scratch_types=[
        pltpu.VMEM((NBT // NC, EB), jnp.int32),
        pltpu.VMEM((EB, HALF), jnp.float32),
        pltpu.VMEM_SHARED((ACC_ROWS, HALF), jnp.float32),
    ],
)


NBUF = 2
CH = 16
NWIN = NBT // CH


def _agg_body(src3, dst3, ht0, ht1, out0, out1, sidx_w, didx_w,
              b0, b1, s0, s1, acc_sp):
    bufs = (b0, b1)
    sems = (s0, s1)
    c = lax.axis_index("c")
    t = lax.axis_index("s")

    def load_win(w, p):
        pltpu.sync_copy(src3.at[t, pl.ds(w * CH, CH)],
                        sidx_w.at[pl.ds(p * CH, CH)])
        pltpu.sync_copy(dst3.at[t, pl.ds(w * CH, CH)],
                        didx_w.at[pl.ds(p * CH, CH)])

    def one_side(tbl, out):
        @pl.when(t < NS - 1)
        def _():
            pltpu.sync_copy(tbl.at[pl.ds(t * RPT, RPT)],
                            acc_sp.at[pl.ds(t * RPT, RPT)])

        @pl.when(t == NS - 1)
        def _():
            pltpu.sync_copy(tbl.at[pl.ds((NS - 1) * RPT, LAST)],
                            acc_sp.at[pl.ds((NS - 1) * RPT, LAST)])

        plsc.subcore_barrier()

        load_win(0, 0)
        for j in range(NBUF):
            pltpu.async_copy(tbl.at[sidx_w.at[j]], bufs[j], sems[j])

        @pl.loop(0, NWIN)
        def _(w):
            p = lax.rem(w, 2)
            q = 1 - p

            @pl.when(w + 1 < NWIN)
            def _():
                load_win(w + 1, q)

            for k in range(CH):
                j = k % NBUF
                pltpu.make_async_copy(
                    tbl.at[pl.ds(0, EB)], bufs[j], sems[j]).wait()
                pltpu.sync_copy(bufs[j], acc_sp.at[didx_w.at[p * CH + k]],
                                add=True)
                if k < CH - NBUF:
                    pltpu.async_copy(
                        tbl.at[sidx_w.at[p * CH + k + NBUF]], bufs[j], sems[j])
                else:
                    @pl.when(w + 1 < NWIN)
                    def _():
                        pltpu.async_copy(
                            tbl.at[sidx_w.at[q * CH + k + NBUF - CH]],
                            bufs[j], sems[j])

        plsc.subcore_barrier()

        @pl.when(t < NS - 1)
        def _():
            pltpu.sync_copy(acc_sp.at[pl.ds(t * RPT, RPT)],
                            out.at[pl.ds(t * RPT, RPT)])

        @pl.when(t == NS - 1)
        def _():
            pltpu.sync_copy(acc_sp.at[pl.ds((NS - 1) * RPT, LAST)],
                            out.at[pl.ds((NS - 1) * RPT, LAST)])

    @pl.when(c == 0)
    def _():
        one_side(ht0, out0)

    @pl.when(c == 1)
    def _():
        one_side(ht1, out1)


_agg_call = pl.kernel(
    _agg_body,
    out_type=[jax.ShapeDtypeStruct((N, HALF), jnp.float32)] * 2,
    mesh=_MESH,
    scratch_types=[
        pltpu.VMEM((2 * CH, EB), jnp.int32),
        pltpu.VMEM((2 * CH, EB), jnp.int32),
    ] + [pltpu.VMEM((EB, HALF), jnp.float32)] * NBUF
      + [pltpu.SemaphoreType.DMA] * NBUF
      + [pltpu.VMEM_SHARED((ACC_ROWS, HALF), jnp.float32)],
)


_RB = 2000


def _mm1a_body(x_ref, w_ref, h_ref):
    h_ref[...] = jnp.dot(x_ref[...], w_ref[...],
                         preferred_element_type=jnp.float32)


def _mm1b_body(h_ref, d0_ref, d1_ref, ht0_ref, ht1_ref, dis_ref):
    deg = d0_ref[:, :1] + d1_ref[:, :1] + 1.0
    dis = lax.rsqrt(deg)
    ht = h_ref[...] * dis
    ht0_ref[...] = ht[:, :HALF]
    ht1_ref[...] = ht[:, HALF:]
    dis_ref[...] = dis


def _mm2_body(a0_ref, a1_ref, dis_ref, b_ref, w_ref, ht0_ref, ht1_ref):
    acc = jnp.concatenate([a0_ref[...], a1_ref[...]], axis=1)
    dis = dis_ref[...]
    z = jnp.maximum(acc * dis + b_ref[...], 0.0)
    h = jnp.dot(z, w_ref[...], preferred_element_type=jnp.float32)
    ht = h * dis
    ht0_ref[...] = ht[:, :HALF]
    ht1_ref[...] = ht[:, HALF:]


def _fin_body(a0_ref, a1_ref, dis_ref, b_ref, o_ref):
    acc = jnp.concatenate([a0_ref[...], a1_ref[...]], axis=1)
    o_ref[...] = acc * dis_ref[...] + b_ref[...]


def _rows(shape):
    return pl.BlockSpec((_RB,) + shape[1:], lambda i: (i, 0))


def _whole(shape):
    return pl.BlockSpec(shape, lambda i: (0, 0))


_mm1a_call = pl.pallas_call(
    _mm1a_body,
    grid=(N // _RB,),
    in_specs=[_rows((N, D)), _whole((D, D))],
    out_specs=_rows((N, D)),
    out_shape=jax.ShapeDtypeStruct((N, D), jnp.float32),
)

_mm1b_call = pl.pallas_call(
    _mm1b_body,
    grid=(N // _RB,),
    in_specs=[_rows((N, D)), _rows((N, HALF)), _rows((N, HALF))],
    out_specs=[_rows((N, HALF)), _rows((N, HALF)), _rows((N, 1))],
    out_shape=[jax.ShapeDtypeStruct((N, HALF), jnp.float32),
               jax.ShapeDtypeStruct((N, HALF), jnp.float32),
               jax.ShapeDtypeStruct((N, 1), jnp.float32)],
)

_mm2_call = pl.pallas_call(
    _mm2_body,
    grid=(N // _RB,),
    in_specs=[_rows((N, HALF)), _rows((N, HALF)), _rows((N, 1)),
              _whole((1, D)), _whole((D, D))],
    out_specs=[_rows((N, HALF)), _rows((N, HALF))],
    out_shape=[jax.ShapeDtypeStruct((N, HALF), jnp.float32),
               jax.ShapeDtypeStruct((N, HALF), jnp.float32)],
)

_fin_call = pl.pallas_call(
    _fin_body,
    grid=(N // _RB,),
    in_specs=[_rows((N, HALF)), _rows((N, HALF)), _rows((N, 1)),
              _whole((1, D))],
    out_specs=_rows((N, D)),
    out_shape=jax.ShapeDtypeStruct((N, D), jnp.float32),
)


def kernel(x, edge_index, W1, b1, W2, b2):
    src = edge_index[0].astype(jnp.int32)
    dst = edge_index[1].astype(jnp.int32)
    npad = E_PAD - src.shape[0]
    src3 = jnp.concatenate(
        [src, jnp.zeros((npad,), jnp.int32)]).reshape(NS, NBT, EB)
    dst3 = jnp.concatenate(
        [dst, jnp.full((npad,), JUNK, jnp.int32)]).reshape(NS, NBT, EB)
    ones_in = jnp.ones((EB, HALF), jnp.float32)
    zeros_in = jnp.zeros((RPT, HALF), jnp.float32)

    h1 = _mm1a_call(x, W1)
    degp0, degp1 = _deg_call(dst3, ones_in, zeros_in)
    ht0, ht1, dis = _mm1b_call(h1, degp0, degp1)
    a10, a11 = _agg_call(src3, dst3, ht0, ht1)
    h20, h21 = _mm2_call(a10, a11, dis, b1.reshape(1, D), W2)
    a20, a21 = _agg_call(src3, dst3, h20, h21)
    return _fin_call(a20, a21, dis, b2.reshape(1, D))

# --- scband reference (transcript-rebuilt; emitter-appended) ---
"""Pipeline reference for scband-gcnencoder-51032801411744 (READ-ONLY COPY).

The authoritative reference and input builder live on the scoring server;
editing this copy changes nothing except your own understanding.
"""

import jax, jax.numpy as jnp
import numpy as np

N_NODES = 10000
D_IN = 256
D_LAT = 256
N_EDGES = 160000


def setup_inputs(seed: int = 0) -> dict:
    key = jax.random.key(seed)
    k_x, k_e, k_w1, k_b1, k_w2, k_b2 = jax.random.split(key, 6)
    x = jax.random.normal(k_x, (N_NODES, D_IN), dtype=jnp.float32)
    edge_index = jax.random.randint(k_e, (2, N_EDGES), 0, N_NODES, dtype=jnp.int64)
    # Glorot-style init like torch_geometric GCNConv
    s1 = 1.0 / np.sqrt(D_IN)
    s2 = 1.0 / np.sqrt(D_LAT)
    W1 = jax.random.uniform(k_w1, (D_IN, D_LAT), dtype=jnp.float32, minval=-s1, maxval=s1)
    b1 = jnp.zeros((D_LAT,), dtype=jnp.float32)
    W2 = jax.random.uniform(k_w2, (D_LAT, D_LAT), dtype=jnp.float32, minval=-s2, maxval=s2)
    b2 = jnp.zeros((D_LAT,), dtype=jnp.float32)
    return {"x": x, "edge_index": edge_index, "W1": W1, "b1": b1, "W2": W2, "b2": b2}


def _gcn_conv(x, src, dst, deg_inv_sqrt, W, b, n_nodes):
    # x' = x @ W ; out[dst] += norm * x'[src] (edges already include self-loops)
    h = x @ W
    norm = deg_inv_sqrt[src] * deg_inv_sqrt[dst]
    msgs = h[src] * norm[:, None]
    out = jnp.zeros((n_nodes, h.shape[1]), dtype=h.dtype).at[dst].add(msgs)
    return out + b


def reference(x, edge_index, W1, b1, W2, b2):
    n = x.shape[0]
    # add self-loops (GCNConv default)
    loops = jnp.arange(n, dtype=edge_index.dtype)
    src = jnp.concatenate([edge_index[0], loops])
    dst = jnp.concatenate([edge_index[1], loops])
    # symmetric normalization: deg computed on dst with self-loops
    ones = jnp.ones_like(dst, dtype=jnp.float32)
    deg = jnp.zeros((n,), dtype=jnp.float32).at[dst].add(ones)
    deg_inv_sqrt = jnp.where(deg > 0, 1.0 / jnp.sqrt(deg), 0.0)
    # dropout layers are identity at inference
    h = _gcn_conv(x, src, dst, deg_inv_sqrt, W1, b1, n)
    h = jax.nn.relu(h)
    out = _gcn_conv(h, src, dst, deg_inv_sqrt, W2, b2, n)
    return out

if __name__ == "__main__":
    import jax
    _d = setup_inputs()
    print(jax.jit(kernel)(*tuple(_d.values())))

</pallas_src>

<mosaic_0001>
#map = affine_map<(d0, d1) -> (0, 0, 0)>
#map1 = affine_map<(d0, d1) -> (0, 0)>
module attributes {stable_mosaic.version = 14 : i64} {
  func.func @_agg_body(%arg0: i32, %arg1: i32, %arg2: memref<16x80x128xi32, #tpu.memory_space<hbm>>, %arg3: memref<16x80x128xi32, #tpu.memory_space<hbm>>, %arg4: memref<10000x128xf32, #tpu.memory_space<hbm>>, %arg5: memref<10000x128xf32, #tpu.memory_space<hbm>>, %arg6: memref<10000x128xf32, #tpu.memory_space<hbm>>, %arg7: memref<10000x128xf32, #tpu.memory_space<hbm>>, %arg8: memref<32x128xi32, #tpu.memory_space<vmem>>, %arg9: memref<32x128xi32, #tpu.memory_space<vmem>>, %arg10: memref<128x128xf32, #tpu.memory_space<vmem>>, %arg11: memref<128x128xf32, #tpu.memory_space<vmem>>, %arg12: memref<!tpu.dma_semaphore, #tpu.memory_space<semaphore_mem>>, %arg13: memref<!tpu.dma_semaphore, #tpu.memory_space<semaphore_mem>>, %arg14: memref<10008x128xf32, #tpu.memory_space<vmem_shared>>) attributes {dimension_semantics = [#tpu.dimension_semantics<core_parallel>, #tpu.dimension_semantics<subcore_parallel>], iteration_bounds = array<i64: 2, 16>, scalar_prefetch = 0 : i64, scratch_operands = 7 : i64, tpu.core_type = #tpu.core_type<sc_vector_subcore>, window_params = [{transform_indices = #map}, {transform_indices = #map}, {transform_indices = #map1}, {transform_indices = #map1}, {transform_indices = #map1}, {transform_indices = #map1}]} {
    %eq3A = arith.constant 0 : i32
    %eq3A_0 = arith.cmpi eq, %arg0, %eq3A : i32
    %convert_element_type3A = arith.extui %eq3A_0 : i1 to i32
    %cond3A = arith.constant 0 : i32
    %cond3A_1 = arith.cmpi ne, %convert_element_type3A, %cond3A : i32
    scf.if %cond3A_1 {
      %lt3A = arith.constant 15 : i32
      %lt3A_7 = arith.cmpi slt, %arg1, %lt3A : i32
      %convert_element_type3A_8 = arith.extui %lt3A_7 : i1 to i32
      %cond3A_9 = arith.constant 0 : i32
      %cond3A_10 = arith.cmpi ne, %convert_element_type3A_8, %cond3A_9 : i32
      scf.if %cond3A_10 {
        %mul3A = arith.constant 632 : i32
        %mul3A_44 = arith.muli %arg1, %mul3A : i32
        %mul3A_45 = arith.constant 632 : i32
        %mul3A_46 = arith.muli %arg1, %mul3A_45 : i32
        "tpu.region"() ({
          %run_scoped3A = tpu.sem_alloc : memref<!tpu.dma_semaphore, #tpu.memory_space<semaphore_mem>>
          %dma_start3A_47 = arith.constant 0 : i32
          %dma_start3A_48 = tpu.memref_slice %arg14[%mul3A_46, %dma_start3A_47] : memref<10008x128xf32, #tpu.memory_space<vmem_shared>> -> memref<632x128xf32, #tpu.memory_space<vmem_shared>>
          %dma_start3A_49 = arith.constant 0 : i32
          %dma_start3A_50 = tpu.memref_slice %arg4[%mul3A_44, %dma_start3A_49] : memref<10000x128xf32, #tpu.memory_space<hbm>> -> memref<632x128xf32, #tpu.memory_space<hbm>>
          tpu.enqueue_dma source(%dma_start3A_50 : memref<632x128xf32, #tpu.memory_space<hbm>>) target(%dma_start3A_48 : memref<632x128xf32, #tpu.memory_space<vmem_shared>>) target_semaphore(%run_scoped3A : memref<!tpu.dma_semaphore, #tpu.memory_space<semaphore_mem>>)
          %dma_wait3A = arith.constant 0 : i32
          %dma_wait3A_51 = tpu.memref_slice %arg14[%mul3A_46, %dma_wait3A] : memref<10008x128xf32, #tpu.memory_space<vmem_shared>> -> memref<632x128xf32, #tpu.memory_space<vmem_shared>>
          %dma_wait3A_52 = arith.constant 0 : i32
          %dma_wait3A_53 = tpu.memref_slice %arg4[%mul3A_44, %dma_wait3A_52] : memref<10000x128xf32, #tpu.memory_space<hbm>> -> memref<632x128xf32, #tpu.memory_space<hbm>>
          tpu.wait_dma2 semaphore(%run_scoped3A : memref<!tpu.dma_semaphore, #tpu.memory_space<semaphore_mem>>) src(%dma_wait3A_53 : memref<632x128xf32, #tpu.memory_space<hbm>>) dst(%dma_wait3A_51 : memref<632x128xf32, #tpu.memory_space<vmem_shared>>)
          tpu.yield
        }) : () -> ()
      } else {
      }
      %eq3A_11 = arith.constant 15 : i32
      %eq3A_12 = arith.cmpi eq, %arg1, %eq3A_11 : i32
      %convert_element_type3A_13 = arith.extui %eq3A_12 : i1 to i32
      %cond3A_14 = arith.constant 0 : i32
      %cond3A_15 = arith.cmpi ne, %convert_element_type3A_13, %cond3A_14 : i32
      scf.if %cond3A_15 {
        "tpu.region"() ({
          %run_scoped3A = tpu.sem_alloc : memref<!tpu.dma_semaphore, #tpu.memory_space<semaphore_mem>>
          %dma_start3A_44 = arith.constant 9480 : i32
          %dma_start3A_45 = arith.constant 0 : i32
          %dma_start3A_46 = tpu.memref_slice %arg14[%dma_start3A_44, %dma_start3A_45] : memref<10008x128xf32, #tpu.memory_space<vmem_shared>> -> memref<520x128xf32, #tpu.memory_space<vmem_shared>>
          %dma_start3A_47 = arith.constant 9480 : i32
          %dma_start3A_48 = arith.constant 0 : i32
          %dma_start3A_49 = tpu.memref_slice %arg4[%dma_start3A_47, %dma_start3A_48] : memref<10000x128xf32, #tpu.memory_space<hbm>> -> memref<520x128xf32, #tpu.memory_space<hbm>>
          tpu.enqueue_dma source(%dma_start3A_49 : memref<520x128xf32, #tpu.memory_space<hbm>>) target(%dma_start3A_46 : memref<520x128xf32, #tpu.memory_space<vmem_shared>>) target_semaphore(%run_scoped3A : memref<!tpu.dma_semaphore, #tpu.memory_space<semaphore_mem>>)
          %dma_wait3A = arith.constant 9480 : i32
          %dma_wait3A_50 = arith.constant 0 : i32
          %dma_wait3A_51 = tpu.memref_slice %arg14[%dma_wait3A, %dma_wait3A_50] : memref<10008x128xf32, #tpu.memory_space<vmem_shared>> -> memref<520x128xf32, #tpu.memory_space<vmem_shared>>
          %dma_wait3A_52 = arith.constant 9480 : i32
          %dma_wait3A_53 = arith.constant 0 : i32
          %dma_wait3A_54 = tpu.memref_slice %arg4[%dma_wait3A_52, %dma_wait3A_53] : memref<10000x128xf32, #tpu.memory_space<hbm>> -> memref<520x128xf32, #tpu.memory_space<hbm>>
          tpu.wait_dma2 semaphore(%run_scoped3A : memref<!tpu.dma_semaphore, #tpu.memory_space<semaphore_mem>>) src(%dma_wait3A_54 : memref<520x128xf32, #tpu.memory_space<hbm>>) dst(%dma_wait3A_51 : memref<520x128xf32, #tpu.memory_space<vmem_shared>>)
          tpu.yield
        }) : () -> ()
      } else {
      }
      %barrier3A = arith.constant 0 : index
      tpu.barrier barrier_id(%barrier3A)
      "tpu.region"() ({
        %run_scoped3A = tpu.sem_alloc : memref<!tpu.dma_semaphore, #tpu.memory_space<semaphore_mem>>
        %dma_start3A_44 = arith.constant 0 : i32
        %dma_start3A_45 = arith.constant 0 : i32
        %dma_start3A_46 = tpu.memref_slice %arg8[%dma_start3A_44, %dma_start3A_45] : memref<32x128xi32, #tpu.memory_space<vmem>> -> memref<16x128xi32, #tpu.memory_space<vmem>>
        %dma_start3A_47 = arith.constant 0 : i32
        %dma_start3A_48 = arith.constant 0 : i32
        %dma_start3A_49 = tpu.memref_slice %arg2[%arg1, %dma_start3A_47, %dma_start3A_48] : memref<16x80x128xi32, #tpu.memory_space<hbm>> -> memref<1x16x128xi32, #tpu.memory_space<hbm>>
        %dma_start3A_50 = tpu.memref_squeeze %dma_start3A_49 : memref<1x16x128xi32, #tpu.memory_space<hbm>> -> memref<16x128xi32, #tpu.memory_space<hbm>>
        %dma_start3A_51 = arith.constant 0 : i32
        %dma_start3A_52 = arith.constant 0 : i32
        %dma_start3A_53 = tpu.memref_slice %arg8[%dma_start3A_51, %dma_start3A_52] : memref<32x128xi32, #tpu.memory_space<vmem>> -> memref<16x128xi32, #tpu.memory_space<vmem>>
        %dma_start3A_54 = arith.constant 0 : i32
        %dma_start3A_55 = arith.constant 0 : i32
        %dma_start3A_56 = tpu.memref_slice %arg2[%arg1, %dma_start3A_54, %dma_start3A_55] : memref<16x80x128xi32, #tpu.memory_space<hbm>> -> memref<1x16x128xi32, #tpu.memory_space<hbm>>
        %dma_start3A_57 = tpu.memref_squeeze %dma_start3A_56 : memref<1x16x128xi32, #tpu.memory_space<hbm>> -> memref<16x128xi32, #tpu.memory_space<hbm>>
        tpu.enqueue_dma source(%dma_start3A_57 : memref<16x128xi32, #tpu.memory_space<hbm>>) target(%dma_start3A_53 : memref<16x128xi32, #tpu.memory_space<vmem>>) target_semaphore(%run_scoped3A : memref<!tpu.dma_semaphore, #tpu.memory_space<semaphore_mem>>)
        %dma_wait3A = arith.constant 0 : i32
        %dma_wait3A_58 = arith.constant 0 : i32
        %dma_wait3A_59 = tpu.memref_slice %arg8[%dma_wait3A, %dma_wait3A_58] : memref<32x128xi32, #tpu.memory_space<vmem>> -> memref<16x128xi32, #tpu.memory_space<vmem>>
        %dma_wait3A_60 = arith.constant 0 : i32
        %dma_wait3A_61 = arith.constant 0 : i32
        %dma_wait3A_62 = tpu.memref_slice %arg2[%arg1, %dma_wait3A_60, %dma_wait3A_61] : memref<16x80x128xi32, #tpu.memory_space<hbm>> -> memref<1x16x128xi32, #tpu.memory_space<hbm>>
        %dma_wait3A_63 = tpu.memref_squeeze %dma_wait3A_62 : memref<1x16x128xi32, #tpu.memory_space<hbm>> -> memref<16x128xi32, #tpu.memory_space<hbm>>
        %dma_wait3A_64 = arith.constant 0 : i32
        %dma_wait3A_65 = arith.constant 0 : i32
        %dma_wait3A_66 = tpu.memref_slice %arg8[%dma_wait3A_64, %dma_wait3A_65] : memref<32x128xi32, #tpu.memory_space<vmem>> -> memref<16x128xi32, #tpu.memory_space<vmem>>
        %dma_wait3A_67 = arith.constant 0 : i32
        %dma_wait3A_68 = arith.constant 0 : i32
        %dma_wait3A_69 = tpu.memref_slice %arg2[%arg1, %dma_wait3A_67, %dma_wait3A_68] : memref<16x80x128xi32, #tpu.memory_space<hbm>> -> memref<1x16x128xi32, #tpu.memory_space<hbm>>
        %dma_wait3A_70 = tpu.memref_squeeze %dma_wait3A_69 : memref<1x16x128xi32, #tpu.memory_space<hbm>> -> memref<16x128xi32, #tpu.memory_space<hbm>>
        tpu.wait_dma2 semaphore(%run_scoped3A : memref<!tpu.dma_semaphore, #tpu.memory_space<semaphore_mem>>) src(%dma_wait3A_70 : memref<16x128xi32, #tpu.memory_space<hbm>>) dst(%dma_wait3A_66 : memref<16x128xi32, #tpu.memory_space<vmem>>)
        tpu.yield
      }) : () -> ()
      "tpu.region"() ({
        %run_scoped3A = tpu.sem_alloc : memref<!tpu.dma_semaphore, #tpu.memory_space<semaphore_mem>>
        %dma_start3A_44 = arith.constant 0 : i32
        %dma_start3A_45 = arith.constant 0 : i32
        %dma_start3A_46 = tpu.memref_slice %arg9[%dma_start3A_44, %dma_start3A_45] : memref<32x128xi32, #tpu.memory_space<vmem>> -> memref<16x128xi32, #tpu.memory_space<vmem>>
        %dma_start3A_47 = arith.constant 0 : i32
        %dma_start3A_48 = arith.constant 0 : i32
        %dma_start3A_49 = tpu.memref_slice %arg3[%arg1, %dma_start3A_47, %dma_start3A_48] : memref<16x80x128xi32, #tpu.memory_space<hbm>> -> memref<1x16x128xi32, #tpu.memory_space<hbm>>
        %dma_start3A_50 = tpu.memref_squeeze %dma_start3A_49 : memref<1x16x128xi32, #tpu.memory_space<hbm>> -> memref<16x128xi32, #tpu.memory_space<hbm>>
        %dma_start3A_51 = arith.constant 0 : i32
        %dma_start3A_52 = arith.constant 0 : i32
        %dma_start3A_53 = tpu.memref_slice %arg9[%dma_start3A_51, %dma_start3A_52] : memref<32x128xi32, #tpu.memory_space<vmem>> -> memref<16x128xi32, #tpu.memory_space<vmem>>
        %dma_start3A_54 = arith.constant 0 : i32
        %dma_start3A_55 = arith.constant 0 : i32
        %dma_start3A_56 = tpu.memref_slice %arg3[%arg1, %dma_start3A_54, %dma_start3A_55] : memref<16x80x128xi32, #tpu.memory_space<hbm>> -> memref<1x16x128xi32, #tpu.memory_space<hbm>>
        %dma_start3A_57 = tpu.memref_squeeze %dma_start3A_56 : memref<1x16x128xi32, #tpu.memory_space<hbm>> -> memref<16x128xi32, #tpu.memory_space<hbm>>
        tpu.enqueue_dma source(%dma_start3A_57 : memref<16x128xi32, #tpu.memory_space<hbm>>) target(%dma_start3A_53 : memref<16x128xi32, #tpu.memory_space<vmem>>) target_semaphore(%run_scoped3A : memref<!tpu.dma_semaphore, #tpu.memory_space<semaphore_mem>>)
        %dma_wait3A = arith.constant 0 : i32
        %dma_wait3A_58 = arith.constant 0 : i32
        %dma_wait3A_59 = tpu.memref_slice %arg9[%dma_wait3A, %dma_wait3A_58] : memref<32x128xi32, #tpu.memory_space<vmem>> -> memref<16x128xi32, #tpu.memory_space<vmem>>
        %dma_wait3A_60 = arith.constant 0 : i32
        %dma_wait3A_61 = arith.constant 0 : i32
        %dma_wait3A_62 = tpu.memref_slice %arg3[%arg1, %dma_wait3A_60, %dma_wait3A_61] : memref<16x80x128xi32, #tpu.memory_space<hbm>> -> memref<1x16x128xi32, #tpu.memory_space<hbm>>
        %dma_wait3A_63 = tpu.memref_squeeze %dma_wait3A_62 : memref<1x16x128xi32, #tpu.memory_space<hbm>> -> memref<16x128xi32, #tpu.memory_space<hbm>>
        %dma_wait3A_64 = arith.constant 0 : i32
        %dma_wait3A_65 = arith.constant 0 : i32
        %dma_wait3A_66 = tpu.memref_slice %arg9[%dma_wait3A_64, %dma_wait3A_65] : memref<32x128xi32, #tpu.memory_space<vmem>> -> memref<16x128xi32, #tpu.memory_space<vmem>>
        %dma_wait3A_67 = arith.constant 0 : i32
        %dma_wait3A_68 = arith.constant 0 : i32
        %dma_wait3A_69 = tpu.memref_slice %arg3[%arg1, %dma_wait3A_67, %dma_wait3A_68] : memref<16x80x128xi32, #tpu.memory_space<hbm>> -> memref<1x16x128xi32, #tpu.memory_space<hbm>>
        %dma_wait3A_70 = tpu.memref_squeeze %dma_wait3A_69 : memref<1x16x128xi32, #tpu.memory_space<hbm>> -> memref<16x128xi32, #tpu.memory_space<hbm>>
        tpu.wait_dma2 semaphore(%run_scoped3A : memref<!tpu.dma_semaphore, #tpu.memory_space<semaphore_mem>>) src(%dma_wait3A_70 : memref<16x128xi32, #tpu.memory_space<hbm>>) dst(%dma_wait3A_66 : memref<16x128xi32, #tpu.memory_space<vmem>>)
        tpu.yield
      }) : () -> ()
      %dma_start3A = arith.constant 0 : i32
      %dma_start3A_16 = arith.constant 0 : i32
      %dma_start3A_17 = tpu.memref_slice %arg8[%dma_start3A, %dma_start3A_16] : memref<32x128xi32, #tpu.memory_space<vmem>> -> memref<1x128xi32, #tpu.memory_space<vmem>>
      %dma_start3A_18 = tpu.memref_squeeze %dma_start3A_17 : memref<1x128xi32, #tpu.memory_space<vmem>> -> memref<128xi32, #tpu.memory_space<vmem>>
      %dma_start3A_19 = arith.constant 0 : i32
      %dma_start3A_20 = arith.constant 0 : i32
      %dma_start3A_21 = tpu.memref_slice %arg4[%dma_start3A_19, %dma_start3A_20] : memref<10000x128xf32, #tpu.memory_space<hbm>> -> memref<10000x128xf32, #tpu.memory_space<hbm>>
      tpu.enqueue_indirect_dma source(%dma_start3A_21 : memref<10000x128xf32, #tpu.memory_space<hbm>>) target(%arg10 : memref<128x128xf32, #tpu.memory_space<vmem>>) offsets(%dma_start3A_18 : memref<128xi32, #tpu.memory_space<vmem>>) semaphore(%arg12 : memref<!tpu.dma_semaphore, #tpu.memory_space<semaphore_mem>>)
      %dma_start3A_22 = arith.constant 1 : i32
      %dma_start3A_23 = arith.constant 0 : i32
      %dma_start3A_24 = tpu.memref_slice %arg8[%dma_start3A_22, %dma_start3A_23] : memref<32x128xi32, #tpu.memory_space<vmem>> -> memref<1x128xi32, #tpu.memory_space<vmem>>
      %dma_start3A_25 = tpu.memref_squeeze %dma_start3A_24 : memref<1x128xi32, #tpu.memory_space<vmem>> -> memref<128xi32, #tpu.memory_space<vmem>>
      %dma_start3A_26 = arith.constant 0 : i32
      %dma_start3A_27 = arith.constant 0 : i32
      %dma_start3A_28 = tpu.memref_slice %arg4[%dma_start3A_26, %dma_start3A_27] : memref<10000x128xf32, #tpu.memory_space<hbm>> -> memref<10000x128xf32, #tpu.memory_space<hbm>>
      tpu.enqueue_indirect_dma source(%dma_start3A_28 : memref<10000x128xf32, #tpu.memory_space<hbm>>) target(%arg11 : memref<128x128xf32, #tpu.memory_space<vmem>>) offsets(%dma_start3A_25 : memref<128xi32, #tpu.memory_space<vmem>>) semaphore(%arg13 : memref<!tpu.dma_semaphore, #tpu.memory_space<semaphore_mem>>)
      %scan3A = arith.constant 0 : i32
      %scan3A_29 = arith.constant 5 : i32
      %scan3A_30 = arith.addi %scan3A, %scan3A_29 : i32
      %scan3A_31 = arith.constant 1 : i32
      scf.for %scan3A_44 = %scan3A to %scan3A_30 step %scan3A_31  : i32 {
        %mul3A = arith.constant 1 : i32
        %mul3A_45 = arith.muli %scan3A_44, %mul3A : i32
        %add3A = arith.constant 0 : i32
        %add3A_46 = arith.addi %add3A, %mul3A_45 : i32
        %rem3A = arith.constant 2 : i32
        %rem3A_47 = arith.remsi %add3A_46, %rem3A : i32
        %sub3A = arith.constant 1 : i32
        %sub3A_48 = arith.subi %sub3A, %rem3A_47 : i32
        %add3A_49 = arith.constant 1 : i32
        %add3A_50 = arith.addi %add3A_46, %add3A_49 : i32
        %lt3A_51 = arith.constant 5 : i32
        %lt3A_52 = arith.cmpi slt, %add3A_50, %lt3A_51 : i32
        %convert_element_type3A_53 = arith.extui %lt3A_52 : i1 to i32
        %cond3A_54 = arith.constant 0 : i32
        %cond3A_55 = arith.cmpi ne, %convert_element_type3A_53, %cond3A_54 : i32
        scf.if %cond3A_55 {
          %add3A_397 = arith.constant 1 : i32
          %add3A_398 = arith.addi %add3A_46, %add3A_397 : i32
          %mul3A_399 = arith.constant 16 : i32
          %mul3A_400 = arith.muli %add3A_398, %mul3A_399 : i32
          %mul3A_401 = arith.constant 16 : i32
          %mul3A_402 = arith.muli %sub3A_48, %mul3A_401 : i32
          "tpu.region"() ({
            %run_scoped3A = tpu.sem_alloc : memref<!tpu.dma_semaphore, #tpu.memory_space<semaphore_mem>>
            %dma_start3A_407 = arith.constant 0 : i32
            %dma_start3A_408 = tpu.memref_slice %arg8[%mul3A_402, %dma_start3A_407] : memref<32x128xi32, #tpu.memory_space<vmem>> -> memref<16x128xi32, #tpu.memory_space<vmem>>
            %dma_start3A_409 = arith.constant 0 : i32
            %dma_start3A_410 = tpu.memref_slice %arg2[%arg1, %mul3A_400, %dma_start3A_409] : memref<16x80x128xi32, #tpu.memory_space<hbm>> -> memref<1x16x128xi32, #tpu.memory_space<hbm>>
            %dma_start3A_411 = tpu.memref_squeeze %dma_start3A_410 : memref<1x16x128xi32, #tpu.memory_space<hbm>> -> memref<16x128xi32, #tpu.memory_space<hbm>>
            %dma_start3A_412 = arith.constant 0 : i32
            %dma_start3A_413 = tpu.memref_slice %arg8[%mul3A_402, %dma_start3A_412] : memref<32x128xi32, #tpu.memory_space<vmem>> -> memref<16x128xi32, #tpu.memory_space<vmem>>
            %dma_start3A_414 = arith.constant 0 : i32
            %dma_start3A_415 = tpu.memref_slice %arg2[%arg1, %mul3A_400, %dma_start3A_414] : memref<16x80x128xi32, #tpu.memory_space<hbm>> -> memref<1x16x128xi32, #tpu.memory_space<hbm>>
            %dma_start3A_416 = tpu.memref_squeeze %dma_start3A_415 : memref<1x16x128xi32, #tpu.memory_space<hbm>> -> memref<16x128xi32, #tpu.memory_space<hbm>>
            tpu.enqueue_dma source(%dma_start3A_416 : memref<16x128xi32, #tpu.memory_space<hbm>>) target(%dma_start3A_413 : memref<16x128xi32, #tpu.memory_space<vmem>>) target_semaphore(%run_scoped3A : memref<!tpu.dma_semaphore, #tpu.memory_space<semaphore_mem>>)
            %dma_wait3A_417 = arith.constant 0 : i32
            %dma_wait3A_418 = tpu.memref_slice %arg8[%mul3A_402, %dma_wait3A_417] : memref<32x128xi32, #tpu.memory_space<vmem>> -> memref<16x128xi32, #tpu.memory_space<vmem>>
            %dma_wait3A_419 = arith.constant 0 : i32
            %dma_wait3A_420 = tpu.memref_slice %arg2[%arg1, %mul3A_400, %dma_wait3A_419] : memref<16x80x128xi32, #tpu.memory_space<hbm>> -> memref<1x16x128xi32, #tpu.memory_space<hbm>>
            %dma_wait3A_421 = tpu.memref_squeeze %dma_wait3A_420 : memref<1x16x128xi32, #tpu.memory_space<hbm>> -> memref<16x128xi32, #tpu.memory_space<hbm>>
            %dma_wait3A_422 = arith.constant 0 : i32
            %dma_wait3A_423 = tpu.memref_slice %arg8[%mul3A_402, %dma_wait3A_422] : memref<32x128xi32, #tpu.memory_space<vmem>> -> memref<16x128xi32, #tpu.memory_space<vmem>>
            %dma_wait3A_424 = arith.constant 0 : i32
            %dma_wait3A_425 = tpu.memref_slice %arg2[%arg1, %mul3A_400, %dma_wait3A_424] : memref<16x80x128xi32, #tpu.memory_space<hbm>> -> memref<1x16x128xi32, #tpu.memory_space<hbm>>
            %dma_wait3A_426 = tpu.memref_squeeze %dma_wait3A_425 : memref<1x16x128xi32, #tpu.memory_space<hbm>> -> memref<16x128xi32, #tpu.memory_space<hbm>>
            tpu.wait_dma2 semaphore(%run_scoped3A : memref<!tpu.dma_semaphore, #tpu.memory_space<semaphore_mem>>) src(%dma_wait3A_426 : memref<16x128xi32, #tpu.memory_space<hbm>>) dst(%dma_wait3A_423 : memref<16x128xi32, #tpu.memory_space<vmem>>)
            tpu.yield
          }) : () -> ()
          %mul3A_403 = arith.constant 16 : i32
          %mul3A_404 = arith.muli %add3A_398, %mul3A_403 : i32
          %mul3A_405 = arith.constant 16 : i32
          %mul3A_406 = arith.muli %sub3A_48, %mul3A_405 : i32
          "tpu.region"() ({
            %run_scoped3A = tpu.sem_alloc : memref<!tpu.dma_semaphore, #tpu.memory_space<semaphore_mem>>
            %dma_start3A_407 = arith.constant 0 : i32
            %dma_start3A_408 = tpu.memref_slice %arg9[%mul3A_406, %dma_start3A_407] : memref<32x128xi32, #tpu.memory_space<vmem>> -> memref<16x128xi32, #tpu.memory_space<vmem>>
            %dma_start3A_409 = arith.constant 0 : i32
            %dma_start3A_410 = tpu.memref_slice %arg3[%arg1, %mul3A_404, %dma_start3A_409] : memref<16x80x128xi32, #tpu.memory_space<hbm>> -> memref<1x16x128xi32, #tpu.memory_space<hbm>>
            %dma_start3A_411 = tpu.memref_squeeze %dma_start3A_410 : memref<1x16x128xi32, #tpu.memory_space<hbm>> -> memref<16x128xi32, #tpu.memory_space<hbm>>
            %dma_start3A_412 = arith.constant 0 : i32
            %dma_start3A_413 = tpu.memref_slice %arg9[%mul3A_406, %dma_start3A_412] : memref<32x128xi32, #tpu.memory_space<vmem>> -> memref<16x128xi32, #tpu.memory_space<vmem>>
            %dma_start3A_414 = arith.constant 0 : i32
            %dma_start3A_415 = tpu.memref_slice %arg3[%arg1, %mul3A_404, %dma_start3A_414] : memref<16x80x128xi32, #tpu.memory_space<hbm>> -> memref<1x16x128xi32, #tpu.memory_space<hbm>>
            %dma_start3A_416 = tpu.memref_squeeze %dma_start3A_415 : memref<1x16x128xi32, #tpu.memory_space<hbm>> -> memref<16x128xi32, #tpu.memory_space<hbm>>
            tpu.enqueue_dma source(%dma_start3A_416 : memref<16x128xi32, #tpu.memory_space<hbm>>) target(%dma_start3A_413 : memref<16x128xi32, #tpu.memory_space<vmem>>) target_semaphore(%run_scoped3A : memref<!tpu.dma_semaphore, #tpu.memory_space<semaphore_mem>>)
            %dma_wait3A_417 = arith.constant 0 : i32
            %dma_wait3A_418 = tpu.memref_slice %arg9[%mul3A_406, %dma_wait3A_417] : memref<32x128xi32, #tpu.memory_space<vmem>> -> memref<16x128xi32, #tpu.memory_space<vmem>>
            %dma_wait3A_419 = arith.constant 0 : i32
            %dma_wait3A_420 = tpu.memref_slice %arg3[%arg1, %mul3A_404, %dma_wait3A_419] : memref<16x80x128xi32, #tpu.memory_space<hbm>> -> memref<1x16x128xi32, #tpu.memory_space<hbm>>
            %dma_wait3A_421 = tpu.memref_squeeze %dma_wait3A_420 : memref<1x16x128xi32, #tpu.memory_space<hbm>> -> memref<16x128xi32, #tpu.memory_space<hbm>>
            %dma_wait3A_422 = arith.constant 0 : i32
            %dma_wait3A_423 = tpu.memref_slice %arg9[%mul3A_406, %dma_wait3A_422] : memref<32x128xi32, #tpu.memory_space<vmem>> -> memref<16x128xi32, #tpu.memory_space<vmem>>
            %dma_wait3A_424 = arith.constant 0 : i32
            %dma_wait3A_425 = tpu.memref_slice %arg3[%arg1, %mul3A_404, %dma_wait3A_424] : memref<16x80x128xi32, #tpu.memory_space<hbm>> -> memref<1x16x128xi32, #tpu.memory_space<hbm>>
            %dma_wait3A_426 = tpu.memref_squeeze %dma_wait3A_425 : memref<1x16x128xi32, #tpu.memory_space<hbm>> -> memref<16x128xi32, #tpu.memory_space<hbm>>
            tpu.wait_dma2 semaphore(%run_scoped3A : memref<!tpu.dma_semaphore, #tpu.memory_space<semaphore_mem>>) src(%dma_wait3A_426 : memref<16x128xi32, #tpu.memory_space<hbm>>) dst(%dma_wait3A_423 : memref<16x128xi32, #tpu.memory_space<vmem>>)
            tpu.yield
          }) : () -> ()
        } else {
        }
        %dma_wait3A = arith.constant 0 : i32
        %dma_wait3A_56 = arith.constant 0 : i32
        %dma_wait3A_57 = tpu.memref_slice %arg4[%dma_wait3A, %dma_wait3A_56] : memref<10000x128xf32, #tpu.memory_space<hbm>> -> memref<128x128xf32, #tpu.memory_space<hbm>>
        %dma_wait3A_58 = arith.constant 0 : i32
        %dma_wait3A_59 = arith.constant 0 : i32
        %dma_wait3A_60 = tpu.memref_slice %arg4[%dma_wait3A_58, %dma_wait3A_59] : memref<10000x128xf32, #tpu.memory_space<hbm>> -> memref<128x128xf32, #tpu.memory_space<hbm>>
        tpu.wait_dma2 semaphore(%arg12 : memref<!tpu.dma_semaphore, #tpu.memory_space<semaphore_mem>>) src(%dma_wait3A_60 : memref<128x128xf32, #tpu.memory_space<hbm>>) dst(%arg10 : memref<128x128xf32, #tpu.memory_space<vmem>>)
        %mul3A_61 = arith.constant 16 : i32
        %mul3A_62 = arith.muli %rem3A_47, %mul3A_61 : i32
        %add3A_63 = arith.constant 0 : i32
        %add3A_64 = arith.addi %mul3A_62, %add3A_63 : i32
        "tpu.region"() ({
          %run_scoped3A = tpu.sem_alloc : memref<!tpu.dma_semaphore, #tpu.memory_space<semaphore_mem>>
          %dma_start3A_397 = arith.constant 0 : i32
          %dma_start3A_398 = tpu.memref_slice %arg9[%add3A_64, %dma_start3A_397] : memref<32x128xi32, #tpu.memory_space<vmem>> -> memref<1x128xi32, #tpu.memory_space<vmem>>
          %dma_start3A_399 = tpu.memref_squeeze %dma_start3A_398 : memref<1x128xi32, #tpu.memory_space<vmem>> -> memref<128xi32, #tpu.memory_space<vmem>>
          %dma_start3A_400 = arith.constant 0 : i32
          %dma_start3A_401 = arith.constant 0 : i32
          %dma_start3A_402 = tpu.memref_slice %arg14[%dma_start3A_400, %dma_start3A_401] : memref<10008x128xf32, #tpu.memory_space<vmem_shared>> -> memref<10008x128xf32, #tpu.memory_space<vmem_shared>>
          tpu.enqueue_indirect_dma source(%arg10 : memref<128x128xf32, #tpu.memory_space<vmem>>) target(%dma_start3A_402 : memref<10008x128xf32, #tpu.memory_space<vmem_shared>>) offsets(%dma_start3A_399 : memref<128xi32, #tpu.memory_space<vmem>>) semaphore(%run_scoped3A : memref<!tpu.dma_semaphore, #tpu.memory_space<semaphore_mem>>) {add = true}
          %dma_wait3A_403 = arith.constant 0 : i32
          %dma_wait3A_404 = tpu.memref_slice %arg9[%add3A_64, %dma_wait3A_403] : memref<32x128xi32, #tpu.memory_space<vmem>> -> memref<1x128xi32, #tpu.memory_space<vmem>>
          %dma_wait3A_405 = tpu.memref_squeeze %dma_wait3A_404 : memref<1x128xi32, #tpu.memory_space<vmem>> -> memref<128xi32, #tpu.memory_space<vmem>>
          %dma_wait3A_406 = arith.constant 0 : i32
          %dma_wait3A_407 = arith.constant 0 : i32
          %dma_wait3A_408 = tpu.memref_slice %arg14[%dma_wait3A_406, %dma_wait3A_407] : memref<10008x128xf32, #tpu.memory_space<vmem_shared>> -> memref<10008x128xf32, #tpu.memory_space<vmem_shared>>
          tpu.wait_indirect_dma semaphore(%run_scoped3A : memref<!tpu.dma_semaphore, #tpu.memory_space<semaphore_mem>>) src(%arg10 : memref<128x128xf32, #tpu.memory_space<vmem>>) dst(%dma_wait3A_408 : memref<10008x128xf32, #tpu.memory_space<vmem_shared>>)
          tpu.yield
        }) : () -> ()
        %mul3A_65 = arith.constant 16 : i32
        %mul3A_66 = arith.muli %rem3A_47, %mul3A_65 : i32
        %add3A_67 = arith.constant 0 : i32
        %add3A_68 = arith.addi %mul3A_66, %add3A_67 : i32
        %add3A_69 = arith.constant 2 : i32
        %add3A_70 = arith.addi %add3A_68, %add3A_69 : i32
        %dma_start3A_71 = arith.constant 0 : i32
        %dma_start3A_72 = tpu.memref_slice %arg8[%add3A_70, %dma_start3A_71] : memref<32x128xi32, #tpu.memory_space<vmem>> -> memref<1x128xi32, #tpu.memory_space<vmem>>
        %dma_start3A_73 = tpu.memref_squeeze %dma_start3A_72 : memref<1x128xi32, #tpu.memory_space<vmem>> -> memref<128xi32, #tpu.memory_space<vmem>>
        %dma_start3A_74 = arith.constant 0 : i32
        %dma_start3A_75 = arith.constant 0 : i32
        %dma_start3A_76 = tpu.memref_slice %arg4[%dma_start3A_74, %dma_start3A_75] : memref<10000x128xf32, #tpu.memory_space<hbm>> -> memref<10000x128xf32, #tpu.memory_space<hbm>>
        tpu.enqueue_indirect_dma source(%dma_start3A_76 : memref<10000x128xf32, #tpu.memory_space<hbm>>) target(%arg10 : memref<128x128xf32, #tpu.memory_space<vmem>>) offsets(%dma_start3A_73 : memref<128xi32, #tpu.memory_space<vmem>>) semaphore(%arg12 : memref<!tpu.dma_semaphore, #tpu.memory_space<semaphore_mem>>)
        %dma_wait3A_77 = arith.constant 0 : i32
        %dma_wait3A_78 = arith.constant 0 : i32
        %dma_wait3A_79 = tpu.memref_slice %arg4[%dma_wait3A_77, %dma_wait3A_78] : memref<10000x128xf32, #tpu.memory_space<hbm>> -> memref<128x128xf32, #tpu.memory_space<hbm>>
        %dma_wait3A_80 = arith.constant 0 : i32
        %dma_wait3A_81 = arith.constant 0 : i32
        %dma_wait3A_82 = tpu.memref_slice %arg4[%dma_wait3A_80, %dma_wait3A_81] : memref<10000x128xf32, #tpu.memory_space<hbm>> -> memref<128x128xf32, #tpu.memory_space<hbm>>
        tpu.wait_dma2 semaphore(%arg13 : memref<!tpu.dma_semaphore, #tpu.memory_space<semaphore_mem>>) src(%dma_wait3A_82 : memref<128x128xf32, #tpu.memory_space<hbm>>) dst(%arg11 : memref<128x128xf32, #tpu.memory_space<vmem>>)
        %mul3A_83 = arith.constant 16 : i32
        %mul3A_84 = arith.muli %rem3A_47, %mul3A_83 : i32
        %add3A_85 = arith.constant 1 : i32
        %add3A_86 = arith.addi %mul3A_84, %add3A_85 : i32
        "tpu.region"() ({
          %run_scoped3A = tpu.sem_alloc : memref<!tpu.dma_semaphore, #tpu.memory_space<semaphore_mem>>
          %dma_start3A_397 = arith.constant 0 : i32
          %dma_start3A_398 = tpu.memref_slice %arg9[%add3A_86, %dma_start3A_397] : memref<32x128xi32, #tpu.memory_space<vmem>> -> memref<1x128xi32, #tpu.memory_space<vmem>>
          %dma_start3A_399 = tpu.memref_squeeze %dma_start3A_398 : memref<1x128xi32, #tpu.memory_space<vmem>> -> memref<128xi32, #tpu.memory_space<vmem>>
          %dma_start3A_400 = arith.constant 0 : i32
          %dma_start3A_401 = arith.constant 0 : i32
          %dma_start3A_402 = tpu.memref_slice %arg14[%dma_start3A_400, %dma_start3A_401] : memref<10008x128xf32, #tpu.memory_space<vmem_shared>> -> memref<10008x128xf32, #tpu.memory_space<vmem_shared>>
          tpu.enqueue_indirect_dma source(%arg11 : memref<128x128xf32, #tpu.memory_space<vmem>>) target(%dma_start3A_402 : memref<10008x128xf32, #tpu.memory_space<vmem_shared>>) offsets(%dma_start3A_399 : memref<128xi32, #tpu.memory_space<vmem>>) semaphore(%run_scoped3A : memref<!tpu.dma_semaphore, #tpu.memory_space<semaphore_mem>>) {add = true}
          %dma_wait3A_403 = arith.constant 0 : i32
          %dma_wait3A_404 = tpu.memref_slice %arg9[%add3A_86, %dma_wait3A_403] : memref<32x128xi32, #tpu.memory_space<vmem>> -> memref<1x128xi32, #tpu.memory_space<vmem>>
          %dma_wait3A_405 = tpu.memref_squeeze %dma_wait3A_404 : memref<1x128xi32, #tpu.memory_space<vmem>> -> memref<128xi32, #tpu.memory_space<vmem>>
          %dma_wait3A_406 = arith.constant 0 : i32
          %dma_wait3A_407 = arith.constant 0 : i32
          %dma_wait3A_408 = tpu.memref_slice %arg14[%dma_wait3A_406, %dma_wait3A_407] : memref<10008x128xf32, #tpu.memory_space<vmem_shared>> -> memref<10008x128xf32, #tpu.memory_space<vmem_shared>>
          tpu.wait_indirect_dma semaphore(%run_scoped3A : memref<!tpu.dma_semaphore, #tpu.memory_space<semaphore_mem>>) src(%arg11 : memref<128x128xf32, #tpu.memory_space<vmem>>) dst(%dma_wait3A_408 : memref<10008x128xf32, #tpu.memory_space<vmem_shared>>)
          tpu.yield
        }) : () -> ()
        %mul3A_87 = arith.constant 16 : i32
        %mul3A_88 = arith.muli %rem3A_47, %mul3A_87 : i32
        %add3A_89 = arith.constant 1 : i32
        %add3A_90 = arith.addi %mul3A_88, %add3A_89 : i32
        %add3A_91 = arith.constant 2 : i32
        %add3A_92 = arith.addi %add3A_90, %add3A_91 : i32
        %dma_start3A_93 = arith.constant 0 : i32
        %dma_start3A_94 = tpu.memref_slice %arg8[%add3A_92, %dma_start3A_93] : memref<32x128xi32, #tpu.memory_space<vmem>> -> memref<1x128xi32, #tpu.memory_space<vmem>>
        %dma_start3A_95 = tpu.memref_squeeze %dma_start3A_94 : memref<1x128xi32, #tpu.memory_space<vmem>> -> memref<128xi32, #tpu.memory_space<vmem>>
        %dma_start3A_96 = arith.constant 0 : i32
        %dma_start3A_97 = arith.constant 0 : i32
        %dma_start3A_98 = tpu.memref_slice %arg4[%dma_start3A_96, %dma_start3A_97] : memref<10000x128xf32, #tpu.memory_space<hbm>> -> memref<10000x128xf32, #tpu.memory_space<hbm>>
        tpu.enqueue_indirect_dma source(%dma_start3A_98 : memref<10000x128xf32, #tpu.memory_space<hbm>>) target(%arg11 : memref<128x128xf32, #tpu.memory_space<vmem>>) offsets(%dma_start3A_95 : memref<128xi32, #tpu.memory_space<vmem>>) semaphore(%arg13 : memref<!tpu.dma_semaphore, #tpu.memory_space<semaphore_mem>>)
        %dma_wait3A_99 = arith.constant 0 : i32
        %dma_wait3A_100 = arith.constant 0 : i32
        %dma_wait3A_101 = tpu.memref_slice %arg4[%dma_wait3A_99, %dma_wait3A_100] : memref<10000x128xf32, #tpu.memory_space<hbm>> -> memref<128x128xf32, #tpu.memory_space<hbm>>
        %dma_wait3A_102 = arith.constant 0 : i32
        %dma_wait3A_103 = arith.constant 0 : i32
        %dma_wait3A_104 = tpu.memref_slice %arg4[%dma_wait3A_102, %dma_wait3A_103] : memref<10000x128xf32, #tpu.memory_space<hbm>> -> memref<128x128xf32, #tpu.memory_space<hbm>>
        tpu.wait_dma2 semaphore(%arg12 : memref<!tpu.dma_semaphore, #tpu.memory_space<semaphore_mem>>) src(%dma_wait3A_104 : memref<128x128xf32, #tpu.memory_space<hbm>>) dst(%arg10 : memref<128x128xf32, #tpu.memory_space<vmem>>)
        %mul3A_105 = arith.constant 16 : i32
        %mul3A_106 = arith.muli %rem3A_47, %mul3A_105 : i32
        %add3A_107 = arith.constant 2 : i32
        %add3A_108 = arith.addi %mul3A_106, %add3A_107 : i32
        "tpu.region"() ({
          %run_scoped3A = tpu.sem_alloc : memref<!tpu.dma_semaphore, #tpu.memory_space<semaphore_mem>>
          %dma_start3A_397 = arith.constant 0 : i32
          %dma_start3A_398 = tpu.memref_slice %arg9[%add3A_108, %dma_start3A_397] : memref<32x128xi32, #tpu.memory_space<vmem>> -> memref<1x128xi32, #tpu.memory_space<vmem>>
          %dma_start3A_399 = tpu.memref_squeeze %dma_start3A_398 : memref<1x128xi32, #tpu.memory_space<vmem>> -> memref<128xi32, #tpu.memory_space<vmem>>
          %dma_start3A_400 = arith.constant 0 : i32
          %dma_start3A_401 = arith.constant 0 : i32
          %dma_start3A_402 = tpu.memref_slice %arg14[%dma_start3A_400, %dma_start3A_401] : memref<10008x128xf32, #tpu.memory_space<vmem_shared>> -> memref<10008x128xf32, #tpu.memory_space<vmem_shared>>
          tpu.enqueue_indirect_dma source(%arg10 : memref<128x128xf32, #tpu.memory_space<vmem>>) target(%dma_start3A_402 : memref<10008x128xf32, #tpu.memory_space<vmem_shared>>) offsets(%dma_start3A_399 : memref<128xi32, #tpu.memory_space<vmem>>) semaphore(%run_scoped3A : memref<!tpu.dma_semaphore, #tpu.memory_space<semaphore_mem>>) {add = true}
          %dma_wait3A_403 = arith.constant 0 : i32
          %dma_wait3A_404 = tpu.memref_slice %arg9[%add3A_108, %dma_wait3A_403] : memref<32x128xi32, #tpu.memory_space<vmem>> -> memref<1x128xi32, #tpu.memory_space<vmem>>
          %dma_wait3A_405 = tpu.memref_squeeze %dma_wait3A_404 : memref<1x128xi32, #tpu.memory_space<vmem>> -> memref<128xi32, #tpu.memory_space<vmem>>
          %dma_wait3A_406 = arith.constant 0 : i32
          %dma_wait3A_407 = arith.constant 0 : i32
          %dma_wait3A_408 = tpu.memref_slice %arg14[%dma_wait3A_406, %dma_wait3A_407] : memref<10008x128xf32, #tpu.memory_space<vmem_shared>> -> memref<10008x128xf32, #tpu.memory_space<vmem_shared>>
          tpu.wait_indirect_dma semaphore(%run_scoped3A : memref<!tpu.dma_semaphore, #tpu.memory_space<semaphore_mem>>) src(%arg10 : memref<128x128xf32, #tpu.memory_space<vmem>>) dst(%dma_wait3A_408 : memref<10008x128xf32, #tpu.memory_space<vmem_shared>>)
          tpu.yield
        }) : () -> ()
        %mul3A_109 = arith.constant 16 : i32
        %mul3A_110 = arith.muli %rem3A_47, %mul3A_109 : i32
        %add3A_111 = arith.constant 2 : i32
        %add3A_112 = arith.addi %mul3A_110, %add3A_111 : i32
        %add3A_113 = arith.constant 2 : i32
        %add3A_114 = arith.addi %add3A_112, %add3A_113 : i32
        %dma_start3A_115 = arith.constant 0 : i32
        %dma_start3A_116 = tpu.memref_slice %arg8[%add3A_114, %dma_start3A_115] : memref<32x128xi32, #tpu.memory_space<vmem>> -> memref<1x128xi32, #tpu.memory_space<vmem>>
        %dma_start3A_117 = tpu.memref_squeeze %dma_start3A_116 : memref<1x128xi32, #tpu.memory_space<vmem>> -> memref<128xi32, #tpu.memory_space<vmem>>
        %dma_start3A_118 = arith.constant 0 : i32
        %dma_start3A_119 = arith.constant 0 : i32
        %dma_start3A_120 = tpu.memref_slice %arg4[%dma_start3A_118, %dma_start3A_119] : memref<10000x128xf32, #tpu.memory_space<hbm>> -> memref<10000x128xf32, #tpu.memory_space<hbm>>
        tpu.enqueue_indirect_dma source(%dma_start3A_120 : memref<10000x128xf32, #tpu.memory_space<hbm>>) target(%arg10 : memref<128x128xf32, #tpu.memory_space<vmem>>) offsets(%dma_start3A_117 : memref<128xi32, #tpu.memory_space<vmem>>) semaphore(%arg12 : memref<!tpu.dma_semaphore, #tpu.memory_space<semaphore_mem>>)
        %dma_wait3A_121 = arith.constant 0 : i32
        %dma_wait3A_122 = arith.constant 0 : i32
        %dma_wait3A_123 = tpu.memref_slice %arg4[%dma_wait3A_121, %dma_wait3A_122] : memref<10000x128xf32, #tpu.memory_space<hbm>> -> memref<128x128xf32, #tpu.memory_space<hbm>>
        %dma_wait3A_124 = arith.constant 0 : i32
        %dma_wait3A_125 = arith.constant 0 : i32
        %dma_wait3A_126 = tpu.memref_slice %arg4[%dma_wait3A_124, %dma_wait3A_125] : memref<10000x128xf32, #tpu.memory_space<hbm>> -> memref<128x128xf32, #tpu.memory_space<hbm>>
        tpu.wait_dma2 semaphore(%arg13 : memref<!tpu.dma_semaphore, #tpu.memory_space<semaphore_mem>>) src(%dma_wait3A_126 : memref<128x128xf32, #tpu.memory_space<hbm>>) dst(%arg11 : memref<128x128xf32, #tpu.memory_space<vmem>>)
        %mul3A_127 = arith.constant 16 : i32
        %mul3A_128 = arith.muli %rem3A_47, %mul3A_127 : i32
        %add3A_129 = arith.constant 3 : i32
        %add3A_130 = arith.addi %mul3A_128, %add3A_129 : i32
        "tpu.region"() ({
          %run_scoped3A = tpu.sem_alloc : memref<!tpu.dma_semaphore, #tpu.memory_space<semaphore_mem>>
          %dma_start3A_397 = arith.constant 0 : i32
          %dma_start3A_398 = tpu.memref_slice %arg9[%add3A_130, %dma_start3A_397] : memref<32x128xi32, #tpu.memory_space<vmem>> -> memref<1x128xi32, #tpu.memory_space<vmem>>
          %dma_start3A_399 = tpu.memref_squeeze %dma_start3A_398 : memref<1x128xi32, #tpu.memory_space<vmem>> -> memref<128xi32, #tpu.memory_space<vmem>>
          %dma_start3A_400 = arith.constant 0 : i32
          %dma_start3A_401 = arith.constant 0 : i32
          %dma_start3A_402 = tpu.memref_slice %arg14[%dma_start3A_400, %dma_start3A_401] : memref<10008x128xf32, #tpu.memory_space<vmem_shared>> -> memref<10008x128xf32, #tpu.memory_space<vmem_shared>>
          tpu.enqueue_indirect_dma source(%arg11 : memref<128x128xf32, #tpu.memory_space<vmem>>) target(%dma_start3A_402 : memref<10008x128xf32, #tpu.memory_space<vmem_shared>>) offsets(%dma_start3A_399 : memref<128xi32, #tpu.memory_space<vmem>>) semaphore(%run_scoped3A : memref<!tpu.dma_semaphore, #tpu.memory_space<semaphore_mem>>) {add = true}
          %dma_wait3A_403 = arith.constant 0 : i32
          %dma_wait3A_404 = tpu.memref_slice %arg9[%add3A_130, %dma_wait3A_403] : memref<32x128xi32, #tpu.memory_space<vmem>> -> memref<1x128xi32, #tpu.memory_space<vmem>>
          %dma_wait3A_405 = tpu.memref_squeeze %dma_wait3A_404 : memref<1x128xi32, #tpu.memory_space<vmem>> -> memref<128xi32, #tpu.memory_space<vmem>>
          %dma_wait3A_406 = arith.constant 0 : i32
          %dma_wait3A_407 = arith.constant 0 : i32
          %dma_wait3A_408 = tpu.memref_slice %arg14[%dma_wait3A_406, %dma_wait3A_407] : memref<10008x128xf32, #tpu.memory_space<vmem_shared>> -> memref<10008x128xf32, #tpu.memory_space<vmem_shared>>
          tpu.wait_indirect_dma semaphore(%run_scoped3A : memref<!tpu.dma_semaphore, #tpu.memory_space<semaphore_mem>>) src(%arg11 : memref<128x128xf32, #tpu.memory_space<vmem>>) dst(%dma_wait3A_408 : memref<10008x128xf32, #tpu.memory_space<vmem_shared>>)
          tpu.yield
        }) : () -> ()
        %mul3A_131 = arith.constant 16 : i32
        %mul3A_132 = arith.muli %rem3A_47, %mul3A_131 : i32
        %add3A_133 = arith.constant 3 : i32
        %add3A_134 = arith.addi %mul3A_132, %add3A_133 : i32
        %add3A_135 = arith.constant 2 : i32
        %add3A_136 = arith.addi %add3A_134, %add3A_135 : i32
        %dma_start3A_137 = arith.constant 0 : i32
        %dma_start3A_138 = tpu.memref_slice %arg8[%add3A_136, %dma_start3A_137] : memref<32x128xi32, #tpu.memory_space<vmem>> -> memref<1x128xi32, #tpu.memory_space<vmem>>
        %dma_start3A_139 = tpu.memref_squeeze %dma_start3A_138 : memref<1x128xi32, #tpu.memory_space<vmem>> -> memref<128xi32, #tpu.memory_space<vmem>>
        %dma_start3A_140 = arith.constant 0 : i32
        %dma_start3A_141 = arith.constant 0 : i32
        %dma_start3A_142 = tpu.memref_slice %arg4[%dma_start3A_140, %dma_start3A_141] : memref<10000x128xf32, #tpu.memory_space<hbm>> -> memref<10000x128xf32, #tpu.memory_space<hbm>>
        tpu.enqueue_indirect_dma source(%dma_start3A_142 : memref<10000x128xf32, #tpu.memory_space<hbm>>) target(%arg11 : memref<128x128xf32, #tpu.memory_space<vmem>>) offsets(%dma_start3A_139 : memref<128xi32, #tpu.memory_space<vmem>>) semaphore(%arg13 : memref<!tpu.dma_semaphore, #tpu.memory_space<semaphore_mem>>)
        %dma_wait3A_143 = arith.constant 0 : i32
        %dma_wait3A_144 = arith.constant 0 : i32
        %dma_wait3A_145 = tpu.memref_slice %arg4[%dma_wait3A_143, %dma_wait3A_144] : memref<10000x128xf32, #tpu.memory_space<hbm>> -> memref<128x128xf32, #tpu.memory_space<hbm>>
        %dma_wait3A_146 = arith.constant 0 : i32
        %dma_wait3A_147 = arith.constant 0 : i32
        %dma_wait3A_148 = tpu.memref_slice %arg4[%dma_wait3A_146, %dma_wait3A_147] : memref<10000x128xf32, #tpu.memory_space<hbm>> -> memref<128x128xf32, #tpu.memory_space<hbm>>
        tpu.wait_dma2 semaphore(%arg12 : memref<!tpu.dma_semaphore, #tpu.memory_space<semaphore_mem>>) src(%dma_wait3A_148 : memref<128x128xf32, #tpu.memory_space<hbm>>) dst(%arg10 : memref<128x128xf32, #tpu.memory_space<vmem>>)
        %mul3A_149 = arith.constant 16 : i32
        %mul3A_150 = arith.muli %rem3A_47, %mul3A_149 : i32
        %add3A_151 = arith.constant 4 : i32
        %add3A_152 = arith.addi %mul3A_150, %add3A_151 : i32
        "tpu.region"() ({
          %run_scoped3A = tpu.sem_alloc : memref<!tpu.dma_semaphore, #tpu.memory_space<semaphore_mem>>
          %dma_start3A_397 = arith.constant 0 : i32
          %dma_start3A_398 = tpu.memref_slice %arg9[%add3A_152, %dma_start3A_397] : memref<32x128xi32, #tpu.memory_space<vmem>> -> memref<1x128xi32, #tpu.memory_space<vmem>>
          %dma_start3A_399 = tpu.memref_squeeze %dma_start3A_398 : memref<1x128xi32, #tpu.memory_space<vmem>> -> memref<128xi32, #tpu.memory_space<vmem>>
          %dma_start3A_400 = arith.constant 0 : i32
          %dma_start3A_401 = arith.constant 0 : i32
          %dma_start3A_402 = tpu.memref_slice %arg14[%dma_start3A_400, %dma_start3A_401] : memref<10008x128xf32, #tpu.memory_space<vmem_shared>> -> memref<10008x128xf32, #tpu.memory_space<vmem_shared>>
          tpu.enqueue_indirect_dma source(%arg10 : memref<128x128xf32, #tpu.memory_space<vmem>>) target(%dma_start3A_402 : memref<10008x128xf32, #tpu.memory_space<vmem_shared>>) offsets(%dma_start3A_399 : memref<128xi32, #tpu.memory_space<vmem>>) semaphore(%run_scoped3A : memref<!tpu.dma_semaphore, #tpu.memory_space<semaphore_mem>>) {add = true}
          %dma_wait3A_403 = arith.constant 0 : i32
          %dma_wait3A_404 = tpu.memref_slice %arg9[%add3A_152, %dma_wait3A_403] : memref<32x128xi32, #tpu.memory_space<vmem>> -> memref<1x128xi32, #tpu.memory_space<vmem>>
          %dma_wait3A_405 = tpu.memref_squeeze %dma_wait3A_404 : memref<1x128xi32, #tpu.memory_space<vmem>> -> memref<128xi32, #tpu.memory_space<vmem>>
          %dma_wait3A_406 = arith.constant 0 : i32
          %dma_wait3A_407 = arith.constant 0 : i32
          %dma_wait3A_408 = tpu.memref_slice %arg14[%dma_wait3A_406, %dma_wait3A_407] : memref<10008x128xf32, #tpu.memory_space<vmem_shared>> -> memref<10008x128xf32, #tpu.memory_space<vmem_shared>>
          tpu.wait_indirect_dma semaphore(%run_scoped3A : memref<!tpu.dma_semaphore, #tpu.memory_space<semaphore_mem>>) src(%arg10 : memref<128x128xf32, #tpu.memory_space<vmem>>) dst(%dma_wait3A_408 : memref<10008x128xf32, #tpu.memory_space<vmem_shared>>)
          tpu.yield
        }) : () -> ()
        %mul3A_153 = arith.constant 16 : i32
        %mul3A_154 = arith.muli %rem3A_47, %mul3A_153 : i32
        %add3A_155 = arith.constant 4 : i32
        %add3A_156 = arith.addi %mul3A_154, %add3A_155 : i32
        %add3A_157 = arith.constant 2 : i32
        %add3A_158 = arith.addi %add3A_156, %add3A_157 : i32
        %dma_start3A_159 = arith.constant 0 : i32
        %dma_start3A_160 = tpu.memref_slice %arg8[%add3A_158, %dma_start3A_159] : memref<32x128xi32, #tpu.memory_space<vmem>> -> memref<1x128xi32, #tpu.memory_space<vmem>>
        %dma_start3A_161 = tpu.memref_squeeze %dma_start3A_160 : memref<1x128xi32, #tpu.memory_space<vmem>> -> memref<128xi32, #tpu.memory_space<vmem>>
        %dma_start3A_162 = arith.constant 0 : i32
        %dma_start3A_163 = arith.constant 0 : i32
        %dma_start3A_164 = tpu.memref_slice %arg4[%dma_start3A_162, %dma_start3A_163] : memref<10000x128xf32, #tpu.memory_space<hbm>> -> memref<10000x128xf32, #tpu.memory_space<hbm>>
        tpu.enqueue_indirect_dma source(%dma_start3A_164 : memref<10000x128xf32, #tpu.memory_space<hbm>>) target(%arg10 : memref<128x128xf32, #tpu.memory_space<vmem>>) offsets(%dma_start3A_161 : memref<128xi32, #tpu.memory_space<vmem>>) semaphore(%arg12 : memref<!tpu.dma_semaphore, #tpu.memory_space<semaphore_mem>>)
        %dma_wait3A_165 = arith.constant 0 : i32
        %dma_wait3A_166 = arith.constant 0 : i32
        %dma_wait3A_167 = tpu.memref_slice %arg4[%dma_wait3A_165, %dma_wait3A_166] : memref<10000x128xf32, #tpu.memory_space<hbm>> -> memref<128x128xf32, #tpu.memory_space<hbm>>
        %dma_wait3A_168 = arith.constant 0 : i32
        %dma_wait3A_169 = arith.constant 0 : i32
        %dma_wait3A_170 = tpu.memref_slice %arg4[%dma_wait3A_168, %dma_wait3A_169] : memref<10000x128xf32, #tpu.memory_space<hbm>> -> memref<128x128xf32, #tpu.memory_space<hbm>>
        tpu.wait_dma2 semaphore(%arg13 : memref<!tpu.dma_semaphore, #tpu.memory_space<semaphore_mem>>) src(%dma_wait3A_170 : memref<128x128xf32, #tpu.memory_space<hbm>>) dst(%arg11 : memref<128x128xf32, #tpu.memory_space<vmem>>)
        %mul3A_171 = arith.constant 16 : i32
        %mul3A_172 = arith.muli %rem3A_47, %mul3A_171 : i32
        %add3A_173 = arith.constant 5 : i32
        %add3A_174 = arith.addi %mul3A_172, %add3A_173 : i32
        "tpu.region"() ({
          %run_scoped3A = tpu.sem_alloc : memref<!tpu.dma_semaphore, #tpu.memory_space<semaphore_mem>>
          %dma_start3A_397 = arith.constant 0 : i32
          %dma_start3A_398 = tpu.memref_slice %arg9[%add3A_174, %dma_start3A_397] : memref<32x128xi32, #tpu.memory_space<vmem>> -> memref<1x128xi32, #tpu.memory_space<vmem>>
          %dma_start3A_399 = tpu.memref_squeeze %dma_start3A_398 : memref<1x128xi32, #tpu.memory_space<vmem>> -> memref<128xi32, #tpu.memory_space<vmem>>
          %dma_start3A_400 = arith.constant 0 : i32
          %dma_start3A_401 = arith.constant 0 : i32
          %dma_start3A_402 = tpu.memref_slice %arg14[%dma_start3A_400, %dma_start3A_401] : memref<10008x128xf32, #tpu.memory_space<vmem_shared>> -> memref<10008x128xf32, #tpu.memory_space<vmem_shared>>
          tpu.enqueue_indirect_dma source(%arg11 : memref<128x128xf32, #tpu.memory_space<vmem>>) target(%dma_start3A_402 : memref<10008x128xf32, #tpu.memory_space<vmem_shared>>) offsets(%dma_start3A_399 : memref<128xi32, #tpu.memory_space<vmem>>) semaphore(%run_scoped3A : memref<!tpu.dma_semaphore, #tpu.memory_space<semaphore_mem>>) {add = true}
          %dma_wait3A_403 = arith.constant 0 : i32
          %dma_wait3A_404 = tpu.memref_slice %arg9[%add3A_174, %dma_wait3A_403] : memref<32x128xi32, #tpu.memory_space<vmem>> -> memref<1x128xi32, #tpu.memory_space<vmem>>
          %dma_wait3A_405 = tpu.memref_squeeze %dma_wait3A_404 : memref<1x128xi32, #tpu.memory_space<vmem>> -> memref<128xi32, #tpu.memory_space<vmem>>
          %dma_wait3A_406 = arith.constant 0 : i32
          %dma_wait3A_407 = arith.constant 0 : i32
          %dma_wait3A_408 = tpu.memref_slice %arg14[%dma_wait3A_406, %dma_wait3A_407] : memref<10008x128xf32, #tpu.memory_space<vmem_shared>> -> memref<10008x128xf32, #tpu.memory_space<vmem_shared>>
          tpu.wait_indirect_dma semaphore(%run_scoped3A : memref<!tpu.dma_semaphore, #tpu.memory_space<semaphore_mem>>) src(%arg11 : memref<128x128xf32, #tpu.memory_space<vmem>>) dst(%dma_wait3A_408 : memref<10008x128xf32, #tpu.memory_space<vmem_shared>>)
          tpu.yield
        }) : () -> ()
        %mul3A_175 = arith.constant 16 : i32
        %mul3A_176 = arith.muli %rem3A_47, %mul3A_175 : i32
        %add3A_177 = arith.constant 5 : i32
        %add3A_178 = arith.addi %mul3A_176, %add3A_177 : i32
        %add3A_179 = arith.constant 2 : i32
        %add3A_180 = arith.addi %add3A_178, %add3A_179 : i32
        %dma_start3A_181 = arith.constant 0 : i32
        %dma_start3A_182 = tpu.memref_slice %arg8[%add3A_180, %dma_start3A_181] : memref<32x128xi32, #tpu.memory_space<vmem>> -> memref<1x128xi32, #tpu.memory_space<vmem>>
        %dma_start3A_183 = tpu.memref_squeeze %dma_start3A_182 : memref<1x128xi32, #tpu.memory_space<vmem>> -> memref<128xi32, #tpu.memory_space<vmem>>
        %dma_start3A_184 = arith.constant 0 : i32
        %dma_start3A_185 = arith.constant 0 : i32
        %dma_start3A_186 = tpu.memref_slice %arg4[%dma_start3A_184, %dma_start3A_185] : memref<10000x128xf32, #tpu.memory_space<hbm>> -> memref<10000x128xf32, #tpu.memory_space<hbm>>
        tpu.enqueue_indirect_dma source(%dma_start3A_186 : memref<10000x128xf32, #tpu.memory_space<hbm>>) target(%arg11 : memref<128x128xf32, #tpu.memory_space<vmem>>) offsets(%dma_start3A_183 : memref<128xi32, #tpu.memory_space<vmem>>) semaphore(%arg13 : memref<!tpu.dma_semaphore, #tpu.memory_space<semaphore_mem>>)
        %dma_wait3A_187 = arith.constant 0 : i32
        %dma_wait3A_188 = arith.constant 0 : i32
        %dma_wait3A_189 = tpu.memref_slice %arg4[%dma_wait3A_187, %dma_wait3A_188] : memref<10000x128xf32, #tpu.memory_space<hbm>> -> memref<128x128xf32, #tpu.memory_space<hbm>>
        %dma_wait3A_190 = arith.constant 0 : i32
        %dma_wait3A_191 = arith.constant 0 : i32
        %dma_wait3A_192 = tpu.memref_slice %arg4[%dma_wait3A_190, %dma_wait3A_191] : memref<10000x128xf32, #tpu.memory_space<hbm>> -> memref<128x128xf32, #tpu.memory_space<hbm>>
        tpu.wait_dma2 semaphore(%arg12 : memref<!tpu.dma_semaphore, #tpu.memory_space<semaphore_mem>>) src(%dma_wait3A_192 : memref<128x128xf32, #tpu.memory_space<hbm>>) dst(%arg10 : memref<128x128xf32, #tpu.memory_space<vmem>>)
        %mul3A_193 = arith.constant 16 : i32
        %mul3A_194 = arith.muli %rem3A_47, %mul3A_193 : i32
        %add3A_195 = arith.constant 6 : i32
        %add3A_196 = arith.addi %mul3A_194, %add3A_195 : i32
        "tpu.region"() ({
          %run_scoped3A = tpu.sem_alloc : memref<!tpu.dma_semaphore, #tpu.memory_space<semaphore_mem>>
          %dma_start3A_397 = arith.constant 0 : i32
          %dma_start3A_398 = tpu.memref_slice %arg9[%add3A_196, %dma_start3A_397] : memref<32x128xi32, #tpu.memory_space<vmem>> -> memref<1x128xi32, #tpu.memory_space<vmem>>
          %dma_start3A_399 = tpu.memref_squeeze %dma_start3A_398 : memref<1x128xi32, #tpu.memory_space<vmem>> -> memref<128xi32, #tpu.memory_space<vmem>>
          %dma_start3A_400 = arith.constant 0 : i32
          %dma_start3A_401 = arith.constant 0 : i32
          %dma_start3A_402 = tpu.memref_slice %arg14[%dma_start3A_400, %dma_start3A_401] : memref<10008x128xf32, #tpu.memory_space<vmem_shared>> -> memref<10008x128xf32, #tpu.memory_space<vmem_shared>>
          tpu.enqueue_indirect_dma source(%arg10 : memref<128x128xf32, #tpu.memory_space<vmem>>) target(%dma_start3A_402 : memref<10008x128xf32, #tpu.memory_space<vmem_shared>>) offsets(%dma_start3A_399 : memref<128xi32, #tpu.memory_space<vmem>>) semaphore(%run_scoped3A : memref<!tpu.dma_semaphore, #tpu.memory_space<semaphore_mem>>) {add = true}
          %dma_wait3A_403 = arith.constant 0 : i32
          %dma_wait3A_404 = tpu.memref_slice %arg9[%add3A_196, %dma_wait3A_403] : memref<32x128xi32, #tpu.memory_space<vmem>> -> memref<1x128xi32, #tpu.memory_space<vmem>>
          %dma_wait3A_405 = tpu.memref_squeeze %dma_wait3A_404 : memref<1x128xi32, #tpu.memory_space<vmem>> -> memref<128xi32, #tpu.memory_space<vmem>>
          %dma_wait3A_406 = arith.constant 0 : i32
          %dma_wait3A_407 = arith.constant 0 : i32
          %dma_wait3A_408 = tpu.memref_slice %arg14[%dma_wait3A_406, %dma_wait3A_407] : memref<10008x128xf32, #tpu.memory_space<vmem_shared>> -> memref<10008x128xf32, #tpu.memory_space<vmem_shared>>
          tpu.wait_indirect_dma semaphore(%run_scoped3A : memref<!tpu.dma_semaphore, #tpu.memory_space<semaphore_mem>>) src(%arg10 : memref<128x128xf32, #tpu.memory_space<vmem>>) dst(%dma_wait3A_408 : memref<10008x128xf32, #tpu.memory_space<vmem_shared>>)
          tpu.yield
        }) : () -> ()
        %mul3A_197 = arith.constant 16 : i32
        %mul3A_198 = arith.muli %rem3A_47, %mul3A_197 : i32
        %add3A_199 = arith.constant 6 : i32
        %add3A_200 = arith.addi %mul3A_198, %add3A_199 : i32
        %add3A_201 = arith.constant 2 : i32
        %add3A_202 = arith.addi %add3A_200, %add3A_201 : i32
        %dma_start3A_203 = arith.constant 0 : i32
        %dma_start3A_204 = tpu.memref_slice %arg8[%add3A_202, %dma_start3A_203] : memref<32x128xi32, #tpu.memory_space<vmem>> -> memref<1x128xi32, #tpu.memory_space<vmem>>
        %dma_start3A_205 = tpu.memref_squeeze %dma_start3A_204 : memref<1x128xi32, #tpu.memory_space<vmem>> -> memref<128xi32, #tpu.memory_space<vmem>>
        %dma_start3A_206 = arith.constant 0 : i32
        %dma_start3A_207 = arith.constant 0 : i32
        %dma_start3A_208 = tpu.memref_slice %arg4[%dma_start3A_206, %dma_start3A_207] : memref<10000x128xf32, #tpu.memory_space<hbm>> -> memref<10000x128xf32, #tpu.memory_space<hbm>>
        tpu.enqueue_indirect_dma source(%dma_start3A_208 : memref<10000x128xf32, #tpu.memory_space<hbm>>) target(%arg10 : memref<128x128xf32, #tpu.memory_space<vmem>>) offsets(%dma_start3A_205 : memref<128xi32, #tpu.memory_space<vmem>>) semaphore(%arg12 : memref<!tpu.dma_semaphore, #tpu.memory_space<semaphore_mem>>)
        %dma_wait3A_209 = arith.constant 0 : i32
        %dma_wait3A_210 = arith.constant 0 : i32
        %dma_wait3A_211 = tpu.memref_slice %arg4[%dma_wait3A_209, %dma_wait3A_210] : memref<10000x128xf32, #tpu.memory_space<hbm>> -> memref<128x128xf32, #tpu.memory_space<hbm>>
        %dma_wait3A_212 = arith.constant 0 : i32
        %dma_wait3A_213 = arith.constant 0 : i32
        %dma_wait3A_214 = tpu.memref_slice %arg4[%dma_wait3A_212, %dma_wait3A_213] : memref<10000x128xf32, #tpu.memory_space<hbm>> -> memref<128x128xf32, #tpu.memory_space<hbm>>
        tpu.wait_dma2 semaphore(%arg13 : memref<!tpu.dma_semaphore, #tpu.memory_space<semaphore_mem>>) src(%dma_wait3A_214 : memref<128x128xf32, #tpu.memory_space<hbm>>) dst(%arg11 : memref<128x128xf32, #tpu.memory_space<vmem>>)
        %mul3A_215 = arith.constant 16 : i32
        %mul3A_216 = arith.muli %rem3A_47, %mul3A_215 : i32
        %add3A_217 = arith.constant 7 : i32
        %add3A_218 = arith.addi %mul3A_216, %add3A_217 : i32
        "tpu.region"() ({
          %run_scoped3A = tpu.sem_alloc : memref<!tpu.dma_semaphore, #tpu.memory_space<semaphore_mem>>
          %dma_start3A_397 = arith.constant 0 : i32
          %dma_start3A_398 = tpu.memref_slice %arg9[%add3A_218, %dma_start3A_397] : memref<32x128xi32, #tpu.memory_space<vmem>> -> memref<1x128xi32, #tpu.memory_space<vmem>>
          %dma_start3A_399 = tpu.memref_squeeze %dma_start3A_398 : memref<1x128xi32, #tpu.memory_space<vmem>> -> memref<128xi32, #tpu.memory_space<vmem>>
          %dma_start3A_400 = arith.constant 0 : i32
          %dma_start3A_401 = arith.constant 0 : i32
          %dma_start3A_402 = tpu.memref_slice %arg14[%dma_start3A_400, %dma_start3A_401] : memref<10008x128xf32, #tpu.memory_space<vmem_shared>> -> memref<10008x128xf32, #tpu.memory_space<vmem_shared>>
          tpu.enqueue_indirect_dma source(%arg11 : memref<128x128xf32, #tpu.memory_space<vmem>>) target(%dma_start3A_402 : memref<10008x128xf32, #tpu.memory_space<vmem_shared>>) offsets(%dma_start3A_399 : memref<128xi32, #tpu.memory_space<vmem>>) semaphore(%run_scoped3A : memref<!tpu.dma_semaphore, #tpu.memory_space<semaphore_mem>>) {add = true}
          %dma_wait3A_403 = arith.constant 0 : i32
          %dma_wait3A_404 = tpu.memref_slice %arg9[%add3A_218, %dma_wait3A_403] : memref<32x128xi32, #tpu.memory_space<vmem>> -> memref<1x128xi32, #tpu.memory_space<vmem>>
          %dma_wait3A_405 = tpu.memref_squeeze %dma_wait3A_404 : memref<1x128xi32, #tpu.memory_space<vmem>> -> memref<128xi32, #tpu.memory_space<vmem>>
          %dma_wait3A_406 = arith.constant 0 : i32
          %dma_wait3A_407 = arith.constant 0 : i32
          %dma_wait3A_408 = tpu.memref_slice %arg14[%dma_wait3A_406, %dma_wait3A_407] : memref<10008x128xf32, #tpu.memory_space<vmem_shared>> -> memref<10008x128xf32, #tpu.memory_space<vmem_shared>>
          tpu.wait_indirect_dma semaphore(%run_scoped3A : memref<!tpu.dma_semaphore, #tpu.memory_space<semaphore_mem>>) src(%arg11 : memref<128x128xf32, #tpu.memory_space<vmem>>) dst(%dma_wait3A_408 : memref<10008x128xf32, #tpu.memory_space<vmem_shared>>)
          tpu.yield
        }) : () -> ()
        %mul3A_219 = arith.constant 16 : i32
        %mul3A_220 = arith.muli %rem3A_47, %mul3A_219 : i32
        %add3A_221 = arith.constant 7 : i32
        %add3A_222 = arith.addi %mul3A_220, %add3A_221 : i32
        %add3A_223 = arith.constant 2 : i32
        %add3A_224 = arith.addi %add3A_222, %add3A_223 : i32
        %dma_start3A_225 = arith.constant 0 : i32
        %dma_start3A_226 = tpu.memref_slice %arg8[%add3A_224, %dma_start3A_225] : memref<32x128xi32, #tpu.memory_space<vmem>> -> memref<1x128xi32, #tpu.memory_space<vmem>>
        %dma_start3A_227 = tpu.memref_squeeze %dma_start3A_226 : memref<1x128xi32, #tpu.memory_space<vmem>> -> memref<128xi32, #tpu.memory_space<vmem>>
        %dma_start3A_228 = arith.constant 0 : i32
        %dma_start3A_229 = arith.constant 0 : i32
        %dma_start3A_230 = tpu.memref_slice %arg4[%dma_start3A_228, %dma_start3A_229] : memref<10000x128xf32, #tpu.memory_space<hbm>> -> memref<10000x128xf32, #tpu.memory_space<hbm>>
        tpu.enqueue_indirect_dma source(%dma_start3A_230 : memref<10000x128xf32, #tpu.memory_space<hbm>>) target(%arg11 : memref<128x128xf32, #tpu.memory_space<vmem>>) offsets(%dma_start3A_227 : memref<128xi32, #tpu.memory_space<vmem>>) semaphore(%arg13 : memref<!tpu.dma_semaphore, #tpu.memory_space<semaphore_mem>>)
        %dma_wait3A_231 = arith.constant 0 : i32
        %dma_wait3A_232 = arith.constant 0 : i32
        %dma_wait3A_233 = tpu.memref_slice %arg4[%dma_wait3A_231, %dma_wait3A_232] : memref<10000x128xf32, #tpu.memory_space<hbm>> -> memref<128x128xf32, #tpu.memory_space<hbm>>
        %dma_wait3A_234 = arith.constant 0 : i32
        %dma_wait3A_235 = arith.constant 0 : i32
        %dma_wait3A_236 = tpu.memref_slice %arg4[%dma_wait3A_234, %dma_wait3A_235] : memref<10000x128xf32, #tpu.memory_space<hbm>> -> memref<128x128xf32, #tpu.memory_space<hbm>>
        tpu.wait_dma2 semaphore(%arg12 : memref<!tpu.dma_semaphore, #tpu.memory_space<semaphore_mem>>) src(%dma_wait3A_236 : memref<128x128xf32, #tpu.memory_space<hbm>>) dst(%arg10 : memref<128x128xf32, #tpu.memory_space<vmem>>)
        %mul3A_237 = arith.constant 16 : i32
        %mul3A_238 = arith.muli %rem3A_47, %mul3A_237 : i32
        %add3A_239 = arith.constant 8 : i32
        %add3A_240 = arith.addi %mul3A_238, %add3A_239 : i32
        "tpu.region"() ({
          %run_scoped3A = tpu.sem_alloc : memref<!tpu.dma_semaphore, #tpu.memory_space<semaphore_mem>>
          %dma_start3A_397 = arith.constant 0 : i32
          %dma_start3A_398 = tpu.memref_slice %arg9[%add3A_240, %dma_start3A_397] : memref<32x128xi32, #tpu.memory_space<vmem>> -> memref<1x128xi32, #tpu.memory_space<vmem>>
          %dma_start3A_399 = tpu.memref_squeeze %dma_start3A_398 : memref<1x128xi32, #tpu.memory_space<vmem>> -> memref<128xi32, #tpu.memory_space<vmem>>
          %dma_start3A_400 = arith.constant 0 : i32
          %dma_start3A_401 = arith.constant 0 : i32
          %dma_start3A_402 = tpu.memref_slice %arg14[%dma_start3A_400, %dma_start3A_401] : memref<10008x128xf32, #tpu.memory_space<vmem_shared>> -> memref<10008x128xf32, #tpu.memory_space<vmem_shared>>
          tpu.enqueue_indirect_dma source(%arg10 : memref<128x128xf32, #tpu.memory_space<vmem>>) target(%dma_start3A_402 : memref<10008x128xf32, #tpu.memory_space<vmem_shared>>) offsets(%dma_start3A_399 : memref<128xi32, #tpu.memory_space<vmem>>) semaphore(%run_scoped3A : memref<!tpu.dma_semaphore, #tpu.memory_space<semaphore_mem>>) {add = true}
          %dma_wait3A_403 = arith.constant 0 : i32
          %dma_wait3A_404 = tpu.memref_slice %arg9[%add3A_240, %dma_wait3A_403] : memref<32x128xi32, #tpu.memory_space<vmem>> -> memref<1x128xi32, #tpu.memory_space<vmem>>
          %dma_wait3A_405 = tpu.memref_squeeze %dma_wait3A_404 : memref<1x128xi32, #tpu.memory_space<vmem>> -> memref<128xi32, #tpu.memory_space<vmem>>
          %dma_wait3A_406 = arith.constant 0 : i32
          %dma_wait3A_407 = arith.constant 0 : i32
          %dma_wait3A_408 = tpu.memref_slice %arg14[%dma_wait3A_406, %dma_wait3A_407] : memref<10008x128xf32, #tpu.memory_space<vmem_shared>> -> memref<10008x128xf32, #tpu.memory_space<vmem_shared>>
          tpu.wait_indirect_dma semaphore(%run_scoped3A : memref<!tpu.dma_semaphore, #tpu.memory_space<semaphore_mem>>) src(%arg10 : memref<128x128xf32, #tpu.memory_space<vmem>>) dst(%dma_wait3A_408 : memref<10008x128xf32, #tpu.memory_space<vmem_shared>>)
          tpu.yield
        }) : () -> ()
        %mul3A_241 = arith.constant 16 : i32
        %mul3A_242 = arith.muli %rem3A_47, %mul3A_241 : i32
        %add3A_243 = arith.constant 8 : i32
        %add3A_244 = arith.addi %mul3A_242, %add3A_243 : i32
        %add3A_245 = arith.constant 2 : i32
        %add3A_246 = arith.addi %add3A_244, %add3A_245 : i32
        %dma_start3A_247 = arith.constant 0 : i32
        %dma_start3A_248 = tpu.memref_slice %arg8[%add3A_246, %dma_start3A_247] : memref<32x128xi32, #tpu.memory_space<vmem>> -> memref<1x128xi32, #tpu.memory_space<vmem>>
        %dma_start3A_249 = tpu.memref_squeeze %dma_start3A_248 : memref<1x128xi32, #tpu.memory_space<vmem>> -> memref<128xi32, #tpu.memory_space<vmem>>
        %dma_start3A_250 = arith.constant 0 : i32
        %dma_start3A_251 = arith.constant 0 : i32
        %dma_start3A_252 = tpu.memref_slice %arg4[%dma_start3A_250, %dma_start3A_251] : memref<10000x128xf32, #tpu.memory_space<hbm>> -> memref<10000x128xf32, #tpu.memory_space<hbm>>
        tpu.enqueue_indirect_dma source(%dma_start3A_252 : memref<10000x128xf32, #tpu.memory_space<hbm>>) target(%arg10 : memref<128x128xf32, #tpu.memory_space<vmem>>) offsets(%dma_start3A_249 : memref<128xi32, #tpu.memory_space<vmem>>) semaphore(%arg12 : memref<!tpu.dma_semaphore, #tpu.memory_space<semaphore_mem>>)
        %dma_wait3A_253 = arith.constant 0 : i32
        %dma_wait3A_254 = arith.constant 0 : i32
        %dma_wait3A_255 = tpu.memref_slice %arg4[%dma_wait3A_253, %dma_wait3A_254] : memref<10000x128xf32, #tpu.memory_space<hbm>> -> memref<128x128xf32, #tpu.memory_space<hbm>>
        %dma_wait3A_256 = arith.constant 0 : i32
        %dma_wait3A_257 = arith.constant 0 : i32
        %dma_wait3A_258 = tpu.memref_slice %arg4[%dma_wait3A_256, %dma_wait3A_257] : memref<10000x128xf32, #tpu.memory_space<hbm>> -> memref<128x128xf32, #tpu.memory_space<hbm>>
        tpu.wait_dma2 semaphore(%arg13 : memref<!tpu.dma_semaphore, #tpu.memory_space<semaphore_mem>>) src(%dma_wait3A_258 : memref<128x128xf32, #tpu.memory_space<hbm>>) dst(%arg11 : memref<128x128xf32, #tpu.memory_space<vmem>>)
        %mul3A_259 = arith.constant 16 : i32
        %mul3A_260 = arith.muli %rem3A_47, %mul3A_259 : i32
        %add3A_261 = arith.constant 9 : i32
        %add3A_262 = arith.addi %mul3A_260, %add3A_261 : i32
        "tpu.region"() ({
          %run_scoped3A = tpu.sem_alloc : memref<!tpu.dma_semaphore, #tpu.memory_space<semaphore_mem>>
          %dma_start3A_397 = arith.constant 0 : i32
          %dma_start3A_398 = tpu.memref_slice %arg9[%add3A_262, %dma_start3A_397] : memref<32x128xi32, #tpu.memory_space<vmem>> -> memref<1x128xi32, #tpu.memory_space<vmem>>
          %dma_start3A_399 = tpu.memref_squeeze %dma_start3A_398 : memref<1x128xi32, #tpu.memory_space<vmem>> -> memref<128xi32, #tpu.memory_space<vmem>>
          %dma_start3A_400 = arith.constant 0 : i32
          %dma_start3A_401 = arith.constant 0 : i32
          %dma_start3A_402 = tpu.memref_slice %arg14[%dma_start3A_400, %dma_start3A_401] : memref<10008x128xf32, #tpu.memory_space<vmem_shared>> -> memref<10008x128xf32, #tpu.memory_space<vmem_shared>>
          tpu.enqueue_indirect_dma source(%arg11 : memref<128x128xf32, #tpu.memory_space<vmem>>) target(%dma_start3A_402 : memref<10008x128xf32, #tpu.memory_space<vmem_shared>>) offsets(%dma_start3A_399 : memref<128xi32, #tpu.memory_space<vmem>>) semaphore(%run_scoped3A : memref<!tpu.dma_semaphore, #tpu.memory_space<semaphore_mem>>) {add = true}
          %dma_wait3A_403 = arith.constant 0 : i32
          %dma_wait3A_404 = tpu.memref_slice %arg9[%add3A_262, %dma_wait3A_403] : memref<32x128xi32, #tpu.memory_space<vmem>> -> memref<1x128xi32, #tpu.memory_space<vmem>>
          %dma_wait3A_405 = tpu.memref_squeeze %dma_wait3A_404 : memref<1x128xi32, #tpu.memory_space<vmem>> -> memref<128xi32, #tpu.memory_space<vmem>>
          %dma_wait3A_406 = arith.constant 0 : i32
          %dma_wait3A_407 = arith.constant 0 : i32
          %dma_wait3A_408 = tpu.memref_slice %arg14[%dma_wait3A_406, %dma_wait3A_407] : memref<10008x128xf32, #tpu.memory_space<vmem_shared>> -> memref<10008x128xf32, #tpu.memory_space<vmem_shared>>
          tpu.wait_indirect_dma semaphore(%run_scoped3A : memref<!tpu.dma_semaphore, #tpu.memory_space<semaphore_mem>>) src(%arg11 : memref<128x128xf32, #tpu.memory_space<vmem>>) dst(%dma_wait3A_408 : memref<10008x128xf32, #tpu.memory_space<vmem_shared>>)
          tpu.yield
        }) : () -> ()
        %mul3A_263 = arith.constant 16 : i32
        %mul3A_264 = arith.muli %rem3A_47, %mul3A_263 : i32
        %add3A_265 = arith.constant 9 : i32
        %add3A_266 = arith.addi %mul3A_264, %add3A_265 : i32
        %add3A_267 = arith.constant 2 : i32
        %add3A_268 = arith.addi %add3A_266, %add3A_267 : i32
        %dma_start3A_269 = arith.constant 0 : i32
        %dma_start3A_270 = tpu.memref_slice %arg8[%add3A_268, %dma_start3A_269] : memref<32x128xi32, #tpu.memory_space<vmem>> -> memref<1x128xi32, #tpu.memory_space<vmem>>
        %dma_start3A_271 = tpu.memref_squeeze %dma_start3A_270 : memref<1x128xi32, #tpu.memory_space<vmem>> -> memref<128xi32, #tpu.memory_space<vmem>>
        %dma_start3A_272 = arith.constant 0 : i32
        %dma_start3A_273 = arith.constant 0 : i32
        %dma_start3A_274 = tpu.memref_slice %arg4[%dma_start3A_272, %dma_start3A_273] : memref<10000x128xf32, #tpu.memory_space<hbm>> -> memref<10000x128xf32, #tpu.memory_space<hbm>>
        tpu.enqueue_indirect_dma source(%dma_start3A_274 : memref<10000x128xf32, #tpu.memory_space<hbm>>) target(%arg11 : memref<128x128xf32, #tpu.memory_space<vmem>>) offsets(%dma_start3A_271 : memref<128xi32, #tpu.memory_space<vmem>>) semaphore(%arg13 : memref<!tpu.dma_semaphore, #tpu.memory_space<semaphore_mem>>)
        %dma_wait3A_275 = arith.constant 0 : i32
        %dma_wait3A_276 = arith.constant 0 : i32
        %dma_wait3A_277 = tpu.memref_slice %arg4[%dma_wait3A_275, %dma_wait3A_276] : memref<10000x128xf32, #tpu.memory_space<hbm>> -> memref<128x128xf32, #tpu.memory_space<hbm>>
        %dma_wait3A_278 = arith.constant 0 : i32
        %dma_wait3A_279 = arith.constant 0 : i32
        %dma_wait3A_280 = tpu.memref_slice %arg4[%dma_wait3A_278, %dma_wait3A_279] : memref<10000x128xf32, #tpu.memory_space<hbm>> -> memref<128x128xf32, #tpu.memory_space<hbm>>
        tpu.wait_dma2 semaphore(%arg12 : memref<!tpu.dma_semaphore, #tpu.memory_space<semaphore_mem>>) src(%dma_wait3A_280 : memref<128x128xf32, #tpu.memory_space<hbm>>) dst(%arg10 : memref<128x128xf32, #tpu.memory_space<vmem>>)
        %mul3A_281 = arith.constant 16 : i32
        %mul3A_282 = arith.muli %rem3A_47, %mul3A_281 : i32
        %add3A_283 = arith.constant 10 : i32
        %add3A_284 = arith.addi %mul3A_282, %add3A_283 : i32
        "tpu.region"() ({
          %run_scoped3A = tpu.sem_alloc : memref<!tpu.dma_semaphore, #tpu.memory_space<semaphore_mem>>
          %dma_start3A_397 = arith.constant 0 : i32
          %dma_start3A_398 = tpu.memref_slice %arg9[%add3A_284, %dma_start3A_397] : memref<32x128xi32, #tpu.memory_space<vmem>> -> memref<1x128xi32, #tpu.memory_space<vmem>>
          %dma_start3A_399 = tpu.memref_squeeze %dma_start3A_398 : memref<1x128xi32, #tpu.memory_space<vmem>> -> memref<128xi32, #tpu.memory_space<vmem>>
          %dma_start3A_400 = arith.constant 0 : i32
          %dma_start3A_401 = arith.constant 0 : i32
          %dma_start3A_402 = tpu.memref_slice %arg14[%dma_start3A_400, %dma_start3A_401] : memref<10008x128xf32, #tpu.memory_space<vmem_shared>> -> memref<10008x128xf32, #tpu.memory_space<vmem_shared>>
          tpu.enqueue_indirect_dma source(%arg10 : memref<128x128xf32, #tpu.memory_space<vmem>>) target(%dma_start3A_402 : memref<10008x128xf32, #tpu.memory_space<vmem_shared>>) offsets(%dma_start3A_399 : memref<128xi32, #tpu.memory_space<vmem>>) semaphore(%run_scoped3A : memref<!tpu.dma_semaphore, #tpu.memory_space<semaphore_mem>>) {add = true}
          %dma_wait3A_403 = arith.constant 0 : i32
          %dma_wait3A_404 = tpu.memref_slice %arg9[%add3A_284, %dma_wait3A_403] : memref<32x128xi32, #tpu.memory_space<vmem>> -> memref<1x128xi32, #tpu.memory_space<vmem>>
          %dma_wait3A_405 = tpu.memref_squeeze %dma_wait3A_404 : memref<1x128xi32, #tpu.memory_space<vmem>> -> memref<128xi32, #tpu.memory_space<vmem>>
          %dma_wait3A_406 = arith.constant 0 : i32
          %dma_wait3A_407 = arith.constant 0 : i32
          %dma_wait3A_408 = tpu.memref_slice %arg14[%dma_wait3A_406, %dma_wait3A_407] : memref<10008x128xf32, #tpu.memory_space<vmem_shared>> -> memref<10008x128xf32, #tpu.memory_space<vmem_shared>>
          tpu.wait_indirect_dma semaphore(%run_scoped3A : memref<!tpu.dma_semaphore, #tpu.memory_space<semaphore_mem>>) src(%arg10 : memref<128x128xf32, #tpu.memory_space<vmem>>) dst(%dma_wait3A_408 : memref<10008x128xf32, #tpu.memory_space<vmem_shared>>)
          tpu.yield
        }) : () -> ()
        %mul3A_285 = arith.constant 16 : i32
        %mul3A_286 = arith.muli %rem3A_47, %mul3A_285 : i32
        %add3A_287 = arith.constant 10 : i32
        %add3A_288 = arith.addi %mul3A_286, %add3A_287 : i32
        %add3A_289 = arith.constant 2 : i32
        %add3A_290 = arith.addi %add3A_288, %add3A_289 : i32
        %dma_start3A_291 = arith.constant 0 : i32
        %dma_start3A_292 = tpu.memref_slice %arg8[%add3A_290, %dma_start3A_291] : memref<32x128xi32, #tpu.memory_space<vmem>> -> memref<1x128xi32, #tpu.memory_space<vmem>>
        %dma_start3A_293 = tpu.memref_squeeze %dma_start3A_292 : memref<1x128xi32, #tpu.memory_space<vmem>> -> memref<128xi32, #tpu.memory_space<vmem>>
        %dma_start3A_294 = arith.constant 0 : i32
        %dma_start3A_295 = arith.constant 0 : i32
        %dma_start3A_296 = tpu.memref_slice %arg4[%dma_start3A_294, %dma_start3A_295] : memref<10000x128xf32, #tpu.memory_space<hbm>> -> memref<10000x128xf32, #tpu.memory_space<hbm>>
        tpu.enqueue_indirect_dma source(%dma_start3A_296 : memref<10000x128xf32, #tpu.memory_space<hbm>>) target(%arg10 : memref<128x128xf32, #tpu.memory_space<vmem>>) offsets(%dma_start3A_293 : memref<128xi32, #tpu.memory_space<vmem>>) semaphore(%arg12 : memref<!tpu.dma_semaphore, #tpu.memory_space<semaphore_mem>>)
        %dma_wait3A_297 = arith.constant 0 : i32
        %dma_wait3A_298 = arith.constant 0 : i32
        %dma_wait3A_299 = tpu.memref_slice %arg4[%dma_wait3A_297, %dma_wait3A_298] : memref<10000x128xf32, #tpu.memory_space<hbm>> -> memref<128x128xf32, #tpu.memory_space<hbm>>
        %dma_wait3A_300 = arith.constant 0 : i32
        %dma_wait3A_301 = arith.constant 0 : i32
        %dma_wait3A_302 = tpu.memref_slice %arg4[%dma_wait3A_300, %dma_wait3A_301] : memref<10000x128xf32, #tpu.memory_space<hbm>> -> memref<128x128xf32, #tpu.memory_space<hbm>>
        tpu.wait_dma2 semaphore(%arg13 : memref<!tpu.dma_semaphore, #tpu.memory_space<semaphore_mem>>) src(%dma_wait3A_302 : memref<128x128xf32, #tpu.memory_space<hbm>>) dst(%arg11 : memref<128x128xf32, #tpu.memory_space<vmem>>)
        %mul3A_303 = arith.constant 16 : i32
        %mul3A_304 = arith.muli %rem3A_47, %mul3A_303 : i32
        %add3A_305 = arith.constant 11 : i32
        %add3A_306 = arith.addi %mul3A_304, %add3A_305 : i32
        "tpu.region"() ({
          %run_scoped3A = tpu.sem_alloc : memref<!tpu.dma_semaphore, #tpu.memory_space<semaphore_mem>>
          %dma_start3A_397 = arith.constant 0 : i32
          %dma_start3A_398 = tpu.memref_slice %arg9[%add3A_306, %dma_start3A_397] : memref<32x128xi32, #tpu.memory_space<vmem>> -> memref<1x128xi32, #tpu.memory_space<vmem>>
          %dma_start3A_399 = tpu.memref_squeeze %dma_start3A_398 : memref<1x128xi32, #tpu.memory_space<vmem>> -> memref<128xi32, #tpu.memory_space<vmem>>
          %dma_start3A_400 = arith.constant 0 : i32
          %dma_start3A_401 = arith.constant 0 : i32
          %dma_start3A_402 = tpu.memref_slice %arg14[%dma_start3A_400, %dma_start3A_401] : memref<10008x128xf32, #tpu.memory_space<vmem_shared>> -> memref<10008x128xf32, #tpu.memory_space<vmem_shared>>
          tpu.enqueue_indirect_dma source(%arg11 : memref<128x128xf32, #tpu.memory_space<vmem>>) target(%dma_start3A_402 : memref<10008x128xf32, #tpu.memory_space<vmem_shared>>) offsets(%dma_start3A_399 : memref<128xi32, #tpu.memory_space<vmem>>) semaphore(%run_scoped3A : memref<!tpu.dma_semaphore, #tpu.memory_space<semaphore_mem>>) {add = true}
          %dma_wait3A_403 = arith.constant 0 : i32
          %dma_wait3A_404 = tpu.memref_slice %arg9[%add3A_306, %dma_wait3A_403] : memref<32x128xi32, #tpu.memory_space<vmem>> -> memref<1x128xi32, #tpu.memory_space<vmem>>
          %dma_wait3A_405 = tpu.memref_squeeze %dma_wait3A_404 : memref<1x128xi32, #tpu.memory_space<vmem>> -> memref<128xi32, #tpu.memory_space<vmem>>
          %dma_wait3A_406 = arith.constant 0 : i32
          %dma_wait3A_407 = arith.constant 0 : i32
          %dma_wait3A_408 = tpu.memref_slice %arg14[%dma_wait3A_406, %dma_wait3A_407] : memref<10008x128xf32, #tpu.memory_space<vmem_shared>> -> memref<10008x128xf32, #tpu.memory_space<vmem_shared>>
          tpu.wait_indirect_dma semaphore(%run_scoped3A : memref<!tpu.dma_semaphore, #tpu.memory_space<semaphore_mem>>) src(%arg11 : memref<128x128xf32, #tpu.memory_space<vmem>>) dst(%dma_wait3A_408 : memref<10008x128xf32, #tpu.memory_space<vmem_shared>>)
          tpu.yield
        }) : () -> ()
        %mul3A_307 = arith.constant 16 : i32
        %mul3A_308 = arith.muli %rem3A_47, %mul3A_307 : i32
        %add3A_309 = arith.constant 11 : i32
        %add3A_310 = arith.addi %mul3A_308, %add3A_309 : i32
        %add3A_311 = arith.constant 2 : i32
        %add3A_312 = arith.addi %add3A_310, %add3A_311 : i32
        %dma_start3A_313 = arith.constant 0 : i32
        %dma_start3A_314 = tpu.memref_slice %arg8[%add3A_312, %dma_start3A_313] : memref<32x128xi32, #tpu.memory_space<vmem>> -> memref<1x128xi32, #tpu.memory_space<vmem>>
        %dma_start3A_315 = tpu.memref_squeeze %dma_start3A_314 : memref<1x128xi32, #tpu.memory_space<vmem>> -> memref<128xi32, #tpu.memory_space<vmem>>
        %dma_start3A_316 = arith.constant 0 : i32
        %dma_start3A_317 = arith.constant 0 : i32
        %dma_start3A_318 = tpu.memref_slice %arg4[%dma_start3A_316, %dma_start3A_317] : memref<10000x128xf32, #tpu.memory_space<hbm>> -> memref<10000x128xf32, #tpu.memory_space<hbm>>
        tpu.enqueue_indirect_dma source(%dma_start3A_318 : memref<10000x128xf32, #tpu.memory_space<hbm>>) target(%arg11 : memref<128x128xf32, #tpu.memory_space<vmem>>) offsets(%dma_start3A_315 : memref<128xi32, #tpu.memory_space<vmem>>) semaphore(%arg13 : memref<!tpu.dma_semaphore, #tpu.memory_space<semaphore_mem>>)
        %dma_wait3A_319 = arith.constant 0 : i32
        %dma_wait3A_320 = arith.constant 0 : i32
        %dma_wait3A_321 = tpu.memref_slice %arg4[%dma_wait3A_319, %dma_wait3A_320] : memref<10000x128xf32, #tpu.memory_space<hbm>> -> memref<128x128xf32, #tpu.memory_space<hbm>>
        %dma_wait3A_322 = arith.constant 0 : i32
        %dma_wait3A_323 = arith.constant 0 : i32
        %dma_wait3A_324 = tpu.memref_slice %arg4[%dma_wait3A_322, %dma_wait3A_323] : memref<10000x128xf32, #tpu.memory_space<hbm>> -> memref<128x128xf32, #tpu.memory_space<hbm>>
        tpu.wait_dma2 semaphore(%arg12 : memref<!tpu.dma_semaphore, #tpu.memory_space<semaphore_mem>>) src(%dma_wait3A_324 : memref<128x128xf32, #tpu.memory_space<hbm>>) dst(%arg10 : memref<128x128xf32, #tpu.memory_space<vmem>>)
        %mul3A_325 = arith.constant 16 : i32
        %mul3A_326 = arith.muli %rem3A_47, %mul3A_325 : i32
        %add3A_327 = arith.constant 12 : i32
        %add3A_328 = arith.addi %mul3A_326, %add3A_327 : i32
        "tpu.region"() ({
          %run_scoped3A = tpu.sem_alloc : memref<!tpu.dma_semaphore, #tpu.memory_space<semaphore_mem>>
          %dma_start3A_397 = arith.constant 0 : i32
          %dma_start3A_398 = tpu.memref_slice %arg9[%add3A_328, %dma_start3A_397] : memref<32x128xi32, #tpu.memory_space<vmem>> -> memref<1x128xi32, #tpu.memory_space<vmem>>
          %dma_start3A_399 = tpu.memref_squeeze %dma_start3A_398 : memref<1x128xi32, #tpu.memory_space<vmem>> -> memref<128xi32, #tpu.memory_space<vmem>>
          %dma_start3A_400 = arith.constant 0 : i32
          %dma_start3A_401 = arith.constant 0 : i32
          %dma_start3A_402 = tpu.memref_slice %arg14[%dma_start3A_400, %dma_start3A_401] : memref<10008x128xf32, #tpu.memory_space<vmem_shared>> -> memref<10008x128xf32, #tpu.memory_space<vmem_shared>>
          tpu.enqueue_indirect_dma source(%arg10 : memref<128x128xf32, #tpu.memory_space<vmem>>) target(%dma_start3A_402 : memref<10008x128xf32, #tpu.memory_space<vmem_shared>>) offsets(%dma_start3A_399 : memref<128xi32, #tpu.memory_space<vmem>>) semaphore(%run_scoped3A : memref<!tpu.dma_semaphore, #tpu.memory_space<semaphore_mem>>) {add = true}
          %dma_wait3A_403 = arith.constant 0 : i32
          %dma_wait3A_404 = tpu.memref_slice %arg9[%add3A_328, %dma_wait3A_403] : memref<32x128xi32, #tpu.memory_space<vmem>> -> memref<1x128xi32, #tpu.memory_space<vmem>>
          %dma_wait3A_405 = tpu.memref_squeeze %dma_wait3A_404 : memref<1x128xi32, #tpu.memory_space<vmem>> -> memref<128xi32, #tpu.memory_space<vmem>>
          %dma_wait3A_406 = arith.constant 0 : i32
          %dma_wait3A_407 = arith.constant 0 : i32
          %dma_wait3A_408 = tpu.memref_slice %arg14[%dma_wait3A_406, %dma_wait3A_407] : memref<10008x128xf32, #tpu.memory_space<vmem_shared>> -> memref<10008x128xf32, #tpu.memory_space<vmem_shared>>
          tpu.wait_indirect_dma semaphore(%run_scoped3A : memref<!tpu.dma_semaphore, #tpu.memory_space<semaphore_mem>>) src(%arg10 : memref<128x128xf32, #tpu.memory_space<vmem>>) dst(%dma_wait3A_408 : memref<10008x128xf32, #tpu.memory_space<vmem_shared>>)
          tpu.yield
        }) : () -> ()
        %mul3A_329 = arith.constant 16 : i32
        %mul3A_330 = arith.muli %rem3A_47, %mul3A_329 : i32
        %add3A_331 = arith.constant 12 : i32
        %add3A_332 = arith.addi %mul3A_330, %add3A_331 : i32
        %add3A_333 = arith.constant 2 : i32
        %add3A_334 = arith.addi %add3A_332, %add3A_333 : i32
        %dma_start3A_335 = arith.constant 0 : i32
        %dma_start3A_336 = tpu.memref_slice %arg8[%add3A_334, %dma_start3A_335] : memref<32x128xi32, #tpu.memory_space<vmem>> -> memref<1x128xi32, #tpu.memory_space<vmem>>
        %dma_start3A_337 = tpu.memref_squeeze %dma_start3A_336 : memref<1x128xi32, #tpu.memory_space<vmem>> -> memref<128xi32, #tpu.memory_space<vmem>>
        %dma_start3A_338 = arith.constant 0 : i32
        %dma_start3A_339 = arith.constant 0 : i32
        %dma_start3A_340 = tpu.memref_slice %arg4[%dma_start3A_338, %dma_start3A_339] : memref<10000x128xf32, #tpu.memory_space<hbm>> -> memref<10000x128xf32, #tpu.memory_space<hbm>>
        tpu.enqueue_indirect_dma source(%dma_start3A_340 : memref<10000x128xf32, #tpu.memory_space<hbm>>) target(%arg10 : memref<128x128xf32, #tpu.memory_space<vmem>>) offsets(%dma_start3A_337 : memref<128xi32, #tpu.memory_space<vmem>>) semaphore(%arg12 : memref<!tpu.dma_semaphore, #tpu.memory_space<semaphore_mem>>)
        %dma_wait3A_341 = arith.constant 0 : i32
        %dma_wait3A_342 = arith.constant 0 : i32
        %dma_wait3A_343 = tpu.memref_slice %arg4[%dma_wait3A_341, %dma_wait3A_342] : memref<10000x128xf32, #tpu.memory_space<hbm>> -> memref<128x128xf32, #tpu.memory_space<hbm>>
        %dma_wait3A_344 = arith.constant 0 : i32
        %dma_wait3A_345 = arith.constant 0 : i32
        %dma_wait3A_346 = tpu.memref_slice %arg4[%dma_wait3A_344, %dma_wait3A_345] : memref<10000x128xf32, #tpu.memory_space<hbm>> -> memref<128x128xf32, #tpu.memory_space<hbm>>
        tpu.wait_dma2 semaphore(%arg13 : memref<!tpu.dma_semaphore, #tpu.memory_space<semaphore_mem>>) src(%dma_wait3A_346 : memref<128x128xf32, #tpu.memory_space<hbm>>) dst(%arg11 : memref<128x128xf32, #tpu.memory_space<vmem>>)
        %mul3A_347 = arith.constant 16 : i32
        %mul3A_348 = arith.muli %rem3A_47, %mul3A_347 : i32
        %add3A_349 = arith.constant 13 : i32
        %add3A_350 = arith.addi %mul3A_348, %add3A_349 : i32
        "tpu.region"() ({
          %run_scoped3A = tpu.sem_alloc : memref<!tpu.dma_semaphore, #tpu.memory_space<semaphore_mem>>
          %dma_start3A_397 = arith.constant 0 : i32
          %dma_start3A_398 = tpu.memref_slice %arg9[%add3A_350, %dma_start3A_397] : memref<32x128xi32, #tpu.memory_space<vmem>> -> memref<1x128xi32, #tpu.memory_space<vmem>>
          %dma_start3A_399 = tpu.memref_squeeze %dma_start3A_398 : memref<1x128xi32, #tpu.memory_space<vmem>> -> memref<128xi32, #tpu.memory_space<vmem>>
          %dma_start3A_400 = arith.constant 0 : i32
          %dma_start3A_401 = arith.constant 0 : i32
          %dma_start3A_402 = tpu.memref_slice %arg14[%dma_start3A_400, %dma_start3A_401] : memref<10008x128xf32, #tpu.memory_space<vmem_shared>> -> memref<10008x128xf32, #tpu.memory_space<vmem_shared>>
          tpu.enqueue_indirect_dma source(%arg11 : memref<128x128xf32, #tpu.memory_space<vmem>>) target(%dma_start3A_402 : memref<10008x128xf32, #tpu.memory_space<vmem_shared>>) offsets(%dma_start3A_399 : memref<128xi32, #tpu.memory_space<vmem>>) semaphore(%run_scoped3A : memref<!tpu.dma_semaphore, #tpu.memory_space<semaphore_mem>>) {add = true}
          %dma_wait3A_403 = arith.constant 0 : i32
          %dma_wait3A_404 = tpu.memref_slice %arg9[%add3A_350, %dma_wait3A_403] : memref<32x128xi32, #tpu.memory_space<vmem>> -> memref<1x128xi32, #tpu.memory_space<vmem>>
          %dma_wait3A_405 = tpu.memref_squeeze %dma_wait3A_404 : memref<1x128xi32, #tpu.memory_space<vmem>> -> memref<128xi32, #tpu.memory_space<vmem>>
          %dma_wait3A_406 = arith.constant 0 : i32
          %dma_wait3A_407 = arith.constant 0 : i32
          %dma_wait3A_408 = tpu.memref_slice %arg14[%dma_wait3A_406, %dma_wait3A_407] : memref<10008x128xf32, #tpu.memory_space<vmem_shared>> -> memref<10008x128xf32, #tpu.memory_space<vmem_shared>>
          tpu.wait_indirect_dma semaphore(%run_scoped3A : memref<!tpu.dma_semaphore, #tpu.memory_space<semaphore_mem>>) src(%arg11 : memref<128x128xf32, #tpu.memory_space<vmem>>) dst(%dma_wait3A_408 : memref<10008x128xf32, #tpu.memory_space<vmem_shared>>)
          tpu.yield
        }) : () -> ()
        %mul3A_351 = arith.constant 16 : i32
        %mul3A_352 = arith.muli %rem3A_47, %mul3A_351 : i32
        %add3A_353 = arith.constant 13 : i32
        %add3A_354 = arith.addi %mul3A_352, %add3A_353 : i32
        %add3A_355 = arith.constant 2 : i32
        %add3A_356 = arith.addi %add3A_354, %add3A_355 : i32
        %dma_start3A_357 = arith.constant 0 : i32
        %dma_start3A_358 = tpu.memref_slice %arg8[%add3A_356, %dma_start3A_357] : memref<32x128xi32, #tpu.memory_space<vmem>> -> memref<1x128xi32, #tpu.memory_space<vmem>>
        %dma_start3A_359 = tpu.memref_squeeze %dma_start3A_358 : memref<1x128xi32, #tpu.memory_space<vmem>> -> memref<128xi32, #tpu.memory_space<vmem>>
        %dma_start3A_360 = arith.constant 0 : i32
        %dma_start3A_361 = arith.constant 0 : i32
        %dma_start3A_362 = tpu.memref_slice %arg4[%dma_start3A_360, %dma_start3A_361] : memref<10000x128xf32, #tpu.memory_space<hbm>> -> memref<10000x128xf32, #tpu.memory_space<hbm>>
        tpu.enqueue_indirect_dma source(%dma_start3A_362 : memref<10000x128xf32, #tpu.memory_space<hbm>>) target(%arg11 : memref<128x128xf32, #tpu.memory_space<vmem>>) offsets(%dma_start3A_359 : memref<128xi32, #tpu.memory_space<vmem>>) semaphore(%arg13 : memref<!tpu.dma_semaphore, #tpu.memory_space<semaphore_mem>>)
        %dma_wait3A_363 = arith.constant 0 : i32
        %dma_wait3A_364 = arith.constant 0 : i32
        %dma_wait3A_365 = tpu.memref_slice %arg4[%dma_wait3A_363, %dma_wait3A_364] : memref<10000x128xf32, #tpu.memory_space<hbm>> -> memref<128x128xf32, #tpu.memory_space<hbm>>
        %dma_wait3A_366 = arith.constant 0 : i32
        %dma_wait3A_367 = arith.constant 0 : i32
        %dma_wait3A_368 = tpu.memref_slice %arg4[%dma_wait3A_366, %dma_wait3A_367] : memref<10000x128xf32, #tpu.memory_space<hbm>> -> memref<128x128xf32, #tpu.memory_space<hbm>>
        tpu.wait_dma2 semaphore(%arg12 : memref<!tpu.dma_semaphore, #tpu.memory_space<semaphore_mem>>) src(%dma_wait3A_368 : memref<128x128xf32, #tpu.memory_space<hbm>>) dst(%arg10 : memref<128x128xf32, #tpu.memory_space<vmem>>)
        %mul3A_369 = arith.constant 16 : i32
        %mul3A_370 = arith.muli %rem3A_47, %mul3A_369 : i32
        %add3A_371 = arith.constant 14 : i32
        %add3A_372 = arith.addi %mul3A_370, %add3A_371 : i32
        "tpu.region"() ({
          %run_scoped3A = tpu.sem_alloc : memref<!tpu.dma_semaphore, #tpu.memory_space<semaphore_mem>>
          %dma_start3A_397 = arith.constant 0 : i32
          %dma_start3A_398 = tpu.memref_slice %arg9[%add3A_372, %dma_start3A_397] : memref<32x128xi32, #tpu.memory_space<vmem>> -> memref<1x128xi32, #tpu.memory_space<vmem>>
          %dma_start3A_399 = tpu.memref_squeeze %dma_start3A_398 : memref<1x128xi32, #tpu.memory_space<vmem>> -> memref<128xi32, #tpu.memory_space<vmem>>
          %dma_start3A_400 = arith.constant 0 : i32
          %dma_start3A_401 = arith.constant 0 : i32
          %dma_start3A_402 = tpu.memref_slice %arg14[%dma_start3A_400, %dma_start3A_401] : memref<10008x128xf32, #tpu.memory_space<vmem_shared>> -> memref<10008x128xf32, #tpu.memory_space<vmem_shared>>
          tpu.enqueue_indirect_dma source(%arg10 : memref<128x128xf32, #tpu.memory_space<vmem>>) target(%dma_start3A_402 : memref<10008x128xf32, #tpu.memory_space<vmem_shared>>) offsets(%dma_start3A_399 : memref<128xi32, #tpu.memory_space<vmem>>) semaphore(%run_scoped3A : memref<!tpu.dma_semaphore, #tpu.memory_space<semaphore_mem>>) {add = true}
          %dma_wait3A_403 = arith.constant 0 : i32
          %dma_wait3A_404 = tpu.memref_slice %arg9[%add3A_372, %dma_wait3A_403] : memref<32x128xi32, #tpu.memory_space<vmem>> -> memref<1x128xi32, #tpu.memory_space<vmem>>
          %dma_wait3A_405 = tpu.memref_squeeze %dma_wait3A_404 : memref<1x128xi32, #tpu.memory_space<vmem>> -> memref<128xi32, #tpu.memory_space<vmem>>
          %dma_wait3A_406 = arith.constant 0 : i32
          %dma_wait3A_407 = arith.constant 0 : i32
          %dma_wait3A_408 = tpu.memref_slice %arg14[%dma_wait3A_406, %dma_wait3A_407] : memref<10008x128xf32, #tpu.memory_space<vmem_shared>> -> memref<10008x128xf32, #tpu.memory_space<vmem_shared>>
          tpu.wait_indirect_dma semaphore(%run_scoped3A : memref<!tpu.dma_semaphore, #tpu.memory_space<semaphore_mem>>) src(%arg10 : memref<128x128xf32, #tpu.memory_space<vmem>>) dst(%dma_wait3A_408 : memref<10008x128xf32, #tpu.memory_space<vmem_shared>>)
          tpu.yield
        }) : () -> ()
        %add3A_373 = arith.constant 1 : i32
        %add3A_374 = arith.addi %add3A_46, %add3A_373 : i32
        %lt3A_375 = arith.constant 5 : i32
        %lt3A_376 = arith.cmpi slt, %add3A_374, %lt3A_375 : i32
        %convert_element_type3A_377 = arith.extui %lt3A_376 : i1 to i32
        %cond3A_378 = arith.constant 0 : i32
        %cond3A_379 = arith.cmpi ne, %convert_element_type3A_377, %cond3A_378 : i32
        scf.if %cond3A_379 {
          %mul3A_397 = arith.constant 16 : i32
          %mul3A_398 = arith.muli %sub3A_48, %mul3A_397 : i32
          %add3A_399 = arith.constant 14 : i32
          %add3A_400 = arith.addi %mul3A_398, %add3A_399 : i32
          %add3A_401 = arith.constant 2 : i32
          %add3A_402 = arith.addi %add3A_400, %add3A_401 : i32
          %sub3A_403 = arith.constant 16 : i32
          %sub3A_404 = arith.subi %add3A_402, %sub3A_403 : i32
          %dma_start3A_405 = arith.constant 0 : i32
          %dma_start3A_406 = tpu.memref_slice %arg8[%sub3A_404, %dma_start3A_405] : memref<32x128xi32, #tpu.memory_space<vmem>> -> memref<1x128xi32, #tpu.memory_space<vmem>>
          %dma_start3A_407 = tpu.memref_squeeze %dma_start3A_406 : memref<1x128xi32, #tpu.memory_space<vmem>> -> memref<128xi32, #tpu.memory_space<vmem>>
          %dma_start3A_408 = arith.constant 0 : i32
          %dma_start3A_409 = arith.constant 0 : i32
          %dma_start3A_410 = tpu.memref_slice %arg4[%dma_start3A_408, %dma_start3A_409] : memref<10000x128xf32, #tpu.memory_space<hbm>> -> memref<10000x128xf32, #tpu.memory_space<hbm>>
          tpu.enqueue_indirect_dma source(%dma_start3A_410 : memref<10000x128xf32, #tpu.memory_space<hbm>>) target(%arg10 : memref<128x128xf32, #tpu.memory_space<vmem>>) offsets(%dma_start3A_407 : memref<128xi32, #tpu.memory_space<vmem>>) semaphore(%arg12 : memref<!tpu.dma_semaphore, #tpu.memory_space<semaphore_mem>>)
        } else {
        }
        %dma_wait3A_380 = arith.constant 0 : i32
        %dma_wait3A_381 = arith.constant 0 : i32
        %dma_wait3A_382 = tpu.memref_slice %arg4[%dma_wait3A_380, %dma_wait3A_381] : memref<10000x128xf32, #tpu.memory_space<hbm>> -> memref<128x128xf32, #tpu.memory_space<hbm>>
        %dma_wait3A_383 = arith.constant 0 : i32
        %dma_wait3A_384 = arith.constant 0 : i32
        %dma_wait3A_385 = tpu.memref_slice %arg4[%dma_wait3A_383, %dma_wait3A_384] : memref<10000x128xf32, #tpu.memory_space<hbm>> -> memref<128x128xf32, #tpu.memory_space<hbm>>
        tpu.wait_dma2 semaphore(%arg13 : memref<!tpu.dma_semaphore, #tpu.memory_space<semaphore_mem>>) src(%dma_wait3A_385 : memref<128x128xf32, #tpu.memory_space<hbm>>) dst(%arg11 : memref<128x128xf32, #tpu.memory_space<vmem>>)
        %mul3A_386 = arith.constant 16 : i32
        %mul3A_387 = arith.muli %rem3A_47, %mul3A_386 : i32
        %add3A_388 = arith.constant 15 : i32
        %add3A_389 = arith.addi %mul3A_387, %add3A_388 : i32
        "tpu.region"() ({
          %run_scoped3A = tpu.sem_alloc : memref<!tpu.dma_semaphore, #tpu.memory_space<semaphore_mem>>
          %dma_start3A_397 = arith.constant 0 : i32
          %dma_start3A_398 = tpu.memref_slice %arg9[%add3A_389, %dma_start3A_397] : memref<32x128xi32, #tpu.memory_space<vmem>> -> memref<1x128xi32, #tpu.memory_space<vmem>>
          %dma_start3A_399 = tpu.memref_squeeze %dma_start3A_398 : memref<1x128xi32, #tpu.memory_space<vmem>> -> memref<128xi32, #tpu.memory_space<vmem>>
          %dma_start3A_400 = arith.constant 0 : i32
          %dma_start3A_401 = arith.constant 0 : i32
          %dma_start3A_402 = tpu.memref_slice %arg14[%dma_start3A_400, %dma_start3A_401] : memref<10008x128xf32, #tpu.memory_space<vmem_shared>> -> memref<10008x128xf32, #tpu.memory_space<vmem_shared>>
          tpu.enqueue_indirect_dma source(%arg11 : memref<128x128xf32, #tpu.memory_space<vmem>>) target(%dma_start3A_402 : memref<10008x128xf32, #tpu.memory_space<vmem_shared>>) offsets(%dma_start3A_399 : memref<128xi32, #tpu.memory_space<vmem>>) semaphore(%run_scoped3A : memref<!tpu.dma_semaphore, #tpu.memory_space<semaphore_mem>>) {add = true}
          %dma_wait3A_403 = arith.constant 0 : i32
          %dma_wait3A_404 = tpu.memref_slice %arg9[%add3A_389, %dma_wait3A_403] : memref<32x128xi32, #tpu.memory_space<vmem>> -> memref<1x128xi32, #tpu.memory_space<vmem>>
          %dma_wait3A_405 = tpu.memref_squeeze %dma_wait3A_404 : memref<1x128xi32, #tpu.memory_space<vmem>> -> memref<128xi32, #tpu.memory_space<vmem>>
          %dma_wait3A_406 = arith.constant 0 : i32
          %dma_wait3A_407 = arith.constant 0 : i32
          %dma_wait3A_408 = tpu.memref_slice %arg14[%dma_wait3A_406, %dma_wait3A_407] : memref<10008x128xf32, #tpu.memory_space<vmem_shared>> -> memref<10008x128xf32, #tpu.memory_space<vmem_shared>>
          tpu.wait_indirect_dma semaphore(%run_scoped3A : memref<!tpu.dma_semaphore, #tpu.memory_space<semaphore_mem>>) src(%arg11 : memref<128x128xf32, #tpu.memory_space<vmem>>) dst(%dma_wait3A_408 : memref<10008x128xf32, #tpu.memory_space<vmem_shared>>)
          tpu.yield
        }) : () -> ()
        %add3A_390 = arith.constant 1 : i32
        %add3A_391 = arith.addi %add3A_46, %add3A_390 : i32
        %lt3A_392 = arith.constant 5 : i32
        %lt3A_393 = arith.cmpi slt, %add3A_391, %lt3A_392 : i32
        %convert_element_type3A_394 = arith.extui %lt3A_393 : i1 to i32
        %cond3A_395 = arith.constant 0 : i32
        %cond3A_396 = arith.cmpi ne, %convert_element_type3A_394, %cond3A_395 : i32
        scf.if %cond3A_396 {
          %mul3A_397 = arith.constant 16 : i32
          %mul3A_398 = arith.muli %sub3A_48, %mul3A_397 : i32
          %add3A_399 = arith.constant 15 : i32
          %add3A_400 = arith.addi %mul3A_398, %add3A_399 : i32
          %add3A_401 = arith.constant 2 : i32
          %add3A_402 = arith.addi %add3A_400, %add3A_401 : i32
          %sub3A_403 = arith.constant 16 : i32
          %sub3A_404 = arith.subi %add3A_402, %sub3A_403 : i32
          %dma_start3A_405 = arith.constant 0 : i32
          %dma_start3A_406 = tpu.memref_slice %arg8[%sub3A_404, %dma_start3A_405] : memref<32x128xi32, #tpu.memory_space<vmem>> -> memref<1x128xi32, #tpu.memory_space<vmem>>
          %dma_start3A_407 = tpu.memref_squeeze %dma_start3A_406 : memref<1x128xi32, #tpu.memory_space<vmem>> -> memref<128xi32, #tpu.memory_space<vmem>>
          %dma_start3A_408 = arith.constant 0 : i32
          %dma_start3A_409 = arith.constant 0 : i32
          %dma_start3A_410 = tpu.memref_slice %arg4[%dma_start3A_408, %dma_start3A_409] : memref<10000x128xf32, #tpu.memory_space<hbm>> -> memref<10000x128xf32, #tpu.memory_space<hbm>>
          tpu.enqueue_indirect_dma source(%dma_start3A_410 : memref<10000x128xf32, #tpu.memory_space<hbm>>) target(%arg11 : memref<128x128xf32, #tpu.memory_space<vmem>>) offsets(%dma_start3A_407 : memref<128xi32, #tpu.memory_space<vmem>>) semaphore(%arg13 : memref<!tpu.dma_semaphore, #tpu.memory_space<semaphore_mem>>)
        } else {
        }
      }
      %scan3A_32 = arith.constant 5 : i32
      %barrier3A_33 = arith.constant 0 : index
      tpu.barrier barrier_id(%barrier3A_33)
      %lt3A_34 = arith.constant 15 : i32
      %lt3A_35 = arith.cmpi slt, %arg1, %lt3A_34 : i32
      %convert_element_type3A_36 = arith.extui %lt3A_35 : i1 to i32
      %cond3A_37 = arith.constant 0 : i32
      %cond3A_38 = arith.cmpi ne, %convert_element_type3A_36, %cond3A_37 : i32
      scf.if %cond3A_38 {
        %mul3A = arith.constant 632 : i32
        %mul3A_44 = arith.muli %arg1, %mul3A : i32
        %mul3A_45 = arith.constant 632 : i32
        %mul3A_46 = arith.muli %arg1, %mul3A_45 : i32
        "tpu.region"() ({
          %run_scoped3A = tpu.sem_alloc : memref<!tpu.dma_semaphore, #tpu.memory_space<semaphore_mem>>
          %dma_start3A_47 = arith.constant 0 : i32
          %dma_start3A_48 = tpu.memref_slice %arg6[%mul3A_46, %dma_start3A_47] : memref<10000x128xf32, #tpu.memory_space<hbm>> -> memref<632x128xf32, #tpu.memory_space<hbm>>
          %dma_start3A_49 = arith.constant 0 : i32
          %dma_start3A_50 = tpu.memref_slice %arg14[%mul3A_44, %dma_start3A_49] : memref<10008x128xf32, #tpu.memory_space<vmem_shared>> -> memref<632x128xf32, #tpu.memory_space<vmem_shared>>
          tpu.enqueue_dma source(%dma_start3A_50 : memref<632x128xf32, #tpu.memory_space<vmem_shared>>) target(%dma_start3A_48 : memref<632x128xf32, #tpu.memory_space<hbm>>) target_semaphore(%run_scoped3A : memref<!tpu.dma_semaphore, #tpu.memory_space<semaphore_mem>>)
          %dma_wait3A = arith.constant 0 : i32
          %dma_wait3A_51 = tpu.memref_slice %arg6[%mul3A_46, %dma_wait3A] : memref<10000x128xf32, #tpu.memory_space<hbm>> -> memref<632x128xf32, #tpu.memory_space<hbm>>
          %dma_wait3A_52 = arith.constant 0 : i32
          %dma_wait3A_53 = tpu.memref_slice %arg14[%mul3A_44, %dma_wait3A_52] : memref<10008x128xf32, #tpu.memory_space<vmem_shared>> -> memref<632x128xf32, #tpu.memory_space<vmem_shared>>
          tpu.wait_dma2 semaphore(%run_scoped3A : memref<!tpu.dma_semaphore, #tpu.memory_space<semaphore_mem>>) src(%dma_wait3A_53 : memref<632x128xf32, #tpu.memory_space<vmem_shared>>) dst(%dma_wait3A_51 : memref<632x128xf32, #tpu.memory_space<hbm>>)
          tpu.yield
        }) : () -> ()
      } else {
      }
      %eq3A_39 = arith.constant 15 : i32
      %eq3A_40 = arith.cmpi eq, %arg1, %eq3A_39 : i32
      %convert_element_type3A_41 = arith.extui %eq3A_40 : i1 to i32
      %cond3A_42 = arith.constant 0 : i32
      %cond3A_43 = arith.cmpi ne, %convert_element_type3A_41, %cond3A_42 : i32
      scf.if %cond3A_43 {
        "tpu.region"() ({
          %run_scoped3A = tpu.sem_alloc : memref<!tpu.dma_semaphore, #tpu.memory_space<semaphore_mem>>
          %dma_start3A_44 = arith.constant 9480 : i32
          %dma_start3A_45 = arith.constant 0 : i32
          %dma_start3A_46 = tpu.memref_slice %arg6[%dma_start3A_44, %dma_start3A_45] : memref<10000x128xf32, #tpu.memory_space<hbm>> -> memref<520x128xf32, #tpu.memory_space<hbm>>
          %dma_start3A_47 = arith.constant 9480 : i32
          %dma_start3A_48 = arith.constant 0 : i32
          %dma_start3A_49 = tpu.memref_slice %arg14[%dma_start3A_47, %dma_start3A_48] : memref<10008x128xf32, #tpu.memory_space<vmem_shared>> -> memref<520x128xf32, #tpu.memory_space<vmem_shared>>
          tpu.enqueue_dma source(%dma_start3A_49 : memref<520x128xf32, #tpu.memory_space<vmem_shared>>) target(%dma_start3A_46 : memref<520x128xf32, #tpu.memory_space<hbm>>) target_semaphore(%run_scoped3A : memref<!tpu.dma_semaphore, #tpu.memory_space<semaphore_mem>>)
          %dma_wait3A = arith.constant 9480 : i32
          %dma_wait3A_50 = arith.constant 0 : i32
          %dma_wait3A_51 = tpu.memref_slice %arg6[%dma_wait3A, %dma_wait3A_50] : memref<10000x128xf32, #tpu.memory_space<hbm>> -> memref<520x128xf32, #tpu.memory_space<hbm>>
          %dma_wait3A_52 = arith.constant 9480 : i32
          %dma_wait3A_53 = arith.constant 0 : i32
          %dma_wait3A_54 = tpu.memref_slice %arg14[%dma_wait3A_52, %dma_wait3A_53] : memref<10008x128xf32, #tpu.memory_space<vmem_shared>> -> memref<520x128xf32, #tpu.memory_space<vmem_shared>>
          tpu.wait_dma2 semaphore(%run_scoped3A : memref<!tpu.dma_semaphore, #tpu.memory_space<semaphore_mem>>) src(%dma_wait3A_54 : memref<520x128xf32, #tpu.memory_space<vmem_shared>>) dst(%dma_wait3A_51 : memref<520x128xf32, #tpu.memory_space<hbm>>)
          tpu.yield
        }) : () -> ()
      } else {
      }
    } else {
    }
    %eq3A_2 = arith.constant 1 : i32
    %eq3A_3 = arith.cmpi eq, %arg0, %eq3A_2 : i32
    %convert_element_type3A_4 = arith.extui %eq3A_3 : i1 to i32
    %cond3A_5 = arith.constant 0 : i32
    %cond3A_6 = arith.cmpi ne, %convert_element_type3A_4, %cond3A_5 : i32
    scf.if %cond3A_6 {
      %lt3A = arith.constant 15 : i32
      %lt3A_7 = arith.cmpi slt, %arg1, %lt3A : i32
      %convert_element_type3A_8 = arith.extui %lt3A_7 : i1 to i32
      %cond3A_9 = arith.constant 0 : i32
      %cond3A_10 = arith.cmpi ne, %convert_element_type3A_8, %cond3A_9 : i32
      scf.if %cond3A_10 {
        %mul3A = arith.constant 632 : i32
        %mul3A_44 = arith.muli %arg1, %mul3A : i32
        %mul3A_45 = arith.constant 632 : i32
        %mul3A_46 = arith.muli %arg1, %mul3A_45 : i32
        "tpu.region"() ({
          %run_scoped3A = tpu.sem_alloc : memref<!tpu.dma_semaphore, #tpu.memory_space<semaphore_mem>>
          %dma_start3A_47 = arith.constant 0 : i32
          %dma_start3A_48 = tpu.memref_slice %arg14[%mul3A_46, %dma_start3A_47] : memref<10008x128xf32, #tpu.memory_space<vmem_shared>> -> memref<632x128xf32, #tpu.memory_space<vmem_shared>>
          %dma_start3A_49 = arith.constant 0 : i32
          %dma_start3A_50 = tpu.memref_slice %arg5[%mul3A_44, %dma_start3A_49] : memref<10000x128xf32, #tpu.memory_space<hbm>> -> memref<632x128xf32, #tpu.memory_space<hbm>>
          tpu.enqueue_dma source(%dma_start3A_50 : memref<632x128xf32, #tpu.memory_space<hbm>>) target(%dma_start3A_48 : memref<632x128xf32, #tpu.memory_space<vmem_shared>>) target_semaphore(%run_scoped3A : memref<!tpu.dma_semaphore, #tpu.memory_space<semaphore_mem>>)
          %dma_wait3A = arith.constant 0 : i32
          %dma_wait3A_51 = tpu.memref_slice %arg14[%mul3A_46, %dma_wait3A] : memref<10008x128xf32, #tpu.memory_space<vmem_shared>> -> memref<632x128xf32, #tpu.memory_space<vmem_shared>>
          %dma_wait3A_52 = arith.constant 0 : i32
          %dma_wait3A_53 = tpu.memref_slice %arg5[%mul3A_44, %dma_wait3A_52] : memref<10000x128xf32, #tpu.memory_space<hbm>> -> memref<632x128xf32, #tpu.memory_space<hbm>>
          tpu.wait_dma2 semaphore(%run_scoped3A : memref<!tpu.dma_semaphore, #tpu.memory_space<semaphore_mem>>) src(%dma_wait3A_53 : memref<632x128xf32, #tpu.memory_space<hbm>>) dst(%dma_wait3A_51 : memref<632x128xf32, #tpu.memory_space<vmem_shared>>)
          tpu.yield
        }) : () -> ()
      } else {
      }
      %eq3A_11 = arith.constant 15 : i32
      %eq3A_12 = arith.cmpi eq, %arg1, %eq3A_11 : i32
      %convert_element_type3A_13 = arith.extui %eq3A_12 : i1 to i32
      %cond3A_14 = arith.constant 0 : i32
      %cond3A_15 = arith.cmpi ne, %convert_element_type3A_13, %cond3A_14 : i32
      scf.if %cond3A_15 {
        "tpu.region"() ({
          %run_scoped3A = tpu.sem_alloc : memref<!tpu.dma_semaphore, #tpu.memory_space<semaphore_mem>>
          %dma_start3A_44 = arith.constant 9480 : i32
          %dma_start3A_45 = arith.constant 0 : i32
          %dma_start3A_46 = tpu.memref_slice %arg14[%dma_start3A_44, %dma_start3A_45] : memref<10008x128xf32, #tpu.memory_space<vmem_shared>> -> memref<520x128xf32, #tpu.memory_space<vmem_shared>>
          %dma_start3A_47 = arith.constant 9480 : i32
          %dma_start3A_48 = arith.constant 0 : i32
          %dma_start3A_49 = tpu.memref_slice %arg5[%dma_start3A_47, %dma_start3A_48] : memref<10000x128xf32, #tpu.memory_space<hbm>> -> memref<520x128xf32, #tpu.memory_space<hbm>>
          tpu.enqueue_dma source(%dma_start3A_49 : memref<520x128xf32, #tpu.memory_space<hbm>>) target(%dma_start3A_46 : memref<520x128xf32, #tpu.memory_space<vmem_shared>>) target_semaphore(%run_scoped3A : memref<!tpu.dma_semaphore, #tpu.memory_space<semaphore_mem>>)
          %dma_wait3A = arith.constant 9480 : i32
          %dma_wait3A_50 = arith.constant 0 : i32
          %dma_wait3A_51 = tpu.memref_slice %arg14[%dma_wait3A, %dma_wait3A_50] : memref<10008x128xf32, #tpu.memory_space<vmem_shared>> -> memref<520x128xf32, #tpu.memory_space<vmem_shared>>
          %dma_wait3A_52 = arith.constant 9480 : i32
          %dma_wait3A_53 = arith.constant 0 : i32
          %dma_wait3A_54 = tpu.memref_slice %arg5[%dma_wait3A_52, %dma_wait3A_53] : memref<10000x128xf32, #tpu.memory_space<hbm>> -> memref<520x128xf32, #tpu.memory_space<hbm>>
          tpu.wait_dma2 semaphore(%run_scoped3A : memref<!tpu.dma_semaphore, #tpu.memory_space<semaphore_mem>>) src(%dma_wait3A_54 : memref<520x128xf32, #tpu.memory_space<hbm>>) dst(%dma_wait3A_51 : memref<520x128xf32, #tpu.memory_space<vmem_shared>>)
          tpu.yield
        }) : () -> ()
      } else {
      }
      %barrier3A = arith.constant 0 : index
      tpu.barrier barrier_id(%barrier3A)
      "tpu.region"() ({
        %run_scoped3A = tpu.sem_alloc : memref<!tpu.dma_semaphore, #tpu.memory_space<semaphore_mem>>
        %dma_start3A_44 = arith.constant 0 : i32
        %dma_start3A_45 = arith.constant 0 : i32
        %dma_start3A_46 = tpu.memref_slice %arg8[%dma_start3A_44, %dma_start3A_45] : memref<32x128xi32, #tpu.memory_space<vmem>> -> memref<16x128xi32, #tpu.memory_space<vmem>>
        %dma_start3A_47 = arith.constant 0 : i32
        %dma_start3A_48 = arith.constant 0 : i32
        %dma_start3A_49 = tpu.memref_slice %arg2[%arg1, %dma_start3A_47, %dma_start3A_48] : memref<16x80x128xi32, #tpu.memory_space<hbm>> -> memref<1x16x128xi32, #tpu.memory_space<hbm>>
        %dma_start3A_50 = tpu.memref_squeeze %dma_start3A_49 : memref<1x16x128xi32, #tpu.memory_space<hbm>> -> memref<16x128xi32, #tpu.memory_space<hbm>>
        %dma_start3A_51 = arith.constant 0 : i32
        %dma_start3A_52 = arith.constant 0 : i32
        %dma_start3A_53 = tpu.memref_slice %arg8[%dma_start3A_51, %dma_start3A_52] : memref<32x128xi32, #tpu.memory_space<vmem>> -> memref<16x128xi32, #tpu.memory_space<vmem>>
        %dma_start3A_54 = arith.constant 0 : i32
        %dma_start3A_55 = arith.constant 0 : i32
        %dma_start3A_56 = tpu.memref_slice %arg2[%arg1, %dma_start3A_54, %dma_start3A_55] : memref<16x80x128xi32, #tpu.memory_space<hbm>> -> memref<1x16x128xi32, #tpu.memory_space<hbm>>
        %dma_start3A_57 = tpu.memref_squeeze %dma_start3A_56 : memref<1x16x128xi32, #tpu.memory_space<hbm>> -> memref<16x128xi32, #tpu.memory_space<hbm>>
        tpu.enqueue_dma source(%dma_start3A_57 : memref<16x128xi32, #tpu.memory_space<hbm>>) target(%dma_start3A_53 : memref<16x128xi32, #tpu.memory_space<vmem>>) target_semaphore(%run_scoped3A : memref<!tpu.dma_semaphore, #tpu.memory_space<semaphore_mem>>)
        %dma_wait3A = arith.constant 0 : i32
        %dma_wait3A_58 = arith.constant 0 : i32
        %dma_wait3A_59 = tpu.memref_slice %arg8[%dma_wait3A, %dma_wait3A_58] : memref<32x128xi32, #tpu.memory_space<vmem>> -> memref<16x128xi32, #tpu.memory_space<vmem>>
        %dma_wait3A_60 = arith.constant 0 : i32
        %dma_wait3A_61 = arith.constant 0 : i32
        %dma_wait3A_62 = tpu.memref_slice %arg2[%arg1, %dma_wait3A_60, %dma_wait3A_61] : memref<16x80x128xi32, #tpu.memory_space<hbm>> -> memref<1x16x128xi32, #tpu.memory_space<hbm>>
        %dma_wait3A_63 = tpu.memref_squeeze %dma_wait3A_62 : memref<1x16x128xi32, #tpu.memory_space<hbm>> -> memref<16x128xi32, #tpu.memory_space<hbm>>
        %dma_wait3A_64 = arith.constant 0 : i32
        %dma_wait3A_65 = arith.constant 0 : i32
        %dma_wait3A_66 = tpu.memref_slice %arg8[%dma_wait3A_64, %dma_wait3A_65] : memref<32x128xi32, #tpu.memory_space<vmem>> -> memref<16x128xi32, #tpu.memory_space<vmem>>
        %dma_wait3A_67 = arith.constant 0 : i32
        %dma_wait3A_68 = arith.constant 0 : i32
        %dma_wait3A_69 = tpu.memref_slice %arg2[%arg1, %dma_wait3A_67, %dma_wait3A_68] : memref<16x80x128xi32, #tpu.memory_space<hbm>> -> memref<1x16x128xi32, #tpu.memory_space<hbm>>
        %dma_wait3A_70 = tpu.memref_squeeze %dma_wait3A_69 : memref<1x16x128xi32, #tpu.memory_space<hbm>> -> memref<16x128xi32, #tpu.memory_space<hbm>>
        tpu.wait_dma2 semaphore(%run_scoped3A : memref<!tpu.dma_semaphore, #tpu.memory_space<semaphore_mem>>) src(%dma_wait3A_70 : memref<16x128xi32, #tpu.memory_space<hbm>>) dst(%dma_wait3A_66 : memref<16x128xi32, #tpu.memory_space<vmem>>)
        tpu.yield
      }) : () -> ()
      "tpu.region"() ({
        %run_scoped3A = tpu.sem_alloc : memref<!tpu.dma_semaphore, #tpu.memory_space<semaphore_mem>>
        %dma_start3A_44 = arith.constant 0 : i32
        %dma_start3A_45 = arith.constant 0 : i32
        %dma_start3A_46 = tpu.memref_slice %arg9[%dma_start3A_44, %dma_start3A_45] : memref<32x128xi32, #tpu.memory_space<vmem>> -> memref<16x128xi32, #tpu.memory_space<vmem>>
        %dma_start3A_47 = arith.constant 0 : i32
        %dma_start3A_48 = arith.constant 0 : i32
        %dma_start3A_49 = tpu.memref_slice %arg3[%arg1, %dma_start3A_47, %dma_start3A_48] : memref<16x80x128xi32, #tpu.memory_space<hbm>> -> memref<1x16x128xi32, #tpu.memory_space<hbm>>
        %dma_start3A_50 = tpu.memref_squeeze %dma_start3A_49 : memref<1x16x128xi32, #tpu.memory_space<hbm>> -> memref<16x128xi32, #tpu.memory_space<hbm>>
        %dma_start3A_51 = arith.constant 0 : i32
        %dma_start3A_52 = arith.constant 0 : i32
        %dma_start3A_53 = tpu.memref_slice %arg9[%dma_start3A_51, %dma_start3A_52] : memref<32x128xi32, #tpu.memory_space<vmem>> -> memref<16x128xi32, #tpu.memory_space<vmem>>
        %dma_start3A_54 = arith.constant 0 : i32
        %dma_start3A_55 = arith.constant 0 : i32
        %dma_start3A_56 = tpu.memref_slice %arg3[%arg1, %dma_start3A_54, %dma_start3A_55] : memref<16x80x128xi32, #tpu.memory_space<hbm>> -> memref<1x16x128xi32, #tpu.memory_space<hbm>>
        %dma_start3A_57 = tpu.memref_squeeze %dma_start3A_56 : memref<1x16x128xi32, #tpu.memory_space<hbm>> -> memref<16x128xi32, #tpu.memory_space<hbm>>
        tpu.enqueue_dma source(%dma_start3A_57 : memref<16x128xi32, #tpu.memory_space<hbm>>) target(%dma_start3A_53 : memref<16x128xi32, #tpu.memory_space<vmem>>) target_semaphore(%run_scoped3A : memref<!tpu.dma_semaphore, #tpu.memory_space<semaphore_mem>>)
        %dma_wait3A = arith.constant 0 : i32
        %dma_wait3A_58 = arith.constant 0 : i32
        %dma_wait3A_59 = tpu.memref_slice %arg9[%dma_wait3A, %dma_wait3A_58] : memref<32x128xi32, #tpu.memory_space<vmem>> -> memref<16x128xi32, #tpu.memory_space<vmem>>
        %dma_wait3A_60 = arith.constant 0 : i32
        %dma_wait3A_61 = arith.constant 0 : i32
        %dma_wait3A_62 = tpu.memref_slice %arg3[%arg1, %dma_wait3A_60, %dma_wait3A_61] : memref<16x80x128xi32, #tpu.memory_space<hbm>> -> memref<1x16x128xi32, #tpu.memory_space<hbm>>
        %dma_wait3A_63 = tpu.memref_squeeze %dma_wait3A_62 : memref<1x16x128xi32, #tpu.memory_space<hbm>> -> memref<16x128xi32, #tpu.memory_space<hbm>>
        %dma_wait3A_64 = arith.constant 0 : i32
        %dma_wait3A_65 = arith.constant 0 : i32
        %dma_wait3A_66 = tpu.memref_slice %arg9[%dma_wait3A_64, %dma_wait3A_65] : memref<32x128xi32, #tpu.memory_space<vmem>> -> memref<16x128xi32, #tpu.memory_space<vmem>>
        %dma_wait3A_67 = arith.constant 0 : i32
        %dma_wait3A_68 = arith.constant 0 : i32
        %dma_wait3A_69 = tpu.memref_slice %arg3[%arg1, %dma_wait3A_67, %dma_wait3A_68] : memref<16x80x128xi32, #tpu.memory_space<hbm>> -> memref<1x16x128xi32, #tpu.memory_space<hbm>>
        %dma_wait3A_70 = tpu.memref_squeeze %dma_wait3A_69 : memref<1x16x128xi32, #tpu.memory_space<hbm>> -> memref<16x128xi32, #tpu.memory_space<hbm>>
        tpu.wait_dma2 semaphore(%run_scoped3A : memref<!tpu.dma_semaphore, #tpu.memory_space<semaphore_mem>>) src(%dma_wait3A_70 : memref<16x128xi32, #tpu.memory_space<hbm>>) dst(%dma_wait3A_66 : memref<16x128xi32, #tpu.memory_space<vmem>>)
        tpu.yield
      }) : () -> ()
      %dma_start3A = arith.constant 0 : i32
      %dma_start3A_16 = arith.constant 0 : i32
      %dma_start3A_17 = tpu.memref_slice %arg8[%dma_start3A, %dma_start3A_16] : memref<32x128xi32, #tpu.memory_space<vmem>> -> memref<1x128xi32, #tpu.memory_space<vmem>>
      %dma_start3A_18 = tpu.memref_squeeze %dma_start3A_17 : memref<1x128xi32, #tpu.memory_space<vmem>> -> memref<128xi32, #tpu.memory_space<vmem>>
      %dma_start3A_19 = arith.constant 0 : i32
      %dma_start3A_20 = arith.constant 0 : i32
      %dma_start3A_21 = tpu.memref_slice %arg5[%dma_start3A_19, %dma_start3A_20] : memref<10000x128xf32, #tpu.memory_space<hbm>> -> memref<10000x128xf32, #tpu.memory_space<hbm>>
      tpu.enqueue_indirect_dma source(%dma_start3A_21 : memref<10000x128xf32, #tpu.memory_space<hbm>>) target(%arg10 : memref<128x128xf32, #tpu.memory_space<vmem>>) offsets(%dma_start3A_18 : memref<128xi32, #tpu.memory_space<vmem>>) semaphore(%arg12 : memref<!tpu.dma_semaphore, #tpu.memory_space<semaphore_mem>>)
      %dma_start3A_22 = arith.constant 1 : i32
      %dma_start3A_23 = arith.constant 0 : i32
      %dma_start3A_24 = tpu.memref_slice %arg8[%dma_start3A_22, %dma_start3A_23] : memref<32x128xi32, #tpu.memory_space<vmem>> -> memref<1x128xi32, #tpu.memory_space<vmem>>
      %dma_start3A_25 = tpu.memref_squeeze %dma_start3A_24 : memref<1x128xi32, #tpu.memory_space<vmem>> -> memref<128xi32, #tpu.memory_space<vmem>>
      %dma_start3A_26 = arith.constant 0 : i32
      %dma_start3A_27 = arith.constant 0 : i32
      %dma_start3A_28 = tpu.memref_slice %arg5[%dma_start3A_26, %dma_start3A_27] : memref<10000x128xf32, #tpu.memory_space<hbm>> -> memref<10000x128xf32, #tpu.memory_space<hbm>>
      tpu.enqueue_indirect_dma source(%dma_start3A_28 : memref<10000x128xf32, #tpu.memory_space<hbm>>) target(%arg11 : memref<128x128xf32, #tpu.memory_space<vmem>>) offsets(%dma_start3A_25 : memref<128xi32, #tpu.memory_space<vmem>>) semaphore(%arg13 : memref<!tpu.dma_semaphore, #tpu.memory_space<semaphore_mem>>)
      %scan3A = arith.constant 0 : i32
      %scan3A_29 = arith.constant 5 : i32
      %scan3A_30 = arith.addi %scan3A, %scan3A_29 : i32
      %scan3A_31 = arith.constant 1 : i32
      scf.for %scan3A_44 = %scan3A to %scan3A_30 step %scan3A_31  : i32 {
        %mul3A = arith.constant 1 : i32
        %mul3A_45 = arith.muli %scan3A_44, %mul3A : i32
        %add3A = arith.constant 0 : i32
        %add3A_46 = arith.addi %add3A, %mul3A_45 : i32
        %rem3A = arith.constant 2 : i32
        %rem3A_47 = arith.remsi %add3A_46, %rem3A : i32
        %sub3A = arith.constant 1 : i32
        %sub3A_48 = arith.subi %sub3A, %rem3A_47 : i32
        %add3A_49 = arith.constant 1 : i32
        %add3A_50 = arith.addi %add3A_46, %add3A_49 : i32
        %lt3A_51 = arith.constant 5 : i32
        %lt3A_52 = arith.cmpi slt, %add3A_50, %lt3A_51 : i32
        %convert_element_type3A_53 = arith.extui %lt3A_52 : i1 to i32
        %cond3A_54 = arith.constant 0 : i32
        %cond3A_55 = arith.cmpi ne, %convert_element_type3A_53, %cond3A_54 : i32
        scf.if %cond3A_55 {
          %add3A_397 = arith.constant 1 : i32
          %add3A_398 = arith.addi %add3A_46, %add3A_397 : i32
          %mul3A_399 = arith.constant 16 : i32
          %mul3A_400 = arith.muli %add3A_398, %mul3A_399 : i32
          %mul3A_401 = arith.constant 16 : i32
          %mul3A_402 = arith.muli %sub3A_48, %mul3A_401 : i32
          "tpu.region"() ({
            %run_scoped3A = tpu.sem_alloc : memref<!tpu.dma_semaphore, #tpu.memory_space<semaphore_mem>>
            %dma_start3A_407 = arith.constant 0 : i32
            %dma_start3A_408 = tpu.memref_slice %arg8[%mul3A_402, %dma_start3A_407] : memref<32x128xi32, #tpu.memory_space<vmem>> -> memref<16x128xi32, #tpu.memory_space<vmem>>
            %dma_start3A_409 = arith.constant 0 : i32
            %dma_start3A_410 = tpu.memref_slice %arg2[%arg1, %mul3A_400, %dma_start3A_409] : memref<16x80x128xi32, #tpu.memory_space<hbm>> -> memref<1x16x128xi32, #tpu.memory_space<hbm>>
            %dma_start3A_411 = tpu.memref_squeeze %dma_start3A_410 : memref<1x16x128xi32, #tpu.memory_space<hbm>> -> memref<16x128xi32, #tpu.memory_space<hbm>>
            %dma_start3A_412 = arith.constant 0 : i32
            %dma_start3A_413 = tpu.memref_slice %arg8[%mul3A_402, %dma_start3A_412] : memref<32x128xi32, #tpu.memory_space<vmem>> -> memref<16x128xi32, #tpu.memory_space<vmem>>
            %dma_start3A_414 = arith.constant 0 : i32
            %dma_start3A_415 = tpu.memref_slice %arg2[%arg1, %mul3A_400, %dma_start3A_414] : memref<16x80x128xi32, #tpu.memory_space<hbm>> -> memref<1x16x128xi32, #tpu.memory_space<hbm>>
            %dma_start3A_416 = tpu.memref_squeeze %dma_start3A_415 : memref<1x16x128xi32, #tpu.memory_space<hbm>> -> memref<16x128xi32, #tpu.memory_space<hbm>>
            tpu.enqueue_dma source(%dma_start3A_416 : memref<16x128xi32, #tpu.memory_space<hbm>>) target(%dma_start3A_413 : memref<16x128xi32, #tpu.memory_space<vmem>>) target_semaphore(%run_scoped3A : memref<!tpu.dma_semaphore, #tpu.memory_space<semaphore_mem>>)
            %dma_wait3A_417 = arith.constant 0 : i32
            %dma_wait3A_418 = tpu.memref_slice %arg8[%mul3A_402, %dma_wait3A_417] : memref<32x128xi32, #tpu.memory_space<vmem>> -> memref<16x128xi32, #tpu.memory_space<vmem>>
            %dma_wait3A_419 = arith.constant 0 : i32
            %dma_wait3A_420 = tpu.memref_slice %arg2[%arg1, %mul3A_400, %dma_wait3A_419] : memref<16x80x128xi32, #tpu.memory_space<hbm>> -> memref<1x16x128xi32, #tpu.memory_space<hbm>>
            %dma_wait3A_421 = tpu.memref_squeeze %dma_wait3A_420 : memref<1x16x128xi32, #tpu.memory_space<hbm>> -> memref<16x128xi32, #tpu.memory_space<hbm>>
            %dma_wait3A_422 = arith.constant 0 : i32
            %dma_wait3A_423 = tpu.memref_slice %arg8[%mul3A_402, %dma_wait3A_422] : memref<32x128xi32, #tpu.memory_space<vmem>> -> memref<16x128xi32, #tpu.memory_space<vmem>>
            %dma_wait3A_424 = arith.constant 0 : i32
            %dma_wait3A_425 = tpu.memref_slice %arg2[%arg1, %mul3A_400, %dma_wait3A_424] : memref<16x80x128xi32, #tpu.memory_space<hbm>> -> memref<1x16x128xi32, #tpu.memory_space<hbm>>
            %dma_wait3A_426 = tpu.memref_squeeze %dma_wait3A_425 : memref<1x16x128xi32, #tpu.memory_space<hbm>> -> memref<16x128xi32, #tpu.memory_space<hbm>>
            tpu.wait_dma2 semaphore(%run_scoped3A : memref<!tpu.dma_semaphore, #tpu.memory_space<semaphore_mem>>) src(%dma_wait3A_426 : memref<16x128xi32, #tpu.memory_space<hbm>>) dst(%dma_wait3A_423 : memref<16x128xi32, #tpu.memory_space<vmem>>)
            tpu.yield
          }) : () -> ()
          %mul3A_403 = arith.constant 16 : i32
          %mul3A_404 = arith.muli %add3A_398, %mul3A_403 : i32
          %mul3A_405 = arith.constant 16 : i32
          %mul3A_406 = arith.muli %sub3A_48, %mul3A_405 : i32
          "tpu.region"() ({
            %run_scoped3A = tpu.sem_alloc : memref<!tpu.dma_semaphore, #tpu.memory_space<semaphore_mem>>
            %dma_start3A_407 = arith.constant 0 : i32
            %dma_start3A_408 = tpu.memref_slice %arg9[%mul3A_406, %dma_start3A_407] : memref<32x128xi32, #tpu.memory_space<vmem>> -> memref<16x128xi32, #tpu.memory_space<vmem>>
            %dma_start3A_409 = arith.constant 0 : i32
            %dma_start3A_410 = tpu.memref_slice %arg3[%arg1, %mul3A_404, %dma_start3A_409] : memref<16x80x128xi32, #tpu.memory_space<hbm>> -> memref<1x16x128xi32, #tpu.memory_space<hbm>>
            %dma_start3A_411 = tpu.memref_squeeze %dma_start3A_410 : memref<1x16x128xi32, #tpu.memory_space<hbm>> -> memref<16x128xi32, #tpu.memory_space<hbm>>
            %dma_start3A_412 = arith.constant 0 : i32
            %dma_start3A_413 = tpu.memref_slice %arg9[%mul3A_406, %dma_start3A_412] : memref<32x128xi32, #tpu.memory_space<vmem>> -> memref<16x128xi32, #tpu.memory_space<vmem>>
            %dma_start3A_414 = arith.constant 0 : i32
            %dma_start3A_415 = tpu.memref_slice %arg3[%arg1, %mul3A_404, %dma_start3A_414] : memref<16x80x128xi32, #tpu.memory_space<hbm>> -> memref<1x16x128xi32, #tpu.memory_space<hbm>>
            %dma_start3A_416 = tpu.memref_squeeze %dma_start3A_415 : memref<1x16x128xi32, #tpu.memory_space<hbm>> -> memref<16x128xi32, #tpu.memory_space<hbm>>
            tpu.enqueue_dma source(%dma_start3A_416 : memref<16x128xi32, #tpu.memory_space<hbm>>) target(%dma_start3A_413 : memref<16x128xi32, #tpu.memory_space<vmem>>) target_semaphore(%run_scoped3A : memref<!tpu.dma_semaphore, #tpu.memory_space<semaphore_mem>>)
            %dma_wait3A_417 = arith.constant 0 : i32
            %dma_wait3A_418 = tpu.memref_slice %arg9[%mul3A_406, %dma_wait3A_417] : memref<32x128xi32, #tpu.memory_space<vmem>> -> memref<16x128xi32, #tpu.memory_space<vmem>>
            %dma_wait3A_419 = arith.constant 0 : i32
            %dma_wait3A_420 = tpu.memref_slice %arg3[%arg1, %mul3A_404, %dma_wait3A_419] : memref<16x80x128xi32, #tpu.memory_space<hbm>> -> memref<1x16x128xi32, #tpu.memory_space<hbm>>
            %dma_wait3A_421 = tpu.memref_squeeze %dma_wait3A_420 : memref<1x16x128xi32, #tpu.memory_space<hbm>> -> memref<16x128xi32, #tpu.memory_space<hbm>>
            %dma_wait3A_422 = arith.constant 0 : i32
            %dma_wait3A_423 = tpu.memref_slice %arg9[%mul3A_406, %dma_wait3A_422] : memref<32x128xi32, #tpu.memory_space<vmem>> -> memref<16x128xi32, #tpu.memory_space<vmem>>
            %dma_wait3A_424 = arith.constant 0 : i32
            %dma_wait3A_425 = tpu.memref_slice %arg3[%arg1, %mul3A_404, %dma_wait3A_424] : memref<16x80x128xi32, #tpu.memory_space<hbm>> -> memref<1x16x128xi32, #tpu.memory_space<hbm>>
            %dma_wait3A_426 = tpu.memref_squeeze %dma_wait3A_425 : memref<1x16x128xi32, #tpu.memory_space<hbm>> -> memref<16x128xi32, #tpu.memory_space<hbm>>
            tpu.wait_dma2 semaphore(%run_scoped3A : memref<!tpu.dma_semaphore, #tpu.memory_space<semaphore_mem>>) src(%dma_wait3A_426 : memref<16x128xi32, #tpu.memory_space<hbm>>) dst(%dma_wait3A_423 : memref<16x128xi32, #tpu.memory_space<vmem>>)
            tpu.yield
          }) : () -> ()
        } else {
        }
        %dma_wait3A = arith.constant 0 : i32
        %dma_wait3A_56 = arith.constant 0 : i32
        %dma_wait3A_57 = tpu.memref_slice %arg5[%dma_wait3A, %dma_wait3A_56] : memref<10000x128xf32, #tpu.memory_space<hbm>> -> memref<128x128xf32, #tpu.memory_space<hbm>>
        %dma_wait3A_58 = arith.constant 0 : i32
        %dma_wait3A_59 = arith.constant 0 : i32
        %dma_wait3A_60 = tpu.memref_slice %arg5[%dma_wait3A_58, %dma_wait3A_59] : memref<10000x128xf32, #tpu.memory_space<hbm>> -> memref<128x128xf32, #tpu.memory_space<hbm>>
        tpu.wait_dma2 semaphore(%arg12 : memref<!tpu.dma_semaphore, #tpu.memory_space<semaphore_mem>>) src(%dma_wait3A_60 : memref<128x128xf32, #tpu.memory_space<hbm>>) dst(%arg10 : memref<128x128xf32, #tpu.memory_space<vmem>>)
        %mul3A_61 = arith.constant 16 : i32
        %mul3A_62 = arith.muli %rem3A_47, %mul3A_61 : i32
        %add3A_63 = arith.constant 0 : i32
        %add3A_64 = arith.addi %mul3A_62, %add3A_63 : i32
        "tpu.region"() ({
          %run_scoped3A = tpu.sem_alloc : memref<!tpu.dma_semaphore, #tpu.memory_space<semaphore_mem>>
          %dma_start3A_397 = arith.constant 0 : i32
          %dma_start3A_398 = tpu.memref_slice %arg9[%add3A_64, %dma_start3A_397] : memref<32x128xi32, #tpu.memory_space<vmem>> -> memref<1x128xi32, #tpu.memory_space<vmem>>
          %dma_start3A_399 = tpu.memref_squeeze %dma_start3A_398 : memref<1x128xi32, #tpu.memory_space<vmem>> -> memref<128xi32, #tpu.memory_space<vmem>>
          %dma_start3A_400 = arith.constant 0 : i32
          %dma_start3A_401 = arith.constant 0 : i32
          %dma_start3A_402 = tpu.memref_slice %arg14[%dma_start3A_400, %dma_start3A_401] : memref<10008x128xf32, #tpu.memory_space<vmem_shared>> -> memref<10008x128xf32, #tpu.memory_space<vmem_shared>>
          tpu.enqueue_indirect_dma source(%arg10 : memref<128x128xf32, #tpu.memory_space<vmem>>) target(%dma_start3A_402 : memref<10008x128xf32, #tpu.memory_space<vmem_shared>>) offsets(%dma_start3A_399 : memref<128xi32, #tpu.memory_space<vmem>>) semaphore(%run_scoped3A : memref<!tpu.dma_semaphore, #tpu.memory_space<semaphore_mem>>) {add = true}
          %dma_wait3A_403 = arith.constant 0 : i32
          %dma_wait3A_404 = tpu.memref_slice %arg9[%add3A_64, %dma_wait3A_403] : memref<32x128xi32, #tpu.memory_space<vmem>> -> memref<1x128xi32, #tpu.memory_space<vmem>>
          %dma_wait3A_405 = tpu.memref_squeeze %dma_wait3A_404 : memref<1x128xi32, #tpu.memory_space<vmem>> -> memref<128xi32, #tpu.memory_space<vmem>>
          %dma_wait3A_406 = arith.constant 0 : i32
          %dma_wait3A_407 = arith.constant 0 : i32
          %dma_wait3A_408 = tpu.memref_slice %arg14[%dma_wait3A_406, %dma_wait3A_407] : memref<10008x128xf32, #tpu.memory_space<vmem_shared>> -> memref<10008x128xf32, #tpu.memory_space<vmem_shared>>
          tpu.wait_indirect_dma semaphore(%run_scoped3A : memref<!tpu.dma_semaphore, #tpu.memory_space<semaphore_mem>>) src(%arg10 : memref<128x128xf32, #tpu.memory_space<vmem>>) dst(%dma_wait3A_408 : memref<10008x128xf32, #tpu.memory_space<vmem_shared>>)
          tpu.yield
        }) : () -> ()
        %mul3A_65 = arith.constant 16 : i32
        %mul3A_66 = arith.muli %rem3A_47, %mul3A_65 : i32
        %add3A_67 = arith.constant 0 : i32
        %add3A_68 = arith.addi %mul3A_66, %add3A_67 : i32
        %add3A_69 = arith.constant 2 : i32
        %add3A_70 = arith.addi %add3A_68, %add3A_69 : i32
        %dma_start3A_71 = arith.constant 0 : i32
        %dma_start3A_72 = tpu.memref_slice %arg8[%add3A_70, %dma_start3A_71] : memref<32x128xi32, #tpu.memory_space<vmem>> -> memref<1x128xi32, #tpu.memory_space<vmem>>
        %dma_start3A_73 = tpu.memref_squeeze %dma_start3A_72 : memref<1x128xi32, #tpu.memory_space<vmem>> -> memref<128xi32, #tpu.memory_space<vmem>>
        %dma_start3A_74 = arith.constant 0 : i32
        %dma_start3A_75 = arith.constant 0 : i32
        %dma_start3A_76 = tpu.memref_slice %arg5[%dma_start3A_74, %dma_start3A_75] : memref<10000x128xf32, #tpu.memory_space<hbm>> -> memref<10000x128xf32, #tpu.memory_space<hbm>>
        tpu.enqueue_indirect_dma source(%dma_start3A_76 : memref<10000x128xf32, #tpu.memory_space<hbm>>) target(%arg10 : memref<128x128xf32, #tpu.memory_space<vmem>>) offsets(%dma_start3A_73 : memref<128xi32, #tpu.memory_space<vmem>>) semaphore(%arg12 : memref<!tpu.dma_semaphore, #tpu.memory_space<semaphore_mem>>)
        %dma_wait3A_77 = arith.constant 0 : i32
        %dma_wait3A_78 = arith.constant 0 : i32
        %dma_wait3A_79 = tpu.memref_slice %arg5[%dma_wait3A_77, %dma_wait3A_78] : memref<10000x128xf32, #tpu.memory_space<hbm>> -> memref<128x128xf32, #tpu.memory_space<hbm>>
        %dma_wait3A_80 = arith.constant 0 : i32
        %dma_wait3A_81 = arith.constant 0 : i32
        %dma_wait3A_82 = tpu.memref_slice %arg5[%dma_wait3A_80, %dma_wait3A_81] : memref<10000x128xf32, #tpu.memory_space<hbm>> -> memref<128x128xf32, #tpu.memory_space<hbm>>
        tpu.wait_dma2 semaphore(%arg13 : memref<!tpu.dma_semaphore, #tpu.memory_space<semaphore_mem>>) src(%dma_wait3A_82 : memref<128x128xf32, #tpu.memory_space<hbm>>) dst(%arg11 : memref<128x128xf32, #tpu.memory_space<vmem>>)
        %mul3A_83 = arith.constant 16 : i32
        %mul3A_84 = arith.muli %rem3A_47, %mul3A_83 : i32
        %add3A_85 = arith.constant 1 : i32
        %add3A_86 = arith.addi %mul3A_84, %add3A_85 : i32
        "tpu.region"() ({
          %run_scoped3A = tpu.sem_alloc : memref<!tpu.dma_semaphore, #tpu.memory_space<semaphore_mem>>
          %dma_start3A_397 = arith.constant 0 : i32
          %dma_start3A_398 = tpu.memref_slice %arg9[%add3A_86, %dma_start3A_397] : memref<32x128xi32, #tpu.memory_space<vmem>> -> memref<1x128xi32, #tpu.memory_space<vmem>>
          %dma_start3A_399 = tpu.memref_squeeze %dma_start3A_398 : memref<1x128xi32, #tpu.memory_space<vmem>> -> memref<128xi32, #tpu.memory_space<vmem>>
          %dma_start3A_400 = arith.constant 0 : i32
          %dma_start3A_401 = arith.constant 0 : i32
          %dma_start3A_402 = tpu.memref_slice %arg14[%dma_start3A_400, %dma_start3A_401] : memref<10008x128xf32, #tpu.memory_space<vmem_shared>> -> memref<10008x128xf32, #tpu.memory_space<vmem_shared>>
          tpu.enqueue_indirect_dma source(%arg11 : memref<128x128xf32, #tpu.memory_space<vmem>>) target(%dma_start3A_402 : memref<10008x128xf32, #tpu.memory_space<vmem_shared>>) offsets(%dma_start3A_399 : memref<128xi32, #tpu.memory_space<vmem>>) semaphore(%run_scoped3A : memref<!tpu.dma_semaphore, #tpu.memory_space<semaphore_mem>>) {add = true}
          %dma_wait3A_403 = arith.constant 0 : i32
          %dma_wait3A_404 = tpu.memref_slice %arg9[%add3A_86, %dma_wait3A_403] : memref<32x128xi32, #tpu.memory_space<vmem>> -> memref<1x128xi32, #tpu.memory_space<vmem>>
          %dma_wait3A_405 = tpu.memref_squeeze %dma_wait3A_404 : memref<1x128xi32, #tpu.memory_space<vmem>> -> memref<128xi32, #tpu.memory_space<vmem>>
          %dma_wait3A_406 = arith.constant 0 : i32
          %dma_wait3A_407 = arith.constant 0 : i32
          %dma_wait3A_408 = tpu.memref_slice %arg14[%dma_wait3A_406, %dma_wait3A_407] : memref<10008x128xf32, #tpu.memory_space<vmem_shared>> -> memref<10008x128xf32, #tpu.memory_space<vmem_shared>>
          tpu.wait_indirect_dma semaphore(%run_scoped3A : memref<!tpu.dma_semaphore, #tpu.memory_space<semaphore_mem>>) src(%arg11 : memref<128x128xf32, #tpu.memory_space<vmem>>) dst(%dma_wait3A_408 : memref<10008x128xf32, #tpu.memory_space<vmem_shared>>)
          tpu.yield
        }) : () -> ()
        %mul3A_87 = arith.constant 16 : i32
        %mul3A_88 = arith.muli %rem3A_47, %mul3A_87 : i32
        %add3A_89 = arith.constant 1 : i32
        %add3A_90 = arith.addi %mul3A_88, %add3A_89 : i32
        %add3A_91 = arith.constant 2 : i32
        %add3A_92 = arith.addi %add3A_90, %add3A_91 : i32
        %dma_start3A_93 = arith.constant 0 : i32
        %dma_start3A_94 = tpu.memref_slice %arg8[%add3A_92, %dma_start3A_93] : memref<32x128xi32, #tpu.memory_space<vmem>> -> memref<1x128xi32, #tpu.memory_space<vmem>>
        %dma_start3A_95 = tpu.memref_squeeze %dma_start3A_94 : memref<1x128xi32, #tpu.memory_space<vmem>> -> memref<128xi32, #tpu.memory_space<vmem>>
        %dma_start3A_96 = arith.constant 0 : i32
        %dma_start3A_97 = arith.constant 0 : i32
        %dma_start3A_98 = tpu.memref_slice %arg5[%dma_start3A_96, %dma_start3A_97] : memref<10000x128xf32, #tpu.memory_space<hbm>> -> memref<10000x128xf32, #tpu.memory_space<hbm>>
        tpu.enqueue_indirect_dma source(%dma_start3A_98 : memref<10000x128xf32, #tpu.memory_space<hbm>>) target(%arg11 : memref<128x128xf32, #tpu.memory_space<vmem>>) offsets(%dma_start3A_95 : memref<128xi32, #tpu.memory_space<vmem>>) semaphore(%arg13 : memref<!tpu.dma_semaphore, #tpu.memory_space<semaphore_mem>>)
        %dma_wait3A_99 = arith.constant 0 : i32
        %dma_wait3A_100 = arith.constant 0 : i32
        %dma_wait3A_101 = tpu.memref_slice %arg5[%dma_wait3A_99, %dma_wait3A_100] : memref<10000x128xf32, #tpu.memory_space<hbm>> -> memref<128x128xf32, #tpu.memory_space<hbm>>
        %dma_wait3A_102 = arith.constant 0 : i32
        %dma_wait3A_103 = arith.constant 0 : i32
        %dma_wait3A_104 = tpu.memref_slice %arg5[%dma_wait3A_102, %dma_wait3A_103] : memref<10000x128xf32, #tpu.memory_space<hbm>> -> memref<128x128xf32, #tpu.memory_space<hbm>>
        tpu.wait_dma2 semaphore(%arg12 : memref<!tpu.dma_semaphore, #tpu.memory_space<semaphore_mem>>) src(%dma_wait3A_104 : memref<128x128xf32, #tpu.memory_space<hbm>>) dst(%arg10 : memref<128x128xf32, #tpu.memory_space<vmem>>)
        %mul3A_105 = arith.constant 16 : i32
        %mul3A_106 = arith.muli %rem3A_47, %mul3A_105 : i32
        %add3A_107 = arith.constant 2 : i32
        %add3A_108 = arith.addi %mul3A_106, %add3A_107 : i32
        "tpu.region"() ({
          %run_scoped3A = tpu.sem_alloc : memref<!tpu.dma_semaphore, #tpu.memory_space<semaphore_mem>>
          %dma_start3A_397 = arith.constant 0 : i32
          %dma_start3A_398 = tpu.memref_slice %arg9[%add3A_108, %dma_start3A_397] : memref<32x128xi32, #tpu.memory_space<vmem>> -> memref<1x128xi32, #tpu.memory_space<vmem>>
          %dma_start3A_399 = tpu.memref_squeeze %dma_start3A_398 : memref<1x128xi32, #tpu.memory_space<vmem>> -> memref<128xi32, #tpu.memory_space<vmem>>
          %dma_start3A_400 = arith.constant 0 : i32
          %dma_start3A_401 = arith.constant 0 : i32
          %dma_start3A_402 = tpu.memref_slice %arg14[%dma_start3A_400, %dma_start3A_401] : memref<10008x128xf32, #tpu.memory_space<vmem_shared>> -> memref<10008x128xf32, #tpu.memory_space<vmem_shared>>
          tpu.enqueue_indirect_dma source(%arg10 : memref<128x128xf32, #tpu.memory_space<vmem>>) target(%dma_start3A_402 : memref<10008x128xf32, #tpu.memory_space<vmem_shared>>) offsets(%dma_start3A_399 : memref<128xi32, #tpu.memory_space<vmem>>) semaphore(%run_scoped3A : memref<!tpu.dma_semaphore, #tpu.memory_space<semaphore_mem>>) {add = true}
          %dma_wait3A_403 = arith.constant 0 : i32
          %dma_wait3A_404 = tpu.memref_slice %arg9[%add3A_108, %dma_wait3A_403] : memref<32x128xi32, #tpu.memory_space<vmem>> -> memref<1x128xi32, #tpu.memory_space<vmem>>
          %dma_wait3A_405 = tpu.memref_squeeze %dma_wait3A_404 : memref<1x128xi32, #tpu.memory_space<vmem>> -> memref<128xi32, #tpu.memory_space<vmem>>
          %dma_wait3A_406 = arith.constant 0 : i32
          %dma_wait3A_407 = arith.constant 0 : i32
          %dma_wait3A_408 = tpu.memref_slice %arg14[%dma_wait3A_406, %dma_wait3A_407] : memref<10008x128xf32, #tpu.memory_space<vmem_shared>> -> memref<10008x128xf32, #tpu.memory_space<vmem_shared>>
          tpu.wait_indirect_dma semaphore(%run_scoped3A : memref<!tpu.dma_semaphore, #tpu.memory_space<semaphore_mem>>) src(%arg10 : memref<128x128xf32, #tpu.memory_space<vmem>>) dst(%dma_wait3A_408 : memref<10008x128xf32, #tpu.memory_space<vmem_shared>>)
          tpu.yield
        }) : () -> ()
        %mul3A_109 = arith.constant 16 : i32
        %mul3A_110 = arith.muli %rem3A_47, %mul3A_109 : i32
        %add3A_111 = arith.constant 2 : i32
        %add3A_112 = arith.addi %mul3A_110, %add3A_111 : i32
        %add3A_113 = arith.constant 2 : i32
        %add3A_114 = arith.addi %add3A_112, %add3A_113 : i32
        %dma_start3A_115 = arith.constant 0 : i32
        %dma_start3A_116 = tpu.memref_slice %arg8[%add3A_114, %dma_start3A_115] : memref<32x128xi32, #tpu.memory_space<vmem>> -> memref<1x128xi32, #tpu.memory_space<vmem>>
        %dma_start3A_117 = tpu.memref_squeeze %dma_start3A_116 : memref<1x128xi32, #tpu.memory_space<vmem>> -> memref<128xi32, #tpu.memory_space<vmem>>
        %dma_start3A_118 = arith.constant 0 : i32
        %dma_start3A_119 = arith.constant 0 : i32
        %dma_start3A_120 = tpu.memref_slice %arg5[%dma_start3A_118, %dma_start3A_119] : memref<10000x128xf32, #tpu.memory_space<hbm>> -> memref<10000x128xf32, #tpu.memory_space<hbm>>
        tpu.enqueue_indirect_dma source(%dma_start3A_120 : memref<10000x128xf32, #tpu.memory_space<hbm>>) target(%arg10 : memref<128x128xf32, #tpu.memory_space<vmem>>) offsets(%dma_start3A_117 : memref<128xi32, #tpu.memory_space<vmem>>) semaphore(%arg12 : memref<!tpu.dma_semaphore, #tpu.memory_space<semaphore_mem>>)
        %dma_wait3A_121 = arith.constant 0 : i32
        %dma_wait3A_122 = arith.constant 0 : i32
        %dma_wait3A_123 = tpu.memref_slice %arg5[%dma_wait3A_121, %dma_wait3A_122] : memref<10000x128xf32, #tpu.memory_space<hbm>> -> memref<128x128xf32, #tpu.memory_space<hbm>>
        %dma_wait3A_124 = arith.constant 0 : i32
        %dma_wait3A_125 = arith.constant 0 : i32
        %dma_wait3A_126 = tpu.memref_slice %arg5[%dma_wait3A_124, %dma_wait3A_125] : memref<10000x128xf32, #tpu.memory_space<hbm>> -> memref<128x128xf32, #tpu.memory_space<hbm>>
        tpu.wait_dma2 semaphore(%arg13 : memref<!tpu.dma_semaphore, #tpu.memory_space<semaphore_mem>>) src(%dma_wait3A_126 : memref<128x128xf32, #tpu.memory_space<hbm>>) dst(%arg11 : memref<128x128xf32, #tpu.memory_space<vmem>>)
        %mul3A_127 = arith.constant 16 : i32
        %mul3A_128 = arith.muli %rem3A_47, %mul3A_127 : i32
        %add3A_129 = arith.constant 3 : i32
        %add3A_130 = arith.addi %mul3A_128, %add3A_129 : i32
        "tpu.region"() ({
          %run_scoped3A = tpu.sem_alloc : memref<!tpu.dma_semaphore, #tpu.memory_space<semaphore_mem>>
          %dma_start3A_397 = arith.constant 0 : i32
          %dma_start3A_398 = tpu.memref_slice %arg9[%add3A_130, %dma_start3A_397] : memref<32x128xi32, #tpu.memory_space<vmem>> -> memref<1x128xi32, #tpu.memory_space<vmem>>
          %dma_start3A_399 = tpu.memref_squeeze %dma_start3A_398 : memref<1x128xi32, #tpu.memory_space<vmem>> -> memref<128xi32, #tpu.memory_space<vmem>>
          %dma_start3A_400 = arith.constant 0 : i32
          %dma_start3A_401 = arith.constant 0 : i32
          %dma_start3A_402 = tpu.memref_slice %arg14[%dma_start3A_400, %dma_start3A_401] : memref<10008x128xf32, #tpu.memory_space<vmem_shared>> -> memref<10008x128xf32, #tpu.memory_space<vmem_shared>>
          tpu.enqueue_indirect_dma source(%arg11 : memref<128x128xf32, #tpu.memory_space<vmem>>) target(%dma_start3A_402 : memref<10008x128xf32, #tpu.memory_space<vmem_shared>>) offsets(%dma_start3A_399 : memref<128xi32, #tpu.memory_space<vmem>>) semaphore(%run_scoped3A : memref<!tpu.dma_semaphore, #tpu.memory_space<semaphore_mem>>) {add = true}
          %dma_wait3A_403 = arith.constant 0 : i32
          %dma_wait3A_404 = tpu.memref_slice %arg9[%add3A_130, %dma_wait3A_403] : memref<32x128xi32, #tpu.memory_space<vmem>> -> memref<1x128xi32, #tpu.memory_space<vmem>>
          %dma_wait3A_405 = tpu.memref_squeeze %dma_wait3A_404 : memref<1x128xi32, #tpu.memory_space<vmem>> -> memref<128xi32, #tpu.memory_space<vmem>>
          %dma_wait3A_406 = arith.constant 0 : i32
          %dma_wait3A_407 = arith.constant 0 : i32
          %dma_wait3A_408 = tpu.memref_slice %arg14[%dma_wait3A_406, %dma_wait3A_407] : memref<10008x128xf32, #tpu.memory_space<vmem_shared>> -> memref<10008x128xf32, #tpu.memory_space<vmem_shared>>
          tpu.wait_indirect_dma semaphore(%run_scoped3A : memref<!tpu.dma_semaphore, #tpu.memory_space<semaphore_mem>>) src(%arg11 : memref<128x128xf32, #tpu.memory_space<vmem>>) dst(%dma_wait3A_408 : memref<10008x128xf32, #tpu.memory_space<vmem_shared>>)
          tpu.yield
        }) : () -> ()
        %mul3A_131 = arith.constant 16 : i32
        %mul3A_132 = arith.muli %rem3A_47, %mul3A_131 : i32
        %add3A_133 = arith.constant 3 : i32
        %add3A_134 = arith.addi %mul3A_132, %add3A_133 : i32
        %add3A_135 = arith.constant 2 : i32
        %add3A_136 = arith.addi %add3A_134, %add3A_135 : i32
        %dma_start3A_137 = arith.constant 0 : i32
        %dma_start3A_138 = tpu.memref_slice %arg8[%add3A_136, %dma_start3A_137] : memref<32x128xi32, #tpu.memory_space<vmem>> -> memref<1x128xi32, #tpu.memory_space<vmem>>
        %dma_start3A_139 = tpu.memref_squeeze %dma_start3A_138 : memref<1x128xi32, #tpu.memory_space<vmem>> -> memref<128xi32, #tpu.memory_space<vmem>>
        %dma_start3A_140 = arith.constant 0 : i32
        %dma_start3A_141 = arith.constant 0 : i32
        %dma_start3A_142 = tpu.memref_slice %arg5[%dma_start3A_140, %dma_start3A_141] : memref<10000x128xf32, #tpu.memory_space<hbm>> -> memref<10000x128xf32, #tpu.memory_space<hbm>>
        tpu.enqueue_indirect_dma source(%dma_start3A_142 : memref<10000x128xf32, #tpu.memory_space<hbm>>) target(%arg11 : memref<128x128xf32, #tpu.memory_space<vmem>>) offsets(%dma_start3A_139 : memref<128xi32, #tpu.memory_space<vmem>>) semaphore(%arg13 : memref<!tpu.dma_semaphore, #tpu.memory_space<semaphore_mem>>)
        %dma_wait3A_143 = arith.constant 0 : i32
        %dma_wait3A_144 = arith.constant 0 : i32
        %dma_wait3A_145 = tpu.memref_slice %arg5[%dma_wait3A_143, %dma_wait3A_144] : memref<10000x128xf32, #tpu.memory_space<hbm>> -> memref<128x128xf32, #tpu.memory_space<hbm>>
        %dma_wait3A_146 = arith.constant 0 : i32
        %dma_wait3A_147 = arith.constant 0 : i32
        %dma_wait3A_148 = tpu.memref_slice %arg5[%dma_wait3A_146, %dma_wait3A_147] : memref<10000x128xf32, #tpu.memory_space<hbm>> -> memref<128x128xf32, #tpu.memory_space<hbm>>
        tpu.wait_dma2 semaphore(%arg12 : memref<!tpu.dma_semaphore, #tpu.memory_space<semaphore_mem>>) src(%dma_wait3A_148 : memref<128x128xf32, #tpu.memory_space<hbm>>) dst(%arg10 : memref<128x128xf32, #tpu.memory_space<vmem>>)
        %mul3A_149 = arith.constant 16 : i32
        %mul3A_150 = arith.muli %rem3A_47, %mul3A_149 : i32
        %add3A_151 = arith.constant 4 : i32
        %add3A_152 = arith.addi %mul3A_150, %add3A_151 : i32
        "tpu.region"() ({
          %run_scoped3A = tpu.sem_alloc : memref<!tpu.dma_semaphore, #tpu.memory_space<semaphore_mem>>
          %dma_start3A_397 = arith.constant 0 : i32
          %dma_start3A_398 = tpu.memref_slice %arg9[%add3A_152, %dma_start3A_397] : memref<32x128xi32, #tpu.memory_space<vmem>> -> memref<1x128xi32, #tpu.memory_space<vmem>>
          %dma_start3A_399 = tpu.memref_squeeze %dma_start3A_398 : memref<1x128xi32, #tpu.memory_space<vmem>> -> memref<128xi32, #tpu.memory_space<vmem>>
          %dma_start3A_400 = arith.constant 0 : i32
          %dma_start3A_401 = arith.constant 0 : i32
          %dma_start3A_402 = tpu.memref_slice %arg14[%dma_start3A_400, %dma_start3A_401] : memref<10008x128xf32, #tpu.memory_space<vmem_shared>> -> memref<10008x128xf32, #tpu.memory_space<vmem_shared>>
          tpu.enqueue_indirect_dma source(%arg10 : memref<128x128xf32, #tpu.memory_space<vmem>>) target(%dma_start3A_402 : memref<10008x128xf32, #tpu.memory_space<vmem_shared>>) offsets(%dma_start3A_399 : memref<128xi32, #tpu.memory_space<vmem>>) semaphore(%run_scoped3A : memref<!tpu.dma_semaphore, #tpu.memory_space<semaphore_mem>>) {add = true}
          %dma_wait3A_403 = arith.constant 0 : i32
          %dma_wait3A_404 = tpu.memref_slice %arg9[%add3A_152, %dma_wait3A_403] : memref<32x128xi32, #tpu.memory_space<vmem>> -> memref<1x128xi32, #tpu.memory_space<vmem>>
          %dma_wait3A_405 = tpu.memref_squeeze %dma_wait3A_404 : memref<1x128xi32, #tpu.memory_space<vmem>> -> memref<128xi32, #tpu.memory_space<vmem>>
          %dma_wait3A_406 = arith.constant 0 : i32
          %dma_wait3A_407 = arith.constant 0 : i32
          %dma_wait3A_408 = tpu.memref_slice %arg14[%dma_wait3A_406, %dma_wait3A_407] : memref<10008x128xf32, #tpu.memory_space<vmem_shared>> -> memref<10008x128xf32, #tpu.memory_space<vmem_shared>>
          tpu.wait_indirect_dma semaphore(%run_scoped3A : memref<!tpu.dma_semaphore, #tpu.memory_space<semaphore_mem>>) src(%arg10 : memref<128x128xf32, #tpu.memory_space<vmem>>) dst(%dma_wait3A_408 : memref<10008x128xf32, #tpu.memory_space<vmem_shared>>)
          tpu.yield
        }) : () -> ()
        %mul3A_153 = arith.constant 16 : i32
        %mul3A_154 = arith.muli %rem3A_47, %mul3A_153 : i32
        %add3A_155 = arith.constant 4 : i32
        %add3A_156 = arith.addi %mul3A_154, %add3A_155 : i32
        %add3A_157 = arith.constant 2 : i32
        %add3A_158 = arith.addi %add3A_156, %add3A_157 : i32
        %dma_start3A_159 = arith.constant 0 : i32
        %dma_start3A_160 = tpu.memref_slice %arg8[%add3A_158, %dma_start3A_159] : memref<32x128xi32, #tpu.memory_space<vmem>> -> memref<1x128xi32, #tpu.memory_space<vmem>>
        %dma_start3A_161 = tpu.memref_squeeze %dma_start3A_160 : memref<1x128xi32, #tpu.memory_space<vmem>> -> memref<128xi32, #tpu.memory_space<vmem>>
        %dma_start3A_162 = arith.constant 0 : i32
        %dma_start3A_163 = arith.constant 0 : i32
        %dma_start3A_164 = tpu.memref_slice %arg5[%dma_start3A_162, %dma_start3A_163] : memref<10000x128xf32, #tpu.memory_space<hbm>> -> memref<10000x128xf32, #tpu.memory_space<hbm>>
        tpu.enqueue_indirect_dma source(%dma_start3A_164 : memref<10000x128xf32, #tpu.memory_space<hbm>>) target(%arg10 : memref<128x128xf32, #tpu.memory_space<vmem>>) offsets(%dma_start3A_161 : memref<128xi32, #tpu.memory_space<vmem>>) semaphore(%arg12 : memref<!tpu.dma_semaphore, #tpu.memory_space<semaphore_mem>>)
        %dma_wait3A_165 = arith.constant 0 : i32
        %dma_wait3A_166 = arith.constant 0 : i32
        %dma_wait3A_167 = tpu.memref_slice %arg5[%dma_wait3A_165, %dma_wait3A_166] : memref<10000x128xf32, #tpu.memory_space<hbm>> -> memref<128x128xf32, #tpu.memory_space<hbm>>
        %dma_wait3A_168 = arith.constant 0 : i32
        %dma_wait3A_169 = arith.constant 0 : i32
        %dma_wait3A_170 = tpu.memref_slice %arg5[%dma_wait3A_168, %dma_wait3A_169] : memref<10000x128xf32, #tpu.memory_space<hbm>> -> memref<128x128xf32, #tpu.memory_space<hbm>>
        tpu.wait_dma2 semaphore(%arg13 : memref<!tpu.dma_semaphore, #tpu.memory_space<semaphore_mem>>) src(%dma_wait3A_170 : memref<128x128xf32, #tpu.memory_space<hbm>>) dst(%arg11 : memref<128x128xf32, #tpu.memory_space<vmem>>)
        %mul3A_171 = arith.constant 16 : i32
        %mul3A_172 = arith.muli %rem3A_47, %mul3A_171 : i32
        %add3A_173 = arith.constant 5 : i32
        %add3A_174 = arith.addi %mul3A_172, %add3A_173 : i32
        "tpu.region"() ({
          %run_scoped3A = tpu.sem_alloc : memref<!tpu.dma_semaphore, #tpu.memory_space<semaphore_mem>>
          %dma_start3A_397 = arith.constant 0 : i32
          %dma_start3A_398 = tpu.memref_slice %arg9[%add3A_174, %dma_start3A_397] : memref<32x128xi32, #tpu.memory_space<vmem>> -> memref<1x128xi32, #tpu.memory_space<vmem>>
          %dma_start3A_399 = tpu.memref_squeeze %dma_start3A_398 : memref<1x128xi32, #tpu.memory_space<vmem>> -> memref<128xi32, #tpu.memory_space<vmem>>
          %dma_start3A_400 = arith.constant 0 : i32
          %dma_start3A_401 = arith.constant 0 : i32
          %dma_start3A_402 = tpu.memref_slice %arg14[%dma_start3A_400, %dma_start3A_401] : memref<10008x128xf32, #tpu.memory_space<vmem_shared>> -> memref<10008x128xf32, #tpu.memory_space<vmem_shared>>
          tpu.enqueue_indirect_dma source(%arg11 : memref<128x128xf32, #tpu.memory_space<vmem>>) target(%dma_start3A_402 : memref<10008x128xf32, #tpu.memory_space<vmem_shared>>) offsets(%dma_start3A_399 : memref<128xi32, #tpu.memory_space<vmem>>) semaphore(%run_scoped3A : memref<!tpu.dma_semaphore, #tpu.memory_space<semaphore_mem>>) {add = true}
          %dma_wait3A_403 = arith.constant 0 : i32
          %dma_wait3A_404 = tpu.memref_slice %arg9[%add3A_174, %dma_wait3A_403] : memref<32x128xi32, #tpu.memory_space<vmem>> -> memref<1x128xi32, #tpu.memory_space<vmem>>
          %dma_wait3A_405 = tpu.memref_squeeze %dma_wait3A_404 : memref<1x128xi32, #tpu.memory_space<vmem>> -> memref<128xi32, #tpu.memory_space<vmem>>
          %dma_wait3A_406 = arith.constant 0 : i32
          %dma_wait3A_407 = arith.constant 0 : i32
          %dma_wait3A_408 = tpu.memref_slice %arg14[%dma_wait3A_406, %dma_wait3A_407] : memref<10008x128xf32, #tpu.memory_space<vmem_shared>> -> memref<10008x128xf32, #tpu.memory_space<vmem_shared>>
          tpu.wait_indirect_dma semaphore(%run_scoped3A : memref<!tpu.dma_semaphore, #tpu.memory_space<semaphore_mem>>) src(%arg11 : memref<128x128xf32, #tpu.memory_space<vmem>>) dst(%dma_wait3A_408 : memref<10008x128xf32, #tpu.memory_space<vmem_shared>>)
          tpu.yield
        }) : () -> ()
        %mul3A_175 = arith.constant 16 : i32
        %mul3A_176 = arith.muli %rem3A_47, %mul3A_175 : i32
        %add3A_177 = arith.constant 5 : i32
        %add3A_178 = arith.addi %mul3A_176, %add3A_177 : i32
        %add3A_179 = arith.constant 2 : i32
        %add3A_180 = arith.addi %add3A_178, %add3A_179 : i32
        %dma_start3A_181 = arith.constant 0 : i32
        %dma_start3A_182 = tpu.memref_slice %arg8[%add3A_180, %dma_start3A_181] : memref<32x128xi32, #tpu.memory_space<vmem>> -> memref<1x128xi32, #tpu.memory_space<vmem>>
        %dma_start3A_183 = tpu.memref_squeeze %dma_start3A_182 : memref<1x128xi32, #tpu.memory_space<vmem>> -> memref<128xi32, #tpu.memory_space<vmem>>
        %dma_start3A_184 = arith.constant 0 : i32
        %dma_start3A_185 = arith.constant 0 : i32
        %dma_start3A_186 = tpu.memref_slice %arg5[%dma_start3A_184, %dma_start3A_185] : memref<10000x128xf32, #tpu.memory_space<hbm>> -> memref<10000x128xf32, #tpu.memory_space<hbm>>
        tpu.enqueue_indirect_dma source(%dma_start3A_186 : memref<10000x128xf32, #tpu.memory_space<hbm>>) target(%arg11 : memref<128x128xf32, #tpu.memory_space<vmem>>) offsets(%dma_start3A_183 : memref<128xi32, #tpu.memory_space<vmem>>) semaphore(%arg13 : memref<!tpu.dma_semaphore, #tpu.memory_space<semaphore_mem>>)
        %dma_wait3A_187 = arith.constant 0 : i32
        %dma_wait3A_188 = arith.constant 0 : i32
        %dma_wait3A_189 = tpu.memref_slice %arg5[%dma_wait3A_187, %dma_wait3A_188] : memref<10000x128xf32, #tpu.memory_space<hbm>> -> memref<128x128xf32, #tpu.memory_space<hbm>>
        %dma_wait3A_190 = arith.constant 0 : i32
        %dma_wait3A_191 = arith.constant 0 : i32
        %dma_wait3A_192 = tpu.memref_slice %arg5[%dma_wait3A_190, %dma_wait3A_191] : memref<10000x128xf32, #tpu.memory_space<hbm>> -> memref<128x128xf32, #tpu.memory_space<hbm>>
        tpu.wait_dma2 semaphore(%arg12 : memref<!tpu.dma_semaphore, #tpu.memory_space<semaphore_mem>>) src(%dma_wait3A_192 : memref<128x128xf32, #tpu.memory_space<hbm>>) dst(%arg10 : memref<128x128xf32, #tpu.memory_space<vmem>>)
        %mul3A_193 = arith.constant 16 : i32
        %mul3A_194 = arith.muli %rem3A_47, %mul3A_193 : i32
        %add3A_195 = arith.constant 6 : i32
        %add3A_196 = arith.addi %mul3A_194, %add3A_195 : i32
        "tpu.region"() ({
          %run_scoped3A = tpu.sem_alloc : memref<!tpu.dma_semaphore, #tpu.memory_space<semaphore_mem>>
          %dma_start3A_397 = arith.constant 0 : i32
          %dma_start3A_398 = tpu.memref_slice %arg9[%add3A_196, %dma_start3A_397] : memref<32x128xi32, #tpu.memory_space<vmem>> -> memref<1x128xi32, #tpu.memory_space<vmem>>
          %dma_start3A_399 = tpu.memref_squeeze %dma_start3A_398 : memref<1x128xi32, #tpu.memory_space<vmem>> -> memref<128xi32, #tpu.memory_space<vmem>>
          %dma_start3A_400 = arith.constant 0 : i32
          %dma_start3A_401 = arith.constant 0 : i32
          %dma_start3A_402 = tpu.memref_slice %arg14[%dma_start3A_400, %dma_start3A_401] : memref<10008x128xf32, #tpu.memory_space<vmem_shared>> -> memref<10008x128xf32, #tpu.memory_space<vmem_shared>>
          tpu.enqueue_indirect_dma source(%arg10 : memref<128x128xf32, #tpu.memory_space<vmem>>) target(%dma_start3A_402 : memref<10008x128xf32, #tpu.memory_space<vmem_shared>>) offsets(%dma_start3A_399 : memref<128xi32, #tpu.memory_space<vmem>>) semaphore(%run_scoped3A : memref<!tpu.dma_semaphore, #tpu.memory_space<semaphore_mem>>) {add = true}
          %dma_wait3A_403 = arith.constant 0 : i32
          %dma_wait3A_404 = tpu.memref_slice %arg9[%add3A_196, %dma_wait3A_403] : memref<32x128xi32, #tpu.memory_space<vmem>> -> memref<1x128xi32, #tpu.memory_space<vmem>>
          %dma_wait3A_405 = tpu.memref_squeeze %dma_wait3A_404 : memref<1x128xi32, #tpu.memory_space<vmem>> -> memref<128xi32, #tpu.memory_space<vmem>>
          %dma_wait3A_406 = arith.constant 0 : i32
          %dma_wait3A_407 = arith.constant 0 : i32
          %dma_wait3A_408 = tpu.memref_slice %arg14[%dma_wait3A_406, %dma_wait3A_407] : memref<10008x128xf32, #tpu.memory_space<vmem_shared>> -> memref<10008x128xf32, #tpu.memory_space<vmem_shared>>
          tpu.wait_indirect_dma semaphore(%run_scoped3A : memref<!tpu.dma_semaphore, #tpu.memory_space<semaphore_mem>>) src(%arg10 : memref<128x128xf32, #tpu.memory_space<vmem>>) dst(%dma_wait3A_408 : memref<10008x128xf32, #tpu.memory_space<vmem_shared>>)
          tpu.yield
        }) : () -> ()
        %mul3A_197 = arith.constant 16 : i32
        %mul3A_198 = arith.muli %rem3A_47, %mul3A_197 : i32
        %add3A_199 = arith.constant 6 : i32
        %add3A_200 = arith.addi %mul3A_198, %add3A_199 : i32
        %add3A_201 = arith.constant 2 : i32
        %add3A_202 = arith.addi %add3A_200, %add3A_201 : i32
        %dma_start3A_203 = arith.constant 0 : i32
        %dma_start3A_204 = tpu.memref_slice %arg8[%add3A_202, %dma_start3A_203] : memref<32x128xi32, #tpu.memory_space<vmem>> -> memref<1x128xi32, #tpu.memory_space<vmem>>
        %dma_start3A_205 = tpu.memref_squeeze %dma_start3A_204 : memref<1x128xi32, #tpu.memory_space<vmem>> -> memref<128xi32, #tpu.memory_space<vmem>>
        %dma_start3A_206 = arith.constant 0 : i32
        %dma_start3A_207 = arith.constant 0 : i32
        %dma_start3A_208 = tpu.memref_slice %arg5[%dma_start3A_206, %dma_start3A_207] : memref<10000x128xf32, #tpu.memory_space<hbm>> -> memref<10000x128xf32, #tpu.memory_space<hbm>>
        tpu.enqueue_indirect_dma source(%dma_start3A_208 : memref<10000x128xf32, #tpu.memory_space<hbm>>) target(%arg10 : memref<128x128xf32, #tpu.memory_space<vmem>>) offsets(%dma_start3A_205 : memref<128xi32, #tpu.memory_space<vmem>>) semaphore(%arg12 : memref<!tpu.dma_semaphore, #tpu.memory_space<semaphore_mem>>)
        %dma_wait3A_209 = arith.constant 0 : i32
        %dma_wait3A_210 = arith.constant 0 : i32
        %dma_wait3A_211 = tpu.memref_slice %arg5[%dma_wait3A_209, %dma_wait3A_210] : memref<10000x128xf32, #tpu.memory_space<hbm>> -> memref<128x128xf32, #tpu.memory_space<hbm>>
        %dma_wait3A_212 = arith.constant 0 : i32
        %dma_wait3A_213 = arith.constant 0 : i32
        %dma_wait3A_214 = tpu.memref_slice %arg5[%dma_wait3A_212, %dma_wait3A_213] : memref<10000x128xf32, #tpu.memory_space<hbm>> -> memref<128x128xf32, #tpu.memory_space<hbm>>
        tpu.wait_dma2 semaphore(%arg13 : memref<!tpu.dma_semaphore, #tpu.memory_space<semaphore_mem>>) src(%dma_wait3A_214 : memref<128x128xf32, #tpu.memory_space<hbm>>) dst(%arg11 : memref<128x128xf32, #tpu.memory_space<vmem>>)
        %mul3A_215 = arith.constant 16 : i32
        %mul3A_216 = arith.muli %rem3A_47, %mul3A_215 : i32
        %add3A_217 = arith.constant 7 : i32
        %add3A_218 = arith.addi %mul3A_216, %add3A_217 : i32
        "tpu.region"() ({
          %run_scoped3A = tpu.sem_alloc : memref<!tpu.dma_semaphore, #tpu.memory_space<semaphore_mem>>
          %dma_start3A_397 = arith.constant 0 : i32
          %dma_start3A_398 = tpu.memref_slice %arg9[%add3A_218, %dma_start3A_397] : memref<32x128xi32, #tpu.memory_space<vmem>> -> memref<1x128xi32, #tpu.memory_space<vmem>>
          %dma_start3A_399 = tpu.memref_squeeze %dma_start3A_398 : memref<1x128xi32, #tpu.memory_space<vmem>> -> memref<128xi32, #tpu.memory_space<vmem>>
          %dma_start3A_400 = arith.constant 0 : i32
          %dma_start3A_401 = arith.constant 0 : i32
          %dma_start3A_402 = tpu.memref_slice %arg14[%dma_start3A_400, %dma_start3A_401] : memref<10008x128xf32, #tpu.memory_space<vmem_shared>> -> memref<10008x128xf32, #tpu.memory_space<vmem_shared>>
          tpu.enqueue_indirect_dma source(%arg11 : memref<128x128xf32, #tpu.memory_space<vmem>>) target(%dma_start3A_402 : memref<10008x128xf32, #tpu.memory_space<vmem_shared>>) offsets(%dma_start3A_399 : memref<128xi32, #tpu.memory_space<vmem>>) semaphore(%run_scoped3A : memref<!tpu.dma_semaphore, #tpu.memory_space<semaphore_mem>>) {add = true}
          %dma_wait3A_403 = arith.constant 0 : i32
          %dma_wait3A_404 = tpu.memref_slice %arg9[%add3A_218, %dma_wait3A_403] : memref<32x128xi32, #tpu.memory_space<vmem>> -> memref<1x128xi32, #tpu.memory_space<vmem>>
          %dma_wait3A_405 = tpu.memref_squeeze %dma_wait3A_404 : memref<1x128xi32, #tpu.memory_space<vmem>> -> memref<128xi32, #tpu.memory_space<vmem>>
          %dma_wait3A_406 = arith.constant 0 : i32
          %dma_wait3A_407 = arith.constant 0 : i32
          %dma_wait3A_408 = tpu.memref_slice %arg14[%dma_wait3A_406, %dma_wait3A_407] : memref<10008x128xf32, #tpu.memory_space<vmem_shared>> -> memref<10008x128xf32, #tpu.memory_space<vmem_shared>>
          tpu.wait_indirect_dma semaphore(%run_scoped3A : memref<!tpu.dma_semaphore, #tpu.memory_space<semaphore_mem>>) src(%arg11 : memref<128x128xf32, #tpu.memory_space<vmem>>) dst(%dma_wait3A_408 : memref<10008x128xf32, #tpu.memory_space<vmem_shared>>)
          tpu.yield
        }) : () -> ()
        %mul3A_219 = arith.constant 16 : i32
        %mul3A_220 = arith.muli %rem3A_47, %mul3A_219 : i32
        %add3A_221 = arith.constant 7 : i32
        %add3A_222 = arith.addi %mul3A_220, %add3A_221 : i32
        %add3A_223 = arith.constant 2 : i32
        %add3A_224 = arith.addi %add3A_222, %add3A_223 : i32
        %dma_start3A_225 = arith.constant 0 : i32
        %dma_start3A_226 = tpu.memref_slice %arg8[%add3A_224, %dma_start3A_225] : memref<32x128xi32, #tpu.memory_space<vmem>> -> memref<1x128xi32, #tpu.memory_space<vmem>>
        %dma_start3A_227 = tpu.memref_squeeze %dma_start3A_226 : memref<1x128xi32, #tpu.memory_space<vmem>> -> memref<128xi32, #tpu.memory_space<vmem>>
        %dma_start3A_228 = arith.constant 0 : i32
        %dma_start3A_229 = arith.constant 0 : i32
        %dma_start3A_230 = tpu.memref_slice %arg5[%dma_start3A_228, %dma_start3A_229] : memref<10000x128xf32, #tpu.memory_space<hbm>> -> memref<10000x128xf32, #tpu.memory_space<hbm>>
        tpu.enqueue_indirect_dma source(%dma_start3A_230 : memref<10000x128xf32, #tpu.memory_space<hbm>>) target(%arg11 : memref<128x128xf32, #tpu.memory_space<vmem>>) offsets(%dma_start3A_227 : memref<128xi32, #tpu.memory_space<vmem>>) semaphore(%arg13 : memref<!tpu.dma_semaphore, #tpu.memory_space<semaphore_mem>>)
        %dma_wait3A_231 = arith.constant 0 : i32
        %dma_wait3A_232 = arith.constant 0 : i32
        %dma_wait3A_233 = tpu.memref_slice %arg5[%dma_wait3A_231, %dma_wait3A_232] : memref<10000x128xf32, #tpu.memory_space<hbm>> -> memref<128x128xf32, #tpu.memory_space<hbm>>
        %dma_wait3A_234 = arith.constant 0 : i32
        %dma_wait3A_235 = arith.constant 0 : i32
        %dma_wait3A_236 = tpu.memref_slice %arg5[%dma_wait3A_234, %dma_wait3A_235] : memref<10000x128xf32, #tpu.memory_space<hbm>> -> memref<128x128xf32, #tpu.memory_space<hbm>>
        tpu.wait_dma2 semaphore(%arg12 : memref<!tpu.dma_semaphore, #tpu.memory_space<semaphore_mem>>) src(%dma_wait3A_236 : memref<128x128xf32, #tpu.memory_space<hbm>>) dst(%arg10 : memref<128x128xf32, #tpu.memory_space<vmem>>)
        %mul3A_237 = arith.constant 16 : i32
        %mul3A_238 = arith.muli %rem3A_47, %mul3A_237 : i32
        %add3A_239 = arith.constant 8 : i32
        %add3A_240 = arith.addi %mul3A_238, %add3A_239 : i32
        "tpu.region"() ({
          %run_scoped3A = tpu.sem_alloc : memref<!tpu.dma_semaphore, #tpu.memory_space<semaphore_mem>>
          %dma_start3A_397 = arith.constant 0 : i32
          %dma_start3A_398 = tpu.memref_slice %arg9[%add3A_240, %dma_start3A_397] : memref<32x128xi32, #tpu.memory_space<vmem>> -> memref<1x128xi32, #tpu.memory_space<vmem>>
          %dma_start3A_399 = tpu.memref_squeeze %dma_start3A_398 : memref<1x128xi32, #tpu.memory_space<vmem>> -> memref<128xi32, #tpu.memory_space<vmem>>
          %dma_start3A_400 = arith.constant 0 : i32
          %dma_start3A_401 = arith.constant 0 : i32
          %dma_start3A_402 = tpu.memref_slice %arg14[%dma_start3A_400, %dma_start3A_401] : memref<10008x128xf32, #tpu.memory_space<vmem_shared>> -> memref<10008x128xf32, #tpu.memory_space<vmem_shared>>
          tpu.enqueue_indirect_dma source(%arg10 : memref<128x128xf32, #tpu.memory_space<vmem>>) target(%dma_start3A_402 : memref<10008x128xf32, #tpu.memory_space<vmem_shared>>) offsets(%dma_start3A_399 : memref<128xi32, #tpu.memory_space<vmem>>) semaphore(%run_scoped3A : memref<!tpu.dma_semaphore, #tpu.memory_space<semaphore_mem>>) {add = true}
          %dma_wait3A_403 = arith.constant 0 : i32
          %dma_wait3A_404 = tpu.memref_slice %arg9[%add3A_240, %dma_wait3A_403] : memref<32x128xi32, #tpu.memory_space<vmem>> -> memref<1x128xi32, #tpu.memory_space<vmem>>
          %dma_wait3A_405 = tpu.memref_squeeze %dma_wait3A_404 : memref<1x128xi32, #tpu.memory_space<vmem>> -> memref<128xi32, #tpu.memory_space<vmem>>
          %dma_wait3A_406 = arith.constant 0 : i32
          %dma_wait3A_407 = arith.constant 0 : i32
          %dma_wait3A_408 = tpu.memref_slice %arg14[%dma_wait3A_406, %dma_wait3A_407] : memref<10008x128xf32, #tpu.memory_space<vmem_shared>> -> memref<10008x128xf32, #tpu.memory_space<vmem_shared>>
          tpu.wait_indirect_dma semaphore(%run_scoped3A : memref<!tpu.dma_semaphore, #tpu.memory_space<semaphore_mem>>) src(%arg10 : memref<128x128xf32, #tpu.memory_space<vmem>>) dst(%dma_wait3A_408 : memref<10008x128xf32, #tpu.memory_space<vmem_shared>>)
          tpu.yield
        }) : () -> ()
        %mul3A_241 = arith.constant 16 : i32
        %mul3A_242 = arith.muli %rem3A_47, %mul3A_241 : i32
        %add3A_243 = arith.constant 8 : i32
        %add3A_244 = arith.addi %mul3A_242, %add3A_243 : i32
        %add3A_245 = arith.constant 2 : i32
        %add3A_246 = arith.addi %add3A_244, %add3A_245 : i32
        %dma_start3A_247 = arith.constant 0 : i32
        %dma_start3A_248 = tpu.memref_slice %arg8[%add3A_246, %dma_start3A_247] : memref<32x128xi32, #tpu.memory_space<vmem>> -> memref<1x128xi32, #tpu.memory_space<vmem>>
        %dma_start3A_249 = tpu.memref_squeeze %dma_start3A_248 : memref<1x128xi32, #tpu.memory_space<vmem>> -> memref<128xi32, #tpu.memory_space<vmem>>
        %dma_start3A_250 = arith.constant 0 : i32
        %dma_start3A_251 = arith.constant 0 : i32
        %dma_start3A_252 = tpu.memref_slice %arg5[%dma_start3A_250, %dma_start3A_251] : memref<10000x128xf32, #tpu.memory_space<hbm>> -> memref<10000x128xf32, #tpu.memory_space<hbm>>
        tpu.enqueue_indirect_dma source(%dma_start3A_252 : memref<10000x128xf32, #tpu.memory_space<hbm>>) target(%arg10 : memref<128x128xf32, #tpu.memory_space<vmem>>) offsets(%dma_start3A_249 : memref<128xi32, #tpu.memory_space<vmem>>) semaphore(%arg12 : memref<!tpu.dma_semaphore, #tpu.memory_space<semaphore_mem>>)
        %dma_wait3A_253 = arith.constant 0 : i32
        %dma_wait3A_254 = arith.constant 0 : i32
        %dma_wait3A_255 = tpu.memref_slice %arg5[%dma_wait3A_253, %dma_wait3A_254] : memref<10000x128xf32, #tpu.memory_space<hbm>> -> memref<128x128xf32, #tpu.memory_space<hbm>>
        %dma_wait3A_256 = arith.constant 0 : i32
        %dma_wait3A_257 = arith.constant 0 : i32
        %dma_wait3A_258 = tpu.memref_slice %arg5[%dma_wait3A_256, %dma_wait3A_257] : memref<10000x128xf32, #tpu.memory_space<hbm>> -> memref<128x128xf32, #tpu.memory_space<hbm>>
        tpu.wait_dma2 semaphore(%arg13 : memref<!tpu.dma_semaphore, #tpu.memory_space<semaphore_mem>>) src(%dma_wait3A_258 : memref<128x128xf32, #tpu.memory_space<hbm>>) dst(%arg11 : memref<128x128xf32, #tpu.memory_space<vmem>>)
        %mul3A_259 = arith.constant 16 : i32
        %mul3A_260 = arith.muli %rem3A_47, %mul3A_259 : i32
        %add3A_261 = arith.constant 9 : i32
        %add3A_262 = arith.addi %mul3A_260, %add3A_261 : i32
        "tpu.region"() ({
          %run_scoped3A = tpu.sem_alloc : memref<!tpu.dma_semaphore, #tpu.memory_space<semaphore_mem>>
          %dma_start3A_397 = arith.constant 0 : i32
          %dma_start3A_398 = tpu.memref_slice %arg9[%add3A_262, %dma_start3A_397] : memref<32x128xi32, #tpu.memory_space<vmem>> -> memref<1x128xi32, #tpu.memory_space<vmem>>
          %dma_start3A_399 = tpu.memref_squeeze %dma_start3A_398 : memref<1x128xi32, #tpu.memory_space<vmem>> -> memref<128xi32, #tpu.memory_space<vmem>>
          %dma_start3A_400 = arith.constant 0 : i32
          %dma_start3A_401 = arith.constant 0 : i32
          %dma_start3A_402 = tpu.memref_slice %arg14[%dma_start3A_400, %dma_start3A_401] : memref<10008x128xf32, #tpu.memory_space<vmem_shared>> -> memref<10008x128xf32, #tpu.memory_space<vmem_shared>>
          tpu.enqueue_indirect_dma source(%arg11 : memref<128x128xf32, #tpu.memory_space<vmem>>) target(%dma_start3A_402 : memref<10008x128xf32, #tpu.memory_space<vmem_shared>>) offsets(%dma_start3A_399 : memref<128xi32, #tpu.memory_space<vmem>>) semaphore(%run_scoped3A : memref<!tpu.dma_semaphore, #tpu.memory_space<semaphore_mem>>) {add = true}
          %dma_wait3A_403 = arith.constant 0 : i32
          %dma_wait3A_404 = tpu.memref_slice %arg9[%add3A_262, %dma_wait3A_403] : memref<32x128xi32, #tpu.memory_space<vmem>> -> memref<1x128xi32, #tpu.memory_space<vmem>>
          %dma_wait3A_405 = tpu.memref_squeeze %dma_wait3A_404 : memref<1x128xi32, #tpu.memory_space<vmem>> -> memref<128xi32, #tpu.memory_space<vmem>>
          %dma_wait3A_406 = arith.constant 0 : i32
          %dma_wait3A_407 = arith.constant 0 : i32
          %dma_wait3A_408 = tpu.memref_slice %arg14[%dma_wait3A_406, %dma_wait3A_407] : memref<10008x128xf32, #tpu.memory_space<vmem_shared>> -> memref<10008x128xf32, #tpu.memory_space<vmem_shared>>
          tpu.wait_indirect_dma semaphore(%run_scoped3A : memref<!tpu.dma_semaphore, #tpu.memory_space<semaphore_mem>>) src(%arg11 : memref<128x128xf32, #tpu.memory_space<vmem>>) dst(%dma_wait3A_408 : memref<10008x128xf32, #tpu.memory_space<vmem_shared>>)
          tpu.yield
        }) : () -> ()
        %mul3A_263 = arith.constant 16 : i32
        %mul3A_264 = arith.muli %rem3A_47, %mul3A_263 : i32
        %add3A_265 = arith.constant 9 : i32
        %add3A_266 = arith.addi %mul3A_264, %add3A_265 : i32
        %add3A_267 = arith.constant 2 : i32
        %add3A_268 = arith.addi %add3A_266, %add3A_267 : i32
        %dma_start3A_269 = arith.constant 0 : i32
        %dma_start3A_270 = tpu.memref_slice %arg8[%add3A_268, %dma_start3A_269] : memref<32x128xi32, #tpu.memory_space<vmem>> -> memref<1x128xi32, #tpu.memory_space<vmem>>
        %dma_start3A_271 = tpu.memref_squeeze %dma_start3A_270 : memref<1x128xi32, #tpu.memory_space<vmem>> -> memref<128xi32, #tpu.memory_space<vmem>>
        %dma_start3A_272 = arith.constant 0 : i32
        %dma_start3A_273 = arith.constant 0 : i32
        %dma_start3A_274 = tpu.memref_slice %arg5[%dma_start3A_272, %dma_start3A_273] : memref<10000x128xf32, #tpu.memory_space<hbm>> -> memref<10000x128xf32, #tpu.memory_space<hbm>>
        tpu.enqueue_indirect_dma source(%dma_start3A_274 : memref<10000x128xf32, #tpu.memory_space<hbm>>) target(%arg11 : memref<128x128xf32, #tpu.memory_space<vmem>>) offsets(%dma_start3A_271 : memref<128xi32, #tpu.memory_space<vmem>>) semaphore(%arg13 : memref<!tpu.dma_semaphore, #tpu.memory_space<semaphore_mem>>)
        %dma_wait3A_275 = arith.constant 0 : i32
        %dma_wait3A_276 = arith.constant 0 : i32
        %dma_wait3A_277 = tpu.memref_slice %arg5[%dma_wait3A_275, %dma_wait3A_276] : memref<10000x128xf32, #tpu.memory_space<hbm>> -> memref<128x128xf32, #tpu.memory_space<hbm>>
        %dma_wait3A_278 = arith.constant 0 : i32
        %dma_wait3A_279 = arith.constant 0 : i32
        %dma_wait3A_280 = tpu.memref_slice %arg5[%dma_wait3A_278, %dma_wait3A_279] : memref<10000x128xf32, #tpu.memory_space<hbm>> -> memref<128x128xf32, #tpu.memory_space<hbm>>
        tpu.wait_dma2 semaphore(%arg12 : memref<!tpu.dma_semaphore, #tpu.memory_space<semaphore_mem>>) src(%dma_wait3A_280 : memref<128x128xf32, #tpu.memory_space<hbm>>) dst(%arg10 : memref<128x128xf32, #tpu.memory_space<vmem>>)
        %mul3A_281 = arith.constant 16 : i32
        %mul3A_282 = arith.muli %rem3A_47, %mul3A_281 : i32
        %add3A_283 = arith.constant 10 : i32
        %add3A_284 = arith.addi %mul3A_282, %add3A_283 : i32
        "tpu.region"() ({
          %run_scoped3A = tpu.sem_alloc : memref<!tpu.dma_semaphore, #tpu.memory_space<semaphore_mem>>
          %dma_start3A_397 = arith.constant 0 : i32
          %dma_start3A_398 = tpu.memref_slice %arg9[%add3A_284, %dma_start3A_397] : memref<32x128xi32, #tpu.memory_space<vmem>> -> memref<1x128xi32, #tpu.memory_space<vmem>>
          %dma_start3A_399 = tpu.memref_squeeze %dma_start3A_398 : memref<1x128xi32, #tpu.memory_space<vmem>> -> memref<128xi32, #tpu.memory_space<vmem>>
          %dma_start3A_400 = arith.constant 0 : i32
          %dma_start3A_401 = arith.constant 0 : i32
          %dma_start3A_402 = tpu.memref_slice %arg14[%dma_start3A_400, %dma_start3A_401] : memref<10008x128xf32, #tpu.memory_space<vmem_shared>> -> memref<10008x128xf32, #tpu.memory_space<vmem_shared>>
          tpu.enqueue_indirect_dma source(%arg10 : memref<128x128xf32, #tpu.memory_space<vmem>>) target(%dma_start3A_402 : memref<10008x128xf32, #tpu.memory_space<vmem_shared>>) offsets(%dma_start3A_399 : memref<128xi32, #tpu.memory_space<vmem>>) semaphore(%run_scoped3A : memref<!tpu.dma_semaphore, #tpu.memory_space<semaphore_mem>>) {add = true}
          %dma_wait3A_403 = arith.constant 0 : i32
          %dma_wait3A_404 = tpu.memref_slice %arg9[%add3A_284, %dma_wait3A_403] : memref<32x128xi32, #tpu.memory_space<vmem>> -> memref<1x128xi32, #tpu.memory_space<vmem>>
          %dma_wait3A_405 = tpu.memref_squeeze %dma_wait3A_404 : memref<1x128xi32, #tpu.memory_space<vmem>> -> memref<128xi32, #tpu.memory_space<vmem>>
          %dma_wait3A_406 = arith.constant 0 : i32
          %dma_wait3A_407 = arith.constant 0 : i32
          %dma_wait3A_408 = tpu.memref_slice %arg14[%dma_wait3A_406, %dma_wait3A_407] : memref<10008x128xf32, #tpu.memory_space<vmem_shared>> -> memref<10008x128xf32, #tpu.memory_space<vmem_shared>>
          tpu.wait_indirect_dma semaphore(%run_scoped3A : memref<!tpu.dma_semaphore, #tpu.memory_space<semaphore_mem>>) src(%arg10 : memref<128x128xf32, #tpu.memory_space<vmem>>) dst(%dma_wait3A_408 : memref<10008x128xf32, #tpu.memory_space<vmem_shared>>)
          tpu.yield
        }) : () -> ()
        %mul3A_285 = arith.constant 16 : i32
        %mul3A_286 = arith.muli %rem3A_47, %mul3A_285 : i32
        %add3A_287 = arith.constant 10 : i32
        %add3A_288 = arith.addi %mul3A_286, %add3A_287 : i32
        %add3A_289 = arith.constant 2 : i32
        %add3A_290 = arith.addi %add3A_288, %add3A_289 : i32
        %dma_start3A_291 = arith.constant 0 : i32
        %dma_start3A_292 = tpu.memref_slice %arg8[%add3A_290, %dma_start3A_291] : memref<32x128xi32, #tpu.memory_space<vmem>> -> memref<1x128xi32, #tpu.memory_space<vmem>>
        %dma_start3A_293 = tpu.memref_squeeze %dma_start3A_292 : memref<1x128xi32, #tpu.memory_space<vmem>> -> memref<128xi32, #tpu.memory_space<vmem>>
        %dma_start3A_294 = arith.constant 0 : i32
        %dma_start3A_295 = arith.constant 0 : i32
        %dma_start3A_296 = tpu.memref_slice %arg5[%dma_start3A_294, %dma_start3A_295] : memref<10000x128xf32, #tpu.memory_space<hbm>> -> memref<10000x128xf32, #tpu.memory_space<hbm>>
        tpu.enqueue_indirect_dma source(%dma_start3A_296 : memref<10000x128xf32, #tpu.memory_space<hbm>>) target(%arg10 : memref<128x128xf32, #tpu.memory_space<vmem>>) offsets(%dma_start3A_293 : memref<128xi32, #tpu.memory_space<vmem>>) semaphore(%arg12 : memref<!tpu.dma_semaphore, #tpu.memory_space<semaphore_mem>>)
        %dma_wait3A_297 = arith.constant 0 : i32
        %dma_wait3A_298 = arith.constant 0 : i32
        %dma_wait3A_299 = tpu.memref_slice %arg5[%dma_wait3A_297, %dma_wait3A_298] : memref<10000x128xf32, #tpu.memory_space<hbm>> -> memref<128x128xf32, #tpu.memory_space<hbm>>
        %dma_wait3A_300 = arith.constant 0 : i32
        %dma_wait3A_301 = arith.constant 0 : i32
        %dma_wait3A_302 = tpu.memref_slice %arg5[%dma_wait3A_300, %dma_wait3A_301] : memref<10000x128xf32, #tpu.memory_space<hbm>> -> memref<128x128xf32, #tpu.memory_space<hbm>>
        tpu.wait_dma2 semaphore(%arg13 : memref<!tpu.dma_semaphore, #tpu.memory_space<semaphore_mem>>) src(%dma_wait3A_302 : memref<128x128xf32, #tpu.memory_space<hbm>>) dst(%arg11 : memref<128x128xf32, #tpu.memory_space<vmem>>)
        %mul3A_303 = arith.constant 16 : i32
        %mul3A_304 = arith.muli %rem3A_47, %mul3A_303 : i32
        %add3A_305 = arith.constant 11 : i32
        %add3A_306 = arith.addi %mul3A_304, %add3A_305 : i32
        "tpu.region"() ({
          %run_scoped3A = tpu.sem_alloc : memref<!tpu.dma_semaphore, #tpu.memory_space<semaphore_mem>>
          %dma_start3A_397 = arith.constant 0 : i32
          %dma_start3A_398 = tpu.memref_slice %arg9[%add3A_306, %dma_start3A_397] : memref<32x128xi32, #tpu.memory_space<vmem>> -> memref<1x128xi32, #tpu.memory_space<vmem>>
          %dma_start3A_399 = tpu.memref_squeeze %dma_start3A_398 : memref<1x128xi32, #tpu.memory_space<vmem>> -> memref<128xi32, #tpu.memory_space<vmem>>
          %dma_start3A_400 = arith.constant 0 : i32
          %dma_start3A_401 = arith.constant 0 : i32
          %dma_start3A_402 = tpu.memref_slice %arg14[%dma_start3A_400, %dma_start3A_401] : memref<10008x128xf32, #tpu.memory_space<vmem_shared>> -> memref<10008x128xf32, #tpu.memory_space<vmem_shared>>
          tpu.enqueue_indirect_dma source(%arg11 : memref<128x128xf32, #tpu.memory_space<vmem>>) target(%dma_start3A_402 : memref<10008x128xf32, #tpu.memory_space<vmem_shared>>) offsets(%dma_start3A_399 : memref<128xi32, #tpu.memory_space<vmem>>) semaphore(%run_scoped3A : memref<!tpu.dma_semaphore, #tpu.memory_space<semaphore_mem>>) {add = true}
          %dma_wait3A_403 = arith.constant 0 : i32
          %dma_wait3A_404 = tpu.memref_slice %arg9[%add3A_306, %dma_wait3A_403] : memref<32x128xi32, #tpu.memory_space<vmem>> -> memref<1x128xi32, #tpu.memory_space<vmem>>
          %dma_wait3A_405 = tpu.memref_squeeze %dma_wait3A_404 : memref<1x128xi32, #tpu.memory_space<vmem>> -> memref<128xi32, #tpu.memory_space<vmem>>
          %dma_wait3A_406 = arith.constant 0 : i32
          %dma_wait3A_407 = arith.constant 0 : i32
          %dma_wait3A_408 = tpu.memref_slice %arg14[%dma_wait3A_406, %dma_wait3A_407] : memref<10008x128xf32, #tpu.memory_space<vmem_shared>> -> memref<10008x128xf32, #tpu.memory_space<vmem_shared>>
          tpu.wait_indirect_dma semaphore(%run_scoped3A : memref<!tpu.dma_semaphore, #tpu.memory_space<semaphore_mem>>) src(%arg11 : memref<128x128xf32, #tpu.memory_space<vmem>>) dst(%dma_wait3A_408 : memref<10008x128xf32, #tpu.memory_space<vmem_shared>>)
          tpu.yield
        }) : () -> ()
        %mul3A_307 = arith.constant 16 : i32
        %mul3A_308 = arith.muli %rem3A_47, %mul3A_307 : i32
        %add3A_309 = arith.constant 11 : i32
        %add3A_310 = arith.addi %mul3A_308, %add3A_309 : i32
        %add3A_311 = arith.constant 2 : i32
        %add3A_312 = arith.addi %add3A_310, %add3A_311 : i32
        %dma_start3A_313 = arith.constant 0 : i32
        %dma_start3A_314 = tpu.memref_slice %arg8[%add3A_312, %dma_start3A_313] : memref<32x128xi32, #tpu.memory_space<vmem>> -> memref<1x128xi32, #tpu.memory_space<vmem>>
        %dma_start3A_315 = tpu.memref_squeeze %dma_start3A_314 : memref<1x128xi32, #tpu.memory_space<vmem>> -> memref<128xi32, #tpu.memory_space<vmem>>
        %dma_start3A_316 = arith.constant 0 : i32
        %dma_start3A_317 = arith.constant 0 : i32
        %dma_start3A_318 = tpu.memref_slice %arg5[%dma_start3A_316, %dma_start3A_317] : memref<10000x128xf32, #tpu.memory_space<hbm>> -> memref<10000x128xf32, #tpu.memory_space<hbm>>
        tpu.enqueue_indirect_dma source(%dma_start3A_318 : memref<10000x128xf32, #tpu.memory_space<hbm>>) target(%arg11 : memref<128x128xf32, #tpu.memory_space<vmem>>) offsets(%dma_start3A_315 : memref<128xi32, #tpu.memory_space<vmem>>) semaphore(%arg13 : memref<!tpu.dma_semaphore, #tpu.memory_space<semaphore_mem>>)
        %dma_wait3A_319 = arith.constant 0 : i32
        %dma_wait3A_320 = arith.constant 0 : i32
        %dma_wait3A_321 = tpu.memref_slice %arg5[%dma_wait3A_319, %dma_wait3A_320] : memref<10000x128xf32, #tpu.memory_space<hbm>> -> memref<128x128xf32, #tpu.memory_space<hbm>>
        %dma_wait3A_322 = arith.constant 0 : i32
        %dma_wait3A_323 = arith.constant 0 : i32
        %dma_wait3A_324 = tpu.memref_slice %arg5[%dma_wait3A_322, %dma_wait3A_323] : memref<10000x128xf32, #tpu.memory_space<hbm>> -> memref<128x128xf32, #tpu.memory_space<hbm>>
        tpu.wait_dma2 semaphore(%arg12 : memref<!tpu.dma_semaphore, #tpu.memory_space<semaphore_mem>>) src(%dma_wait3A_324 : memref<128x128xf32, #tpu.memory_space<hbm>>) dst(%arg10 : memref<128x128xf32, #tpu.memory_space<vmem>>)
        %mul3A_325 = arith.constant 16 : i32
        %mul3A_326 = arith.muli %rem3A_47, %mul3A_325 : i32
        %add3A_327 = arith.constant 12 : i32
        %add3A_328 = arith.addi %mul3A_326, %add3A_327 : i32
        "tpu.region"() ({
          %run_scoped3A = tpu.sem_alloc : memref<!tpu.dma_semaphore, #tpu.memory_space<semaphore_mem>>
          %dma_start3A_397 = arith.constant 0 : i32
          %dma_start3A_398 = tpu.memref_slice %arg9[%add3A_328, %dma_start3A_397] : memref<32x128xi32, #tpu.memory_space<vmem>> -> memref<1x128xi32, #tpu.memory_space<vmem>>
          %dma_start3A_399 = tpu.memref_squeeze %dma_start3A_398 : memref<1x128xi32, #tpu.memory_space<vmem>> -> memref<128xi32, #tpu.memory_space<vmem>>
          %dma_start3A_400 = arith.constant 0 : i32
          %dma_start3A_401 = arith.constant 0 : i32
          %dma_start3A_402 = tpu.memref_slice %arg14[%dma_start3A_400, %dma_start3A_401] : memref<10008x128xf32, #tpu.memory_space<vmem_shared>> -> memref<10008x128xf32, #tpu.memory_space<vmem_shared>>
          tpu.enqueue_indirect_dma source(%arg10 : memref<128x128xf32, #tpu.memory_space<vmem>>) target(%dma_start3A_402 : memref<10008x128xf32, #tpu.memory_space<vmem_shared>>) offsets(%dma_start3A_399 : memref<128xi32, #tpu.memory_space<vmem>>) semaphore(%run_scoped3A : memref<!tpu.dma_semaphore, #tpu.memory_space<semaphore_mem>>) {add = true}
          %dma_wait3A_403 = arith.constant 0 : i32
          %dma_wait3A_404 = tpu.memref_slice %arg9[%add3A_328, %dma_wait3A_403] : memref<32x128xi32, #tpu.memory_space<vmem>> -> memref<1x128xi32, #tpu.memory_space<vmem>>
          %dma_wait3A_405 = tpu.memref_squeeze %dma_wait3A_404 : memref<1x128xi32, #tpu.memory_space<vmem>> -> memref<128xi32, #tpu.memory_space<vmem>>
          %dma_wait3A_406 = arith.constant 0 : i32
          %dma_wait3A_407 = arith.constant 0 : i32
          %dma_wait3A_408 = tpu.memref_slice %arg14[%dma_wait3A_406, %dma_wait3A_407] : memref<10008x128xf32, #tpu.memory_space<vmem_shared>> -> memref<10008x128xf32, #tpu.memory_space<vmem_shared>>
          tpu.wait_indirect_dma semaphore(%run_scoped3A : memref<!tpu.dma_semaphore, #tpu.memory_space<semaphore_mem>>) src(%arg10 : memref<128x128xf32, #tpu.memory_space<vmem>>) dst(%dma_wait3A_408 : memref<10008x128xf32, #tpu.memory_space<vmem_shared>>)
          tpu.yield
        }) : () -> ()
        %mul3A_329 = arith.constant 16 : i32
        %mul3A_330 = arith.muli %rem3A_47, %mul3A_329 : i32
        %add3A_331 = arith.constant 12 : i32
        %add3A_332 = arith.addi %mul3A_330, %add3A_331 : i32
        %add3A_333 = arith.constant 2 : i32
        %add3A_334 = arith.addi %add3A_332, %add3A_333 : i32
        %dma_start3A_335 = arith.constant 0 : i32
        %dma_start3A_336 = tpu.memref_slice %arg8[%add3A_334, %dma_start3A_335] : memref<32x128xi32, #tpu.memory_space<vmem>> -> memref<1x128xi32, #tpu.memory_space<vmem>>
        %dma_start3A_337 = tpu.memref_squeeze %dma_start3A_336 : memref<1x128xi32, #tpu.memory_space<vmem>> -> memref<128xi32, #tpu.memory_space<vmem>>
        %dma_start3A_338 = arith.constant 0 : i32
        %dma_start3A_339 = arith.constant 0 : i32
        %dma_start3A_340 = tpu.memref_slice %arg5[%dma_start3A_338, %dma_start3A_339] : memref<10000x128xf32, #tpu.memory_space<hbm>> -> memref<10000x128xf32, #tpu.memory_space<hbm>>
        tpu.enqueue_indirect_dma source(%dma_start3A_340 : memref<10000x128xf32, #tpu.memory_space<hbm>>) target(%arg10 : memref<128x128xf32, #tpu.memory_space<vmem>>) offsets(%dma_start3A_337 : memref<128xi32, #tpu.memory_space<vmem>>) semaphore(%arg12 : memref<!tpu.dma_semaphore, #tpu.memory_space<semaphore_mem>>)
        %dma_wait3A_341 = arith.constant 0 : i32
        %dma_wait3A_342 = arith.constant 0 : i32
        %dma_wait3A_343 = tpu.memref_slice %arg5[%dma_wait3A_341, %dma_wait3A_342] : memref<10000x128xf32, #tpu.memory_space<hbm>> -> memref<128x128xf32, #tpu.memory_space<hbm>>
        %dma_wait3A_344 = arith.constant 0 : i32
        %dma_wait3A_345 = arith.constant 0 : i32
        %dma_wait3A_346 = tpu.memref_slice %arg5[%dma_wait3A_344, %dma_wait3A_345] : memref<10000x128xf32, #tpu.memory_space<hbm>> -> memref<128x128xf32, #tpu.memory_space<hbm>>
        tpu.wait_dma2 semaphore(%arg13 : memref<!tpu.dma_semaphore, #tpu.memory_space<semaphore_mem>>) src(%dma_wait3A_346 : memref<128x128xf32, #tpu.memory_space<hbm>>) dst(%arg11 : memref<128x128xf32, #tpu.memory_space<vmem>>)
        %mul3A_347 = arith.constant 16 : i32
        %mul3A_348 = arith.muli %rem3A_47, %mul3A_347 : i32
        %add3A_349 = arith.constant 13 : i32
        %add3A_350 = arith.addi %mul3A_348, %add3A_349 : i32
        "tpu.region"() ({
          %run_scoped3A = tpu.sem_alloc : memref<!tpu.dma_semaphore, #tpu.memory_space<semaphore_mem>>
          %dma_start3A_397 = arith.constant 0 : i32
          %dma_start3A_398 = tpu.memref_slice %arg9[%add3A_350, %dma_start3A_397] : memref<32x128xi32, #tpu.memory_space<vmem>> -> memref<1x128xi32, #tpu.memory_space<vmem>>
          %dma_start3A_399 = tpu.memref_squeeze %dma_start3A_398 : memref<1x128xi32, #tpu.memory_space<vmem>> -> memref<128xi32, #tpu.memory_space<vmem>>
          %dma_start3A_400 = arith.constant 0 : i32
          %dma_start3A_401 = arith.constant 0 : i32
          %dma_start3A_402 = tpu.memref_slice %arg14[%dma_start3A_400, %dma_start3A_401] : memref<10008x128xf32, #tpu.memory_space<vmem_shared>> -> memref<10008x128xf32, #tpu.memory_space<vmem_shared>>
          tpu.enqueue_indirect_dma source(%arg11 : memref<128x128xf32, #tpu.memory_space<vmem>>) target(%dma_start3A_402 : memref<10008x128xf32, #tpu.memory_space<vmem_shared>>) offsets(%dma_start3A_399 : memref<128xi32, #tpu.memory_space<vmem>>) semaphore(%run_scoped3A : memref<!tpu.dma_semaphore, #tpu.memory_space<semaphore_mem>>) {add = true}
          %dma_wait3A_403 = arith.constant 0 : i32
          %dma_wait3A_404 = tpu.memref_slice %arg9[%add3A_350, %dma_wait3A_403] : memref<32x128xi32, #tpu.memory_space<vmem>> -> memref<1x128xi32, #tpu.memory_space<vmem>>
          %dma_wait3A_405 = tpu.memref_squeeze %dma_wait3A_404 : memref<1x128xi32, #tpu.memory_space<vmem>> -> memref<128xi32, #tpu.memory_space<vmem>>
          %dma_wait3A_406 = arith.constant 0 : i32
          %dma_wait3A_407 = arith.constant 0 : i32
          %dma_wait3A_408 = tpu.memref_slice %arg14[%dma_wait3A_406, %dma_wait3A_407] : memref<10008x128xf32, #tpu.memory_space<vmem_shared>> -> memref<10008x128xf32, #tpu.memory_space<vmem_shared>>
          tpu.wait_indirect_dma semaphore(%run_scoped3A : memref<!tpu.dma_semaphore, #tpu.memory_space<semaphore_mem>>) src(%arg11 : memref<128x128xf32, #tpu.memory_space<vmem>>) dst(%dma_wait3A_408 : memref<10008x128xf32, #tpu.memory_space<vmem_shared>>)
          tpu.yield
        }) : () -> ()
        %mul3A_351 = arith.constant 16 : i32
        %mul3A_352 = arith.muli %rem3A_47, %mul3A_351 : i32
        %add3A_353 = arith.constant 13 : i32
        %add3A_354 = arith.addi %mul3A_352, %add3A_353 : i32
        %add3A_355 = arith.constant 2 : i32
        %add3A_356 = arith.addi %add3A_354, %add3A_355 : i32
        %dma_start3A_357 = arith.constant 0 : i32
        %dma_start3A_358 = tpu.memref_slice %arg8[%add3A_356, %dma_start3A_357] : memref<32x128xi32, #tpu.memory_space<vmem>> -> memref<1x128xi32, #tpu.memory_space<vmem>>
        %dma_start3A_359 = tpu.memref_squeeze %dma_start3A_358 : memref<1x128xi32, #tpu.memory_space<vmem>> -> memref<128xi32, #tpu.memory_space<vmem>>
        %dma_start3A_360 = arith.constant 0 : i32
        %dma_start3A_361 = arith.constant 0 : i32
        %dma_start3A_362 = tpu.memref_slice %arg5[%dma_start3A_360, %dma_start3A_361] : memref<10000x128xf32, #tpu.memory_space<hbm>> -> memref<10000x128xf32, #tpu.memory_space<hbm>>
        tpu.enqueue_indirect_dma source(%dma_start3A_362 : memref<10000x128xf32, #tpu.memory_space<hbm>>) target(%arg11 : memref<128x128xf32, #tpu.memory_space<vmem>>) offsets(%dma_start3A_359 : memref<128xi32, #tpu.memory_space<vmem>>) semaphore(%arg13 : memref<!tpu.dma_semaphore, #tpu.memory_space<semaphore_mem>>)
        %dma_wait3A_363 = arith.constant 0 : i32
        %dma_wait3A_364 = arith.constant 0 : i32
        %dma_wait3A_365 = tpu.memref_slice %arg5[%dma_wait3A_363, %dma_wait3A_364] : memref<10000x128xf32, #tpu.memory_space<hbm>> -> memref<128x128xf32, #tpu.memory_space<hbm>>
        %dma_wait3A_366 = arith.constant 0 : i32
        %dma_wait3A_367 = arith.constant 0 : i32
        %dma_wait3A_368 = tpu.memref_slice %arg5[%dma_wait3A_366, %dma_wait3A_367] : memref<10000x128xf32, #tpu.memory_space<hbm>> -> memref<128x128xf32, #tpu.memory_space<hbm>>
        tpu.wait_dma2 semaphore(%arg12 : memref<!tpu.dma_semaphore, #tpu.memory_space<semaphore_mem>>) src(%dma_wait3A_368 : memref<128x128xf32, #tpu.memory_space<hbm>>) dst(%arg10 : memref<128x128xf32, #tpu.memory_space<vmem>>)
        %mul3A_369 = arith.constant 16 : i32
        %mul3A_370 = arith.muli %rem3A_47, %mul3A_369 : i32
        %add3A_371 = arith.constant 14 : i32
        %add3A_372 = arith.addi %mul3A_370, %add3A_371 : i32
        "tpu.region"() ({
          %run_scoped3A = tpu.sem_alloc : memref<!tpu.dma_semaphore, #tpu.memory_space<semaphore_mem>>
          %dma_start3A_397 = arith.constant 0 : i32
          %dma_start3A_398 = tpu.memref_slice %arg9[%add3A_372, %dma_start3A_397] : memref<32x128xi32, #tpu.memory_space<vmem>> -> memref<1x128xi32, #tpu.memory_space<vmem>>
          %dma_start3A_399 = tpu.memref_squeeze %dma_start3A_398 : memref<1x128xi32, #tpu.memory_space<vmem>> -> memref<128xi32, #tpu.memory_space<vmem>>
          %dma_start3A_400 = arith.constant 0 : i32
          %dma_start3A_401 = arith.constant 0 : i32
          %dma_start3A_402 = tpu.memref_slice %arg14[%dma_start3A_400, %dma_start3A_401] : memref<10008x128xf32, #tpu.memory_space<vmem_shared>> -> memref<10008x128xf32, #tpu.memory_space<vmem_shared>>
          tpu.enqueue_indirect_dma source(%arg10 : memref<128x128xf32, #tpu.memory_space<vmem>>) target(%dma_start3A_402 : memref<10008x128xf32, #tpu.memory_space<vmem_shared>>) offsets(%dma_start3A_399 : memref<128xi32, #tpu.memory_space<vmem>>) semaphore(%run_scoped3A : memref<!tpu.dma_semaphore, #tpu.memory_space<semaphore_mem>>) {add = true}
          %dma_wait3A_403 = arith.constant 0 : i32
          %dma_wait3A_404 = tpu.memref_slice %arg9[%add3A_372, %dma_wait3A_403] : memref<32x128xi32, #tpu.memory_space<vmem>> -> memref<1x128xi32, #tpu.memory_space<vmem>>
          %dma_wait3A_405 = tpu.memref_squeeze %dma_wait3A_404 : memref<1x128xi32, #tpu.memory_space<vmem>> -> memref<128xi32, #tpu.memory_space<vmem>>
          %dma_wait3A_406 = arith.constant 0 : i32
          %dma_wait3A_407 = arith.constant 0 : i32
          %dma_wait3A_408 = tpu.memref_slice %arg14[%dma_wait3A_406, %dma_wait3A_407] : memref<10008x128xf32, #tpu.memory_space<vmem_shared>> -> memref<10008x128xf32, #tpu.memory_space<vmem_shared>>
          tpu.wait_indirect_dma semaphore(%run_scoped3A : memref<!tpu.dma_semaphore, #tpu.memory_space<semaphore_mem>>) src(%arg10 : memref<128x128xf32, #tpu.memory_space<vmem>>) dst(%dma_wait3A_408 : memref<10008x128xf32, #tpu.memory_space<vmem_shared>>)
          tpu.yield
        }) : () -> ()
        %add3A_373 = arith.constant 1 : i32
        %add3A_374 = arith.addi %add3A_46, %add3A_373 : i32
        %lt3A_375 = arith.constant 5 : i32
        %lt3A_376 = arith.cmpi slt, %add3A_374, %lt3A_375 : i32
        %convert_element_type3A_377 = arith.extui %lt3A_376 : i1 to i32
        %cond3A_378 = arith.constant 0 : i32
        %cond3A_379 = arith.cmpi ne, %convert_element_type3A_377, %cond3A_378 : i32
        scf.if %cond3A_379 {
          %mul3A_397 = arith.constant 16 : i32
          %mul3A_398 = arith.muli %sub3A_48, %mul3A_397 : i32
          %add3A_399 = arith.constant 14 : i32
          %add3A_400 = arith.addi %mul3A_398, %add3A_399 : i32
          %add3A_401 = arith.constant 2 : i32
          %add3A_402 = arith.addi %add3A_400, %add3A_401 : i32
          %sub3A_403 = arith.constant 16 : i32
          %sub3A_404 = arith.subi %add3A_402, %sub3A_403 : i32
          %dma_start3A_405 = arith.constant 0 : i32
          %dma_start3A_406 = tpu.memref_slice %arg8[%sub3A_404, %dma_start3A_405] : memref<32x128xi32, #tpu.memory_space<vmem>> -> memref<1x128xi32, #tpu.memory_space<vmem>>
          %dma_start3A_407 = tpu.memref_squeeze %dma_start3A_406 : memref<1x128xi32, #tpu.memory_space<vmem>> -> memref<128xi32, #tpu.memory_space<vmem>>
          %dma_start3A_408 = arith.constant 0 : i32
          %dma_start3A_409 = arith.constant 0 : i32
          %dma_start3A_410 = tpu.memref_slice %arg5[%dma_start3A_408, %dma_start3A_409] : memref<10000x128xf32, #tpu.memory_space<hbm>> -> memref<10000x128xf32, #tpu.memory_space<hbm>>
          tpu.enqueue_indirect_dma source(%dma_start3A_410 : memref<10000x128xf32, #tpu.memory_space<hbm>>) target(%arg10 : memref<128x128xf32, #tpu.memory_space<vmem>>) offsets(%dma_start3A_407 : memref<128xi32, #tpu.memory_space<vmem>>) semaphore(%arg12 : memref<!tpu.dma_semaphore, #tpu.memory_space<semaphore_mem>>)
        } else {
        }
        %dma_wait3A_380 = arith.constant 0 : i32
        %dma_wait3A_381 = arith.constant 0 : i32
        %dma_wait3A_382 = tpu.memref_slice %arg5[%dma_wait3A_380, %dma_wait3A_381] : memref<10000x128xf32, #tpu.memory_space<hbm>> -> memref<128x128xf32, #tpu.memory_space<hbm>>
        %dma_wait3A_383 = arith.constant 0 : i32
        %dma_wait3A_384 = arith.constant 0 : i32
        %dma_wait3A_385 = tpu.memref_slice %arg5[%dma_wait3A_383, %dma_wait3A_384] : memref<10000x128xf32, #tpu.memory_space<hbm>> -> memref<128x128xf32, #tpu.memory_space<hbm>>
        tpu.wait_dma2 semaphore(%arg13 : memref<!tpu.dma_semaphore, #tpu.memory_space<semaphore_mem>>) src(%dma_wait3A_385 : memref<128x128xf32, #tpu.memory_space<hbm>>) dst(%arg11 : memref<128x128xf32, #tpu.memory_space<vmem>>)
        %mul3A_386 = arith.constant 16 : i32
        %mul3A_387 = arith.muli %rem3A_47, %mul3A_386 : i32
        %add3A_388 = arith.constant 15 : i32
        %add3A_389 = arith.addi %mul3A_387, %add3A_388 : i32
        "tpu.region"() ({
          %run_scoped3A = tpu.sem_alloc : memref<!tpu.dma_semaphore, #tpu.memory_space<semaphore_mem>>
          %dma_start3A_397 = arith.constant 0 : i32
          %dma_start3A_398 = tpu.memref_slice %arg9[%add3A_389, %dma_start3A_397] : memref<32x128xi32, #tpu.memory_space<vmem>> -> memref<1x128xi32, #tpu.memory_space<vmem>>
          %dma_start3A_399 = tpu.memref_squeeze %dma_start3A_398 : memref<1x128xi32, #tpu.memory_space<vmem>> -> memref<128xi32, #tpu.memory_space<vmem>>
          %dma_start3A_400 = arith.constant 0 : i32
          %dma_start3A_401 = arith.constant 0 : i32
          %dma_start3A_402 = tpu.memref_slice %arg14[%dma_start3A_400, %dma_start3A_401] : memref<10008x128xf32, #tpu.memory_space<vmem_shared>> -> memref<10008x128xf32, #tpu.memory_space<vmem_shared>>
          tpu.enqueue_indirect_dma source(%arg11 : memref<128x128xf32, #tpu.memory_space<vmem>>) target(%dma_start3A_402 : memref<10008x128xf32, #tpu.memory_space<vmem_shared>>) offsets(%dma_start3A_399 : memref<128xi32, #tpu.memory_space<vmem>>) semaphore(%run_scoped3A : memref<!tpu.dma_semaphore, #tpu.memory_space<semaphore_mem>>) {add = true}
          %dma_wait3A_403 = arith.constant 0 : i32
          %dma_wait3A_404 = tpu.memref_slice %arg9[%add3A_389, %dma_wait3A_403] : memref<32x128xi32, #tpu.memory_space<vmem>> -> memref<1x128xi32, #tpu.memory_space<vmem>>
          %dma_wait3A_405 = tpu.memref_squeeze %dma_wait3A_404 : memref<1x128xi32, #tpu.memory_space<vmem>> -> memref<128xi32, #tpu.memory_space<vmem>>
          %dma_wait3A_406 = arith.constant 0 : i32
          %dma_wait3A_407 = arith.constant 0 : i32
          %dma_wait3A_408 = tpu.memref_slice %arg14[%dma_wait3A_406, %dma_wait3A_407] : memref<10008x128xf32, #tpu.memory_space<vmem_shared>> -> memref<10008x128xf32, #tpu.memory_space<vmem_shared>>
          tpu.wait_indirect_dma semaphore(%run_scoped3A : memref<!tpu.dma_semaphore, #tpu.memory_space<semaphore_mem>>) src(%arg11 : memref<128x128xf32, #tpu.memory_space<vmem>>) dst(%dma_wait3A_408 : memref<10008x128xf32, #tpu.memory_space<vmem_shared>>)
          tpu.yield
        }) : () -> ()
        %add3A_390 = arith.constant 1 : i32
        %add3A_391 = arith.addi %add3A_46, %add3A_390 : i32
        %lt3A_392 = arith.constant 5 : i32
        %lt3A_393 = arith.cmpi slt, %add3A_391, %lt3A_392 : i32
        %convert_element_type3A_394 = arith.extui %lt3A_393 : i1 to i32
        %cond3A_395 = arith.constant 0 : i32
        %cond3A_396 = arith.cmpi ne, %convert_element_type3A_394, %cond3A_395 : i32
        scf.if %cond3A_396 {
          %mul3A_397 = arith.constant 16 : i32
          %mul3A_398 = arith.muli %sub3A_48, %mul3A_397 : i32
          %add3A_399 = arith.constant 15 : i32
          %add3A_400 = arith.addi %mul3A_398, %add3A_399 : i32
          %add3A_401 = arith.constant 2 : i32
          %add3A_402 = arith.addi %add3A_400, %add3A_401 : i32
          %sub3A_403 = arith.constant 16 : i32
          %sub3A_404 = arith.subi %add3A_402, %sub3A_403 : i32
          %dma_start3A_405 = arith.constant 0 : i32
          %dma_start3A_406 = tpu.memref_slice %arg8[%sub3A_404, %dma_start3A_405] : memref<32x128xi32, #tpu.memory_space<vmem>> -> memref<1x128xi32, #tpu.memory_space<vmem>>
          %dma_start3A_407 = tpu.memref_squeeze %dma_start3A_406 : memref<1x128xi32, #tpu.memory_space<vmem>> -> memref<128xi32, #tpu.memory_space<vmem>>
          %dma_start3A_408 = arith.constant 0 : i32
          %dma_start3A_409 = arith.constant 0 : i32
          %dma_start3A_410 = tpu.memref_slice %arg5[%dma_start3A_408, %dma_start3A_409] : memref<10000x128xf32, #tpu.memory_space<hbm>> -> memref<10000x128xf32, #tpu.memory_space<hbm>>
          tpu.enqueue_indirect_dma source(%dma_start3A_410 : memref<10000x128xf32, #tpu.memory_space<hbm>>) target(%arg11 : memref<128x128xf32, #tpu.memory_space<vmem>>) offsets(%dma_start3A_407 : memref<128xi32, #tpu.memory_space<vmem>>) semaphore(%arg13 : memref<!tpu.dma_semaphore, #tpu.memory_space<semaphore_mem>>)
        } else {
        }
      }
      %scan3A_32 = arith.constant 5 : i32
      %barrier3A_33 = arith.constant 0 : index
      tpu.barrier barrier_id(%barrier3A_33)
      %lt3A_34 = arith.constant 15 : i32
      %lt3A_35 = arith.cmpi slt, %arg1, %lt3A_34 : i32
      %convert_element_type3A_36 = arith.extui %lt3A_35 : i1 to i32
      %cond3A_37 = arith.constant 0 : i32
      %cond3A_38 = arith.cmpi ne, %convert_element_type3A_36, %cond3A_37 : i32
      scf.if %cond3A_38 {
        %mul3A = arith.constant 632 : i32
        %mul3A_44 = arith.muli %arg1, %mul3A : i32
        %mul3A_45 = arith.constant 632 : i32
        %mul3A_46 = arith.muli %arg1, %mul3A_45 : i32
        "tpu.region"() ({
          %run_scoped3A = tpu.sem_alloc : memref<!tpu.dma_semaphore, #tpu.memory_space<semaphore_mem>>
          %dma_start3A_47 = arith.constant 0 : i32
          %dma_start3A_48 = tpu.memref_slice %arg7[%mul3A_46, %dma_start3A_47] : memref<10000x128xf32, #tpu.memory_space<hbm>> -> memref<632x128xf32, #tpu.memory_space<hbm>>
          %dma_start3A_49 = arith.constant 0 : i32
          %dma_start3A_50 = tpu.memref_slice %arg14[%mul3A_44, %dma_start3A_49] : memref<10008x128xf32, #tpu.memory_space<vmem_shared>> -> memref<632x128xf32, #tpu.memory_space<vmem_shared>>
          tpu.enqueue_dma source(%dma_start3A_50 : memref<632x128xf32, #tpu.memory_space<vmem_shared>>) target(%dma_start3A_48 : memref<632x128xf32, #tpu.memory_space<hbm>>) target_semaphore(%run_scoped3A : memref<!tpu.dma_semaphore, #tpu.memory_space<semaphore_mem>>)
          %dma_wait3A = arith.constant 0 : i32
          %dma_wait3A_51 = tpu.memref_slice %arg7[%mul3A_46, %dma_wait3A] : memref<10000x128xf32, #tpu.memory_space<hbm>> -> memref<632x128xf32, #tpu.memory_space<hbm>>
          %dma_wait3A_52 = arith.constant 0 : i32
          %dma_wait3A_53 = tpu.memref_slice %arg14[%mul3A_44, %dma_wait3A_52] : memref<10008x128xf32, #tpu.memory_space<vmem_shared>> -> memref<632x128xf32, #tpu.memory_space<vmem_shared>>
          tpu.wait_dma2 semaphore(%run_scoped3A : memref<!tpu.dma_semaphore, #tpu.memory_space<semaphore_mem>>) src(%dma_wait3A_53 : memref<632x128xf32, #tpu.memory_space<vmem_shared>>) dst(%dma_wait3A_51 : memref<632x128xf32, #tpu.memory_space<hbm>>)
          tpu.yield
        }) : () -> ()
      } else {
      }
      %eq3A_39 = arith.constant 15 : i32
      %eq3A_40 = arith.cmpi eq, %arg1, %eq3A_39 : i32
      %convert_element_type3A_41 = arith.extui %eq3A_40 : i1 to i32
      %cond3A_42 = arith.constant 0 : i32
      %cond3A_43 = arith.cmpi ne, %convert_element_type3A_41, %cond3A_42 : i32
      scf.if %cond3A_43 {
        "tpu.region"() ({
          %run_scoped3A = tpu.sem_alloc : memref<!tpu.dma_semaphore, #tpu.memory_space<semaphore_mem>>
          %dma_start3A_44 = arith.constant 9480 : i32
          %dma_start3A_45 = arith.constant 0 : i32
          %dma_start3A_46 = tpu.memref_slice %arg7[%dma_start3A_44, %dma_start3A_45] : memref<10000x128xf32, #tpu.memory_space<hbm>> -> memref<520x128xf32, #tpu.memory_space<hbm>>
          %dma_start3A_47 = arith.constant 9480 : i32
          %dma_start3A_48 = arith.constant 0 : i32
          %dma_start3A_49 = tpu.memref_slice %arg14[%dma_start3A_47, %dma_start3A_48] : memref<10008x128xf32, #tpu.memory_space<vmem_shared>> -> memref<520x128xf32, #tpu.memory_space<vmem_shared>>
          tpu.enqueue_dma source(%dma_start3A_49 : memref<520x128xf32, #tpu.memory_space<vmem_shared>>) target(%dma_start3A_46 : memref<520x128xf32, #tpu.memory_space<hbm>>) target_semaphore(%run_scoped3A : memref<!tpu.dma_semaphore, #tpu.memory_space<semaphore_mem>>)
          %dma_wait3A = arith.constant 9480 : i32
          %dma_wait3A_50 = arith.constant 0 : i32
          %dma_wait3A_51 = tpu.memref_slice %arg7[%dma_wait3A, %dma_wait3A_50] : memref<10000x128xf32, #tpu.memory_space<hbm>> -> memref<520x128xf32, #tpu.memory_space<hbm>>
          %dma_wait3A_52 = arith.constant 9480 : i32
          %dma_wait3A_53 = arith.constant 0 : i32
          %dma_wait3A_54 = tpu.memref_slice %arg14[%dma_wait3A_52, %dma_wait3A_53] : memref<10008x128xf32, #tpu.memory_space<vmem_shared>> -> memref<520x128xf32, #tpu.memory_space<vmem_shared>>
          tpu.wait_dma2 semaphore(%run_scoped3A : memref<!tpu.dma_semaphore, #tpu.memory_space<semaphore_mem>>) src(%dma_wait3A_54 : memref<520x128xf32, #tpu.memory_space<vmem_shared>>) dst(%dma_wait3A_51 : memref<520x128xf32, #tpu.memory_space<hbm>>)
          tpu.yield
        }) : () -> ()
      } else {
      }
    } else {
    }
    return
  }
}

#map = affine_map<(d0, d1) -> (0, 0, 0)>
#map1 = affine_map<(d0, d1) -> (0, 0)>
module attributes {stable_mosaic.version = 14 : i64} {
  func.func @_deg_body(%arg0: i32, %arg1: i32, %arg2: memref<16x80x128xi32, #tpu.memory_space<hbm>>, %arg3: memref<128x128xf32, #tpu.memory_space<hbm>>, %arg4: memref<632x128xf32, #tpu.memory_space<hbm>>, %arg5: memref<10000x128xf32, #tpu.memory_space<hbm>>, %arg6: memref<10000x128xf32, #tpu.memory_space<hbm>>, %arg7: memref<40x128xi32, #tpu.memory_space<vmem>>, %arg8: memref<128x128xf32, #tpu.memory_space<vmem>>, %arg9: memref<10008x128xf32, #tpu.memory_space<vmem_shared>>) attributes {dimension_semantics = [#tpu.dimension_semantics<core_parallel>, #tpu.dimension_semantics<subcore_parallel>], iteration_bounds = array<i64: 2, 16>, scalar_prefetch = 0 : i64, scratch_operands = 3 : i64, tpu.core_type = #tpu.core_type<sc_vector_subcore>, window_params = [{transform_indices = #map}, {transform_indices = #map1}, {transform_indices = #map1}, {transform_indices = #map1}, {transform_indices = #map1}]} {
    %lt3A = arith.constant 15 : i32
    %lt3A_0 = arith.cmpi slt, %arg1, %lt3A : i32
    %convert_element_type3A = arith.extui %lt3A_0 : i1 to i32
    %cond3A = arith.constant 0 : i32
    %cond3A_1 = arith.cmpi ne, %convert_element_type3A, %cond3A : i32
    scf.if %cond3A_1 {
      %mul3A_22 = arith.constant 632 : i32
      %mul3A_23 = arith.muli %arg1, %mul3A_22 : i32
      "tpu.region"() ({
        %run_scoped3A = tpu.sem_alloc : memref<!tpu.dma_semaphore, #tpu.memory_space<semaphore_mem>>
        %dma_start3A = arith.constant 0 : i32
        %dma_start3A_24 = tpu.memref_slice %arg9[%mul3A_23, %dma_start3A] : memref<10008x128xf32, #tpu.memory_space<vmem_shared>> -> memref<632x128xf32, #tpu.memory_space<vmem_shared>>
        tpu.enqueue_dma source(%arg4 : memref<632x128xf32, #tpu.memory_space<hbm>>) target(%dma_start3A_24 : memref<632x128xf32, #tpu.memory_space<vmem_shared>>) target_semaphore(%run_scoped3A : memref<!tpu.dma_semaphore, #tpu.memory_space<semaphore_mem>>)
        %dma_wait3A = arith.constant 0 : i32
        %dma_wait3A_25 = tpu.memref_slice %arg9[%mul3A_23, %dma_wait3A] : memref<10008x128xf32, #tpu.memory_space<vmem_shared>> -> memref<632x128xf32, #tpu.memory_space<vmem_shared>>
        tpu.wait_dma2 semaphore(%run_scoped3A : memref<!tpu.dma_semaphore, #tpu.memory_space<semaphore_mem>>) src(%arg4 : memref<632x128xf32, #tpu.memory_space<hbm>>) dst(%dma_wait3A_25 : memref<632x128xf32, #tpu.memory_space<vmem_shared>>)
        tpu.yield
      }) : () -> ()
    } else {
    }
    %eq3A = arith.constant 15 : i32
    %eq3A_2 = arith.cmpi eq, %arg1, %eq3A : i32
    %convert_element_type3A_3 = arith.extui %eq3A_2 : i1 to i32
    %cond3A_4 = arith.constant 0 : i32
    %cond3A_5 = arith.cmpi ne, %convert_element_type3A_3, %cond3A_4 : i32
    scf.if %cond3A_5 {
      "tpu.region"() ({
        %run_scoped3A = tpu.sem_alloc : memref<!tpu.dma_semaphore, #tpu.memory_space<semaphore_mem>>
        %dma_start3A = arith.constant 9480 : i32
        %dma_start3A_22 = arith.constant 0 : i32
        %dma_start3A_23 = tpu.memref_slice %arg9[%dma_start3A, %dma_start3A_22] : memref<10008x128xf32, #tpu.memory_space<vmem_shared>> -> memref<520x128xf32, #tpu.memory_space<vmem_shared>>
        %dma_start3A_24 = arith.constant 0 : i32
        %dma_start3A_25 = arith.constant 0 : i32
        %dma_start3A_26 = tpu.memref_slice %arg4[%dma_start3A_24, %dma_start3A_25] : memref<632x128xf32, #tpu.memory_space<hbm>> -> memref<520x128xf32, #tpu.memory_space<hbm>>
        tpu.enqueue_dma source(%dma_start3A_26 : memref<520x128xf32, #tpu.memory_space<hbm>>) target(%dma_start3A_23 : memref<520x128xf32, #tpu.memory_space<vmem_shared>>) target_semaphore(%run_scoped3A : memref<!tpu.dma_semaphore, #tpu.memory_space<semaphore_mem>>)
        %dma_wait3A = arith.constant 9480 : i32
        %dma_wait3A_27 = arith.constant 0 : i32
        %dma_wait3A_28 = tpu.memref_slice %arg9[%dma_wait3A, %dma_wait3A_27] : memref<10008x128xf32, #tpu.memory_space<vmem_shared>> -> memref<520x128xf32, #tpu.memory_space<vmem_shared>>
        %dma_wait3A_29 = arith.constant 0 : i32
        %dma_wait3A_30 = arith.constant 0 : i32
        %dma_wait3A_31 = tpu.memref_slice %arg4[%dma_wait3A_29, %dma_wait3A_30] : memref<632x128xf32, #tpu.memory_space<hbm>> -> memref<520x128xf32, #tpu.memory_space<hbm>>
        tpu.wait_dma2 semaphore(%run_scoped3A : memref<!tpu.dma_semaphore, #tpu.memory_space<semaphore_mem>>) src(%dma_wait3A_31 : memref<520x128xf32, #tpu.memory_space<hbm>>) dst(%dma_wait3A_28 : memref<520x128xf32, #tpu.memory_space<vmem_shared>>)
        tpu.yield
      }) : () -> ()
    } else {
    }
    "tpu.region"() ({
      %run_scoped3A = tpu.sem_alloc : memref<!tpu.dma_semaphore, #tpu.memory_space<semaphore_mem>>
      tpu.enqueue_dma source(%arg3 : memref<128x128xf32, #tpu.memory_space<hbm>>) target(%arg8 : memref<128x128xf32, #tpu.memory_space<vmem>>) target_semaphore(%run_scoped3A : memref<!tpu.dma_semaphore, #tpu.memory_space<semaphore_mem>>)
      tpu.wait_dma2 semaphore(%run_scoped3A : memref<!tpu.dma_semaphore, #tpu.memory_space<semaphore_mem>>) src(%arg3 : memref<128x128xf32, #tpu.memory_space<hbm>>) dst(%arg8 : memref<128x128xf32, #tpu.memory_space<vmem>>)
      tpu.yield
    }) : () -> ()
    %mul3A = arith.constant 40 : i32
    %mul3A_6 = arith.muli %arg0, %mul3A : i32
    "tpu.region"() ({
      %run_scoped3A = tpu.sem_alloc : memref<!tpu.dma_semaphore, #tpu.memory_space<semaphore_mem>>
      %dma_start3A = arith.constant 0 : i32
      %dma_start3A_22 = tpu.memref_slice %arg2[%arg1, %mul3A_6, %dma_start3A] : memref<16x80x128xi32, #tpu.memory_space<hbm>> -> memref<1x40x128xi32, #tpu.memory_space<hbm>>
      %dma_start3A_23 = tpu.memref_squeeze %dma_start3A_22 : memref<1x40x128xi32, #tpu.memory_space<hbm>> -> memref<40x128xi32, #tpu.memory_space<hbm>>
      %dma_start3A_24 = arith.constant 0 : i32
      %dma_start3A_25 = tpu.memref_slice %arg2[%arg1, %mul3A_6, %dma_start3A_24] : memref<16x80x128xi32, #tpu.memory_space<hbm>> -> memref<1x40x128xi32, #tpu.memory_space<hbm>>
      %dma_start3A_26 = tpu.memref_squeeze %dma_start3A_25 : memref<1x40x128xi32, #tpu.memory_space<hbm>> -> memref<40x128xi32, #tpu.memory_space<hbm>>
      tpu.enqueue_dma source(%dma_start3A_26 : memref<40x128xi32, #tpu.memory_space<hbm>>) target(%arg7 : memref<40x128xi32, #tpu.memory_space<vmem>>) target_semaphore(%run_scoped3A : memref<!tpu.dma_semaphore, #tpu.memory_space<semaphore_mem>>)
      %dma_wait3A = arith.constant 0 : i32
      %dma_wait3A_27 = tpu.memref_slice %arg2[%arg1, %mul3A_6, %dma_wait3A] : memref<16x80x128xi32, #tpu.memory_space<hbm>> -> memref<1x40x128xi32, #tpu.memory_space<hbm>>
      %dma_wait3A_28 = tpu.memref_squeeze %dma_wait3A_27 : memref<1x40x128xi32, #tpu.memory_space<hbm>> -> memref<40x128xi32, #tpu.memory_space<hbm>>
      %dma_wait3A_29 = arith.constant 0 : i32
      %dma_wait3A_30 = tpu.memref_slice %arg2[%arg1, %mul3A_6, %dma_wait3A_29] : memref<16x80x128xi32, #tpu.memory_space<hbm>> -> memref<1x40x128xi32, #tpu.memory_space<hbm>>
      %dma_wait3A_31 = tpu.memref_squeeze %dma_wait3A_30 : memref<1x40x128xi32, #tpu.memory_space<hbm>> -> memref<40x128xi32, #tpu.memory_space<hbm>>
      tpu.wait_dma2 semaphore(%run_scoped3A : memref<!tpu.dma_semaphore, #tpu.memory_space<semaphore_mem>>) src(%dma_wait3A_31 : memref<40x128xi32, #tpu.memory_space<hbm>>) dst(%arg7 : memref<40x128xi32, #tpu.memory_space<vmem>>)
      tpu.yield
    }) : () -> ()
    %barrier3A = arith.constant 0 : index
    tpu.barrier barrier_id(%barrier3A)
    %scan3A = arith.constant 0 : i32
    %scan3A_7 = arith.constant 40 : i32
    %scan3A_8 = arith.addi %scan3A, %scan3A_7 : i32
    %scan3A_9 = arith.constant 1 : i32
    scf.for %scan3A_22 = %scan3A to %scan3A_8 step %scan3A_9  : i32 {
      %mul3A_23 = arith.constant 1 : i32
      %mul3A_24 = arith.muli %scan3A_22, %mul3A_23 : i32
      %add3A = arith.constant 0 : i32
      %add3A_25 = arith.addi %add3A, %mul3A_24 : i32
      "tpu.region"() ({
        %run_scoped3A = tpu.sem_alloc : memref<!tpu.dma_semaphore, #tpu.memory_space<semaphore_mem>>
        %dma_start3A = arith.constant 0 : i32
        %dma_start3A_26 = tpu.memref_slice %arg7[%add3A_25, %dma_start3A] : memref<40x128xi32, #tpu.memory_space<vmem>> -> memref<1x128xi32, #tpu.memory_space<vmem>>
        %dma_start3A_27 = tpu.memref_squeeze %dma_start3A_26 : memref<1x128xi32, #tpu.memory_space<vmem>> -> memref<128xi32, #tpu.memory_space<vmem>>
        %dma_start3A_28 = arith.constant 0 : i32
        %dma_start3A_29 = arith.constant 0 : i32
        %dma_start3A_30 = tpu.memref_slice %arg9[%dma_start3A_28, %dma_start3A_29] : memref<10008x128xf32, #tpu.memory_space<vmem_shared>> -> memref<10008x128xf32, #tpu.memory_space<vmem_shared>>
        tpu.enqueue_indirect_dma source(%arg8 : memref<128x128xf32, #tpu.memory_space<vmem>>) target(%dma_start3A_30 : memref<10008x128xf32, #tpu.memory_space<vmem_shared>>) offsets(%dma_start3A_27 : memref<128xi32, #tpu.memory_space<vmem>>) semaphore(%run_scoped3A : memref<!tpu.dma_semaphore, #tpu.memory_space<semaphore_mem>>) {add = true}
        %dma_wait3A = arith.constant 0 : i32
        %dma_wait3A_31 = tpu.memref_slice %arg7[%add3A_25, %dma_wait3A] : memref<40x128xi32, #tpu.memory_space<vmem>> -> memref<1x128xi32, #tpu.memory_space<vmem>>
        %dma_wait3A_32 = tpu.memref_squeeze %dma_wait3A_31 : memref<1x128xi32, #tpu.memory_space<vmem>> -> memref<128xi32, #tpu.memory_space<vmem>>
        %dma_wait3A_33 = arith.constant 0 : i32
        %dma_wait3A_34 = arith.constant 0 : i32
        %dma_wait3A_35 = tpu.memref_slice %arg9[%dma_wait3A_33, %dma_wait3A_34] : memref<10008x128xf32, #tpu.memory_space<vmem_shared>> -> memref<10008x128xf32, #tpu.memory_space<vmem_shared>>
        tpu.wait_indirect_dma semaphore(%run_scoped3A : memref<!tpu.dma_semaphore, #tpu.memory_space<semaphore_mem>>) src(%arg8 : memref<128x128xf32, #tpu.memory_space<vmem>>) dst(%dma_wait3A_35 : memref<10008x128xf32, #tpu.memory_space<vmem_shared>>)
        tpu.yield
      }) : () -> ()
    }
    %scan3A_10 = arith.constant 40 : i32
    %barrier3A_11 = arith.constant 0 : index
    tpu.barrier barrier_id(%barrier3A_11)
    %eq3A_12 = arith.constant 0 : i32
    %eq3A_13 = arith.cmpi eq, %arg0, %eq3A_12 : i32
    %convert_element_type3A_14 = arith.extui %eq3A_13 : i1 to i32
    %cond3A_15 = arith.constant 0 : i32
    %cond3A_16 = arith.cmpi ne, %convert_element_type3A_14, %cond3A_15 : i32
    scf.if %cond3A_16 {
      %lt3A_22 = arith.constant 15 : i32
      %lt3A_23 = arith.cmpi slt, %arg1, %lt3A_22 : i32
      %convert_element_type3A_24 = arith.extui %lt3A_23 : i1 to i32
      %cond3A_25 = arith.constant 0 : i32
      %cond3A_26 = arith.cmpi ne, %convert_element_type3A_24, %cond3A_25 : i32
      scf.if %cond3A_26 {
        %mul3A_32 = arith.constant 632 : i32
        %mul3A_33 = arith.muli %arg1, %mul3A_32 : i32
        %mul3A_34 = arith.constant 632 : i32
        %mul3A_35 = arith.muli %arg1, %mul3A_34 : i32
        "tpu.region"() ({
          %run_scoped3A = tpu.sem_alloc : memref<!tpu.dma_semaphore, #tpu.memory_space<semaphore_mem>>
          %dma_start3A = arith.constant 0 : i32
          %dma_start3A_36 = tpu.memref_slice %arg5[%mul3A_35, %dma_start3A] : memref<10000x128xf32, #tpu.memory_space<hbm>> -> memref<632x128xf32, #tpu.memory_space<hbm>>
          %dma_start3A_37 = arith.constant 0 : i32
          %dma_start3A_38 = tpu.memref_slice %arg9[%mul3A_33, %dma_start3A_37] : memref<10008x128xf32, #tpu.memory_space<vmem_shared>> -> memref<632x128xf32, #tpu.memory_space<vmem_shared>>
          tpu.enqueue_dma source(%dma_start3A_38 : memref<632x128xf32, #tpu.memory_space<vmem_shared>>) target(%dma_start3A_36 : memref<632x128xf32, #tpu.memory_space<hbm>>) target_semaphore(%run_scoped3A : memref<!tpu.dma_semaphore, #tpu.memory_space<semaphore_mem>>)
          %dma_wait3A = arith.constant 0 : i32
          %dma_wait3A_39 = tpu.memref_slice %arg5[%mul3A_35, %dma_wait3A] : memref<10000x128xf32, #tpu.memory_space<hbm>> -> memref<632x128xf32, #tpu.memory_space<hbm>>
          %dma_wait3A_40 = arith.constant 0 : i32
          %dma_wait3A_41 = tpu.memref_slice %arg9[%mul3A_33, %dma_wait3A_40] : memref<10008x128xf32, #tpu.memory_space<vmem_shared>> -> memref<632x128xf32, #tpu.memory_space<vmem_shared>>
          tpu.wait_dma2 semaphore(%run_scoped3A : memref<!tpu.dma_semaphore, #tpu.memory_space<semaphore_mem>>) src(%dma_wait3A_41 : memref<632x128xf32, #tpu.memory_space<vmem_shared>>) dst(%dma_wait3A_39 : memref<632x128xf32, #tpu.memory_space<hbm>>)
          tpu.yield
        }) : () -> ()
      } else {
      }
      %eq3A_27 = arith.constant 15 : i32
      %eq3A_28 = arith.cmpi eq, %arg1, %eq3A_27 : i32
      %convert_element_type3A_29 = arith.extui %eq3A_28 : i1 to i32
      %cond3A_30 = arith.constant 0 : i32
      %cond3A_31 = arith.cmpi ne, %convert_element_type3A_29, %cond3A_30 : i32
      scf.if %cond3A_31 {
        "tpu.region"() ({
          %run_scoped3A = tpu.sem_alloc : memref<!tpu.dma_semaphore, #tpu.memory_space<semaphore_mem>>
          %dma_start3A = arith.constant 9480 : i32
          %dma_start3A_32 = arith.constant 0 : i32
          %dma_start3A_33 = tpu.memref_slice %arg5[%dma_start3A, %dma_start3A_32] : memref<10000x128xf32, #tpu.memory_space<hbm>> -> memref<520x128xf32, #tpu.memory_space<hbm>>
          %dma_start3A_34 = arith.constant 9480 : i32
          %dma_start3A_35 = arith.constant 0 : i32
          %dma_start3A_36 = tpu.memref_slice %arg9[%dma_start3A_34, %dma_start3A_35] : memref<10008x128xf32, #tpu.memory_space<vmem_shared>> -> memref<520x128xf32, #tpu.memory_space<vmem_shared>>
          tpu.enqueue_dma source(%dma_start3A_36 : memref<520x128xf32, #tpu.memory_space<vmem_shared>>) target(%dma_start3A_33 : memref<520x128xf32, #tpu.memory_space<hbm>>) target_semaphore(%run_scoped3A : memref<!tpu.dma_semaphore, #tpu.memory_space<semaphore_mem>>)
          %dma_wait3A = arith.constant 9480 : i32
          %dma_wait3A_37 = arith.constant 0 : i32
          %dma_wait3A_38 = tpu.memref_slice %arg5[%dma_wait3A, %dma_wait3A_37] : memref<10000x128xf32, #tpu.memory_space<hbm>> -> memref<520x128xf32, #tpu.memory_space<hbm>>
          %dma_wait3A_39 = arith.constant 9480 : i32
          %dma_wait3A_40 = arith.constant 0 : i32
          %dma_wait3A_41 = tpu.memref_slice %arg9[%dma_wait3A_39, %dma_wait3A_40] : memref<10008x128xf32, #tpu.memory_space<vmem_shared>> -> memref<520x128xf32, #tpu.memory_space<vmem_shared>>
          tpu.wait_dma2 semaphore(%run_scoped3A : memref<!tpu.dma_semaphore, #tpu.memory_space<semaphore_mem>>) src(%dma_wait3A_41 : memref<520x128xf32, #tpu.memory_space<vmem_shared>>) dst(%dma_wait3A_38 : memref<520x128xf32, #tpu.memory_space<hbm>>)
          tpu.yield
        }) : () -> ()
      } else {
      }
    } else {
    }
    %eq3A_17 = arith.constant 1 : i32
    %eq3A_18 = arith.cmpi eq, %arg0, %eq3A_17 : i32
    %convert_element_type3A_19 = arith.extui %eq3A_18 : i1 to i32
    %cond3A_20 = arith.constant 0 : i32
    %cond3A_21 = arith.cmpi ne, %convert_element_type3A_19, %cond3A_20 : i32
    scf.if %cond3A_21 {
      %lt3A_22 = arith.constant 15 : i32
      %lt3A_23 = arith.cmpi slt, %arg1, %lt3A_22 : i32
      %convert_element_type3A_24 = arith.extui %lt3A_23 : i1 to i32
      %cond3A_25 = arith.constant 0 : i32
      %cond3A_26 = arith.cmpi ne, %convert_element_type3A_24, %cond3A_25 : i32
      scf.if %cond3A_26 {
        %mul3A_32 = arith.constant 632 : i32
        %mul3A_33 = arith.muli %arg1, %mul3A_32 : i32
        %mul3A_34 = arith.constant 632 : i32
        %mul3A_35 = arith.muli %arg1, %mul3A_34 : i32
        "tpu.region"() ({
          %run_scoped3A = tpu.sem_alloc : memref<!tpu.dma_semaphore, #tpu.memory_space<semaphore_mem>>
          %dma_start3A = arith.constant 0 : i32
          %dma_start3A_36 = tpu.memref_slice %arg6[%mul3A_35, %dma_start3A] : memref<10000x128xf32, #tpu.memory_space<hbm>> -> memref<632x128xf32, #tpu.memory_space<hbm>>
          %dma_start3A_37 = arith.constant 0 : i32
          %dma_start3A_38 = tpu.memref_slice %arg9[%mul3A_33, %dma_start3A_37] : memref<10008x128xf32, #tpu.memory_space<vmem_shared>> -> memref<632x128xf32, #tpu.memory_space<vmem_shared>>
          tpu.enqueue_dma source(%dma_start3A_38 : memref<632x128xf32, #tpu.memory_space<vmem_shared>>) target(%dma_start3A_36 : memref<632x128xf32, #tpu.memory_space<hbm>>) target_semaphore(%run_scoped3A : memref<!tpu.dma_semaphore, #tpu.memory_space<semaphore_mem>>)
          %dma_wait3A = arith.constant 0 : i32
          %dma_wait3A_39 = tpu.memref_slice %arg6[%mul3A_35, %dma_wait3A] : memref<10000x128xf32, #tpu.memory_space<hbm>> -> memref<632x128xf32, #tpu.memory_space<hbm>>
          %dma_wait3A_40 = arith.constant 0 : i32
          %dma_wait3A_41 = tpu.memref_slice %arg9[%mul3A_33, %dma_wait3A_40] : memref<10008x128xf32, #tpu.memory_space<vmem_shared>> -> memref<632x128xf32, #tpu.memory_space<vmem_shared>>
          tpu.wait_dma2 semaphore(%run_scoped3A : memref<!tpu.dma_semaphore, #tpu.memory_space<semaphore_mem>>) src(%dma_wait3A_41 : memref<632x128xf32, #tpu.memory_space<vmem_shared>>) dst(%dma_wait3A_39 : memref<632x128xf32, #tpu.memory_space<hbm>>)
          tpu.yield
        }) : () -> ()
      } else {
      }
      %eq3A_27 = arith.constant 15 : i32
      %eq3A_28 = arith.cmpi eq, %arg1, %eq3A_27 : i32
      %convert_element_type3A_29 = arith.extui %eq3A_28 : i1 to i32
      %cond3A_30 = arith.constant 0 : i32
      %cond3A_31 = arith.cmpi ne, %convert_element_type3A_29, %cond3A_30 : i32
      scf.if %cond3A_31 {
        "tpu.region"() ({
          %run_scoped3A = tpu.sem_alloc : memref<!tpu.dma_semaphore, #tpu.memory_space<semaphore_mem>>
          %dma_start3A = arith.constant 9480 : i32
          %dma_start3A_32 = arith.constant 0 : i32
          %dma_start3A_33 = tpu.memref_slice %arg6[%dma_start3A, %dma_start3A_32] : memref<10000x128xf32, #tpu.memory_space<hbm>> -> memref<520x128xf32, #tpu.memory_space<hbm>>
          %dma_start3A_34 = arith.constant 9480 : i32
          %dma_start3A_35 = arith.constant 0 : i32
          %dma_start3A_36 = tpu.memref_slice %arg9[%dma_start3A_34, %dma_start3A_35] : memref<10008x128xf32, #tpu.memory_space<vmem_shared>> -> memref<520x128xf32, #tpu.memory_space<vmem_shared>>
          tpu.enqueue_dma source(%dma_start3A_36 : memref<520x128xf32, #tpu.memory_space<vmem_shared>>) target(%dma_start3A_33 : memref<520x128xf32, #tpu.memory_space<hbm>>) target_semaphore(%run_scoped3A : memref<!tpu.dma_semaphore, #tpu.memory_space<semaphore_mem>>)
          %dma_wait3A = arith.constant 9480 : i32
          %dma_wait3A_37 = arith.constant 0 : i32
          %dma_wait3A_38 = tpu.memref_slice %arg6[%dma_wait3A, %dma_wait3A_37] : memref<10000x128xf32, #tpu.memory_space<hbm>> -> memref<520x128xf32, #tpu.memory_space<hbm>>
          %dma_wait3A_39 = arith.constant 9480 : i32
          %dma_wait3A_40 = arith.constant 0 : i32
          %dma_wait3A_41 = tpu.memref_slice %arg9[%dma_wait3A_39, %dma_wait3A_40] : memref<10008x128xf32, #tpu.memory_space<vmem_shared>> -> memref<520x128xf32, #tpu.memory_space<vmem_shared>>
          tpu.wait_dma2 semaphore(%run_scoped3A : memref<!tpu.dma_semaphore, #tpu.memory_space<semaphore_mem>>) src(%dma_wait3A_41 : memref<520x128xf32, #tpu.memory_space<vmem_shared>>) dst(%dma_wait3A_38 : memref<520x128xf32, #tpu.memory_space<hbm>>)
          tpu.yield
        }) : () -> ()
      } else {
      }
    } else {
    }
    return
  }
}

#map = affine_map<(d0, d1) -> (0, 0, 0)>
#map1 = affine_map<(d0, d1) -> (0, 0)>
module attributes {stable_mosaic.version = 14 : i64} {
  func.func @_agg_body(%arg0: i32, %arg1: i32, %arg2: memref<16x80x128xi32, #tpu.memory_space<hbm>>, %arg3: memref<16x80x128xi32, #tpu.memory_space<hbm>>, %arg4: memref<10000x128xf32, #tpu.memory_space<hbm>>, %arg5: memref<10000x128xf32, #tpu.memory_space<hbm>>, %arg6: memref<10000x128xf32, #tpu.memory_space<hbm>>, %arg7: memref<10000x128xf32, #tpu.memory_space<hbm>>, %arg8: memref<32x128xi32, #tpu.memory_space<vmem>>, %arg9: memref<32x128xi32, #tpu.memory_space<vmem>>, %arg10: memref<128x128xf32, #tpu.memory_space<vmem>>, %arg11: memref<128x128xf32, #tpu.memory_space<vmem>>, %arg12: memref<!tpu.dma_semaphore, #tpu.memory_space<semaphore_mem>>, %arg13: memref<!tpu.dma_semaphore, #tpu.memory_space<semaphore_mem>>, %arg14: memref<10008x128xf32, #tpu.memory_space<vmem_shared>>) attributes {dimension_semantics = [#tpu.dimension_semantics<core_parallel>, #tpu.dimension_semantics<subcore_parallel>], iteration_bounds = array<i64: 2, 16>, scalar_prefetch = 0 : i64, scratch_operands = 7 : i64, tpu.core_type = #tpu.core_type<sc_vector_subcore>, window_params = [{transform_indices = #map}, {transform_indices = #map}, {transform_indices = #map1}, {transform_indices = #map1}, {transform_indices = #map1}, {transform_indices = #map1}]} {
    %eq3A = arith.constant 0 : i32
    %eq3A_0 = arith.cmpi eq, %arg0, %eq3A : i32
    %convert_element_type3A = arith.extui %eq3A_0 : i1 to i32
    %cond3A = arith.constant 0 : i32
    %cond3A_1 = arith.cmpi ne, %convert_element_type3A, %cond3A : i32
    scf.if %cond3A_1 {
      %lt3A = arith.constant 15 : i32
      %lt3A_7 = arith.cmpi slt, %arg1, %lt3A : i32
      %convert_element_type3A_8 = arith.extui %lt3A_7 : i1 to i32
      %cond3A_9 = arith.constant 0 : i32
      %cond3A_10 = arith.cmpi ne, %convert_element_type3A_8, %cond3A_9 : i32
      scf.if %cond3A_10 {
        %mul3A = arith.constant 632 : i32
        %mul3A_44 = arith.muli %arg1, %mul3A : i32
        %mul3A_45 = arith.constant 632 : i32
        %mul3A_46 = arith.muli %arg1, %mul3A_45 : i32
        "tpu.region"() ({
          %run_scoped3A = tpu.sem_alloc : memref<!tpu.dma_semaphore, #tpu.memory_space<semaphore_mem>>
          %dma_start3A_47 = arith.constant 0 : i32
          %dma_start3A_48 = tpu.memref_slice %arg14[%mul3A_46, %dma_start3A_47] : memref<10008x128xf32, #tpu.memory_space<vmem_shared>> -> memref<632x128xf32, #tpu.memory_space<vmem_shared>>
          %dma_start3A_49 = arith.constant 0 : i32
          %dma_start3A_50 = tpu.memref_slice %arg4[%mul3A_44, %dma_start3A_49] : memref<10000x128xf32, #tpu.memory_space<hbm>> -> memref<632x128xf32, #tpu.memory_space<hbm>>
          tpu.enqueue_dma source(%dma_start3A_50 : memref<632x128xf32, #tpu.memory_space<hbm>>) target(%dma_start3A_48 : memref<632x128xf32, #tpu.memory_space<vmem_shared>>) target_semaphore(%run_scoped3A : memref<!tpu.dma_semaphore, #tpu.memory_space<semaphore_mem>>)
          %dma_wait3A = arith.constant 0 : i32
          %dma_wait3A_51 = tpu.memref_slice %arg14[%mul3A_46, %dma_wait3A] : memref<10008x128xf32, #tpu.memory_space<vmem_shared>> -> memref<632x128xf32, #tpu.memory_space<vmem_shared>>
          %dma_wait3A_52 = arith.constant 0 : i32
          %dma_wait3A_53 = tpu.memref_slice %arg4[%mul3A_44, %dma_wait3A_52] : memref<10000x128xf32, #tpu.memory_space<hbm>> -> memref<632x128xf32, #tpu.memory_space<hbm>>
          tpu.wait_dma2 semaphore(%run_scoped3A : memref<!tpu.dma_semaphore, #tpu.memory_space<semaphore_mem>>) src(%dma_wait3A_53 : memref<632x128xf32, #tpu.memory_space<hbm>>) dst(%dma_wait3A_51 : memref<632x128xf32, #tpu.memory_space<vmem_shared>>)
          tpu.yield
        }) : () -> ()
      } else {
      }
      %eq3A_11 = arith.constant 15 : i32
      %eq3A_12 = arith.cmpi eq, %arg1, %eq3A_11 : i32
      %convert_element_type3A_13 = arith.extui %eq3A_12 : i1 to i32
      %cond3A_14 = arith.constant 0 : i32
      %cond3A_15 = arith.cmpi ne, %convert_element_type3A_13, %cond3A_14 : i32
      scf.if %cond3A_15 {
        "tpu.region"() ({
          %run_scoped3A = tpu.sem_alloc : memref<!tpu.dma_semaphore, #tpu.memory_space<semaphore_mem>>
          %dma_start3A_44 = arith.constant 9480 : i32
          %dma_start3A_45 = arith.constant 0 : i32
          %dma_start3A_46 = tpu.memref_slice %arg14[%dma_start3A_44, %dma_start3A_45] : memref<10008x128xf32, #tpu.memory_space<vmem_shared>> -> memref<520x128xf32, #tpu.memory_space<vmem_shared>>
          %dma_start3A_47 = arith.constant 9480 : i32
          %dma_start3A_48 = arith.constant 0 : i32
          %dma_start3A_49 = tpu.memref_slice %arg4[%dma_start3A_47, %dma_start3A_48] : memref<10000x128xf32, #tpu.memory_space<hbm>> -> memref<520x128xf32, #tpu.memory_space<hbm>>
          tpu.enqueue_dma source(%dma_start3A_49 : memref<520x128xf32, #tpu.memory_space<hbm>>) target(%dma_start3A_46 : memref<520x128xf32, #tpu.memory_space<vmem_shared>>) target_semaphore(%run_scoped3A : memref<!tpu.dma_semaphore, #tpu.memory_space<semaphore_mem>>)
          %dma_wait3A = arith.constant 9480 : i32
          %dma_wait3A_50 = arith.constant 0 : i32
          %dma_wait3A_51 = tpu.memref_slice %arg14[%dma_wait3A, %dma_wait3A_50] : memref<10008x128xf32, #tpu.memory_space<vmem_shared>> -> memref<520x128xf32, #tpu.memory_space<vmem_shared>>
          %dma_wait3A_52 = arith.constant 9480 : i32
          %dma_wait3A_53 = arith.constant 0 : i32
          %dma_wait3A_54 = tpu.memref_slice %arg4[%dma_wait3A_52, %dma_wait3A_53] : memref<10000x128xf32, #tpu.memory_space<hbm>> -> memref<520x128xf32, #tpu.memory_space<hbm>>
          tpu.wait_dma2 semaphore(%run_scoped3A : memref<!tpu.dma_semaphore, #tpu.memory_space<semaphore_mem>>) src(%dma_wait3A_54 : memref<520x128xf32, #tpu.memory_space<hbm>>) dst(%dma_wait3A_51 : memref<520x128xf32, #tpu.memory_space<vmem_shared>>)
          tpu.yield
        }) : () -> ()
      } else {
      }
      %barrier3A = arith.constant 0 : index
      tpu.barrier barrier_id(%barrier3A)
      "tpu.region"() ({
        %run_scoped3A = tpu.sem_alloc : memref<!tpu.dma_semaphore, #tpu.memory_space<semaphore_mem>>
        %dma_start3A_44 = arith.constant 0 : i32
        %dma_start3A_45 = arith.constant 0 : i32
        %dma_start3A_46 = tpu.memref_slice %arg8[%dma_start3A_44, %dma_start3A_45] : memref<32x128xi32, #tpu.memory_space<vmem>> -> memref<16x128xi32, #tpu.memory_space<vmem>>
        %dma_start3A_47 = arith.constant 0 : i32
        %dma_start3A_48 = arith.constant 0 : i32
        %dma_start3A_49 = tpu.memref_slice %arg2[%arg1, %dma_start3A_47, %dma_start3A_48] : memref<16x80x128xi32, #tpu.memory_space<hbm>> -> memref<1x16x128xi32, #tpu.memory_space<hbm>>
        %dma_start3A_50 = tpu.memref_squeeze %dma_start3A_49 : memref<1x16x128xi32, #tpu.memory_space<hbm>> -> memref<16x128xi32, #tpu.memory_space<hbm>>
        %dma_start3A_51 = arith.constant 0 : i32
        %dma_start3A_52 = arith.constant 0 : i32
        %dma_start3A_53 = tpu.memref_slice %arg8[%dma_start3A_51, %dma_start3A_52] : memref<32x128xi32, #tpu.memory_space<vmem>> -> memref<16x128xi32, #tpu.memory_space<vmem>>
        %dma_start3A_54 = arith.constant 0 : i32
        %dma_start3A_55 = arith.constant 0 : i32
        %dma_start3A_56 = tpu.memref_slice %arg2[%arg1, %dma_start3A_54, %dma_start3A_55] : memref<16x80x128xi32, #tpu.memory_space<hbm>> -> memref<1x16x128xi32, #tpu.memory_space<hbm>>
        %dma_start3A_57 = tpu.memref_squeeze %dma_start3A_56 : memref<1x16x128xi32, #tpu.memory_space<hbm>> -> memref<16x128xi32, #tpu.memory_space<hbm>>
        tpu.enqueue_dma source(%dma_start3A_57 : memref<16x128xi32, #tpu.memory_space<hbm>>) target(%dma_start3A_53 : memref<16x128xi32, #tpu.memory_space<vmem>>) target_semaphore(%run_scoped3A : memref<!tpu.dma_semaphore, #tpu.memory_space<semaphore_mem>>)
        %dma_wait3A = arith.constant 0 : i32
        %dma_wait3A_58 = arith.constant 0 : i32
        %dma_wait3A_59 = tpu.memref_slice %arg8[%dma_wait3A, %dma_wait3A_58] : memref<32x128xi32, #tpu.memory_space<vmem>> -> memref<16x128xi32, #tpu.memory_space<vmem>>
        %dma_wait3A_60 = arith.constant 0 : i32
        %dma_wait3A_61 = arith.constant 0 : i32
        %dma_wait3A_62 = tpu.memref_slice %arg2[%arg1, %dma_wait3A_60, %dma_wait3A_61] : memref<16x80x128xi32, #tpu.memory_space<hbm>> -> memref<1x16x128xi32, #tpu.memory_space<hbm>>
        %dma_wait3A_63 = tpu.memref_squeeze %dma_wait3A_62 : memref<1x16x128xi32, #tpu.memory_space<hbm>> -> memref<16x128xi32, #tpu.memory_space<hbm>>
        %dma_wait3A_64 = arith.constant 0 : i32
        %dma_wait3A_65 = arith.constant 0 : i32
        %dma_wait3A_66 = tpu.memref_slice %arg8[%dma_wait3A_64, %dma_wait3A_65] : memref<32x128xi32, #tpu.memory_space<vmem>> -> memref<16x128xi32, #tpu.memory_space<vmem>>
        %dma_wait3A_67 = arith.constant 0 : i32
        %dma_wait3A_68 = arith.constant 0 : i32
        %dma_wait3A_69 = tpu.memref_slice %arg2[%arg1, %dma_wait3A_67, %dma_wait3A_68] : memref<16x80x128xi32, #tpu.memory_space<hbm>> -> memref<1x16x128xi32, #tpu.memory_space<hbm>>
        %dma_wait3A_70 = tpu.memref_squeeze %dma_wait3A_69 : memref<1x16x128xi32, #tpu.memory_space<hbm>> -> memref<16x128xi32, #tpu.memory_space<hbm>>
        tpu.wait_dma2 semaphore(%run_scoped3A : memref<!tpu.dma_semaphore, #tpu.memory_space<semaphore_mem>>) src(%dma_wait3A_70 : memref<16x128xi32, #tpu.memory_space<hbm>>) dst(%dma_wait3A_66 : memref<16x128xi32, #tpu.memory_space<vmem>>)
        tpu.yield
      }) : () -> ()
      "tpu.region"() ({
        %run_scoped3A = tpu.sem_alloc : memref<!tpu.dma_semaphore, #tpu.memory_space<semaphore_mem>>
        %dma_start3A_44 = arith.constant 0 : i32
        %dma_start3A_45 = arith.constant 0 : i32
        %dma_start3A_46 = tpu.memref_slice %arg9[%dma_start3A_44, %dma_start3A_45] : memref<32x128xi32, #tpu.memory_space<vmem>> -> memref<16x128xi32, #tpu.memory_space<vmem>>
        %dma_start3A_47 = arith.constant 0 : i32
        %dma_start3A_48 = arith.constant 0 : i32
        %dma_start3A_49 = tpu.memref_slice %arg3[%arg1, %dma_start3A_47, %dma_start3A_48] : memref<16x80x128xi32, #tpu.memory_space<hbm>> -> memref<1x16x128xi32, #tpu.memory_space<hbm>>
        %dma_start3A_50 = tpu.memref_squeeze %dma_start3A_49 : memref<1x16x128xi32, #tpu.memory_space<hbm>> -> memref<16x128xi32, #tpu.memory_space<hbm>>
        %dma_start3A_51 = arith.constant 0 : i32
        %dma_start3A_52 = arith.constant 0 : i32
        %dma_start3A_53 = tpu.memref_slice %arg9[%dma_start3A_51, %dma_start3A_52] : memref<32x128xi32, #tpu.memory_space<vmem>> -> memref<16x128xi32, #tpu.memory_space<vmem>>
        %dma_start3A_54 = arith.constant 0 : i32
        %dma_start3A_55 = arith.constant 0 : i32
        %dma_start3A_56 = tpu.memref_slice %arg3[%arg1, %dma_start3A_54, %dma_start3A_55] : memref<16x80x128xi32, #tpu.memory_space<hbm>> -> memref<1x16x128xi32, #tpu.memory_space<hbm>>
        %dma_start3A_57 = tpu.memref_squeeze %dma_start3A_56 : memref<1x16x128xi32, #tpu.memory_space<hbm>> -> memref<16x128xi32, #tpu.memory_space<hbm>>
        tpu.enqueue_dma source(%dma_start3A_57 : memref<16x128xi32, #tpu.memory_space<hbm>>) target(%dma_start3A_53 : memref<16x128xi32, #tpu.memory_space<vmem>>) target_semaphore(%run_scoped3A : memref<!tpu.dma_semaphore, #tpu.memory_space<semaphore_mem>>)
        %dma_wait3A = arith.constant 0 : i32
        %dma_wait3A_58 = arith.constant 0 : i32
        %dma_wait3A_59 = tpu.memref_slice %arg9[%dma_wait3A, %dma_wait3A_58] : memref<32x128xi32, #tpu.memory_space<vmem>> -> memref<16x128xi32, #tpu.memory_space<vmem>>
        %dma_wait3A_60 = arith.constant 0 : i32
        %dma_wait3A_61 = arith.constant 0 : i32
        %dma_wait3A_62 = tpu.memref_slice %arg3[%arg1, %dma_wait3A_60, %dma_wait3A_61] : memref<16x80x128xi32, #tpu.memory_space<hbm>> -> memref<1x16x128xi32, #tpu.memory_space<hbm>>
        %dma_wait3A_63 = tpu.memref_squeeze %dma_wait3A_62 : memref<1x16x128xi32, #tpu.memory_space<hbm>> -> memref<16x128xi32, #tpu.memory_space<hbm>>
        %dma_wait3A_64 = arith.constant 0 : i32
        %dma_wait3A_65 = arith.constant 0 : i32
        %dma_wait3A_66 = tpu.memref_slice %arg9[%dma_wait3A_64, %dma_wait3A_65] : memref<32x128xi32, #tpu.memory_space<vmem>> -> memref<16x128xi32, #tpu.memory_space<vmem>>
        %dma_wait3A_67 = arith.constant 0 : i32
        %dma_wait3A_68 = arith.constant 0 : i32
        %dma_wait3A_69 = tpu.memref_slice %arg3[%arg1, %dma_wait3A_67, %dma_wait3A_68] : memref<16x80x128xi32, #tpu.memory_space<hbm>> -> memref<1x16x128xi32, #tpu.memory_space<hbm>>
        %dma_wait3A_70 = tpu.memref_squeeze %dma_wait3A_69 : memref<1x16x128xi32, #tpu.memory_space<hbm>> -> memref<16x128xi32, #tpu.memory_space<hbm>>
        tpu.wait_dma2 semaphore(%run_scoped3A : memref<!tpu.dma_semaphore, #tpu.memory_space<semaphore_mem>>) src(%dma_wait3A_70 : memref<16x128xi32, #tpu.memory_space<hbm>>) dst(%dma_wait3A_66 : memref<16x128xi32, #tpu.memory_space<vmem>>)
        tpu.yield
      }) : () -> ()
      %dma_start3A = arith.constant 0 : i32
      %dma_start3A_16 = arith.constant 0 : i32
      %dma_start3A_17 = tpu.memref_slice %arg8[%dma_start3A, %dma_start3A_16] : memref<32x128xi32, #tpu.memory_space<vmem>> -> memref<1x128xi32, #tpu.memory_space<vmem>>
      %dma_start3A_18 = tpu.memref_squeeze %dma_start3A_17 : memref<1x128xi32, #tpu.memory_space<vmem>> -> memref<128xi32, #tpu.memory_space<vmem>>
      %dma_start3A_19 = arith.constant 0 : i32
      %dma_start3A_20 = arith.constant 0 : i32
      %dma_start3A_21 = tpu.memref_slice %arg4[%dma_start3A_19, %dma_start3A_20] : memref<10000x128xf32, #tpu.memory_space<hbm>> -> memref<10000x128xf32, #tpu.memory_space<hbm>>
      tpu.enqueue_indirect_dma source(%dma_start3A_21 : memref<10000x128xf32, #tpu.memory_space<hbm>>) target(%arg10 : memref<128x128xf32, #tpu.memory_space<vmem>>) offsets(%dma_start3A_18 : memref<128xi32, #tpu.memory_space<vmem>>) semaphore(%arg12 : memref<!tpu.dma_semaphore, #tpu.memory_space<semaphore_mem>>)
      %dma_start3A_22 = arith.constant 1 : i32
      %dma_start3A_23 = arith.constant 0 : i32
      %dma_start3A_24 = tpu.memref_slice %arg8[%dma_start3A_22, %dma_start3A_23] : memref<32x128xi32, #tpu.memory_space<vmem>> -> memref<1x128xi32, #tpu.memory_space<vmem>>
      %dma_start3A_25 = tpu.memref_squeeze %dma_start3A_24 : memref<1x128xi32, #tpu.memory_space<vmem>> -> memref<128xi32, #tpu.memory_space<vmem>>
      %dma_start3A_26 = arith.constant 0 : i32
      %dma_start3A_27 = arith.constant 0 : i32
      %dma_start3A_28 = tpu.memref_slice %arg4[%dma_start3A_26, %dma_start3A_27] : memref<10000x128xf32, #tpu.memory_space<hbm>> -> memref<10000x128xf32, #tpu.memory_space<hbm>>
      tpu.enqueue_indirect_dma source(%dma_start3A_28 : memref<10000x128xf32, #tpu.memory_space<hbm>>) target(%arg11 : memref<128x128xf32, #tpu.memory_space<vmem>>) offsets(%dma_start3A_25 : memref<128xi32, #tpu.memory_space<vmem>>) semaphore(%arg13 : memref<!tpu.dma_semaphore, #tpu.memory_space<semaphore_mem>>)
      %scan3A = arith.constant 0 : i32
      %scan3A_29 = arith.constant 5 : i32
      %scan3A_30 = arith.addi %scan3A, %scan3A_29 : i32
      %scan3A_31 = arith.constant 1 : i32
      scf.for %scan3A_44 = %scan3A to %scan3A_30 step %scan3A_31  : i32 {
        %mul3A = arith.constant 1 : i32
        %mul3A_45 = arith.muli %scan3A_44, %mul3A : i32
        %add3A = arith.constant 0 : i32
        %add3A_46 = arith.addi %add3A, %mul3A_45 : i32
        %rem3A = arith.constant 2 : i32
        %rem3A_47 = arith.remsi %add3A_46, %rem3A : i32
        %sub3A = arith.constant 1 : i32
        %sub3A_48 = arith.subi %sub3A, %rem3A_47 : i32
        %add3A_49 = arith.constant 1 : i32
        %add3A_50 = arith.addi %add3A_46, %add3A_49 : i32
        %lt3A_51 = arith.constant 5 : i32
        %lt3A_52 = arith.cmpi slt, %add3A_50, %lt3A_51 : i32
        %convert_element_type3A_53 = arith.extui %lt3A_52 : i1 to i32
        %cond3A_54 = arith.constant 0 : i32
        %cond3A_55 = arith.cmpi ne, %convert_element_type3A_53, %cond3A_54 : i32
        scf.if %cond3A_55 {
          %add3A_397 = arith.constant 1 : i32
          %add3A_398 = arith.addi %add3A_46, %add3A_397 : i32
          %mul3A_399 = arith.constant 16 : i32
          %mul3A_400 = arith.muli %add3A_398, %mul3A_399 : i32
          %mul3A_401 = arith.constant 16 : i32
          %mul3A_402 = arith.muli %sub3A_48, %mul3A_401 : i32
          "tpu.region"() ({
            %run_scoped3A = tpu.sem_alloc : memref<!tpu.dma_semaphore, #tpu.memory_space<semaphore_mem>>
            %dma_start3A_407 = arith.constant 0 : i32
            %dma_start3A_408 = tpu.memref_slice %arg8[%mul3A_402, %dma_start3A_407] : memref<32x128xi32, #tpu.memory_space<vmem>> -> memref<16x128xi32, #tpu.memory_space<vmem>>
            %dma_start3A_409 = arith.constant 0 : i32
            %dma_start3A_410 = tpu.memref_slice %arg2[%arg1, %mul3A_400, %dma_start3A_409] : memref<16x80x128xi32, #tpu.memory_space<hbm>> -> memref<1x16x128xi32, #tpu.memory_space<hbm>>
            %dma_start3A_411 = tpu.memref_squeeze %dma_start3A_410 : memref<1x16x128xi32, #tpu.memory_space<hbm>> -> memref<16x128xi32, #tpu.memory_space<hbm>>
            %dma_start3A_412 = arith.constant 0 : i32
            %dma_start3A_413 = tpu.memref_slice %arg8[%mul3A_402, %dma_start3A_412] : memref<32x128xi32, #tpu.memory_space<vmem>> -> memref<16x128xi32, #tpu.memory_space<vmem>>
            %dma_start3A_414 = arith.constant 0 : i32
            %dma_start3A_415 = tpu.memref_slice %arg2[%arg1, %mul3A_400, %dma_start3A_414] : memref<16x80x128xi32, #tpu.memory_space<hbm>> -> memref<1x16x128xi32, #tpu.memory_space<hbm>>
            %dma_start3A_416 = tpu.memref_squeeze %dma_start3A_415 : memref<1x16x128xi32, #tpu.memory_space<hbm>> -> memref<16x128xi32, #tpu.memory_space<hbm>>
            tpu.enqueue_dma source(%dma_start3A_416 : memref<16x128xi32, #tpu.memory_space<hbm>>) target(%dma_start3A_413 : memref<16x128xi32, #tpu.memory_space<vmem>>) target_semaphore(%run_scoped3A : memref<!tpu.dma_semaphore, #tpu.memory_space<semaphore_mem>>)
            %dma_wait3A_417 = arith.constant 0 : i32
            %dma_wait3A_418 = tpu.memref_slice %arg8[%mul3A_402, %dma_wait3A_417] : memref<32x128xi32, #tpu.memory_space<vmem>> -> memref<16x128xi32, #tpu.memory_space<vmem>>
            %dma_wait3A_419 = arith.constant 0 : i32
            %dma_wait3A_420 = tpu.memref_slice %arg2[%arg1, %mul3A_400, %dma_wait3A_419] : memref<16x80x128xi32, #tpu.memory_space<hbm>> -> memref<1x16x128xi32, #tpu.memory_space<hbm>>
            %dma_wait3A_421 = tpu.memref_squeeze %dma_wait3A_420 : memref<1x16x128xi32, #tpu.memory_space<hbm>> -> memref<16x128xi32, #tpu.memory_space<hbm>>
            %dma_wait3A_422 = arith.constant 0 : i32
            %dma_wait3A_423 = tpu.memref_slice %arg8[%mul3A_402, %dma_wait3A_422] : memref<32x128xi32, #tpu.memory_space<vmem>> -> memref<16x128xi32, #tpu.memory_space<vmem>>
            %dma_wait3A_424 = arith.constant 0 : i32
            %dma_wait3A_425 = tpu.memref_slice %arg2[%arg1, %mul3A_400, %dma_wait3A_424] : memref<16x80x128xi32, #tpu.memory_space<hbm>> -> memref<1x16x128xi32, #tpu.memory_space<hbm>>
            %dma_wait3A_426 = tpu.memref_squeeze %dma_wait3A_425 : memref<1x16x128xi32, #tpu.memory_space<hbm>> -> memref<16x128xi32, #tpu.memory_space<hbm>>
            tpu.wait_dma2 semaphore(%run_scoped3A : memref<!tpu.dma_semaphore, #tpu.memory_space<semaphore_mem>>) src(%dma_wait3A_426 : memref<16x128xi32, #tpu.memory_space<hbm>>) dst(%dma_wait3A_423 : memref<16x128xi32, #tpu.memory_space<vmem>>)
            tpu.yield
          }) : () -> ()
          %mul3A_403 = arith.constant 16 : i32
          %mul3A_404 = arith.muli %add3A_398, %mul3A_403 : i32
          %mul3A_405 = arith.constant 16 : i32
          %mul3A_406 = arith.muli %sub3A_48, %mul3A_405 : i32
          "tpu.region"() ({
            %run_scoped3A = tpu.sem_alloc : memref<!tpu.dma_semaphore, #tpu.memory_space<semaphore_mem>>
            %dma_start3A_407 = arith.constant 0 : i32
            %dma_start3A_408 = tpu.memref_slice %arg9[%mul3A_406, %dma_start3A_407] : memref<32x128xi32, #tpu.memory_space<vmem>> -> memref<16x128xi32, #tpu.memory_space<vmem>>
            %dma_start3A_409 = arith.constant 0 : i32
            %dma_start3A_410 = tpu.memref_slice %arg3[%arg1, %mul3A_404, %dma_start3A_409] : memref<16x80x128xi32, #tpu.memory_space<hbm>> -> memref<1x16x128xi32, #tpu.memory_space<hbm>>
            %dma_start3A_411 = tpu.memref_squeeze %dma_start3A_410 : memref<1x16x128xi32, #tpu.memory_space<hbm>> -> memref<16x128xi32, #tpu.memory_space<hbm>>
            %dma_start3A_412 = arith.constant 0 : i32
            %dma_start3A_413 = tpu.memref_slice %arg9[%mul3A_406, %dma_start3A_412] : memref<32x128xi32, #tpu.memory_space<vmem>> -> memref<16x128xi32, #tpu.memory_space<vmem>>
            %dma_start3A_414 = arith.constant 0 : i32
            %dma_start3A_415 = tpu.memref_slice %arg3[%arg1, %mul3A_404, %dma_start3A_414] : memref<16x80x128xi32, #tpu.memory_space<hbm>> -> memref<1x16x128xi32, #tpu.memory_space<hbm>>
            %dma_start3A_416 = tpu.memref_squeeze %dma_start3A_415 : memref<1x16x128xi32, #tpu.memory_space<hbm>> -> memref<16x128xi32, #tpu.memory_space<hbm>>
            tpu.enqueue_dma source(%dma_start3A_416 : memref<16x128xi32, #tpu.memory_space<hbm>>) target(%dma_start3A_413 : memref<16x128xi32, #tpu.memory_space<vmem>>) target_semaphore(%run_scoped3A : memref<!tpu.dma_semaphore, #tpu.memory_space<semaphore_mem>>)
            %dma_wait3A_417 = arith.constant 0 : i32
            %dma_wait3A_418 = tpu.memref_slice %arg9[%mul3A_406, %dma_wait3A_417] : memref<32x128xi32, #tpu.memory_space<vmem>> -> memref<16x128xi32, #tpu.memory_space<vmem>>
            %dma_wait3A_419 = arith.constant 0 : i32
            %dma_wait3A_420 = tpu.memref_slice %arg3[%arg1, %mul3A_404, %dma_wait3A_419] : memref<16x80x128xi32, #tpu.memory_space<hbm>> -> memref<1x16x128xi32, #tpu.memory_space<hbm>>
            %dma_wait3A_421 = tpu.memref_squeeze %dma_wait3A_420 : memref<1x16x128xi32, #tpu.memory_space<hbm>> -> memref<16x128xi32, #tpu.memory_space<hbm>>
            %dma_wait3A_422 = arith.constant 0 : i32
            %dma_wait3A_423 = tpu.memref_slice %arg9[%mul3A_406, %dma_wait3A_422] : memref<32x128xi32, #tpu.memory_space<vmem>> -> memref<16x128xi32, #tpu.memory_space<vmem>>
            %dma_wait3A_424 = arith.constant 0 : i32
            %dma_wait3A_425 = tpu.memref_slice %arg3[%arg1, %mul3A_404, %dma_wait3A_424] : memref<16x80x128xi32, #tpu.memory_space<hbm>> -> memref<1x16x128xi32, #tpu.memory_space<hbm>>
            %dma_wait3A_426 = tpu.memref_squeeze %dma_wait3A_425 : memref<1x16x128xi32, #tpu.memory_space<hbm>> -> memref<16x128xi32, #tpu.memory_space<hbm>>
            tpu.wait_dma2 semaphore(%run_scoped3A : memref<!tpu.dma_semaphore, #tpu.memory_space<semaphore_mem>>) src(%dma_wait3A_426 : memref<16x128xi32, #tpu.memory_space<hbm>>) dst(%dma_wait3A_423 : memref<16x128xi32, #tpu.memory_space<vmem>>)
            tpu.yield
          }) : () -> ()
        } else {
        }
        %dma_wait3A = arith.constant 0 : i32
        %dma_wait3A_56 = arith.constant 0 : i32
        %dma_wait3A_57 = tpu.memref_slice %arg4[%dma_wait3A, %dma_wait3A_56] : memref<10000x128xf32, #tpu.memory_space<hbm>> -> memref<128x128xf32, #tpu.memory_space<hbm>>
        %dma_wait3A_58 = arith.constant 0 : i32
        %dma_wait3A_59 = arith.constant 0 : i32
        %dma_wait3A_60 = tpu.memref_slice %arg4[%dma_wait3A_58, %dma_wait3A_59] : memref<10000x128xf32, #tpu.memory_space<hbm>> -> memref<128x128xf32, #tpu.memory_space<hbm>>
        tpu.wait_dma2 semaphore(%arg12 : memref<!tpu.dma_semaphore, #tpu.memory_space<semaphore_mem>>) src(%dma_wait3A_60 : memref<128x128xf32, #tpu.memory_space<hbm>>) dst(%arg10 : memref<128x128xf32, #tpu.memory_space<vmem>>)
        %mul3A_61 = arith.constant 16 : i32
        %mul3A_62 = arith.muli %rem3A_47, %mul3A_61 : i32
        %add3A_63 = arith.constant 0 : i32
        %add3A_64 = arith.addi %mul3A_62, %add3A_63 : i32
        "tpu.region"() ({
          %run_scoped3A = tpu.sem_alloc : memref<!tpu.dma_semaphore, #tpu.memory_space<semaphore_mem>>
          %dma_start3A_397 = arith.constant 0 : i32
          %dma_start3A_398 = tpu.memref_slice %arg9[%add3A_64, %dma_start3A_397] : memref<32x128xi32, #tpu.memory_space<vmem>> -> memref<1x128xi32, #tpu.memory_space<vmem>>
          %dma_start3A_399 = tpu.memref_squeeze %dma_start3A_398 : memref<1x128xi32, #tpu.memory_space<vmem>> -> memref<128xi32, #tpu.memory_space<vmem>>
          %dma_start3A_400 = arith.constant 0 : i32
          %dma_start3A_401 = arith.constant 0 : i32
          %dma_start3A_402 = tpu.memref_slice %arg14[%dma_start3A_400, %dma_start3A_401] : memref<10008x128xf32, #tpu.memory_space<vmem_shared>> -> memref<10008x128xf32, #tpu.memory_space<vmem_shared>>
          tpu.enqueue_indirect_dma source(%arg10 : memref<128x128xf32, #tpu.memory_space<vmem>>) target(%dma_start3A_402 : memref<10008x128xf32, #tpu.memory_space<vmem_shared>>) offsets(%dma_start3A_399 : memref<128xi32, #tpu.memory_space<vmem>>) semaphore(%run_scoped3A : memref<!tpu.dma_semaphore, #tpu.memory_space<semaphore_mem>>) {add = true}
          %dma_wait3A_403 = arith.constant 0 : i32
          %dma_wait3A_404 = tpu.memref_slice %arg9[%add3A_64, %dma_wait3A_403] : memref<32x128xi32, #tpu.memory_space<vmem>> -> memref<1x128xi32, #tpu.memory_space<vmem>>
          %dma_wait3A_405 = tpu.memref_squeeze %dma_wait3A_404 : memref<1x128xi32, #tpu.memory_space<vmem>> -> memref<128xi32, #tpu.memory_space<vmem>>
          %dma_wait3A_406 = arith.constant 0 : i32
          %dma_wait3A_407 = arith.constant 0 : i32
          %dma_wait3A_408 = tpu.memref_slice %arg14[%dma_wait3A_406, %dma_wait3A_407] : memref<10008x128xf32, #tpu.memory_space<vmem_shared>> -> memref<10008x128xf32, #tpu.memory_space<vmem_shared>>
          tpu.wait_indirect_dma semaphore(%run_scoped3A : memref<!tpu.dma_semaphore, #tpu.memory_space<semaphore_mem>>) src(%arg10 : memref<128x128xf32, #tpu.memory_space<vmem>>) dst(%dma_wait3A_408 : memref<10008x128xf32, #tpu.memory_space<vmem_shared>>)
          tpu.yield
        }) : () -> ()
        %mul3A_65 = arith.constant 16 : i32
        %mul3A_66 = arith.muli %rem3A_47, %mul3A_65 : i32
        %add3A_67 = arith.constant 0 : i32
        %add3A_68 = arith.addi %mul3A_66, %add3A_67 : i32
        %add3A_69 = arith.constant 2 : i32
        %add3A_70 = arith.addi %add3A_68, %add3A_69 : i32
        %dma_start3A_71 = arith.constant 0 : i32
        %dma_start3A_72 = tpu.memref_slice %arg8[%add3A_70, %dma_start3A_71] : memref<32x128xi32, #tpu.memory_space<vmem>> -> memref<1x128xi32, #tpu.memory_space<vmem>>
        %dma_start3A_73 = tpu.memref_squeeze %dma_start3A_72 : memref<1x128xi32, #tpu.memory_space<vmem>> -> memref<128xi32, #tpu.memory_space<vmem>>
        %dma_start3A_74 = arith.constant 0 : i32
        %dma_start3A_75 = arith.constant 0 : i32
        %dma_start3A_76 = tpu.memref_slice %arg4[%dma_start3A_74, %dma_start3A_75] : memref<10000x128xf32, #tpu.memory_space<hbm>> -> memref<10000x128xf32, #tpu.memory_space<hbm>>
        tpu.enqueue_indirect_dma source(%dma_start3A_76 : memref<10000x128xf32, #tpu.memory_space<hbm>>) target(%arg10 : memref<128x128xf32, #tpu.memory_space<vmem>>) offsets(%dma_start3A_73 : memref<128xi32, #tpu.memory_space<vmem>>) semaphore(%arg12 : memref<!tpu.dma_semaphore, #tpu.memory_space<semaphore_mem>>)
        %dma_wait3A_77 = arith.constant 0 : i32
        %dma_wait3A_78 = arith.constant 0 : i32
        %dma_wait3A_79 = tpu.memref_slice %arg4[%dma_wait3A_77, %dma_wait3A_78] : memref<10000x128xf32, #tpu.memory_space<hbm>> -> memref<128x128xf32, #tpu.memory_space<hbm>>
        %dma_wait3A_80 = arith.constant 0 : i32
        %dma_wait3A_81 = arith.constant 0 : i32
        %dma_wait3A_82 = tpu.memref_slice %arg4[%dma_wait3A_80, %dma_wait3A_81] : memref<10000x128xf32, #tpu.memory_space<hbm>> -> memref<128x128xf32, #tpu.memory_space<hbm>>
        tpu.wait_dma2 semaphore(%arg13 : memref<!tpu.dma_semaphore, #tpu.memory_space<semaphore_mem>>) src(%dma_wait3A_82 : memref<128x128xf32, #tpu.memory_space<hbm>>) dst(%arg11 : memref<128x128xf32, #tpu.memory_space<vmem>>)
        %mul3A_83 = arith.constant 16 : i32
        %mul3A_84 = arith.muli %rem3A_47, %mul3A_83 : i32
        %add3A_85 = arith.constant 1 : i32
        %add3A_86 = arith.addi %mul3A_84, %add3A_85 : i32
        "tpu.region"() ({
          %run_scoped3A = tpu.sem_alloc : memref<!tpu.dma_semaphore, #tpu.memory_space<semaphore_mem>>
          %dma_start3A_397 = arith.constant 0 : i32
          %dma_start3A_398 = tpu.memref_slice %arg9[%add3A_86, %dma_start3A_397] : memref<32x128xi32, #tpu.memory_space<vmem>> -> memref<1x128xi32, #tpu.memory_space<vmem>>
          %dma_start3A_399 = tpu.memref_squeeze %dma_start3A_398 : memref<1x128xi32, #tpu.memory_space<vmem>> -> memref<128xi32, #tpu.memory_space<vmem>>
          %dma_start3A_400 = arith.constant 0 : i32
          %dma_start3A_401 = arith.constant 0 : i32
          %dma_start3A_402 = tpu.memref_slice %arg14[%dma_start3A_400, %dma_start3A_401] : memref<10008x128xf32, #tpu.memory_space<vmem_shared>> -> memref<10008x128xf32, #tpu.memory_space<vmem_shared>>
          tpu.enqueue_indirect_dma source(%arg11 : memref<128x128xf32, #tpu.memory_space<vmem>>) target(%dma_start3A_402 : memref<10008x128xf32, #tpu.memory_space<vmem_shared>>) offsets(%dma_start3A_399 : memref<128xi32, #tpu.memory_space<vmem>>) semaphore(%run_scoped3A : memref<!tpu.dma_semaphore, #tpu.memory_space<semaphore_mem>>) {add = true}
          %dma_wait3A_403 = arith.constant 0 : i32
          %dma_wait3A_404 = tpu.memref_slice %arg9[%add3A_86, %dma_wait3A_403] : memref<32x128xi32, #tpu.memory_space<vmem>> -> memref<1x128xi32, #tpu.memory_space<vmem>>
          %dma_wait3A_405 = tpu.memref_squeeze %dma_wait3A_404 : memref<1x128xi32, #tpu.memory_space<vmem>> -> memref<128xi32, #tpu.memory_space<vmem>>
          %dma_wait3A_406 = arith.constant 0 : i32
          %dma_wait3A_407 = arith.constant 0 : i32
          %dma_wait3A_408 = tpu.memref_slice %arg14[%dma_wait3A_406, %dma_wait3A_407] : memref<10008x128xf32, #tpu.memory_space<vmem_shared>> -> memref<10008x128xf32, #tpu.memory_space<vmem_shared>>
          tpu.wait_indirect_dma semaphore(%run_scoped3A : memref<!tpu.dma_semaphore, #tpu.memory_space<semaphore_mem>>) src(%arg11 : memref<128x128xf32, #tpu.memory_space<vmem>>) dst(%dma_wait3A_408 : memref<10008x128xf32, #tpu.memory_space<vmem_shared>>)
          tpu.yield
        }) : () -> ()
        %mul3A_87 = arith.constant 16 : i32
        %mul3A_88 = arith.muli %rem3A_47, %mul3A_87 : i32
        %add3A_89 = arith.constant 1 : i32
        %add3A_90 = arith.addi %mul3A_88, %add3A_89 : i32
        %add3A_91 = arith.constant 2 : i32
        %add3A_92 = arith.addi %add3A_90, %add3A_91 : i32
        %dma_start3A_93 = arith.constant 0 : i32
        %dma_start3A_94 = tpu.memref_slice %arg8[%add3A_92, %dma_start3A_93] : memref<32x128xi32, #tpu.memory_space<vmem>> -> memref<1x128xi32, #tpu.memory_space<vmem>>
        %dma_start3A_95 = tpu.memref_squeeze %dma_start3A_94 : memref<1x128xi32, #tpu.memory_space<vmem>> -> memref<128xi32, #tpu.memory_space<vmem>>
        %dma_start3A_96 = arith.constant 0 : i32
        %dma_start3A_97 = arith.constant 0 : i32
        %dma_start3A_98 = tpu.memref_slice %arg4[%dma_start3A_96, %dma_start3A_97] : memref<10000x128xf32, #tpu.memory_space<hbm>> -> memref<10000x128xf32, #tpu.memory_space<hbm>>
        tpu.enqueue_indirect_dma source(%dma_start3A_98 : memref<10000x128xf32, #tpu.memory_space<hbm>>) target(%arg11 : memref<128x128xf32, #tpu.memory_space<vmem>>) offsets(%dma_start3A_95 : memref<128xi32, #tpu.memory_space<vmem>>) semaphore(%arg13 : memref<!tpu.dma_semaphore, #tpu.memory_space<semaphore_mem>>)
        %dma_wait3A_99 = arith.constant 0 : i32
        %dma_wait3A_100 = arith.constant 0 : i32
        %dma_wait3A_101 = tpu.memref_slice %arg4[%dma_wait3A_99, %dma_wait3A_100] : memref<10000x128xf32, #tpu.memory_space<hbm>> -> memref<128x128xf32, #tpu.memory_space<hbm>>
        %dma_wait3A_102 = arith.constant 0 : i32
        %dma_wait3A_103 = arith.constant 0 : i32
        %dma_wait3A_104 = tpu.memref_slice %arg4[%dma_wait3A_102, %dma_wait3A_103] : memref<10000x128xf32, #tpu.memory_space<hbm>> -> memref<128x128xf32, #tpu.memory_space<hbm>>
        tpu.wait_dma2 semaphore(%arg12 : memref<!tpu.dma_semaphore, #tpu.memory_space<semaphore_mem>>) src(%dma_wait3A_104 : memref<128x128xf32, #tpu.memory_space<hbm>>) dst(%arg10 : memref<128x128xf32, #tpu.memory_space<vmem>>)
        %mul3A_105 = arith.constant 16 : i32
        %mul3A_106 = arith.muli %rem3A_47, %mul3A_105 : i32
        %add3A_107 = arith.constant 2 : i32
        %add3A_108 = arith.addi %mul3A_106, %add3A_107 : i32
        "tpu.region"() ({
          %run_scoped3A = tpu.sem_alloc : memref<!tpu.dma_semaphore, #tpu.memory_space<semaphore_mem>>
          %dma_start3A_397 = arith.constant 0 : i32
          %dma_start3A_398 = tpu.memref_slice %arg9[%add3A_108, %dma_start3A_397] : memref<32x128xi32, #tpu.memory_space<vmem>> -> memref<1x128xi32, #tpu.memory_space<vmem>>
          %dma_start3A_399 = tpu.memref_squeeze %dma_start3A_398 : memref<1x128xi32, #tpu.memory_space<vmem>> -> memref<128xi32, #tpu.memory_space<vmem>>
          %dma_start3A_400 = arith.constant 0 : i32
          %dma_start3A_401 = arith.constant 0 : i32
          %dma_start3A_402 = tpu.memref_slice %arg14[%dma_start3A_400, %dma_start3A_401] : memref<10008x128xf32, #tpu.memory_space<vmem_shared>> -> memref<10008x128xf32, #tpu.memory_space<vmem_shared>>
          tpu.enqueue_indirect_dma source(%arg10 : memref<128x128xf32, #tpu.memory_space<vmem>>) target(%dma_start3A_402 : memref<10008x128xf32, #tpu.memory_space<vmem_shared>>) offsets(%dma_start3A_399 : memref<128xi32, #tpu.memory_space<vmem>>) semaphore(%run_scoped3A : memref<!tpu.dma_semaphore, #tpu.memory_space<semaphore_mem>>) {add = true}
          %dma_wait3A_403 = arith.constant 0 : i32
          %dma_wait3A_404 = tpu.memref_slice %arg9[%add3A_108, %dma_wait3A_403] : memref<32x128xi32, #tpu.memory_space<vmem>> -> memref<1x128xi32, #tpu.memory_space<vmem>>
          %dma_wait3A_405 = tpu.memref_squeeze %dma_wait3A_404 : memref<1x128xi32, #tpu.memory_space<vmem>> -> memref<128xi32, #tpu.memory_space<vmem>>
          %dma_wait3A_406 = arith.constant 0 : i32
          %dma_wait3A_407 = arith.constant 0 : i32
          %dma_wait3A_408 = tpu.memref_slice %arg14[%dma_wait3A_406, %dma_wait3A_407] : memref<10008x128xf32, #tpu.memory_space<vmem_shared>> -> memref<10008x128xf32, #tpu.memory_space<vmem_shared>>
          tpu.wait_indirect_dma semaphore(%run_scoped3A : memref<!tpu.dma_semaphore, #tpu.memory_space<semaphore_mem>>) src(%arg10 : memref<128x128xf32, #tpu.memory_space<vmem>>) dst(%dma_wait3A_408 : memref<10008x128xf32, #tpu.memory_space<vmem_shared>>)
          tpu.yield
        }) : () -> ()
        %mul3A_109 = arith.constant 16 : i32
        %mul3A_110 = arith.muli %rem3A_47, %mul3A_109 : i32
        %add3A_111 = arith.constant 2 : i32
        %add3A_112 = arith.addi %mul3A_110, %add3A_111 : i32
        %add3A_113 = arith.constant 2 : i32
        %add3A_114 = arith.addi %add3A_112, %add3A_113 : i32
        %dma_start3A_115 = arith.constant 0 : i32
        %dma_start3A_116 = tpu.memref_slice %arg8[%add3A_114, %dma_start3A_115] : memref<32x128xi32, #tpu.memory_space<vmem>> -> memref<1x128xi32, #tpu.memory_space<vmem>>
        %dma_start3A_117 = tpu.memref_squeeze %dma_start3A_116 : memref<1x128xi32, #tpu.memory_space<vmem>> -> memref<128xi32, #tpu.memory_space<vmem>>
        %dma_start3A_118 = arith.constant 0 : i32
        %dma_start3A_119 = arith.constant 0 : i32
        %dma_start3A_120 = tpu.memref_slice %arg4[%dma_start3A_118, %dma_start3A_119] : memref<10000x128xf32, #tpu.memory_space<hbm>> -> memref<10000x128xf32, #tpu.memory_space<hbm>>
        tpu.enqueue_indirect_dma source(%dma_start3A_120 : memref<10000x128xf32, #tpu.memory_space<hbm>>) target(%arg10 : memref<128x128xf32, #tpu.memory_space<vmem>>) offsets(%dma_start3A_117 : memref<128xi32, #tpu.memory_space<vmem>>) semaphore(%arg12 : memref<!tpu.dma_semaphore, #tpu.memory_space<semaphore_mem>>)
        %dma_wait3A_121 = arith.constant 0 : i32
        %dma_wait3A_122 = arith.constant 0 : i32
        %dma_wait3A_123 = tpu.memref_slice %arg4[%dma_wait3A_121, %dma_wait3A_122] : memref<10000x128xf32, #tpu.memory_space<hbm>> -> memref<128x128xf32, #tpu.memory_space<hbm>>
        %dma_wait3A_124 = arith.constant 0 : i32
        %dma_wait3A_125 = arith.constant 0 : i32
        %dma_wait3A_126 = tpu.memref_slice %arg4[%dma_wait3A_124, %dma_wait3A_125] : memref<10000x128xf32, #tpu.memory_space<hbm>> -> memref<128x128xf32, #tpu.memory_space<hbm>>
        tpu.wait_dma2 semaphore(%arg13 : memref<!tpu.dma_semaphore, #tpu.memory_space<semaphore_mem>>) src(%dma_wait3A_126 : memref<128x128xf32, #tpu.memory_space<hbm>>) dst(%arg11 : memref<128x128xf32, #tpu.memory_space<vmem>>)
        %mul3A_127 = arith.constant 16 : i32
        %mul3A_128 = arith.muli %rem3A_47, %mul3A_127 : i32
        %add3A_129 = arith.constant 3 : i32
        %add3A_130 = arith.addi %mul3A_128, %add3A_129 : i32
        "tpu.region"() ({
          %run_scoped3A = tpu.sem_alloc : memref<!tpu.dma_semaphore, #tpu.memory_space<semaphore_mem>>
          %dma_start3A_397 = arith.constant 0 : i32
          %dma_start3A_398 = tpu.memref_slice %arg9[%add3A_130, %dma_start3A_397] : memref<32x128xi32, #tpu.memory_space<vmem>> -> memref<1x128xi32, #tpu.memory_space<vmem>>
          %dma_start3A_399 = tpu.memref_squeeze %dma_start3A_398 : memref<1x128xi32, #tpu.memory_space<vmem>> -> memref<128xi32, #tpu.memory_space<vmem>>
          %dma_start3A_400 = arith.constant 0 : i32
          %dma_start3A_401 = arith.constant 0 : i32
          %dma_start3A_402 = tpu.memref_slice %arg14[%dma_start3A_400, %dma_start3A_401] : memref<10008x128xf32, #tpu.memory_space<vmem_shared>> -> memref<10008x128xf32, #tpu.memory_space<vmem_shared>>
          tpu.enqueue_indirect_dma source(%arg11 : memref<128x128xf32, #tpu.memory_space<vmem>>) target(%dma_start3A_402 : memref<10008x128xf32, #tpu.memory_space<vmem_shared>>) offsets(%dma_start3A_399 : memref<128xi32, #tpu.memory_space<vmem>>) semaphore(%run_scoped3A : memref<!tpu.dma_semaphore, #tpu.memory_space<semaphore_mem>>) {add = true}
          %dma_wait3A_403 = arith.constant 0 : i32
          %dma_wait3A_404 = tpu.memref_slice %arg9[%add3A_130, %dma_wait3A_403] : memref<32x128xi32, #tpu.memory_space<vmem>> -> memref<1x128xi32, #tpu.memory_space<vmem>>
          %dma_wait3A_405 = tpu.memref_squeeze %dma_wait3A_404 : memref<1x128xi32, #tpu.memory_space<vmem>> -> memref<128xi32, #tpu.memory_space<vmem>>
          %dma_wait3A_406 = arith.constant 0 : i32
          %dma_wait3A_407 = arith.constant 0 : i32
          %dma_wait3A_408 = tpu.memref_slice %arg14[%dma_wait3A_406, %dma_wait3A_407] : memref<10008x128xf32, #tpu.memory_space<vmem_shared>> -> memref<10008x128xf32, #tpu.memory_space<vmem_shared>>
          tpu.wait_indirect_dma semaphore(%run_scoped3A : memref<!tpu.dma_semaphore, #tpu.memory_space<semaphore_mem>>) src(%arg11 : memref<128x128xf32, #tpu.memory_space<vmem>>) dst(%dma_wait3A_408 : memref<10008x128xf32, #tpu.memory_space<vmem_shared>>)
          tpu.yield
        }) : () -> ()
        %mul3A_131 = arith.constant 16 : i32
        %mul3A_132 = arith.muli %rem3A_47, %mul3A_131 : i32
        %add3A_133 = arith.constant 3 : i32
        %add3A_134 = arith.addi %mul3A_132, %add3A_133 : i32
        %add3A_135 = arith.constant 2 : i32
        %add3A_136 = arith.addi %add3A_134, %add3A_135 : i32
        %dma_start3A_137 = arith.constant 0 : i32
        %dma_start3A_138 = tpu.memref_slice %arg8[%add3A_136, %dma_start3A_137] : memref<32x128xi32, #tpu.memory_space<vmem>> -> memref<1x128xi32, #tpu.memory_space<vmem>>
        %dma_start3A_139 = tpu.memref_squeeze %dma_start3A_138 : memref<1x128xi32, #tpu.memory_space<vmem>> -> memref<128xi32, #tpu.memory_space<vmem>>
        %dma_start3A_140 = arith.constant 0 : i32
        %dma_start3A_141 = arith.constant 0 : i32
        %dma_start3A_142 = tpu.memref_slice %arg4[%dma_start3A_140, %dma_start3A_141] : memref<10000x128xf32, #tpu.memory_space<hbm>> -> memref<10000x128xf32, #tpu.memory_space<hbm>>
        tpu.enqueue_indirect_dma source(%dma_start3A_142 : memref<10000x128xf32, #tpu.memory_space<hbm>>) target(%arg11 : memref<128x128xf32, #tpu.memory_space<vmem>>) offsets(%dma_start3A_139 : memref<128xi32, #tpu.memory_space<vmem>>) semaphore(%arg13 : memref<!tpu.dma_semaphore, #tpu.memory_space<semaphore_mem>>)
        %dma_wait3A_143 = arith.constant 0 : i32
        %dma_wait3A_144 = arith.constant 0 : i32
        %dma_wait3A_145 = tpu.memref_slice %arg4[%dma_wait3A_143, %dma_wait3A_144] : memref<10000x128xf32, #tpu.memory_space<hbm>> -> memref<128x128xf32, #tpu.memory_space<hbm>>
        %dma_wait3A_146 = arith.constant 0 : i32
        %dma_wait3A_147 = arith.constant 0 : i32
        %dma_wait3A_148 = tpu.memref_slice %arg4[%dma_wait3A_146, %dma_wait3A_147] : memref<10000x128xf32, #tpu.memory_space<hbm>> -> memref<128x128xf32, #tpu.memory_space<hbm>>
        tpu.wait_dma2 semaphore(%arg12 : memref<!tpu.dma_semaphore, #tpu.memory_space<semaphore_mem>>) src(%dma_wait3A_148 : memref<128x128xf32, #tpu.memory_space<hbm>>) dst(%arg10 : memref<128x128xf32, #tpu.memory_space<vmem>>)
        %mul3A_149 = arith.constant 16 : i32
        %mul3A_150 = arith.muli %rem3A_47, %mul3A_149 : i32
        %add3A_151 = arith.constant 4 : i32
        %add3A_152 = arith.addi %mul3A_150, %add3A_151 : i32
        "tpu.region"() ({
          %run_scoped3A = tpu.sem_alloc : memref<!tpu.dma_semaphore, #tpu.memory_space<semaphore_mem>>
          %dma_start3A_397 = arith.constant 0 : i32
          %dma_start3A_398 = tpu.memref_slice %arg9[%add3A_152, %dma_start3A_397] : memref<32x128xi32, #tpu.memory_space<vmem>> -> memref<1x128xi32, #tpu.memory_space<vmem>>
          %dma_start3A_399 = tpu.memref_squeeze %dma_start3A_398 : memref<1x128xi32, #tpu.memory_space<vmem>> -> memref<128xi32, #tpu.memory_space<vmem>>
          %dma_start3A_400 = arith.constant 0 : i32
          %dma_start3A_401 = arith.constant 0 : i32
          %dma_start3A_402 = tpu.memref_slice %arg14[%dma_start3A_400, %dma_start3A_401] : memref<10008x128xf32, #tpu.memory_space<vmem_shared>> -> memref<10008x128xf32, #tpu.memory_space<vmem_shared>>
          tpu.enqueue_indirect_dma source(%arg10 : memref<128x128xf32, #tpu.memory_space<vmem>>) target(%dma_start3A_402 : memref<10008x128xf32, #tpu.memory_space<vmem_shared>>) offsets(%dma_start3A_399 : memref<128xi32, #tpu.memory_space<vmem>>) semaphore(%run_scoped3A : memref<!tpu.dma_semaphore, #tpu.memory_space<semaphore_mem>>) {add = true}
          %dma_wait3A_403 = arith.constant 0 : i32
          %dma_wait3A_404 = tpu.memref_slice %arg9[%add3A_152, %dma_wait3A_403] : memref<32x128xi32, #tpu.memory_space<vmem>> -> memref<1x128xi32, #tpu.memory_space<vmem>>
          %dma_wait3A_405 = tpu.memref_squeeze %dma_wait3A_404 : memref<1x128xi32, #tpu.memory_space<vmem>> -> memref<128xi32, #tpu.memory_space<vmem>>
          %dma_wait3A_406 = arith.constant 0 : i32
          %dma_wait3A_407 = arith.constant 0 : i32
          %dma_wait3A_408 = tpu.memref_slice %arg14[%dma_wait3A_406, %dma_wait3A_407] : memref<10008x128xf32, #tpu.memory_space<vmem_shared>> -> memref<10008x128xf32, #tpu.memory_space<vmem_shared>>
          tpu.wait_indirect_dma semaphore(%run_scoped3A : memref<!tpu.dma_semaphore, #tpu.memory_space<semaphore_mem>>) src(%arg10 : memref<128x128xf32, #tpu.memory_space<vmem>>) dst(%dma_wait3A_408 : memref<10008x128xf32, #tpu.memory_space<vmem_shared>>)
          tpu.yield
        }) : () -> ()
        %mul3A_153 = arith.constant 16 : i32
        %mul3A_154 = arith.muli %rem3A_47, %mul3A_153 : i32
        %add3A_155 = arith.constant 4 : i32
        %add3A_156 = arith.addi %mul3A_154, %add3A_155 : i32
        %add3A_157 = arith.constant 2 : i32
        %add3A_158 = arith.addi %add3A_156, %add3A_157 : i32
        %dma_start3A_159 = arith.constant 0 : i32
        %dma_start3A_160 = tpu.memref_slice %arg8[%add3A_158, %dma_start3A_159] : memref<32x128xi32, #tpu.memory_space<vmem>> -> memref<1x128xi32, #tpu.memory_space<vmem>>
        %dma_start3A_161 = tpu.memref_squeeze %dma_start3A_160 : memref<1x128xi32, #tpu.memory_space<vmem>> -> memref<128xi32, #tpu.memory_space<vmem>>
        %dma_start3A_162 = arith.constant 0 : i32
        %dma_start3A_163 = arith.constant 0 : i32
        %dma_start3A_164 = tpu.memref_slice %arg4[%dma_start3A_162, %dma_start3A_163] : memref<10000x128xf32, #tpu.memory_space<hbm>> -> memref<10000x128xf32, #tpu.memory_space<hbm>>
        tpu.enqueue_indirect_dma source(%dma_start3A_164 : memref<10000x128xf32, #tpu.memory_space<hbm>>) target(%arg10 : memref<128x128xf32, #tpu.memory_space<vmem>>) offsets(%dma_start3A_161 : memref<128xi32, #tpu.memory_space<vmem>>) semaphore(%arg12 : memref<!tpu.dma_semaphore, #tpu.memory_space<semaphore_mem>>)
        %dma_wait3A_165 = arith.constant 0 : i32
        %dma_wait3A_166 = arith.constant 0 : i32
        %dma_wait3A_167 = tpu.memref_slice %arg4[%dma_wait3A_165, %dma_wait3A_166] : memref<10000x128xf32, #tpu.memory_space<hbm>> -> memref<128x128xf32, #tpu.memory_space<hbm>>
        %dma_wait3A_168 = arith.constant 0 : i32
        %dma_wait3A_169 = arith.constant 0 : i32
        %dma_wait3A_170 = tpu.memref_slice %arg4[%dma_wait3A_168, %dma_wait3A_169] : memref<10000x128xf32, #tpu.memory_space<hbm>> -> memref<128x128xf32, #tpu.memory_space<hbm>>
        tpu.wait_dma2 semaphore(%arg13 : memref<!tpu.dma_semaphore, #tpu.memory_space<semaphore_mem>>) src(%dma_wait3A_170 : memref<128x128xf32, #tpu.memory_space<hbm>>) dst(%arg11 : memref<128x128xf32, #tpu.memory_space<vmem>>)
        %mul3A_171 = arith.constant 16 : i32
        %mul3A_172 = arith.muli %rem3A_47, %mul3A_171 : i32
        %add3A_173 = arith.constant 5 : i32
        %add3A_174 = arith.addi %mul3A_172, %add3A_173 : i32
        "tpu.region"() ({
          %run_scoped3A = tpu.sem_alloc : memref<!tpu.dma_semaphore, #tpu.memory_space<semaphore_mem>>
          %dma_start3A_397 = arith.constant 0 : i32
          %dma_start3A_398 = tpu.memref_slice %arg9[%add3A_174, %dma_start3A_397] : memref<32x128xi32, #tpu.memory_space<vmem>> -> memref<1x128xi32, #tpu.memory_space<vmem>>
          %dma_start3A_399 = tpu.memref_squeeze %dma_start3A_398 : memref<1x128xi32, #tpu.memory_space<vmem>> -> memref<128xi32, #tpu.memory_space<vmem>>
          %dma_start3A_400 = arith.constant 0 : i32
          %dma_start3A_401 = arith.constant 0 : i32
          %dma_start3A_402 = tpu.memref_slice %arg14[%dma_start3A_400, %dma_start3A_401] : memref<10008x128xf32, #tpu.memory_space<vmem_shared>> -> memref<10008x128xf32, #tpu.memory_space<vmem_shared>>
          tpu.enqueue_indirect_dma source(%arg11 : memref<128x128xf32, #tpu.memory_space<vmem>>) target(%dma_start3A_402 : memref<10008x128xf32, #tpu.memory_space<vmem_shared>>) offsets(%dma_start3A_399 : memref<128xi32, #tpu.memory_space<vmem>>) semaphore(%run_scoped3A : memref<!tpu.dma_semaphore, #tpu.memory_space<semaphore_mem>>) {add = true}
          %dma_wait3A_403 = arith.constant 0 : i32
          %dma_wait3A_404 = tpu.memref_slice %arg9[%add3A_174, %dma_wait3A_403] : memref<32x128xi32, #tpu.memory_space<vmem>> -> memref<1x128xi32, #tpu.memory_space<vmem>>
          %dma_wait3A_405 = tpu.memref_squeeze %dma_wait3A_404 : memref<1x128xi32, #tpu.memory_space<vmem>> -> memref<128xi32, #tpu.memory_space<vmem>>
          %dma_wait3A_406 = arith.constant 0 : i32
          %dma_wait3A_407 = arith.constant 0 : i32
          %dma_wait3A_408 = tpu.memref_slice %arg14[%dma_wait3A_406, %dma_wait3A_407] : memref<10008x128xf32, #tpu.memory_space<vmem_shared>> -> memref<10008x128xf32, #tpu.memory_space<vmem_shared>>
          tpu.wait_indirect_dma semaphore(%run_scoped3A : memref<!tpu.dma_semaphore, #tpu.memory_space<semaphore_mem>>) src(%arg11 : memref<128x128xf32, #tpu.memory_space<vmem>>) dst(%dma_wait3A_408 : memref<10008x128xf32, #tpu.memory_space<vmem_shared>>)
          tpu.yield
        }) : () -> ()
        %mul3A_175 = arith.constant 16 : i32
        %mul3A_176 = arith.muli %rem3A_47, %mul3A_175 : i32
        %add3A_177 = arith.constant 5 : i32
        %add3A_178 = arith.addi %mul3A_176, %add3A_177 : i32
        %add3A_179 = arith.constant 2 : i32
        %add3A_180 = arith.addi %add3A_178, %add3A_179 : i32
        %dma_start3A_181 = arith.constant 0 : i32
        %dma_start3A_182 = tpu.memref_slice %arg8[%add3A_180, %dma_start3A_181] : memref<32x128xi32, #tpu.memory_space<vmem>> -> memref<1x128xi32, #tpu.memory_space<vmem>>
        %dma_start3A_183 = tpu.memref_squeeze %dma_start3A_182 : memref<1x128xi32, #tpu.memory_space<vmem>> -> memref<128xi32, #tpu.memory_space<vmem>>
        %dma_start3A_184 = arith.constant 0 : i32
        %dma_start3A_185 = arith.constant 0 : i32
        %dma_start3A_186 = tpu.memref_slice %arg4[%dma_start3A_184, %dma_start3A_185] : memref<10000x128xf32, #tpu.memory_space<hbm>> -> memref<10000x128xf32, #tpu.memory_space<hbm>>
        tpu.enqueue_indirect_dma source(%dma_start3A_186 : memref<10000x128xf32, #tpu.memory_space<hbm>>) target(%arg11 : memref<128x128xf32, #tpu.memory_space<vmem>>) offsets(%dma_start3A_183 : memref<128xi32, #tpu.memory_space<vmem>>) semaphore(%arg13 : memref<!tpu.dma_semaphore, #tpu.memory_space<semaphore_mem>>)
        %dma_wait3A_187 = arith.constant 0 : i32
        %dma_wait3A_188 = arith.constant 0 : i32
        %dma_wait3A_189 = tpu.memref_slice %arg4[%dma_wait3A_187, %dma_wait3A_188] : memref<10000x128xf32, #tpu.memory_space<hbm>> -> memref<128x128xf32, #tpu.memory_space<hbm>>
        %dma_wait3A_190 = arith.constant 0 : i32
        %dma_wait3A_191 = arith.constant 0 : i32
        %dma_wait3A_192 = tpu.memref_slice %arg4[%dma_wait3A_190, %dma_wait3A_191] : memref<10000x128xf32, #tpu.memory_space<hbm>> -> memref<128x128xf32, #tpu.memory_space<hbm>>
        tpu.wait_dma2 semaphore(%arg12 : memref<!tpu.dma_semaphore, #tpu.memory_space<semaphore_mem>>) src(%dma_wait3A_192 : memref<128x128xf32, #tpu.memory_space<hbm>>) dst(%arg10 : memref<128x128xf32, #tpu.memory_space<vmem>>)
        %mul3A_193 = arith.constant 16 : i32
        %mul3A_194 = arith.muli %rem3A_47, %mul3A_193 : i32
        %add3A_195 = arith.constant 6 : i32
        %add3A_196 = arith.addi %mul3A_194, %add3A_195 : i32
        "tpu.region"() ({
          %run_scoped3A = tpu.sem_alloc : memref<!tpu.dma_semaphore, #tpu.memory_space<semaphore_mem>>
          %dma_start3A_397 = arith.constant 0 : i32
          %dma_start3A_398 = tpu.memref_slice %arg9[%add3A_196, %dma_start3A_397] : memref<32x128xi32, #tpu.memory_space<vmem>> -> memref<1x128xi32, #tpu.memory_space<vmem>>
          %dma_start3A_399 = tpu.memref_squeeze %dma_start3A_398 : memref<1x128xi32, #tpu.memory_space<vmem>> -> memref<128xi32, #tpu.memory_space<vmem>>
          %dma_start3A_400 = arith.constant 0 : i32
          %dma_start3A_401 = arith.constant 0 : i32
          %dma_start3A_402 = tpu.memref_slice %arg14[%dma_start3A_400, %dma_start3A_401] : memref<10008x128xf32, #tpu.memory_space<vmem_shared>> -> memref<10008x128xf32, #tpu.memory_space<vmem_shared>>
          tpu.enqueue_indirect_dma source(%arg10 : memref<128x128xf32, #tpu.memory_space<vmem>>) target(%dma_start3A_402 : memref<10008x128xf32, #tpu.memory_space<vmem_shared>>) offsets(%dma_start3A_399 : memref<128xi32, #tpu.memory_space<vmem>>) semaphore(%run_scoped3A : memref<!tpu.dma_semaphore, #tpu.memory_space<semaphore_mem>>) {add = true}
          %dma_wait3A_403 = arith.constant 0 : i32
          %dma_wait3A_404 = tpu.memref_slice %arg9[%add3A_196, %dma_wait3A_403] : memref<32x128xi32, #tpu.memory_space<vmem>> -> memref<1x128xi32, #tpu.memory_space<vmem>>
          %dma_wait3A_405 = tpu.memref_squeeze %dma_wait3A_404 : memref<1x128xi32, #tpu.memory_space<vmem>> -> memref<128xi32, #tpu.memory_space<vmem>>
          %dma_wait3A_406 = arith.constant 0 : i32
          %dma_wait3A_407 = arith.constant 0 : i32
          %dma_wait3A_408 = tpu.memref_slice %arg14[%dma_wait3A_406, %dma_wait3A_407] : memref<10008x128xf32, #tpu.memory_space<vmem_shared>> -> memref<10008x128xf32, #tpu.memory_space<vmem_shared>>
          tpu.wait_indirect_dma semaphore(%run_scoped3A : memref<!tpu.dma_semaphore, #tpu.memory_space<semaphore_mem>>) src(%arg10 : memref<128x128xf32, #tpu.memory_space<vmem>>) dst(%dma_wait3A_408 : memref<10008x128xf32, #tpu.memory_space<vmem_shared>>)
          tpu.yield
        }) : () -> ()
        %mul3A_197 = arith.constant 16 : i32
        %mul3A_198 = arith.muli %rem3A_47, %mul3A_197 : i32
        %add3A_199 = arith.constant 6 : i32
        %add3A_200 = arith.addi %mul3A_198, %add3A_199 : i32
        %add3A_201 = arith.constant 2 : i32
        %add3A_202 = arith.addi %add3A_200, %add3A_201 : i32
        %dma_start3A_203 = arith.constant 0 : i32
        %dma_start3A_204 = tpu.memref_slice %arg8[%add3A_202, %dma_start3A_203] : memref<32x128xi32, #tpu.memory_space<vmem>> -> memref<1x128xi32, #tpu.memory_space<vmem>>
        %dma_start3A_205 = tpu.memref_squeeze %dma_start3A_204 : memref<1x128xi32, #tpu.memory_space<vmem>> -> memref<128xi32, #tpu.memory_space<vmem>>
        %dma_start3A_206 = arith.constant 0 : i32
        %dma_start3A_207 = arith.constant 0 : i32
        %dma_start3A_208 = tpu.memref_slice %arg4[%dma_start3A_206, %dma_start3A_207] : memref<10000x128xf32, #tpu.memory_space<hbm>> -> memref<10000x128xf32, #tpu.memory_space<hbm>>
        tpu.enqueue_indirect_dma source(%dma_start3A_208 : memref<10000x128xf32, #tpu.memory_space<hbm>>) target(%arg10 : memref<128x128xf32, #tpu.memory_space<vmem>>) offsets(%dma_start3A_205 : memref<128xi32, #tpu.memory_space<vmem>>) semaphore(%arg12 : memref<!tpu.dma_semaphore, #tpu.memory_space<semaphore_mem>>)
        %dma_wait3A_209 = arith.constant 0 : i32
        %dma_wait3A_210 = arith.constant 0 : i32
        %dma_wait3A_211 = tpu.memref_slice %arg4[%dma_wait3A_209, %dma_wait3A_210] : memref<10000x128xf32, #tpu.memory_space<hbm>> -> memref<128x128xf32, #tpu.memory_space<hbm>>
        %dma_wait3A_212 = arith.constant 0 : i32
        %dma_wait3A_213 = arith.constant 0 : i32
        %dma_wait3A_214 = tpu.memref_slice %arg4[%dma_wait3A_212, %dma_wait3A_213] : memref<10000x128xf32, #tpu.memory_space<hbm>> -> memref<128x128xf32, #tpu.memory_space<hbm>>
        tpu.wait_dma2 semaphore(%arg13 : memref<!tpu.dma_semaphore, #tpu.memory_space<semaphore_mem>>) src(%dma_wait3A_214 : memref<128x128xf32, #tpu.memory_space<hbm>>) dst(%arg11 : memref<128x128xf32, #tpu.memory_space<vmem>>)
        %mul3A_215 = arith.constant 16 : i32
        %mul3A_216 = arith.muli %rem3A_47, %mul3A_215 : i32
        %add3A_217 = arith.constant 7 : i32
        %add3A_218 = arith.addi %mul3A_216, %add3A_217 : i32
        "tpu.region"() ({
          %run_scoped3A = tpu.sem_alloc : memref<!tpu.dma_semaphore, #tpu.memory_space<semaphore_mem>>
          %dma_start3A_397 = arith.constant 0 : i32
          %dma_start3A_398 = tpu.memref_slice %arg9[%add3A_218, %dma_start3A_397] : memref<32x128xi32, #tpu.memory_space<vmem>> -> memref<1x128xi32, #tpu.memory_space<vmem>>
          %dma_start3A_399 = tpu.memref_squeeze %dma_start3A_398 : memref<1x128xi32, #tpu.memory_space<vmem>> -> memref<128xi32, #tpu.memory_space<vmem>>
          %dma_start3A_400 = arith.constant 0 : i32
          %dma_start3A_401 = arith.constant 0 : i32
          %dma_start3A_402 = tpu.memref_slice %arg14[%dma_start3A_400, %dma_start3A_401] : memref<10008x128xf32, #tpu.memory_space<vmem_shared>> -> memref<10008x128xf32, #tpu.memory_space<vmem_shared>>
          tpu.enqueue_indirect_dma source(%arg11 : memref<128x128xf32, #tpu.memory_space<vmem>>) target(%dma_start3A_402 : memref<10008x128xf32, #tpu.memory_space<vmem_shared>>) offsets(%dma_start3A_399 : memref<128xi32, #tpu.memory_space<vmem>>) semaphore(%run_scoped3A : memref<!tpu.dma_semaphore, #tpu.memory_space<semaphore_mem>>) {add = true}
          %dma_wait3A_403 = arith.constant 0 : i32
          %dma_wait3A_404 = tpu.memref_slice %arg9[%add3A_218, %dma_wait3A_403] : memref<32x128xi32, #tpu.memory_space<vmem>> -> memref<1x128xi32, #tpu.memory_space<vmem>>
          %dma_wait3A_405 = tpu.memref_squeeze %dma_wait3A_404 : memref<1x128xi32, #tpu.memory_space<vmem>> -> memref<128xi32, #tpu.memory_space<vmem>>
          %dma_wait3A_406 = arith.constant 0 : i32
          %dma_wait3A_407 = arith.constant 0 : i32
          %dma_wait3A_408 = tpu.memref_slice %arg14[%dma_wait3A_406, %dma_wait3A_407] : memref<10008x128xf32, #tpu.memory_space<vmem_shared>> -> memref<10008x128xf32, #tpu.memory_space<vmem_shared>>
          tpu.wait_indirect_dma semaphore(%run_scoped3A : memref<!tpu.dma_semaphore, #tpu.memory_space<semaphore_mem>>) src(%arg11 : memref<128x128xf32, #tpu.memory_space<vmem>>) dst(%dma_wait3A_408 : memref<10008x128xf32, #tpu.memory_space<vmem_shared>>)
          tpu.yield
        }) : () -> ()
        %mul3A_219 = arith.constant 16 : i32
        %mul3A_220 = arith.muli %rem3A_47, %mul3A_219 : i32
        %add3A_221 = arith.constant 7 : i32
        %add3A_222 = arith.addi %mul3A_220, %add3A_221 : i32
        %add3A_223 = arith.constant 2 : i32
        %add3A_224 = arith.addi %add3A_222, %add3A_223 : i32
        %dma_start3A_225 = arith.constant 0 : i32
        %dma_start3A_226 = tpu.memref_slice %arg8[%add3A_224, %dma_start3A_225] : memref<32x128xi32, #tpu.memory_space<vmem>> -> memref<1x128xi32, #tpu.memory_space<vmem>>
        %dma_start3A_227 = tpu.memref_squeeze %dma_start3A_226 : memref<1x128xi32, #tpu.memory_space<vmem>> -> memref<128xi32, #tpu.memory_space<vmem>>
        %dma_start3A_228 = arith.constant 0 : i32
        %dma_start3A_229 = arith.constant 0 : i32
        %dma_start3A_230 = tpu.memref_slice %arg4[%dma_start3A_228, %dma_start3A_229] : memref<10000x128xf32, #tpu.memory_space<hbm>> -> memref<10000x128xf32, #tpu.memory_space<hbm>>
        tpu.enqueue_indirect_dma source(%dma_start3A_230 : memref<10000x128xf32, #tpu.memory_space<hbm>>) target(%arg11 : memref<128x128xf32, #tpu.memory_space<vmem>>) offsets(%dma_start3A_227 : memref<128xi32, #tpu.memory_space<vmem>>) semaphore(%arg13 : memref<!tpu.dma_semaphore, #tpu.memory_space<semaphore_mem>>)
        %dma_wait3A_231 = arith.constant 0 : i32
        %dma_wait3A_232 = arith.constant 0 : i32
        %dma_wait3A_233 = tpu.memref_slice %arg4[%dma_wait3A_231, %dma_wait3A_232] : memref<10000x128xf32, #tpu.memory_space<hbm>> -> memref<128x128xf32, #tpu.memory_space<hbm>>
        %dma_wait3A_234 = arith.constant 0 : i32
        %dma_wait3A_235 = arith.constant 0 : i32
        %dma_wait3A_236 = tpu.memref_slice %arg4[%dma_wait3A_234, %dma_wait3A_235] : memref<10000x128xf32, #tpu.memory_space<hbm>> -> memref<128x128xf32, #tpu.memory_space<hbm>>
        tpu.wait_dma2 semaphore(%arg12 : memref<!tpu.dma_semaphore, #tpu.memory_space<semaphore_mem>>) src(%dma_wait3A_236 : memref<128x128xf32, #tpu.memory_space<hbm>>) dst(%arg10 : memref<128x128xf32, #tpu.memory_space<vmem>>)
        %mul3A_237 = arith.constant 16 : i32
        %mul3A_238 = arith.muli %rem3A_47, %mul3A_237 : i32
        %add3A_239 = arith.constant 8 : i32
        %add3A_240 = arith.addi %mul3A_238, %add3A_239 : i32
        "tpu.region"() ({
          %run_scoped3A = tpu.sem_alloc : memref<!tpu.dma_semaphore, #tpu.memory_space<semaphore_mem>>
          %dma_start3A_397 = arith.constant 0 : i32
          %dma_start3A_398 = tpu.memref_slice %arg9[%add3A_240, %dma_start3A_397] : memref<32x128xi32, #tpu.memory_space<vmem>> -> memref<1x128xi32, #tpu.memory_space<vmem>>
          %dma_start3A_399 = tpu.memref_squeeze %dma_start3A_398 : memref<1x128xi32, #tpu.memory_space<vmem>> -> memref<128xi32, #tpu.memory_space<vmem>>
          %dma_start3A_400 = arith.constant 0 : i32
          %dma_start3A_401 = arith.constant 0 : i32
          %dma_start3A_402 = tpu.memref_slice %arg14[%dma_start3A_400, %dma_start3A_401] : memref<10008x128xf32, #tpu.memory_space<vmem_shared>> -> memref<10008x128xf32, #tpu.memory_space<vmem_shared>>
          tpu.enqueue_indirect_dma source(%arg10 : memref<128x128xf32, #tpu.memory_space<vmem>>) target(%dma_start3A_402 : memref<10008x128xf32, #tpu.memory_space<vmem_shared>>) offsets(%dma_start3A_399 : memref<128xi32, #tpu.memory_space<vmem>>) semaphore(%run_scoped3A : memref<!tpu.dma_semaphore, #tpu.memory_space<semaphore_mem>>) {add = true}
          %dma_wait3A_403 = arith.constant 0 : i32
          %dma_wait3A_404 = tpu.memref_slice %arg9[%add3A_240, %dma_wait3A_403] : memref<32x128xi32, #tpu.memory_space<vmem>> -> memref<1x128xi32, #tpu.memory_space<vmem>>
          %dma_wait3A_405 = tpu.memref_squeeze %dma_wait3A_404 : memref<1x128xi32, #tpu.memory_space<vmem>> -> memref<128xi32, #tpu.memory_space<vmem>>
          %dma_wait3A_406 = arith.constant 0 : i32
          %dma_wait3A_407 = arith.constant 0 : i32
          %dma_wait3A_408 = tpu.memref_slice %arg14[%dma_wait3A_406, %dma_wait3A_407] : memref<10008x128xf32, #tpu.memory_space<vmem_shared>> -> memref<10008x128xf32, #tpu.memory_space<vmem_shared>>
          tpu.wait_indirect_dma semaphore(%run_scoped3A : memref<!tpu.dma_semaphore, #tpu.memory_space<semaphore_mem>>) src(%arg10 : memref<128x128xf32, #tpu.memory_space<vmem>>) dst(%dma_wait3A_408 : memref<10008x128xf32, #tpu.memory_space<vmem_shared>>)
          tpu.yield
        }) : () -> ()
        %mul3A_241 = arith.constant 16 : i32
        %mul3A_242 = arith.muli %rem3A_47, %mul3A_241 : i32
        %add3A_243 = arith.constant 8 : i32
        %add3A_244 = arith.addi %mul3A_242, %add3A_243 : i32
        %add3A_245 = arith.constant 2 : i32
        %add3A_246 = arith.addi %add3A_244, %add3A_245 : i32
        %dma_start3A_247 = arith.constant 0 : i32
        %dma_start3A_248 = tpu.memref_slice %arg8[%add3A_246, %dma_start3A_247] : memref<32x128xi32, #tpu.memory_space<vmem>> -> memref<1x128xi32, #tpu.memory_space<vmem>>
        %dma_start3A_249 = tpu.memref_squeeze %dma_start3A_248 : memref<1x128xi32, #tpu.memory_space<vmem>> -> memref<128xi32, #tpu.memory_space<vmem>>
        %dma_start3A_250 = arith.constant 0 : i32
        %dma_start3A_251 = arith.constant 0 : i32
        %dma_start3A_252 = tpu.memref_slice %arg4[%dma_start3A_250, %dma_start3A_251] : memref<10000x128xf32, #tpu.memory_space<hbm>> -> memref<10000x128xf32, #tpu.memory_space<hbm>>
        tpu.enqueue_indirect_dma source(%dma_start3A_252 : memref<10000x128xf32, #tpu.memory_space<hbm>>) target(%arg10 : memref<128x128xf32, #tpu.memory_space<vmem>>) offsets(%dma_start3A_249 : memref<128xi32, #tpu.memory_space<vmem>>) semaphore(%arg12 : memref<!tpu.dma_semaphore, #tpu.memory_space<semaphore_mem>>)
        %dma_wait3A_253 = arith.constant 0 : i32
        %dma_wait3A_254 = arith.constant 0 : i32
        %dma_wait3A_255 = tpu.memref_slice %arg4[%dma_wait3A_253, %dma_wait3A_254] : memref<10000x128xf32, #tpu.memory_space<hbm>> -> memref<128x128xf32, #tpu.memory_space<hbm>>
        %dma_wait3A_256 = arith.constant 0 : i32
        %dma_wait3A_257 = arith.constant 0 : i32
        %dma_wait3A_258 = tpu.memref_slice %arg4[%dma_wait3A_256, %dma_wait3A_257] : memref<10000x128xf32, #tpu.memory_space<hbm>> -> memref<128x128xf32, #tpu.memory_space<hbm>>
        tpu.wait_dma2 semaphore(%arg13 : memref<!tpu.dma_semaphore, #tpu.memory_space<semaphore_mem>>) src(%dma_wait3A_258 : memref<128x128xf32, #tpu.memory_space<hbm>>) dst(%arg11 : memref<128x128xf32, #tpu.memory_space<vmem>>)
        %mul3A_259 = arith.constant 16 : i32
        %mul3A_260 = arith.muli %rem3A_47, %mul3A_259 : i32
        %add3A_261 = arith.constant 9 : i32
        %add3A_262 = arith.addi %mul3A_260, %add3A_261 : i32
        "tpu.region"() ({
          %run_scoped3A = tpu.sem_alloc : memref<!tpu.dma_semaphore, #tpu.memory_space<semaphore_mem>>
          %dma_start3A_397 = arith.constant 0 : i32
          %dma_start3A_398 = tpu.memref_slice %arg9[%add3A_262, %dma_start3A_397] : memref<32x128xi32, #tpu.memory_space<vmem>> -> memref<1x128xi32, #tpu.memory_space<vmem>>
          %dma_start3A_399 = tpu.memref_squeeze %dma_start3A_398 : memref<1x128xi32, #tpu.memory_space<vmem>> -> memref<128xi32, #tpu.memory_space<vmem>>
          %dma_start3A_400 = arith.constant 0 : i32
          %dma_start3A_401 = arith.constant 0 : i32
          %dma_start3A_402 = tpu.memref_slice %arg14[%dma_start3A_400, %dma_start3A_401] : memref<10008x128xf32, #tpu.memory_space<vmem_shared>> -> memref<10008x128xf32, #tpu.memory_space<vmem_shared>>
          tpu.enqueue_indirect_dma source(%arg11 : memref<128x128xf32, #tpu.memory_space<vmem>>) target(%dma_start3A_402 : memref<10008x128xf32, #tpu.memory_space<vmem_shared>>) offsets(%dma_start3A_399 : memref<128xi32, #tpu.memory_space<vmem>>) semaphore(%run_scoped3A : memref<!tpu.dma_semaphore, #tpu.memory_space<semaphore_mem>>) {add = true}
          %dma_wait3A_403 = arith.constant 0 : i32
          %dma_wait3A_404 = tpu.memref_slice %arg9[%add3A_262, %dma_wait3A_403] : memref<32x128xi32, #tpu.memory_space<vmem>> -> memref<1x128xi32, #tpu.memory_space<vmem>>
          %dma_wait3A_405 = tpu.memref_squeeze %dma_wait3A_404 : memref<1x128xi32, #tpu.memory_space<vmem>> -> memref<128xi32, #tpu.memory_space<vmem>>
          %dma_wait3A_406 = arith.constant 0 : i32
          %dma_wait3A_407 = arith.constant 0 : i32
          %dma_wait3A_408 = tpu.memref_slice %arg14[%dma_wait3A_406, %dma_wait3A_407] : memref<10008x128xf32, #tpu.memory_space<vmem_shared>> -> memref<10008x128xf32, #tpu.memory_space<vmem_shared>>
          tpu.wait_indirect_dma semaphore(%run_scoped3A : memref<!tpu.dma_semaphore, #tpu.memory_space<semaphore_mem>>) src(%arg11 : memref<128x128xf32, #tpu.memory_space<vmem>>) dst(%dma_wait3A_408 : memref<10008x128xf32, #tpu.memory_space<vmem_shared>>)
          tpu.yield
        }) : () -> ()
        %mul3A_263 = arith.constant 16 : i32
        %mul3A_264 = arith.muli %rem3A_47, %mul3A_263 : i32
        %add3A_265 = arith.constant 9 : i32
        %add3A_266 = arith.addi %mul3A_264, %add3A_265 : i32
        %add3A_267 = arith.constant 2 : i32
        %add3A_268 = arith.addi %add3A_266, %add3A_267 : i32
        %dma_start3A_269 = arith.constant 0 : i32
        %dma_start3A_270 = tpu.memref_slice %arg8[%add3A_268, %dma_start3A_269] : memref<32x128xi32, #tpu.memory_space<vmem>> -> memref<1x128xi32, #tpu.memory_space<vmem>>
        %dma_start3A_271 = tpu.memref_squeeze %dma_start3A_270 : memref<1x128xi32, #tpu.memory_space<vmem>> -> memref<128xi32, #tpu.memory_space<vmem>>
        %dma_start3A_272 = arith.constant 0 : i32
        %dma_start3A_273 = arith.constant 0 : i32
        %dma_start3A_274 = tpu.memref_slice %arg4[%dma_start3A_272, %dma_start3A_273] : memref<10000x128xf32, #tpu.memory_space<hbm>> -> memref<10000x128xf32, #tpu.memory_space<hbm>>
        tpu.enqueue_indirect_dma source(%dma_start3A_274 : memref<10000x128xf32, #tpu.memory_space<hbm>>) target(%arg11 : memref<128x128xf32, #tpu.memory_space<vmem>>) offsets(%dma_start3A_271 : memref<128xi32, #tpu.memory_space<vmem>>) semaphore(%arg13 : memref<!tpu.dma_semaphore, #tpu.memory_space<semaphore_mem>>)
        %dma_wait3A_275 = arith.constant 0 : i32
        %dma_wait3A_276 = arith.constant 0 : i32
        %dma_wait3A_277 = tpu.memref_slice %arg4[%dma_wait3A_275, %dma_wait3A_276] : memref<10000x128xf32, #tpu.memory_space<hbm>> -> memref<128x128xf32, #tpu.memory_space<hbm>>
        %dma_wait3A_278 = arith.constant 0 : i32
        %dma_wait3A_279 = arith.constant 0 : i32
        %dma_wait3A_280 = tpu.memref_slice %arg4[%dma_wait3A_278, %dma_wait3A_279] : memref<10000x128xf32, #tpu.memory_space<hbm>> -> memref<128x128xf32, #tpu.memory_space<hbm>>
        tpu.wait_dma2 semaphore(%arg12 : memref<!tpu.dma_semaphore, #tpu.memory_space<semaphore_mem>>) src(%dma_wait3A_280 : memref<128x128xf32, #tpu.memory_space<hbm>>) dst(%arg10 : memref<128x128xf32, #tpu.memory_space<vmem>>)
        %mul3A_281 = arith.constant 16 : i32
        %mul3A_282 = arith.muli %rem3A_47, %mul3A_281 : i32
        %add3A_283 = arith.constant 10 : i32
        %add3A_284 = arith.addi %mul3A_282, %add3A_283 : i32
        "tpu.region"() ({
          %run_scoped3A = tpu.sem_alloc : memref<!tpu.dma_semaphore, #tpu.memory_space<semaphore_mem>>
          %dma_start3A_397 = arith.constant 0 : i32
          %dma_start3A_398 = tpu.memref_slice %arg9[%add3A_284, %dma_start3A_397] : memref<32x128xi32, #tpu.memory_space<vmem>> -> memref<1x128xi32, #tpu.memory_space<vmem>>
          %dma_start3A_399 = tpu.memref_squeeze %dma_start3A_398 : memref<1x128xi32, #tpu.memory_space<vmem>> -> memref<128xi32, #tpu.memory_space<vmem>>
          %dma_start3A_400 = arith.constant 0 : i32
          %dma_start3A_401 = arith.constant 0 : i32
          %dma_start3A_402 = tpu.memref_slice %arg14[%dma_start3A_400, %dma_start3A_401] : memref<10008x128xf32, #tpu.memory_space<vmem_shared>> -> memref<10008x128xf32, #tpu.memory_space<vmem_shared>>
          tpu.enqueue_indirect_dma source(%arg10 : memref<128x128xf32, #tpu.memory_space<vmem>>) target(%dma_start3A_402 : memref<10008x128xf32, #tpu.memory_space<vmem_shared>>) offsets(%dma_start3A_399 : memref<128xi32, #tpu.memory_space<vmem>>) semaphore(%run_scoped3A : memref<!tpu.dma_semaphore, #tpu.memory_space<semaphore_mem>>) {add = true}
          %dma_wait3A_403 = arith.constant 0 : i32
          %dma_wait3A_404 = tpu.memref_slice %arg9[%add3A_284, %dma_wait3A_403] : memref<32x128xi32, #tpu.memory_space<vmem>> -> memref<1x128xi32, #tpu.memory_space<vmem>>
          %dma_wait3A_405 = tpu.memref_squeeze %dma_wait3A_404 : memref<1x128xi32, #tpu.memory_space<vmem>> -> memref<128xi32, #tpu.memory_space<vmem>>
          %dma_wait3A_406 = arith.constant 0 : i32
          %dma_wait3A_407 = arith.constant 0 : i32
          %dma_wait3A_408 = tpu.memref_slice %arg14[%dma_wait3A_406, %dma_wait3A_407] : memref<10008x128xf32, #tpu.memory_space<vmem_shared>> -> memref<10008x128xf32, #tpu.memory_space<vmem_shared>>
          tpu.wait_indirect_dma semaphore(%run_scoped3A : memref<!tpu.dma_semaphore, #tpu.memory_space<semaphore_mem>>) src(%arg10 : memref<128x128xf32, #tpu.memory_space<vmem>>) dst(%dma_wait3A_408 : memref<10008x128xf32, #tpu.memory_space<vmem_shared>>)
          tpu.yield
        }) : () -> ()
        %mul3A_285 = arith.constant 16 : i32
        %mul3A_286 = arith.muli %rem3A_47, %mul3A_285 : i32
        %add3A_287 = arith.constant 10 : i32
        %add3A_288 = arith.addi %mul3A_286, %add3A_287 : i32
        %add3A_289 = arith.constant 2 : i32
        %add3A_290 = arith.addi %add3A_288, %add3A_289 : i32
        %dma_start3A_291 = arith.constant 0 : i32
        %dma_start3A_292 = tpu.memref_slice %arg8[%add3A_290, %dma_start3A_291] : memref<32x128xi32, #tpu.memory_space<vmem>> -> memref<1x128xi32, #tpu.memory_space<vmem>>
        %dma_start3A_293 = tpu.memref_squeeze %dma_start3A_292 : memref<1x128xi32, #tpu.memory_space<vmem>> -> memref<128xi32, #tpu.memory_space<vmem>>
        %dma_start3A_294 = arith.constant 0 : i32
        %dma_start3A_295 = arith.constant 0 : i32
        %dma_start3A_296 = tpu.memref_slice %arg4[%dma_start3A_294, %dma_start3A_295] : memref<10000x128xf32, #tpu.memory_space<hbm>> -> memref<10000x128xf32, #tpu.memory_space<hbm>>
        tpu.enqueue_indirect_dma source(%dma_start3A_296 : memref<10000x128xf32, #tpu.memory_space<hbm>>) target(%arg10 : memref<128x128xf32, #tpu.memory_space<vmem>>) offsets(%dma_start3A_293 : memref<128xi32, #tpu.memory_space<vmem>>) semaphore(%arg12 : memref<!tpu.dma_semaphore, #tpu.memory_space<semaphore_mem>>)
        %dma_wait3A_297 = arith.constant 0 : i32
        %dma_wait3A_298 = arith.constant 0 : i32
        %dma_wait3A_299 = tpu.memref_slice %arg4[%dma_wait3A_297, %dma_wait3A_298] : memref<10000x128xf32, #tpu.memory_space<hbm>> -> memref<128x128xf32, #tpu.memory_space<hbm>>
        %dma_wait3A_300 = arith.constant 0 : i32
        %dma_wait3A_301 = arith.constant 0 : i32
        %dma_wait3A_302 = tpu.memref_slice %arg4[%dma_wait3A_300, %dma_wait3A_301] : memref<10000x128xf32, #tpu.memory_space<hbm>> -> memref<128x128xf32, #tpu.memory_space<hbm>>
        tpu.wait_dma2 semaphore(%arg13 : memref<!tpu.dma_semaphore, #tpu.memory_space<semaphore_mem>>) src(%dma_wait3A_302 : memref<128x128xf32, #tpu.memory_space<hbm>>) dst(%arg11 : memref<128x128xf32, #tpu.memory_space<vmem>>)
        %mul3A_303 = arith.constant 16 : i32
        %mul3A_304 = arith.muli %rem3A_47, %mul3A_303 : i32
        %add3A_305 = arith.constant 11 : i32
        %add3A_306 = arith.addi %mul3A_304, %add3A_305 : i32
        "tpu.region"() ({
          %run_scoped3A = tpu.sem_alloc : memref<!tpu.dma_semaphore, #tpu.memory_space<semaphore_mem>>
          %dma_start3A_397 = arith.constant 0 : i32
          %dma_start3A_398 = tpu.memref_slice %arg9[%add3A_306, %dma_start3A_397] : memref<32x128xi32, #tpu.memory_space<vmem>> -> memref<1x128xi32, #tpu.memory_space<vmem>>
          %dma_start3A_399 = tpu.memref_squeeze %dma_start3A_398 : memref<1x128xi32, #tpu.memory_space<vmem>> -> memref<128xi32, #tpu.memory_space<vmem>>
          %dma_start3A_400 = arith.constant 0 : i32
          %dma_start3A_401 = arith.constant 0 : i32
          %dma_start3A_402 = tpu.memref_slice %arg14[%dma_start3A_400, %dma_start3A_401] : memref<10008x128xf32, #tpu.memory_space<vmem_shared>> -> memref<10008x128xf32, #tpu.memory_space<vmem_shared>>
          tpu.enqueue_indirect_dma source(%arg11 : memref<128x128xf32, #tpu.memory_space<vmem>>) target(%dma_start3A_402 : memref<10008x128xf32, #tpu.memory_space<vmem_shared>>) offsets(%dma_start3A_399 : memref<128xi32, #tpu.memory_space<vmem>>) semaphore(%run_scoped3A : memref<!tpu.dma_semaphore, #tpu.memory_space<semaphore_mem>>) {add = true}
          %dma_wait3A_403 = arith.constant 0 : i32
          %dma_wait3A_404 = tpu.memref_slice %arg9[%add3A_306, %dma_wait3A_403] : memref<32x128xi32, #tpu.memory_space<vmem>> -> memref<1x128xi32, #tpu.memory_space<vmem>>
          %dma_wait3A_405 = tpu.memref_squeeze %dma_wait3A_404 : memref<1x128xi32, #tpu.memory_space<vmem>> -> memref<128xi32, #tpu.memory_space<vmem>>
          %dma_wait3A_406 = arith.constant 0 : i32
          %dma_wait3A_407 = arith.constant 0 : i32
          %dma_wait3A_408 = tpu.memref_slice %arg14[%dma_wait3A_406, %dma_wait3A_407] : memref<10008x128xf32, #tpu.memory_space<vmem_shared>> -> memref<10008x128xf32, #tpu.memory_space<vmem_shared>>
          tpu.wait_indirect_dma semaphore(%run_scoped3A : memref<!tpu.dma_semaphore, #tpu.memory_space<semaphore_mem>>) src(%arg11 : memref<128x128xf32, #tpu.memory_space<vmem>>) dst(%dma_wait3A_408 : memref<10008x128xf32, #tpu.memory_space<vmem_shared>>)
          tpu.yield
        }) : () -> ()
        %mul3A_307 = arith.constant 16 : i32
        %mul3A_308 = arith.muli %rem3A_47, %mul3A_307 : i32
        %add3A_309 = arith.constant 11 : i32
        %add3A_310 = arith.addi %mul3A_308, %add3A_309 : i32
        %add3A_311 = arith.constant 2 : i32
        %add3A_312 = arith.addi %add3A_310, %add3A_311 : i32
        %dma_start3A_313 = arith.constant 0 : i32
        %dma_start3A_314 = tpu.memref_slice %arg8[%add3A_312, %dma_start3A_313] : memref<32x128xi32, #tpu.memory_space<vmem>> -> memref<1x128xi32, #tpu.memory_space<vmem>>
        %dma_start3A_315 = tpu.memref_squeeze %dma_start3A_314 : memref<1x128xi32, #tpu.memory_space<vmem>> -> memref<128xi32, #tpu.memory_space<vmem>>
        %dma_start3A_316 = arith.constant 0 : i32
        %dma_start3A_317 = arith.constant 0 : i32
        %dma_start3A_318 = tpu.memref_slice %arg4[%dma_start3A_316, %dma_start3A_317] : memref<10000x128xf32, #tpu.memory_space<hbm>> -> memref<10000x128xf32, #tpu.memory_space<hbm>>
        tpu.enqueue_indirect_dma source(%dma_start3A_318 : memref<10000x128xf32, #tpu.memory_space<hbm>>) target(%arg11 : memref<128x128xf32, #tpu.memory_space<vmem>>) offsets(%dma_start3A_315 : memref<128xi32, #tpu.memory_space<vmem>>) semaphore(%arg13 : memref<!tpu.dma_semaphore, #tpu.memory_space<semaphore_mem>>)
        %dma_wait3A_319 = arith.constant 0 : i32
        %dma_wait3A_320 = arith.constant 0 : i32
        %dma_wait3A_321 = tpu.memref_slice %arg4[%dma_wait3A_319, %dma_wait3A_320] : memref<10000x128xf32, #tpu.memory_space<hbm>> -> memref<128x128xf32, #tpu.memory_space<hbm>>
        %dma_wait3A_322 = arith.constant 0 : i32
        %dma_wait3A_323 = arith.constant 0 : i32
        %dma_wait3A_324 = tpu.memref_slice %arg4[%dma_wait3A_322, %dma_wait3A_323] : memref<10000x128xf32, #tpu.memory_space<hbm>> -> memref<128x128xf32, #tpu.memory_space<hbm>>
        tpu.wait_dma2 semaphore(%arg12 : memref<!tpu.dma_semaphore, #tpu.memory_space<semaphore_mem>>) src(%dma_wait3A_324 : memref<128x128xf32, #tpu.memory_space<hbm>>) dst(%arg10 : memref<128x128xf32, #tpu.memory_space<vmem>>)
        %mul3A_325 = arith.constant 16 : i32
        %mul3A_326 = arith.muli %rem3A_47, %mul3A_325 : i32
        %add3A_327 = arith.constant 12 : i32
        %add3A_328 = arith.addi %mul3A_326, %add3A_327 : i32
        "tpu.region"() ({
          %run_scoped3A = tpu.sem_alloc : memref<!tpu.dma_semaphore, #tpu.memory_space<semaphore_mem>>
          %dma_start3A_397 = arith.constant 0 : i32
          %dma_start3A_398 = tpu.memref_slice %arg9[%add3A_328, %dma_start3A_397] : memref<32x128xi32, #tpu.memory_space<vmem>> -> memref<1x128xi32, #tpu.memory_space<vmem>>
          %dma_start3A_399 = tpu.memref_squeeze %dma_start3A_398 : memref<1x128xi32, #tpu.memory_space<vmem>> -> memref<128xi32, #tpu.memory_space<vmem>>
          %dma_start3A_400 = arith.constant 0 : i32
          %dma_start3A_401 = arith.constant 0 : i32
          %dma_start3A_402 = tpu.memref_slice %arg14[%dma_start3A_400, %dma_start3A_401] : memref<10008x128xf32, #tpu.memory_space<vmem_shared>> -> memref<10008x128xf32, #tpu.memory_space<vmem_shared>>
          tpu.enqueue_indirect_dma source(%arg10 : memref<128x128xf32, #tpu.memory_space<vmem>>) target(%dma_start3A_402 : memref<10008x128xf32, #tpu.memory_space<vmem_shared>>) offsets(%dma_start3A_399 : memref<128xi32, #tpu.memory_space<vmem>>) semaphore(%run_scoped3A : memref<!tpu.dma_semaphore, #tpu.memory_space<semaphore_mem>>) {add = true}
          %dma_wait3A_403 = arith.constant 0 : i32
          %dma_wait3A_404 = tpu.memref_slice %arg9[%add3A_328, %dma_wait3A_403] : memref<32x128xi32, #tpu.memory_space<vmem>> -> memref<1x128xi32, #tpu.memory_space<vmem>>
          %dma_wait3A_405 = tpu.memref_squeeze %dma_wait3A_404 : memref<1x128xi32, #tpu.memory_space<vmem>> -> memref<128xi32, #tpu.memory_space<vmem>>
          %dma_wait3A_406 = arith.constant 0 : i32
          %dma_wait3A_407 = arith.constant 0 : i32
          %dma_wait3A_408 = tpu.memref_slice %arg14[%dma_wait3A_406, %dma_wait3A_407] : memref<10008x128xf32, #tpu.memory_space<vmem_shared>> -> memref<10008x128xf32, #tpu.memory_space<vmem_shared>>
          tpu.wait_indirect_dma semaphore(%run_scoped3A : memref<!tpu.dma_semaphore, #tpu.memory_space<semaphore_mem>>) src(%arg10 : memref<128x128xf32, #tpu.memory_space<vmem>>) dst(%dma_wait3A_408 : memref<10008x128xf32, #tpu.memory_space<vmem_shared>>)
          tpu.yield
        }) : () -> ()
        %mul3A_329 = arith.constant 16 : i32
        %mul3A_330 = arith.muli %rem3A_47, %mul3A_329 : i32
        %add3A_331 = arith.constant 12 : i32
        %add3A_332 = arith.addi %mul3A_330, %add3A_331 : i32
        %add3A_333 = arith.constant 2 : i32
        %add3A_334 = arith.addi %add3A_332, %add3A_333 : i32
        %dma_start3A_335 = arith.constant 0 : i32
        %dma_start3A_336 = tpu.memref_slice %arg8[%add3A_334, %dma_start3A_335] : memref<32x128xi32, #tpu.memory_space<vmem>> -> memref<1x128xi32, #tpu.memory_space<vmem>>
        %dma_start3A_337 = tpu.memref_squeeze %dma_start3A_336 : memref<1x128xi32, #tpu.memory_space<vmem>> -> memref<128xi32, #tpu.memory_space<vmem>>
        %dma_start3A_338 = arith.constant 0 : i32
        %dma_start3A_339 = arith.constant 0 : i32
        %dma_start3A_340 = tpu.memref_slice %arg4[%dma_start3A_338, %dma_start3A_339] : memref<10000x128xf32, #tpu.memory_space<hbm>> -> memref<10000x128xf32, #tpu.memory_space<hbm>>
        tpu.enqueue_indirect_dma source(%dma_start3A_340 : memref<10000x128xf32, #tpu.memory_space<hbm>>) target(%arg10 : memref<128x128xf32, #tpu.memory_space<vmem>>) offsets(%dma_start3A_337 : memref<128xi32, #tpu.memory_space<vmem>>) semaphore(%arg12 : memref<!tpu.dma_semaphore, #tpu.memory_space<semaphore_mem>>)
        %dma_wait3A_341 = arith.constant 0 : i32
        %dma_wait3A_342 = arith.constant 0 : i32
        %dma_wait3A_343 = tpu.memref_slice %arg4[%dma_wait3A_341, %dma_wait3A_342] : memref<10000x128xf32, #tpu.memory_space<hbm>> -> memref<128x128xf32, #tpu.memory_space<hbm>>
        %dma_wait3A_344 = arith.constant 0 : i32
        %dma_wait3A_345 = arith.constant 0 : i32
        %dma_wait3A_346 = tpu.memref_slice %arg4[%dma_wait3A_344, %dma_wait3A_345] : memref<10000x128xf32, #tpu.memory_space<hbm>> -> memref<128x128xf32, #tpu.memory_space<hbm>>
        tpu.wait_dma2 semaphore(%arg13 : memref<!tpu.dma_semaphore, #tpu.memory_space<semaphore_mem>>) src(%dma_wait3A_346 : memref<128x128xf32, #tpu.memory_space<hbm>>) dst(%arg11 : memref<128x128xf32, #tpu.memory_space<vmem>>)
        %mul3A_347 = arith.constant 16 : i32
        %mul3A_348 = arith.muli %rem3A_47, %mul3A_347 : i32
        %add3A_349 = arith.constant 13 : i32
        %add3A_350 = arith.addi %mul3A_348, %add3A_349 : i32
        "tpu.region"() ({
          %run_scoped3A = tpu.sem_alloc : memref<!tpu.dma_semaphore, #tpu.memory_space<semaphore_mem>>
          %dma_start3A_397 = arith.constant 0 : i32
          %dma_start3A_398 = tpu.memref_slice %arg9[%add3A_350, %dma_start3A_397] : memref<32x128xi32, #tpu.memory_space<vmem>> -> memref<1x128xi32, #tpu.memory_space<vmem>>
          %dma_start3A_399 = tpu.memref_squeeze %dma_start3A_398 : memref<1x128xi32, #tpu.memory_space<vmem>> -> memref<128xi32, #tpu.memory_space<vmem>>
          %dma_start3A_400 = arith.constant 0 : i32
          %dma_start3A_401 = arith.constant 0 : i32
          %dma_start3A_402 = tpu.memref_slice %arg14[%dma_start3A_400, %dma_start3A_401] : memref<10008x128xf32, #tpu.memory_space<vmem_shared>> -> memref<10008x128xf32, #tpu.memory_space<vmem_shared>>
          tpu.enqueue_indirect_dma source(%arg11 : memref<128x128xf32, #tpu.memory_space<vmem>>) target(%dma_start3A_402 : memref<10008x128xf32, #tpu.memory_space<vmem_shared>>) offsets(%dma_start3A_399 : memref<128xi32, #tpu.memory_space<vmem>>) semaphore(%run_scoped3A : memref<!tpu.dma_semaphore, #tpu.memory_space<semaphore_mem>>) {add = true}
          %dma_wait3A_403 = arith.constant 0 : i32
          %dma_wait3A_404 = tpu.memref_slice %arg9[%add3A_350, %dma_wait3A_403] : memref<32x128xi32, #tpu.memory_space<vmem>> -> memref<1x128xi32, #tpu.memory_space<vmem>>
          %dma_wait3A_405 = tpu.memref_squeeze %dma_wait3A_404 : memref<1x128xi32, #tpu.memory_space<vmem>> -> memref<128xi32, #tpu.memory_space<vmem>>
          %dma_wait3A_406 = arith.constant 0 : i32
          %dma_wait3A_407 = arith.constant 0 : i32
          %dma_wait3A_408 = tpu.memref_slice %arg14[%dma_wait3A_406, %dma_wait3A_407] : memref<10008x128xf32, #tpu.memory_space<vmem_shared>> -> memref<10008x128xf32, #tpu.memory_space<vmem_shared>>
          tpu.wait_indirect_dma semaphore(%run_scoped3A : memref<!tpu.dma_semaphore, #tpu.memory_space<semaphore_mem>>) src(%arg11 : memref<128x128xf32, #tpu.memory_space<vmem>>) dst(%dma_wait3A_408 : memref<10008x128xf32, #tpu.memory_space<vmem_shared>>)
          tpu.yield
        }) : () -> ()
        %mul3A_351 = arith.constant 16 : i32
        %mul3A_352 = arith.muli %rem3A_47, %mul3A_351 : i32
        %add3A_353 = arith.constant 13 : i32
        %add3A_354 = arith.addi %mul3A_352, %add3A_353 : i32
        %add3A_355 = arith.constant 2 : i32
        %add3A_356 = arith.addi %add3A_354, %add3A_355 : i32
        %dma_start3A_357 = arith.constant 0 : i32
        %dma_start3A_358 = tpu.memref_slice %arg8[%add3A_356, %dma_start3A_357] : memref<32x128xi32, #tpu.memory_space<vmem>> -> memref<1x128xi32, #tpu.memory_space<vmem>>
        %dma_start3A_359 = tpu.memref_squeeze %dma_start3A_358 : memref<1x128xi32, #tpu.memory_space<vmem>> -> memref<128xi32, #tpu.memory_space<vmem>>
        %dma_start3A_360 = arith.constant 0 : i32
        %dma_start3A_361 = arith.constant 0 : i32
        %dma_start3A_362 = tpu.memref_slice %arg4[%dma_start3A_360, %dma_start3A_361] : memref<10000x128xf32, #tpu.memory_space<hbm>> -> memref<10000x128xf32, #tpu.memory_space<hbm>>
        tpu.enqueue_indirect_dma source(%dma_start3A_362 : memref<10000x128xf32, #tpu.memory_space<hbm>>) target(%arg11 : memref<128x128xf32, #tpu.memory_space<vmem>>) offsets(%dma_start3A_359 : memref<128xi32, #tpu.memory_space<vmem>>) semaphore(%arg13 : memref<!tpu.dma_semaphore, #tpu.memory_space<semaphore_mem>>)
        %dma_wait3A_363 = arith.constant 0 : i32
        %dma_wait3A_364 = arith.constant 0 : i32
        %dma_wait3A_365 = tpu.memref_slice %arg4[%dma_wait3A_363, %dma_wait3A_364] : memref<10000x128xf32, #tpu.memory_space<hbm>> -> memref<128x128xf32, #tpu.memory_space<hbm>>
        %dma_wait3A_366 = arith.constant 0 : i32
        %dma_wait3A_367 = arith.constant 0 : i32
        %dma_wait3A_368 = tpu.memref_slice %arg4[%dma_wait3A_366, %dma_wait3A_367] : memref<10000x128xf32, #tpu.memory_space<hbm>> -> memref<128x128xf32, #tpu.memory_space<hbm>>
        tpu.wait_dma2 semaphore(%arg12 : memref<!tpu.dma_semaphore, #tpu.memory_space<semaphore_mem>>) src(%dma_wait3A_368 : memref<128x128xf32, #tpu.memory_space<hbm>>) dst(%arg10 : memref<128x128xf32, #tpu.memory_space<vmem>>)
        %mul3A_369 = arith.constant 16 : i32
        %mul3A_370 = arith.muli %rem3A_47, %mul3A_369 : i32
        %add3A_371 = arith.constant 14 : i32
        %add3A_372 = arith.addi %mul3A_370, %add3A_371 : i32
        "tpu.region"() ({
          %run_scoped3A = tpu.sem_alloc : memref<!tpu.dma_semaphore, #tpu.memory_space<semaphore_mem>>
          %dma_start3A_397 = arith.constant 0 : i32
          %dma_start3A_398 = tpu.memref_slice %arg9[%add3A_372, %dma_start3A_397] : memref<32x128xi32, #tpu.memory_space<vmem>> -> memref<1x128xi32, #tpu.memory_space<vmem>>
          %dma_start3A_399 = tpu.memref_squeeze %dma_start3A_398 : memref<1x128xi32, #tpu.memory_space<vmem>> -> memref<128xi32, #tpu.memory_space<vmem>>
          %dma_start3A_400 = arith.constant 0 : i32
          %dma_start3A_401 = arith.constant 0 : i32
          %dma_start3A_402 = tpu.memref_slice %arg14[%dma_start3A_400, %dma_start3A_401] : memref<10008x128xf32, #tpu.memory_space<vmem_shared>> -> memref<10008x128xf32, #tpu.memory_space<vmem_shared>>
          tpu.enqueue_indirect_dma source(%arg10 : memref<128x128xf32, #tpu.memory_space<vmem>>) target(%dma_start3A_402 : memref<10008x128xf32, #tpu.memory_space<vmem_shared>>) offsets(%dma_start3A_399 : memref<128xi32, #tpu.memory_space<vmem>>) semaphore(%run_scoped3A : memref<!tpu.dma_semaphore, #tpu.memory_space<semaphore_mem>>) {add = true}
          %dma_wait3A_403 = arith.constant 0 : i32
          %dma_wait3A_404 = tpu.memref_slice %arg9[%add3A_372, %dma_wait3A_403] : memref<32x128xi32, #tpu.memory_space<vmem>> -> memref<1x128xi32, #tpu.memory_space<vmem>>
          %dma_wait3A_405 = tpu.memref_squeeze %dma_wait3A_404 : memref<1x128xi32, #tpu.memory_space<vmem>> -> memref<128xi32, #tpu.memory_space<vmem>>
          %dma_wait3A_406 = arith.constant 0 : i32
          %dma_wait3A_407 = arith.constant 0 : i32
          %dma_wait3A_408 = tpu.memref_slice %arg14[%dma_wait3A_406, %dma_wait3A_407] : memref<10008x128xf32, #tpu.memory_space<vmem_shared>> -> memref<10008x128xf32, #tpu.memory_space<vmem_shared>>
          tpu.wait_indirect_dma semaphore(%run_scoped3A : memref<!tpu.dma_semaphore, #tpu.memory_space<semaphore_mem>>) src(%arg10 : memref<128x128xf32, #tpu.memory_space<vmem>>) dst(%dma_wait3A_408 : memref<10008x128xf32, #tpu.memory_space<vmem_shared>>)
          tpu.yield
        }) : () -> ()
        %add3A_373 = arith.constant 1 : i32
        %add3A_374 = arith.addi %add3A_46, %add3A_373 : i32
        %lt3A_375 = arith.constant 5 : i32
        %lt3A_376 = arith.cmpi slt, %add3A_374, %lt3A_375 : i32
        %convert_element_type3A_377 = arith.extui %lt3A_376 : i1 to i32
        %cond3A_378 = arith.constant 0 : i32
        %cond3A_379 = arith.cmpi ne, %convert_element_type3A_377, %cond3A_378 : i32
        scf.if %cond3A_379 {
          %mul3A_397 = arith.constant 16 : i32
          %mul3A_398 = arith.muli %sub3A_48, %mul3A_397 : i32
          %add3A_399 = arith.constant 14 : i32
          %add3A_400 = arith.addi %mul3A_398, %add3A_399 : i32
          %add3A_401 = arith.constant 2 : i32
          %add3A_402 = arith.addi %add3A_400, %add3A_401 : i32
          %sub3A_403 = arith.constant 16 : i32
          %sub3A_404 = arith.subi %add3A_402, %sub3A_403 : i32
          %dma_start3A_405 = arith.constant 0 : i32
          %dma_start3A_406 = tpu.memref_slice %arg8[%sub3A_404, %dma_start3A_405] : memref<32x128xi32, #tpu.memory_space<vmem>> -> memref<1x128xi32, #tpu.memory_space<vmem>>
          %dma_start3A_407 = tpu.memref_squeeze %dma_start3A_406 : memref<1x128xi32, #tpu.memory_space<vmem>> -> memref<128xi32, #tpu.memory_space<vmem>>
          %dma_start3A_408 = arith.constant 0 : i32
          %dma_start3A_409 = arith.constant 0 : i32
          %dma_start3A_410 = tpu.memref_slice %arg4[%dma_start3A_408, %dma_start3A_409] : memref<10000x128xf32, #tpu.memory_space<hbm>> -> memref<10000x128xf32, #tpu.memory_space<hbm>>
          tpu.enqueue_indirect_dma source(%dma_start3A_410 : memref<10000x128xf32, #tpu.memory_space<hbm>>) target(%arg10 : memref<128x128xf32, #tpu.memory_space<vmem>>) offsets(%dma_start3A_407 : memref<128xi32, #tpu.memory_space<vmem>>) semaphore(%arg12 : memref<!tpu.dma_semaphore, #tpu.memory_space<semaphore_mem>>)
        } else {
        }
        %dma_wait3A_380 = arith.constant 0 : i32
        %dma_wait3A_381 = arith.constant 0 : i32
        %dma_wait3A_382 = tpu.memref_slice %arg4[%dma_wait3A_380, %dma_wait3A_381] : memref<10000x128xf32, #tpu.memory_space<hbm>> -> memref<128x128xf32, #tpu.memory_space<hbm>>
        %dma_wait3A_383 = arith.constant 0 : i32
        %dma_wait3A_384 = arith.constant 0 : i32
        %dma_wait3A_385 = tpu.memref_slice %arg4[%dma_wait3A_383, %dma_wait3A_384] : memref<10000x128xf32, #tpu.memory_space<hbm>> -> memref<128x128xf32, #tpu.memory_space<hbm>>
        tpu.wait_dma2 semaphore(%arg13 : memref<!tpu.dma_semaphore, #tpu.memory_space<semaphore_mem>>) src(%dma_wait3A_385 : memref<128x128xf32, #tpu.memory_space<hbm>>) dst(%arg11 : memref<128x128xf32, #tpu.memory_space<vmem>>)
        %mul3A_386 = arith.constant 16 : i32
        %mul3A_387 = arith.muli %rem3A_47, %mul3A_386 : i32
        %add3A_388 = arith.constant 15 : i32
        %add3A_389 = arith.addi %mul3A_387, %add3A_388 : i32
        "tpu.region"() ({
          %run_scoped3A = tpu.sem_alloc : memref<!tpu.dma_semaphore, #tpu.memory_space<semaphore_mem>>
          %dma_start3A_397 = arith.constant 0 : i32
          %dma_start3A_398 = tpu.memref_slice %arg9[%add3A_389, %dma_start3A_397] : memref<32x128xi32, #tpu.memory_space<vmem>> -> memref<1x128xi32, #tpu.memory_space<vmem>>
          %dma_start3A_399 = tpu.memref_squeeze %dma_start3A_398 : memref<1x128xi32, #tpu.memory_space<vmem>> -> memref<128xi32, #tpu.memory_space<vmem>>
          %dma_start3A_400 = arith.constant 0 : i32
          %dma_start3A_401 = arith.constant 0 : i32
          %dma_start3A_402 = tpu.memref_slice %arg14[%dma_start3A_400, %dma_start3A_401] : memref<10008x128xf32, #tpu.memory_space<vmem_shared>> -> memref<10008x128xf32, #tpu.memory_space<vmem_shared>>
          tpu.enqueue_indirect_dma source(%arg11 : memref<128x128xf32, #tpu.memory_space<vmem>>) target(%dma_start3A_402 : memref<10008x128xf32, #tpu.memory_space<vmem_shared>>) offsets(%dma_start3A_399 : memref<128xi32, #tpu.memory_space<vmem>>) semaphore(%run_scoped3A : memref<!tpu.dma_semaphore, #tpu.memory_space<semaphore_mem>>) {add = true}
          %dma_wait3A_403 = arith.constant 0 : i32
          %dma_wait3A_404 = tpu.memref_slice %arg9[%add3A_389, %dma_wait3A_403] : memref<32x128xi32, #tpu.memory_space<vmem>> -> memref<1x128xi32, #tpu.memory_space<vmem>>
          %dma_wait3A_405 = tpu.memref_squeeze %dma_wait3A_404 : memref<1x128xi32, #tpu.memory_space<vmem>> -> memref<128xi32, #tpu.memory_space<vmem>>
          %dma_wait3A_406 = arith.constant 0 : i32
          %dma_wait3A_407 = arith.constant 0 : i32
          %dma_wait3A_408 = tpu.memref_slice %arg14[%dma_wait3A_406, %dma_wait3A_407] : memref<10008x128xf32, #tpu.memory_space<vmem_shared>> -> memref<10008x128xf32, #tpu.memory_space<vmem_shared>>
          tpu.wait_indirect_dma semaphore(%run_scoped3A : memref<!tpu.dma_semaphore, #tpu.memory_space<semaphore_mem>>) src(%arg11 : memref<128x128xf32, #tpu.memory_space<vmem>>) dst(%dma_wait3A_408 : memref<10008x128xf32, #tpu.memory_space<vmem_shared>>)
          tpu.yield
        }) : () -> ()
        %add3A_390 = arith.constant 1 : i32
        %add3A_391 = arith.addi %add3A_46, %add3A_390 : i32
        %lt3A_392 = arith.constant 5 : i32
        %lt3A_393 = arith.cmpi slt, %add3A_391, %lt3A_392 : i32
        %convert_element_type3A_394 = arith.extui %lt3A_393 : i1 to i32
        %cond3A_395 = arith.constant 0 : i32
        %cond3A_396 = arith.cmpi ne, %convert_element_type3A_394, %cond3A_395 : i32
        scf.if %cond3A_396 {
          %mul3A_397 = arith.constant 16 : i32
          %mul3A_398 = arith.muli %sub3A_48, %mul3A_397 : i32
          %add3A_399 = arith.constant 15 : i32
          %add3A_400 = arith.addi %mul3A_398, %add3A_399 : i32
          %add3A_401 = arith.constant 2 : i32
          %add3A_402 = arith.addi %add3A_400, %add3A_401 : i32
          %sub3A_403 = arith.constant 16 : i32
          %sub3A_404 = arith.subi %add3A_402, %sub3A_403 : i32
          %dma_start3A_405 = arith.constant 0 : i32
          %dma_start3A_406 = tpu.memref_slice %arg8[%sub3A_404, %dma_start3A_405] : memref<32x128xi32, #tpu.memory_space<vmem>> -> memref<1x128xi32, #tpu.memory_space<vmem>>
          %dma_start3A_407 = tpu.memref_squeeze %dma_start3A_406 : memref<1x128xi32, #tpu.memory_space<vmem>> -> memref<128xi32, #tpu.memory_space<vmem>>
          %dma_start3A_408 = arith.constant 0 : i32
          %dma_start3A_409 = arith.constant 0 : i32
          %dma_start3A_410 = tpu.memref_slice %arg4[%dma_start3A_408, %dma_start3A_409] : memref<10000x128xf32, #tpu.memory_space<hbm>> -> memref<10000x128xf32, #tpu.memory_space<hbm>>
          tpu.enqueue_indirect_dma source(%dma_start3A_410 : memref<10000x128xf32, #tpu.memory_space<hbm>>) target(%arg11 : memref<128x128xf32, #tpu.memory_space<vmem>>) offsets(%dma_start3A_407 : memref<128xi32, #tpu.memory_space<vmem>>) semaphore(%arg13 : memref<!tpu.dma_semaphore, #tpu.memory_space<semaphore_mem>>)
        } else {
        }
      }
      %scan3A_32 = arith.constant 5 : i32
      %barrier3A_33 = arith.constant 0 : index
      tpu.barrier barrier_id(%barrier3A_33)
      %lt3A_34 = arith.constant 15 : i32
      %lt3A_35 = arith.cmpi slt, %arg1, %lt3A_34 : i32
      %convert_element_type3A_36 = arith.extui %lt3A_35 : i1 to i32
      %cond3A_37 = arith.constant 0 : i32
      %cond3A_38 = arith.cmpi ne, %convert_element_type3A_36, %cond3A_37 : i32
      scf.if %cond3A_38 {
        %mul3A = arith.constant 632 : i32
        %mul3A_44 = arith.muli %arg1, %mul3A : i32
        %mul3A_45 = arith.constant 632 : i32
        %mul3A_46 = arith.muli %arg1, %mul3A_45 : i32
        "tpu.region"() ({
          %run_scoped3A = tpu.sem_alloc : memref<!tpu.dma_semaphore, #tpu.memory_space<semaphore_mem>>
          %dma_start3A_47 = arith.constant 0 : i32
          %dma_start3A_48 = tpu.memref_slice %arg6[%mul3A_46, %dma_start3A_47] : memref<10000x128xf32, #tpu.memory_space<hbm>> -> memref<632x128xf32, #tpu.memory_space<hbm>>
          %dma_start3A_49 = arith.constant 0 : i32
          %dma_start3A_50 = tpu.memref_slice %arg14[%mul3A_44, %dma_start3A_49] : memref<10008x128xf32, #tpu.memory_space<vmem_shared>> -> memref<632x128xf32, #tpu.memory_space<vmem_shared>>
          tpu.enqueue_dma source(%dma_start3A_50 : memref<632x128xf32, #tpu.memory_space<vmem_shared>>) target(%dma_start3A_48 : memref<632x128xf32, #tpu.memory_space<hbm>>) target_semaphore(%run_scoped3A : memref<!tpu.dma_semaphore, #tpu.memory_space<semaphore_mem>>)
          %dma_wait3A = arith.constant 0 : i32
          %dma_wait3A_51 = tpu.memref_slice %arg6[%mul3A_46, %dma_wait3A] : memref<10000x128xf32, #tpu.memory_space<hbm>> -> memref<632x128xf32, #tpu.memory_space<hbm>>
          %dma_wait3A_52 = arith.constant 0 : i32
          %dma_wait3A_53 = tpu.memref_slice %arg14[%mul3A_44, %dma_wait3A_52] : memref<10008x128xf32, #tpu.memory_space<vmem_shared>> -> memref<632x128xf32, #tpu.memory_space<vmem_shared>>
          tpu.wait_dma2 semaphore(%run_scoped3A : memref<!tpu.dma_semaphore, #tpu.memory_space<semaphore_mem>>) src(%dma_wait3A_53 : memref<632x128xf32, #tpu.memory_space<vmem_shared>>) dst(%dma_wait3A_51 : memref<632x128xf32, #tpu.memory_space<hbm>>)
          tpu.yield
        }) : () -> ()
      } else {
      }
      %eq3A_39 = arith.constant 15 : i32
      %eq3A_40 = arith.cmpi eq, %arg1, %eq3A_39 : i32
      %convert_element_type3A_41 = arith.extui %eq3A_40 : i1 to i32
      %cond3A_42 = arith.constant 0 : i32
      %cond3A_43 = arith.cmpi ne, %convert_element_type3A_41, %cond3A_42 : i32
      scf.if %cond3A_43 {
        "tpu.region"() ({
          %run_scoped3A = tpu.sem_alloc : memref<!tpu.dma_semaphore, #tpu.memory_space<semaphore_mem>>
          %dma_start3A_44 = arith.constant 9480 : i32
          %dma_start3A_45 = arith.constant 0 : i32
          %dma_start3A_46 = tpu.memref_slice %arg6[%dma_start3A_44, %dma_start3A_45] : memref<10000x128xf32, #tpu.memory_space<hbm>> -> memref<520x128xf32, #tpu.memory_space<hbm>>
          %dma_start3A_47 = arith.constant 9480 : i32
          %dma_start3A_48 = arith.constant 0 : i32
          %dma_start3A_49 = tpu.memref_slice %arg14[%dma_start3A_47, %dma_start3A_48] : memref<10008x128xf32, #tpu.memory_space<vmem_shared>> -> memref<520x128xf32, #tpu.memory_space<vmem_shared>>
          tpu.enqueue_dma source(%dma_start3A_49 : memref<520x128xf32, #tpu.memory_space<vmem_shared>>) target(%dma_start3A_46 : memref<520x128xf32, #tpu.memory_space<hbm>>) target_semaphore(%run_scoped3A : memref<!tpu.dma_semaphore, #tpu.memory_space<semaphore_mem>>)
          %dma_wait3A = arith.constant 9480 : i32
          %dma_wait3A_50 = arith.constant 0 : i32
          %dma_wait3A_51 = tpu.memref_slice %arg6[%dma_wait3A, %dma_wait3A_50] : memref<10000x128xf32, #tpu.memory_space<hbm>> -> memref<520x128xf32, #tpu.memory_space<hbm>>
          %dma_wait3A_52 = arith.constant 9480 : i32
          %dma_wait3A_53 = arith.constant 0 : i32
          %dma_wait3A_54 = tpu.memref_slice %arg14[%dma_wait3A_52, %dma_wait3A_53] : memref<10008x128xf32, #tpu.memory_space<vmem_shared>> -> memref<520x128xf32, #tpu.memory_space<vmem_shared>>
          tpu.wait_dma2 semaphore(%run_scoped3A : memref<!tpu.dma_semaphore, #tpu.memory_space<semaphore_mem>>) src(%dma_wait3A_54 : memref<520x128xf32, #tpu.memory_space<vmem_shared>>) dst(%dma_wait3A_51 : memref<520x128xf32, #tpu.memory_space<hbm>>)
          tpu.yield
        }) : () -> ()
      } else {
      }
    } else {
    }
    %eq3A_2 = arith.constant 1 : i32
    %eq3A_3 = arith.cmpi eq, %arg0, %eq3A_2 : i32
    %convert_element_type3A_4 = arith.extui %eq3A_3 : i1 to i32
    %cond3A_5 = arith.constant 0 : i32
    %cond3A_6 = arith.cmpi ne, %convert_element_type3A_4, %cond3A_5 : i32
    scf.if %cond3A_6 {
      %lt3A = arith.constant 15 : i32
      %lt3A_7 = arith.cmpi slt, %arg1, %lt3A : i32
      %convert_element_type3A_8 = arith.extui %lt3A_7 : i1 to i32
      %cond3A_9 = arith.constant 0 : i32
      %cond3A_10 = arith.cmpi ne, %convert_element_type3A_8, %cond3A_9 : i32
      scf.if %cond3A_10 {
        %mul3A = arith.constant 632 : i32
        %mul3A_44 = arith.muli %arg1, %mul3A : i32
        %mul3A_45 = arith.constant 632 : i32
        %mul3A_46 = arith.muli %arg1, %mul3A_45 : i32
        "tpu.region"() ({
          %run_scoped3A = tpu.sem_alloc : memref<!tpu.dma_semaphore, #tpu.memory_space<semaphore_mem>>
          %dma_start3A_47 = arith.constant 0 : i32
          %dma_start3A_48 = tpu.memref_slice %arg14[%mul3A_46, %dma_start3A_47] : memref<10008x128xf32, #tpu.memory_space<vmem_shared>> -> memref<632x128xf32, #tpu.memory_space<vmem_shared>>
          %dma_start3A_49 = arith.constant 0 : i32
          %dma_start3A_50 = tpu.memref_slice %arg5[%mul3A_44, %dma_start3A_49] : memref<10000x128xf32, #tpu.memory_space<hbm>> -> memref<632x128xf32, #tpu.memory_space<hbm>>
          tpu.enqueue_dma source(%dma_start3A_50 : memref<632x128xf32, #tpu.memory_space<hbm>>) target(%dma_start3A_48 : memref<632x128xf32, #tpu.memory_space<vmem_shared>>) target_semaphore(%run_scoped3A : memref<!tpu.dma_semaphore, #tpu.memory_space<semaphore_mem>>)
          %dma_wait3A = arith.constant 0 : i32
          %dma_wait3A_51 = tpu.memref_slice %arg14[%mul3A_46, %dma_wait3A] : memref<10008x128xf32, #tpu.memory_space<vmem_shared>> -> memref<632x128xf32, #tpu.memory_space<vmem_shared>>
          %dma_wait3A_52 = arith.constant 0 : i32
          %dma_wait3A_53 = tpu.memref_slice %arg5[%mul3A_44, %dma_wait3A_52] : memref<10000x128xf32, #tpu.memory_space<hbm>> -> memref<632x128xf32, #tpu.memory_space<hbm>>
          tpu.wait_dma2 semaphore(%run_scoped3A : memref<!tpu.dma_semaphore, #tpu.memory_space<semaphore_mem>>) src(%dma_wait3A_53 : memref<632x128xf32, #tpu.memory_space<hbm>>) dst(%dma_wait3A_51 : memref<632x128xf32, #tpu.memory_space<vmem_shared>>)
          tpu.yield
        }) : () -> ()
      } else {
      }
      %eq3A_11 = arith.constant 15 : i32
      %eq3A_12 = arith.cmpi eq, %arg1, %eq3A_11 : i32
      %convert_element_type3A_13 = arith.extui %eq3A_12 : i1 to i32
      %cond3A_14 = arith.constant 0 : i32
      %cond3A_15 = arith.cmpi ne, %convert_element_type3A_13, %cond3A_14 : i32
      scf.if %cond3A_15 {
        "tpu.region"() ({
          %run_scoped3A = tpu.sem_alloc : memref<!tpu.dma_semaphore, #tpu.memory_space<semaphore_mem>>
          %dma_start3A_44 = arith.constant 9480 : i32
          %dma_start3A_45 = arith.constant 0 : i32
          %dma_start3A_46 = tpu.memref_slice %arg14[%dma_start3A_44, %dma_start3A_45] : memref<10008x128xf32, #tpu.memory_space<vmem_shared>> -> memref<520x128xf32, #tpu.memory_space<vmem_shared>>
          %dma_start3A_47 = arith.constant 9480 : i32
          %dma_start3A_48 = arith.constant 0 : i32
          %dma_start3A_49 = tpu.memref_slice %arg5[%dma_start3A_47, %dma_start3A_48] : memref<10000x128xf32, #tpu.memory_space<hbm>> -> memref<520x128xf32, #tpu.memory_space<hbm>>
          tpu.enqueue_dma source(%dma_start3A_49 : memref<520x128xf32, #tpu.memory_space<hbm>>) target(%dma_start3A_46 : memref<520x128xf32, #tpu.memory_space<vmem_shared>>) target_semaphore(%run_scoped3A : memref<!tpu.dma_semaphore, #tpu.memory_space<semaphore_mem>>)
          %dma_wait3A = arith.constant 9480 : i32
          %dma_wait3A_50 = arith.constant 0 : i32
          %dma_wait3A_51 = tpu.memref_slice %arg14[%dma_wait3A, %dma_wait3A_50] : memref<10008x128xf32, #tpu.memory_space<vmem_shared>> -> memref<520x128xf32, #tpu.memory_space<vmem_shared>>
          %dma_wait3A_52 = arith.constant 9480 : i32
          %dma_wait3A_53 = arith.constant 0 : i32
          %dma_wait3A_54 = tpu.memref_slice %arg5[%dma_wait3A_52, %dma_wait3A_53] : memref<10000x128xf32, #tpu.memory_space<hbm>> -> memref<520x128xf32, #tpu.memory_space<hbm>>
          tpu.wait_dma2 semaphore(%run_scoped3A : memref<!tpu.dma_semaphore, #tpu.memory_space<semaphore_mem>>) src(%dma_wait3A_54 : memref<520x128xf32, #tpu.memory_space<hbm>>) dst(%dma_wait3A_51 : memref<520x128xf32, #tpu.memory_space<vmem_shared>>)
          tpu.yield
        }) : () -> ()
      } else {
      }
      %barrier3A = arith.constant 0 : index
      tpu.barrier barrier_id(%barrier3A)
      "tpu.region"() ({
        %run_scoped3A = tpu.sem_alloc : memref<!tpu.dma_semaphore, #tpu.memory_space<semaphore_mem>>
        %dma_start3A_44 = arith.constant 0 : i32
        %dma_start3A_45 = arith.constant 0 : i32
        %dma_start3A_46 = tpu.memref_slice %arg8[%dma_start3A_44, %dma_start3A_45] : memref<32x128xi32, #tpu.memory_space<vmem>> -> memref<16x128xi32, #tpu.memory_space<vmem>>
        %dma_start3A_47 = arith.constant 0 : i32
        %dma_start3A_48 = arith.constant 0 : i32
        %dma_start3A_49 = tpu.memref_slice %arg2[%arg1, %dma_start3A_47, %dma_start3A_48] : memref<16x80x128xi32, #tpu.memory_space<hbm>> -> memref<1x16x128xi32, #tpu.memory_space<hbm>>
        %dma_start3A_50 = tpu.memref_squeeze %dma_start3A_49 : memref<1x16x128xi32, #tpu.memory_space<hbm>> -> memref<16x128xi32, #tpu.memory_space<hbm>>
        %dma_start3A_51 = arith.constant 0 : i32
        %dma_start3A_52 = arith.constant 0 : i32
        %dma_start3A_53 = tpu.memref_slice %arg8[%dma_start3A_51, %dma_start3A_52] : memref<32x128xi32, #tpu.memory_space<vmem>> -> memref<16x128xi32, #tpu.memory_space<vmem>>
        %dma_start3A_54 = arith.constant 0 : i32
        %dma_start3A_55 = arith.constant 0 : i32
        %dma_start3A_56 = tpu.memref_slice %arg2[%arg1, %dma_start3A_54, %dma_start3A_55] : memref<16x80x128xi32, #tpu.memory_space<hbm>> -> memref<1x16x128xi32, #tpu.memory_space<hbm>>
        %dma_start3A_57 = tpu.memref_squeeze %dma_start3A_56 : memref<1x16x128xi32, #tpu.memory_space<hbm>> -> memref<16x128xi32, #tpu.memory_space<hbm>>
        tpu.enqueue_dma source(%dma_start3A_57 : memref<16x128xi32, #tpu.memory_space<hbm>>) target(%dma_start3A_53 : memref<16x128xi32, #tpu.memory_space<vmem>>) target_semaphore(%run_scoped3A : memref<!tpu.dma_semaphore, #tpu.memory_space<semaphore_mem>>)
        %dma_wait3A = arith.constant 0 : i32
        %dma_wait3A_58 = arith.constant 0 : i32
        %dma_wait3A_59 = tpu.memref_slice %arg8[%dma_wait3A, %dma_wait3A_58] : memref<32x128xi32, #tpu.memory_space<vmem>> -> memref<16x128xi32, #tpu.memory_space<vmem>>
        %dma_wait3A_60 = arith.constant 0 : i32
        %dma_wait3A_61 = arith.constant 0 : i32
        %dma_wait3A_62 = tpu.memref_slice %arg2[%arg1, %dma_wait3A_60, %dma_wait3A_61] : memref<16x80x128xi32, #tpu.memory_space<hbm>> -> memref<1x16x128xi32, #tpu.memory_space<hbm>>
        %dma_wait3A_63 = tpu.memref_squeeze %dma_wait3A_62 : memref<1x16x128xi32, #tpu.memory_space<hbm>> -> memref<16x128xi32, #tpu.memory_space<hbm>>
        %dma_wait3A_64 = arith.constant 0 : i32
        %dma_wait3A_65 = arith.constant 0 : i32
        %dma_wait3A_66 = tpu.memref_slice %arg8[%dma_wait3A_64, %dma_wait3A_65] : memref<32x128xi32, #tpu.memory_space<vmem>> -> memref<16x128xi32, #tpu.memory_space<vmem>>
        %dma_wait3A_67 = arith.constant 0 : i32
        %dma_wait3A_68 = arith.constant 0 : i32
        %dma_wait3A_69 = tpu.memref_slice %arg2[%arg1, %dma_wait3A_67, %dma_wait3A_68] : memref<16x80x128xi32, #tpu.memory_space<hbm>> -> memref<1x16x128xi32, #tpu.memory_space<hbm>>
        %dma_wait3A_70 = tpu.memref_squeeze %dma_wait3A_69 : memref<1x16x128xi32, #tpu.memory_space<hbm>> -> memref<16x128xi32, #tpu.memory_space<hbm>>
        tpu.wait_dma2 semaphore(%run_scoped3A : memref<!tpu.dma_semaphore, #tpu.memory_space<semaphore_mem>>) src(%dma_wait3A_70 : memref<16x128xi32, #tpu.memory_space<hbm>>) dst(%dma_wait3A_66 : memref<16x128xi32, #tpu.memory_space<vmem>>)
        tpu.yield
      }) : () -> ()
      "tpu.region"() ({
        %run_scoped3A = tpu.sem_alloc : memref<!tpu.dma_semaphore, #tpu.memory_space<semaphore_mem>>
        %dma_start3A_44 = arith.constant 0 : i32
        %dma_start3A_45 = arith.constant 0 : i32
        %dma_start3A_46 = tpu.memref_slice %arg9[%dma_start3A_44, %dma_start3A_45] : memref<32x128xi32, #tpu.memory_space<vmem>> -> memref<16x128xi32, #tpu.memory_space<vmem>>
        %dma_start3A_47 = arith.constant 0 : i32
        %dma_start3A_48 = arith.constant 0 : i32
        %dma_start3A_49 = tpu.memref_slice %arg3[%arg1, %dma_start3A_47, %dma_start3A_48] : memref<16x80x128xi32, #tpu.memory_space<hbm>> -> memref<1x16x128xi32, #tpu.memory_space<hbm>>
        %dma_start3A_50 = tpu.memref_squeeze %dma_start3A_49 : memref<1x16x128xi32, #tpu.memory_space<hbm>> -> memref<16x128xi32, #tpu.memory_space<hbm>>
        %dma_start3A_51 = arith.constant 0 : i32
        %dma_start3A_52 = arith.constant 0 : i32
        %dma_start3A_53 = tpu.memref_slice %arg9[%dma_start3A_51, %dma_start3A_52] : memref<32x128xi32, #tpu.memory_space<vmem>> -> memref<16x128xi32, #tpu.memory_space<vmem>>
        %dma_start3A_54 = arith.constant 0 : i32
        %dma_start3A_55 = arith.constant 0 : i32
        %dma_start3A_56 = tpu.memref_slice %arg3[%arg1, %dma_start3A_54, %dma_start3A_55] : memref<16x80x128xi32, #tpu.memory_space<hbm>> -> memref<1x16x128xi32, #tpu.memory_space<hbm>>
        %dma_start3A_57 = tpu.memref_squeeze %dma_start3A_56 : memref<1x16x128xi32, #tpu.memory_space<hbm>> -> memref<16x128xi32, #tpu.memory_space<hbm>>
        tpu.enqueue_dma source(%dma_start3A_57 : memref<16x128xi32, #tpu.memory_space<hbm>>) target(%dma_start3A_53 : memref<16x128xi32, #tpu.memory_space<vmem>>) target_semaphore(%run_scoped3A : memref<!tpu.dma_semaphore, #tpu.memory_space<semaphore_mem>>)
        %dma_wait3A = arith.constant 0 : i32
        %dma_wait3A_58 = arith.constant 0 : i32
        %dma_wait3A_59 = tpu.memref_slice %arg9[%dma_wait3A, %dma_wait3A_58] : memref<32x128xi32, #tpu.memory_space<vmem>> -> memref<16x128xi32, #tpu.memory_space<vmem>>
        %dma_wait3A_60 = arith.constant 0 : i32
        %dma_wait3A_61 = arith.constant 0 : i32
        %dma_wait3A_62 = tpu.memref_slice %arg3[%arg1, %dma_wait3A_60, %dma_wait3A_61] : memref<16x80x128xi32, #tpu.memory_space<hbm>> -> memref<1x16x128xi32, #tpu.memory_space<hbm>>
        %dma_wait3A_63 = tpu.memref_squeeze %dma_wait3A_62 : memref<1x16x128xi32, #tpu.memory_space<hbm>> -> memref<16x128xi32, #tpu.memory_space<hbm>>
        %dma_wait3A_64 = arith.constant 0 : i32
        %dma_wait3A_65 = arith.constant 0 : i32
        %dma_wait3A_66 = tpu.memref_slice %arg9[%dma_wait3A_64, %dma_wait3A_65] : memref<32x128xi32, #tpu.memory_space<vmem>> -> memref<16x128xi32, #tpu.memory_space<vmem>>
        %dma_wait3A_67 = arith.constant 0 : i32
        %dma_wait3A_68 = arith.constant 0 : i32
        %dma_wait3A_69 = tpu.memref_slice %arg3[%arg1, %dma_wait3A_67, %dma_wait3A_68] : memref<16x80x128xi32, #tpu.memory_space<hbm>> -> memref<1x16x128xi32, #tpu.memory_space<hbm>>
        %dma_wait3A_70 = tpu.memref_squeeze %dma_wait3A_69 : memref<1x16x128xi32, #tpu.memory_space<hbm>> -> memref<16x128xi32, #tpu.memory_space<hbm>>
        tpu.wait_dma2 semaphore(%run_scoped3A : memref<!tpu.dma_semaphore, #tpu.memory_space<semaphore_mem>>) src(%dma_wait3A_70 : memref<16x128xi32, #tpu.memory_space<hbm>>) dst(%dma_wait3A_66 : memref<16x128xi32, #tpu.memory_space<vmem>>)
        tpu.yield
      }) : () -> ()
      %dma_start3A = arith.constant 0 : i32
      %dma_start3A_16 = arith.constant 0 : i32
      %dma_start3A_17 = tpu.memref_slice %arg8[%dma_start3A, %dma_start3A_16] : memref<32x128xi32, #tpu.memory_space<vmem>> -> memref<1x128xi32, #tpu.memory_space<vmem>>
      %dma_start3A_18 = tpu.memref_squeeze %dma_start3A_17 : memref<1x128xi32, #tpu.memory_space<vmem>> -> memref<128xi32, #tpu.memory_space<vmem>>
      %dma_start3A_19 = arith.constant 0 : i32
      %dma_start3A_20 = arith.constant 0 : i32
      %dma_start3A_21 = tpu.memref_slice %arg5[%dma_start3A_19, %dma_start3A_20] : memref<10000x128xf32, #tpu.memory_space<hbm>> -> memref<10000x128xf32, #tpu.memory_space<hbm>>
      tpu.enqueue_indirect_dma source(%dma_start3A_21 : memref<10000x128xf32, #tpu.memory_space<hbm>>) target(%arg10 : memref<128x128xf32, #tpu.memory_space<vmem>>) offsets(%dma_start3A_18 : memref<128xi32, #tpu.memory_space<vmem>>) semaphore(%arg12 : memref<!tpu.dma_semaphore, #tpu.memory_space<semaphore_mem>>)
      %dma_start3A_22 = arith.constant 1 : i32
      %dma_start3A_23 = arith.constant 0 : i32
      %dma_start3A_24 = tpu.memref_slice %arg8[%dma_start3A_22, %dma_start3A_23] : memref<32x128xi32, #tpu.memory_space<vmem>> -> memref<1x128xi32, #tpu.memory_space<vmem>>
      %dma_start3A_25 = tpu.memref_squeeze %dma_start3A_24 : memref<1x128xi32, #tpu.memory_space<vmem>> -> memref<128xi32, #tpu.memory_space<vmem>>
      %dma_start3A_26 = arith.constant 0 : i32
      %dma_start3A_27 = arith.constant 0 : i32
      %dma_start3A_28 = tpu.memref_slice %arg5[%dma_start3A_26, %dma_start3A_27] : memref<10000x128xf32, #tpu.memory_space<hbm>> -> memref<10000x128xf32, #tpu.memory_space<hbm>>
      tpu.enqueue_indirect_dma source(%dma_start3A_28 : memref<10000x128xf32, #tpu.memory_space<hbm>>) target(%arg11 : memref<128x128xf32, #tpu.memory_space<vmem>>) offsets(%dma_start3A_25 : memref<128xi32, #tpu.memory_space<vmem>>) semaphore(%arg13 : memref<!tpu.dma_semaphore, #tpu.memory_space<semaphore_mem>>)
      %scan3A = arith.constant 0 : i32
      %scan3A_29 = arith.constant 5 : i32
      %scan3A_30 = arith.addi %scan3A, %scan3A_29 : i32
      %scan3A_31 = arith.constant 1 : i32
      scf.for %scan3A_44 = %scan3A to %scan3A_30 step %scan3A_31  : i32 {
        %mul3A = arith.constant 1 : i32
        %mul3A_45 = arith.muli %scan3A_44, %mul3A : i32
        %add3A = arith.constant 0 : i32
        %add3A_46 = arith.addi %add3A, %mul3A_45 : i32
        %rem3A = arith.constant 2 : i32
        %rem3A_47 = arith.remsi %add3A_46, %rem3A : i32
        %sub3A = arith.constant 1 : i32
        %sub3A_48 = arith.subi %sub3A, %rem3A_47 : i32
        %add3A_49 = arith.constant 1 : i32
        %add3A_50 = arith.addi %add3A_46, %add3A_49 : i32
        %lt3A_51 = arith.constant 5 : i32
        %lt3A_52 = arith.cmpi slt, %add3A_50, %lt3A_51 : i32
        %convert_element_type3A_53 = arith.extui %lt3A_52 : i1 to i32
        %cond3A_54 = arith.constant 0 : i32
        %cond3A_55 = arith.cmpi ne, %convert_element_type3A_53, %cond3A_54 : i32
        scf.if %cond3A_55 {
          %add3A_397 = arith.constant 1 : i32
          %add3A_398 = arith.addi %add3A_46, %add3A_397 : i32
          %mul3A_399 = arith.constant 16 : i32
          %mul3A_400 = arith.muli %add3A_398, %mul3A_399 : i32
          %mul3A_401 = arith.constant 16 : i32
          %mul3A_402 = arith.muli %sub3A_48, %mul3A_401 : i32
          "tpu.region"() ({
            %run_scoped3A = tpu.sem_alloc : memref<!tpu.dma_semaphore, #tpu.memory_space<semaphore_mem>>
            %dma_start3A_407 = arith.constant 0 : i32
            %dma_start3A_408 = tpu.memref_slice %arg8[%mul3A_402, %dma_start3A_407] : memref<32x128xi32, #tpu.memory_space<vmem>> -> memref<16x128xi32, #tpu.memory_space<vmem>>
            %dma_start3A_409 = arith.constant 0 : i32
            %dma_start3A_410 = tpu.memref_slice %arg2[%arg1, %mul3A_400, %dma_start3A_409] : memref<16x80x128xi32, #tpu.memory_space<hbm>> -> memref<1x16x128xi32, #tpu.memory_space<hbm>>
            %dma_start3A_411 = tpu.memref_squeeze %dma_start3A_410 : memref<1x16x128xi32, #tpu.memory_space<hbm>> -> memref<16x128xi32, #tpu.memory_space<hbm>>
            %dma_start3A_412 = arith.constant 0 : i32
            %dma_start3A_413 = tpu.memref_slice %arg8[%mul3A_402, %dma_start3A_412] : memref<32x128xi32, #tpu.memory_space<vmem>> -> memref<16x128xi32, #tpu.memory_space<vmem>>
            %dma_start3A_414 = arith.constant 0 : i32
            %dma_start3A_415 = tpu.memref_slice %arg2[%arg1, %mul3A_400, %dma_start3A_414] : memref<16x80x128xi32, #tpu.memory_space<hbm>> -> memref<1x16x128xi32, #tpu.memory_space<hbm>>
            %dma_start3A_416 = tpu.memref_squeeze %dma_start3A_415 : memref<1x16x128xi32, #tpu.memory_space<hbm>> -> memref<16x128xi32, #tpu.memory_space<hbm>>
            tpu.enqueue_dma source(%dma_start3A_416 : memref<16x128xi32, #tpu.memory_space<hbm>>) target(%dma_start3A_413 : memref<16x128xi32, #tpu.memory_space<vmem>>) target_semaphore(%run_scoped3A : memref<!tpu.dma_semaphore, #tpu.memory_space<semaphore_mem>>)
            %dma_wait3A_417 = arith.constant 0 : i32
            %dma_wait3A_418 = tpu.memref_slice %arg8[%mul3A_402, %dma_wait3A_417] : memref<32x128xi32, #tpu.memory_space<vmem>> -> memref<16x128xi32, #tpu.memory_space<vmem>>
            %dma_wait3A_419 = arith.constant 0 : i32
            %dma_wait3A_420 = tpu.memref_slice %arg2[%arg1, %mul3A_400, %dma_wait3A_419] : memref<16x80x128xi32, #tpu.memory_space<hbm>> -> memref<1x16x128xi32, #tpu.memory_space<hbm>>
            %dma_wait3A_421 = tpu.memref_squeeze %dma_wait3A_420 : memref<1x16x128xi32, #tpu.memory_space<hbm>> -> memref<16x128xi32, #tpu.memory_space<hbm>>
            %dma_wait3A_422 = arith.constant 0 : i32
            %dma_wait3A_423 = tpu.memref_slice %arg8[%mul3A_402, %dma_wait3A_422] : memref<32x128xi32, #tpu.memory_space<vmem>> -> memref<16x128xi32, #tpu.memory_space<vmem>>
            %dma_wait3A_424 = arith.constant 0 : i32
            %dma_wait3A_425 = tpu.memref_slice %arg2[%arg1, %mul3A_400, %dma_wait3A_424] : memref<16x80x128xi32, #tpu.memory_space<hbm>> -> memref<1x16x128xi32, #tpu.memory_space<hbm>>
            %dma_wait3A_426 = tpu.memref_squeeze %dma_wait3A_425 : memref<1x16x128xi32, #tpu.memory_space<hbm>> -> memref<16x128xi32, #tpu.memory_space<hbm>>
            tpu.wait_dma2 semaphore(%run_scoped3A : memref<!tpu.dma_semaphore, #tpu.memory_space<semaphore_mem>>) src(%dma_wait3A_426 : memref<16x128xi32, #tpu.memory_space<hbm>>) dst(%dma_wait3A_423 : memref<16x128xi32, #tpu.memory_space<vmem>>)
            tpu.yield
          }) : () -> ()
          %mul3A_403 = arith.constant 16 : i32
          %mul3A_404 = arith.muli %add3A_398, %mul3A_403 : i32
          %mul3A_405 = arith.constant 16 : i32
          %mul3A_406 = arith.muli %sub3A_48, %mul3A_405 : i32
          "tpu.region"() ({
            %run_scoped3A = tpu.sem_alloc : memref<!tpu.dma_semaphore, #tpu.memory_space<semaphore_mem>>
            %dma_start3A_407 = arith.constant 0 : i32
            %dma_start3A_408 = tpu.memref_slice %arg9[%mul3A_406, %dma_start3A_407] : memref<32x128xi32, #tpu.memory_space<vmem>> -> memref<16x128xi32, #tpu.memory_space<vmem>>
            %dma_start3A_409 = arith.constant 0 : i32
            %dma_start3A_410 = tpu.memref_slice %arg3[%arg1, %mul3A_404, %dma_start3A_409] : memref<16x80x128xi32, #tpu.memory_space<hbm>> -> memref<1x16x128xi32, #tpu.memory_space<hbm>>
            %dma_start3A_411 = tpu.memref_squeeze %dma_start3A_410 : memref<1x16x128xi32, #tpu.memory_space<hbm>> -> memref<16x128xi32, #tpu.memory_space<hbm>>
            %dma_start3A_412 = arith.constant 0 : i32
            %dma_start3A_413 = tpu.memref_slice %arg9[%mul3A_406, %dma_start3A_412] : memref<32x128xi32, #tpu.memory_space<vmem>> -> memref<16x128xi32, #tpu.memory_space<vmem>>
            %dma_start3A_414 = arith.constant 0 : i32
            %dma_start3A_415 = tpu.memref_slice %arg3[%arg1, %mul3A_404, %dma_start3A_414] : memref<16x80x128xi32, #tpu.memory_space<hbm>> -> memref<1x16x128xi32, #tpu.memory_space<hbm>>
            %dma_start3A_416 = tpu.memref_squeeze %dma_start3A_415 : memref<1x16x128xi32, #tpu.memory_space<hbm>> -> memref<16x128xi32, #tpu.memory_space<hbm>>
            tpu.enqueue_dma source(%dma_start3A_416 : memref<16x128xi32, #tpu.memory_space<hbm>>) target(%dma_start3A_413 : memref<16x128xi32, #tpu.memory_space<vmem>>) target_semaphore(%run_scoped3A : memref<!tpu.dma_semaphore, #tpu.memory_space<semaphore_mem>>)
            %dma_wait3A_417 = arith.constant 0 : i32
            %dma_wait3A_418 = tpu.memref_slice %arg9[%mul3A_406, %dma_wait3A_417] : memref<32x128xi32, #tpu.memory_space<vmem>> -> memref<16x128xi32, #tpu.memory_space<vmem>>
            %dma_wait3A_419 = arith.constant 0 : i32
            %dma_wait3A_420 = tpu.memref_slice %arg3[%arg1, %mul3A_404, %dma_wait3A_419] : memref<16x80x128xi32, #tpu.memory_space<hbm>> -> memref<1x16x128xi32, #tpu.memory_space<hbm>>
            %dma_wait3A_421 = tpu.memref_squeeze %dma_wait3A_420 : memref<1x16x128xi32, #tpu.memory_space<hbm>> -> memref<16x128xi32, #tpu.memory_space<hbm>>
            %dma_wait3A_422 = arith.constant 0 : i32
            %dma_wait3A_423 = tpu.memref_slice %arg9[%mul3A_406, %dma_wait3A_422] : memref<32x128xi32, #tpu.memory_space<vmem>> -> memref<16x128xi32, #tpu.memory_space<vmem>>
            %dma_wait3A_424 = arith.constant 0 : i32
            %dma_wait3A_425 = tpu.memref_slice %arg3[%arg1, %mul3A_404, %dma_wait3A_424] : memref<16x80x128xi32, #tpu.memory_space<hbm>> -> memref<1x16x128xi32, #tpu.memory_space<hbm>>
            %dma_wait3A_426 = tpu.memref_squeeze %dma_wait3A_425 : memref<1x16x128xi32, #tpu.memory_space<hbm>> -> memref<16x128xi32, #tpu.memory_space<hbm>>
            tpu.wait_dma2 semaphore(%run_scoped3A : memref<!tpu.dma_semaphore, #tpu.memory_space<semaphore_mem>>) src(%dma_wait3A_426 : memref<16x128xi32, #tpu.memory_space<hbm>>) dst(%dma_wait3A_423 : memref<16x128xi32, #tpu.memory_space<vmem>>)
            tpu.yield
          }) : () -> ()
        } else {
        }
        %dma_wait3A = arith.constant 0 : i32
        %dma_wait3A_56 = arith.constant 0 : i32
        %dma_wait3A_57 = tpu.memref_slice %arg5[%dma_wait3A, %dma_wait3A_56] : memref<10000x128xf32, #tpu.memory_space<hbm>> -> memref<128x128xf32, #tpu.memory_space<hbm>>
        %dma_wait3A_58 = arith.constant 0 : i32
        %dma_wait3A_59 = arith.constant 0 : i32
        %dma_wait3A_60 = tpu.memref_slice %arg5[%dma_wait3A_58, %dma_wait3A_59] : memref<10000x128xf32, #tpu.memory_space<hbm>> -> memref<128x128xf32, #tpu.memory_space<hbm>>
        tpu.wait_dma2 semaphore(%arg12 : memref<!tpu.dma_semaphore, #tpu.memory_space<semaphore_mem>>) src(%dma_wait3A_60 : memref<128x128xf32, #tpu.memory_space<hbm>>) dst(%arg10 : memref<128x128xf32, #tpu.memory_space<vmem>>)
        %mul3A_61 = arith.constant 16 : i32
        %mul3A_62 = arith.muli %rem3A_47, %mul3A_61 : i32
        %add3A_63 = arith.constant 0 : i32
        %add3A_64 = arith.addi %mul3A_62, %add3A_63 : i32
        "tpu.region"() ({
          %run_scoped3A = tpu.sem_alloc : memref<!tpu.dma_semaphore, #tpu.memory_space<semaphore_mem>>
          %dma_start3A_397 = arith.constant 0 : i32
          %dma_start3A_398 = tpu.memref_slice %arg9[%add3A_64, %dma_start3A_397] : memref<32x128xi32, #tpu.memory_space<vmem>> -> memref<1x128xi32, #tpu.memory_space<vmem>>
          %dma_start3A_399 = tpu.memref_squeeze %dma_start3A_398 : memref<1x128xi32, #tpu.memory_space<vmem>> -> memref<128xi32, #tpu.memory_space<vmem>>
          %dma_start3A_400 = arith.constant 0 : i32
          %dma_start3A_401 = arith.constant 0 : i32
          %dma_start3A_402 = tpu.memref_slice %arg14[%dma_start3A_400, %dma_start3A_401] : memref<10008x128xf32, #tpu.memory_space<vmem_shared>> -> memref<10008x128xf32, #tpu.memory_space<vmem_shared>>
          tpu.enqueue_indirect_dma source(%arg10 : memref<128x128xf32, #tpu.memory_space<vmem>>) target(%dma_start3A_402 : memref<10008x128xf32, #tpu.memory_space<vmem_shared>>) offsets(%dma_start3A_399 : memref<128xi32, #tpu.memory_space<vmem>>) semaphore(%run_scoped3A : memref<!tpu.dma_semaphore, #tpu.memory_space<semaphore_mem>>) {add = true}
          %dma_wait3A_403 = arith.constant 0 : i32
          %dma_wait3A_404 = tpu.memref_slice %arg9[%add3A_64, %dma_wait3A_403] : memref<32x128xi32, #tpu.memory_space<vmem>> -> memref<1x128xi32, #tpu.memory_space<vmem>>
          %dma_wait3A_405 = tpu.memref_squeeze %dma_wait3A_404 : memref<1x128xi32, #tpu.memory_space<vmem>> -> memref<128xi32, #tpu.memory_space<vmem>>
          %dma_wait3A_406 = arith.constant 0 : i32
          %dma_wait3A_407 = arith.constant 0 : i32
          %dma_wait3A_408 = tpu.memref_slice %arg14[%dma_wait3A_406, %dma_wait3A_407] : memref<10008x128xf32, #tpu.memory_space<vmem_shared>> -> memref<10008x128xf32, #tpu.memory_space<vmem_shared>>
          tpu.wait_indirect_dma semaphore(%run_scoped3A : memref<!tpu.dma_semaphore, #tpu.memory_space<semaphore_mem>>) src(%arg10 : memref<128x128xf32, #tpu.memory_space<vmem>>) dst(%dma_wait3A_408 : memref<10008x128xf32, #tpu.memory_space<vmem_shared>>)
          tpu.yield
        }) : () -> ()
        %mul3A_65 = arith.constant 16 : i32
        %mul3A_66 = arith.muli %rem3A_47, %mul3A_65 : i32
        %add3A_67 = arith.constant 0 : i32
        %add3A_68 = arith.addi %mul3A_66, %add3A_67 : i32
        %add3A_69 = arith.constant 2 : i32
        %add3A_70 = arith.addi %add3A_68, %add3A_69 : i32
        %dma_start3A_71 = arith.constant 0 : i32
        %dma_start3A_72 = tpu.memref_slice %arg8[%add3A_70, %dma_start3A_71] : memref<32x128xi32, #tpu.memory_space<vmem>> -> memref<1x128xi32, #tpu.memory_space<vmem>>
        %dma_start3A_73 = tpu.memref_squeeze %dma_start3A_72 : memref<1x128xi32, #tpu.memory_space<vmem>> -> memref<128xi32, #tpu.memory_space<vmem>>
        %dma_start3A_74 = arith.constant 0 : i32
        %dma_start3A_75 = arith.constant 0 : i32
        %dma_start3A_76 = tpu.memref_slice %arg5[%dma_start3A_74, %dma_start3A_75] : memref<10000x128xf32, #tpu.memory_space<hbm>> -> memref<10000x128xf32, #tpu.memory_space<hbm>>
        tpu.enqueue_indirect_dma source(%dma_start3A_76 : memref<10000x128xf32, #tpu.memory_space<hbm>>) target(%arg10 : memref<128x128xf32, #tpu.memory_space<vmem>>) offsets(%dma_start3A_73 : memref<128xi32, #tpu.memory_space<vmem>>) semaphore(%arg12 : memref<!tpu.dma_semaphore, #tpu.memory_space<semaphore_mem>>)
        %dma_wait3A_77 = arith.constant 0 : i32
        %dma_wait3A_78 = arith.constant 0 : i32
        %dma_wait3A_79 = tpu.memref_slice %arg5[%dma_wait3A_77, %dma_wait3A_78] : memref<10000x128xf32, #tpu.memory_space<hbm>> -> memref<128x128xf32, #tpu.memory_space<hbm>>
        %dma_wait3A_80 = arith.constant 0 : i32
        %dma_wait3A_81 = arith.constant 0 : i32
        %dma_wait3A_82 = tpu.memref_slice %arg5[%dma_wait3A_80, %dma_wait3A_81] : memref<10000x128xf32, #tpu.memory_space<hbm>> -> memref<128x128xf32, #tpu.memory_space<hbm>>
        tpu.wait_dma2 semaphore(%arg13 : memref<!tpu.dma_semaphore, #tpu.memory_space<semaphore_mem>>) src(%dma_wait3A_82 : memref<128x128xf32, #tpu.memory_space<hbm>>) dst(%arg11 : memref<128x128xf32, #tpu.memory_space<vmem>>)
        %mul3A_83 = arith.constant 16 : i32
        %mul3A_84 = arith.muli %rem3A_47, %mul3A_83 : i32
        %add3A_85 = arith.constant 1 : i32
        %add3A_86 = arith.addi %mul3A_84, %add3A_85 : i32
        "tpu.region"() ({
          %run_scoped3A = tpu.sem_alloc : memref<!tpu.dma_semaphore, #tpu.memory_space<semaphore_mem>>
          %dma_start3A_397 = arith.constant 0 : i32
          %dma_start3A_398 = tpu.memref_slice %arg9[%add3A_86, %dma_start3A_397] : memref<32x128xi32, #tpu.memory_space<vmem>> -> memref<1x128xi32, #tpu.memory_space<vmem>>
          %dma_start3A_399 = tpu.memref_squeeze %dma_start3A_398 : memref<1x128xi32, #tpu.memory_space<vmem>> -> memref<128xi32, #tpu.memory_space<vmem>>
          %dma_start3A_400 = arith.constant 0 : i32
          %dma_start3A_401 = arith.constant 0 : i32
          %dma_start3A_402 = tpu.memref_slice %arg14[%dma_start3A_400, %dma_start3A_401] : memref<10008x128xf32, #tpu.memory_space<vmem_shared>> -> memref<10008x128xf32, #tpu.memory_space<vmem_shared>>
          tpu.enqueue_indirect_dma source(%arg11 : memref<128x128xf32, #tpu.memory_space<vmem>>) target(%dma_start3A_402 : memref<10008x128xf32, #tpu.memory_space<vmem_shared>>) offsets(%dma_start3A_399 : memref<128xi32, #tpu.memory_space<vmem>>) semaphore(%run_scoped3A : memref<!tpu.dma_semaphore, #tpu.memory_space<semaphore_mem>>) {add = true}
          %dma_wait3A_403 = arith.constant 0 : i32
          %dma_wait3A_404 = tpu.memref_slice %arg9[%add3A_86, %dma_wait3A_403] : memref<32x128xi32, #tpu.memory_space<vmem>> -> memref<1x128xi32, #tpu.memory_space<vmem>>
          %dma_wait3A_405 = tpu.memref_squeeze %dma_wait3A_404 : memref<1x128xi32, #tpu.memory_space<vmem>> -> memref<128xi32, #tpu.memory_space<vmem>>
          %dma_wait3A_406 = arith.constant 0 : i32
          %dma_wait3A_407 = arith.constant 0 : i32
          %dma_wait3A_408 = tpu.memref_slice %arg14[%dma_wait3A_406, %dma_wait3A_407] : memref<10008x128xf32, #tpu.memory_space<vmem_shared>> -> memref<10008x128xf32, #tpu.memory_space<vmem_shared>>
          tpu.wait_indirect_dma semaphore(%run_scoped3A : memref<!tpu.dma_semaphore, #tpu.memory_space<semaphore_mem>>) src(%arg11 : memref<128x128xf32, #tpu.memory_space<vmem>>) dst(%dma_wait3A_408 : memref<10008x128xf32, #tpu.memory_space<vmem_shared>>)
          tpu.yield
        }) : () -> ()
        %mul3A_87 = arith.constant 16 : i32
        %mul3A_88 = arith.muli %rem3A_47, %mul3A_87 : i32
        %add3A_89 = arith.constant 1 : i32
        %add3A_90 = arith.addi %mul3A_88, %add3A_89 : i32
        %add3A_91 = arith.constant 2 : i32
        %add3A_92 = arith.addi %add3A_90, %add3A_91 : i32
        %dma_start3A_93 = arith.constant 0 : i32
        %dma_start3A_94 = tpu.memref_slice %arg8[%add3A_92, %dma_start3A_93] : memref<32x128xi32, #tpu.memory_space<vmem>> -> memref<1x128xi32, #tpu.memory_space<vmem>>
        %dma_start3A_95 = tpu.memref_squeeze %dma_start3A_94 : memref<1x128xi32, #tpu.memory_space<vmem>> -> memref<128xi32, #tpu.memory_space<vmem>>
        %dma_start3A_96 = arith.constant 0 : i32
        %dma_start3A_97 = arith.constant 0 : i32
        %dma_start3A_98 = tpu.memref_slice %arg5[%dma_start3A_96, %dma_start3A_97] : memref<10000x128xf32, #tpu.memory_space<hbm>> -> memref<10000x128xf32, #tpu.memory_space<hbm>>
        tpu.enqueue_indirect_dma source(%dma_start3A_98 : memref<10000x128xf32, #tpu.memory_space<hbm>>) target(%arg11 : memref<128x128xf32, #tpu.memory_space<vmem>>) offsets(%dma_start3A_95 : memref<128xi32, #tpu.memory_space<vmem>>) semaphore(%arg13 : memref<!tpu.dma_semaphore, #tpu.memory_space<semaphore_mem>>)
        %dma_wait3A_99 = arith.constant 0 : i32
        %dma_wait3A_100 = arith.constant 0 : i32
        %dma_wait3A_101 = tpu.memref_slice %arg5[%dma_wait3A_99, %dma_wait3A_100] : memref<10000x128xf32, #tpu.memory_space<hbm>> -> memref<128x128xf32, #tpu.memory_space<hbm>>
        %dma_wait3A_102 = arith.constant 0 : i32
        %dma_wait3A_103 = arith.constant 0 : i32
        %dma_wait3A_104 = tpu.memref_slice %arg5[%dma_wait3A_102, %dma_wait3A_103] : memref<10000x128xf32, #tpu.memory_space<hbm>> -> memref<128x128xf32, #tpu.memory_space<hbm>>
        tpu.wait_dma2 semaphore(%arg12 : memref<!tpu.dma_semaphore, #tpu.memory_space<semaphore_mem>>) src(%dma_wait3A_104 : memref<128x128xf32, #tpu.memory_space<hbm>>) dst(%arg10 : memref<128x128xf32, #tpu.memory_space<vmem>>)
        %mul3A_105 = arith.constant 16 : i32
        %mul3A_106 = arith.muli %rem3A_47, %mul3A_105 : i32
        %add3A_107 = arith.constant 2 : i32
        %add3A_108 = arith.addi %mul3A_106, %add3A_107 : i32
        "tpu.region"() ({
          %run_scoped3A = tpu.sem_alloc : memref<!tpu.dma_semaphore, #tpu.memory_space<semaphore_mem>>
          %dma_start3A_397 = arith.constant 0 : i32
          %dma_start3A_398 = tpu.memref_slice %arg9[%add3A_108, %dma_start3A_397] : memref<32x128xi32, #tpu.memory_space<vmem>> -> memref<1x128xi32, #tpu.memory_space<vmem>>
          %dma_start3A_399 = tpu.memref_squeeze %dma_start3A_398 : memref<1x128xi32, #tpu.memory_space<vmem>> -> memref<128xi32, #tpu.memory_space<vmem>>
          %dma_start3A_400 = arith.constant 0 : i32
          %dma_start3A_401 = arith.constant 0 : i32
          %dma_start3A_402 = tpu.memref_slice %arg14[%dma_start3A_400, %dma_start3A_401] : memref<10008x128xf32, #tpu.memory_space<vmem_shared>> -> memref<10008x128xf32, #tpu.memory_space<vmem_shared>>
          tpu.enqueue_indirect_dma source(%arg10 : memref<128x128xf32, #tpu.memory_space<vmem>>) target(%dma_start3A_402 : memref<10008x128xf32, #tpu.memory_space<vmem_shared>>) offsets(%dma_start3A_399 : memref<128xi32, #tpu.memory_space<vmem>>) semaphore(%run_scoped3A : memref<!tpu.dma_semaphore, #tpu.memory_space<semaphore_mem>>) {add = true}
          %dma_wait3A_403 = arith.constant 0 : i32
          %dma_wait3A_404 = tpu.memref_slice %arg9[%add3A_108, %dma_wait3A_403] : memref<32x128xi32, #tpu.memory_space<vmem>> -> memref<1x128xi32, #tpu.memory_space<vmem>>
          %dma_wait3A_405 = tpu.memref_squeeze %dma_wait3A_404 : memref<1x128xi32, #tpu.memory_space<vmem>> -> memref<128xi32, #tpu.memory_space<vmem>>
          %dma_wait3A_406 = arith.constant 0 : i32
          %dma_wait3A_407 = arith.constant 0 : i32
          %dma_wait3A_408 = tpu.memref_slice %arg14[%dma_wait3A_406, %dma_wait3A_407] : memref<10008x128xf32, #tpu.memory_space<vmem_shared>> -> memref<10008x128xf32, #tpu.memory_space<vmem_shared>>
          tpu.wait_indirect_dma semaphore(%run_scoped3A : memref<!tpu.dma_semaphore, #tpu.memory_space<semaphore_mem>>) src(%arg10 : memref<128x128xf32, #tpu.memory_space<vmem>>) dst(%dma_wait3A_408 : memref<10008x128xf32, #tpu.memory_space<vmem_shared>>)
          tpu.yield
        }) : () -> ()
        %mul3A_109 = arith.constant 16 : i32
        %mul3A_110 = arith.muli %rem3A_47, %mul3A_109 : i32
        %add3A_111 = arith.constant 2 : i32
        %add3A_112 = arith.addi %mul3A_110, %add3A_111 : i32
        %add3A_113 = arith.constant 2 : i32
        %add3A_114 = arith.addi %add3A_112, %add3A_113 : i32
        %dma_start3A_115 = arith.constant 0 : i32
        %dma_start3A_116 = tpu.memref_slice %arg8[%add3A_114, %dma_start3A_115] : memref<32x128xi32, #tpu.memory_space<vmem>> -> memref<1x128xi32, #tpu.memory_space<vmem>>
        %dma_start3A_117 = tpu.memref_squeeze %dma_start3A_116 : memref<1x128xi32, #tpu.memory_space<vmem>> -> memref<128xi32, #tpu.memory_space<vmem>>
        %dma_start3A_118 = arith.constant 0 : i32
        %dma_start3A_119 = arith.constant 0 : i32
        %dma_start3A_120 = tpu.memref_slice %arg5[%dma_start3A_118, %dma_start3A_119] : memref<10000x128xf32, #tpu.memory_space<hbm>> -> memref<10000x128xf32, #tpu.memory_space<hbm>>
        tpu.enqueue_indirect_dma source(%dma_start3A_120 : memref<10000x128xf32, #tpu.memory_space<hbm>>) target(%arg10 : memref<128x128xf32, #tpu.memory_space<vmem>>) offsets(%dma_start3A_117 : memref<128xi32, #tpu.memory_space<vmem>>) semaphore(%arg12 : memref<!tpu.dma_semaphore, #tpu.memory_space<semaphore_mem>>)
        %dma_wait3A_121 = arith.constant 0 : i32
        %dma_wait3A_122 = arith.constant 0 : i32
        %dma_wait3A_123 = tpu.memref_slice %arg5[%dma_wait3A_121, %dma_wait3A_122] : memref<10000x128xf32, #tpu.memory_space<hbm>> -> memref<128x128xf32, #tpu.memory_space<hbm>>
        %dma_wait3A_124 = arith.constant 0 : i32
        %dma_wait3A_125 = arith.constant 0 : i32
        %dma_wait3A_126 = tpu.memref_slice %arg5[%dma_wait3A_124, %dma_wait3A_125] : memref<10000x128xf32, #tpu.memory_space<hbm>> -> memref<128x128xf32, #tpu.memory_space<hbm>>
        tpu.wait_dma2 semaphore(%arg13 : memref<!tpu.dma_semaphore, #tpu.memory_space<semaphore_mem>>) src(%dma_wait3A_126 : memref<128x128xf32, #tpu.memory_space<hbm>>) dst(%arg11 : memref<128x128xf32, #tpu.memory_space<vmem>>)
        %mul3A_127 = arith.constant 16 : i32
        %mul3A_128 = arith.muli %rem3A_47, %mul3A_127 : i32
        %add3A_129 = arith.constant 3 : i32
        %add3A_130 = arith.addi %mul3A_128, %add3A_129 : i32
        "tpu.region"() ({
          %run_scoped3A = tpu.sem_alloc : memref<!tpu.dma_semaphore, #tpu.memory_space<semaphore_mem>>
          %dma_start3A_397 = arith.constant 0 : i32
          %dma_start3A_398 = tpu.memref_slice %arg9[%add3A_130, %dma_start3A_397] : memref<32x128xi32, #tpu.memory_space<vmem>> -> memref<1x128xi32, #tpu.memory_space<vmem>>
          %dma_start3A_399 = tpu.memref_squeeze %dma_start3A_398 : memref<1x128xi32, #tpu.memory_space<vmem>> -> memref<128xi32, #tpu.memory_space<vmem>>
          %dma_start3A_400 = arith.constant 0 : i32
          %dma_start3A_401 = arith.constant 0 : i32
          %dma_start3A_402 = tpu.memref_slice %arg14[%dma_start3A_400, %dma_start3A_401] : memref<10008x128xf32, #tpu.memory_space<vmem_shared>> -> memref<10008x128xf32, #tpu.memory_space<vmem_shared>>
          tpu.enqueue_indirect_dma source(%arg11 : memref<128x128xf32, #tpu.memory_space<vmem>>) target(%dma_start3A_402 : memref<10008x128xf32, #tpu.memory_space<vmem_shared>>) offsets(%dma_start3A_399 : memref<128xi32, #tpu.memory_space<vmem>>) semaphore(%run_scoped3A : memref<!tpu.dma_semaphore, #tpu.memory_space<semaphore_mem>>) {add = true}
          %dma_wait3A_403 = arith.constant 0 : i32
          %dma_wait3A_404 = tpu.memref_slice %arg9[%add3A_130, %dma_wait3A_403] : memref<32x128xi32, #tpu.memory_space<vmem>> -> memref<1x128xi32, #tpu.memory_space<vmem>>
          %dma_wait3A_405 = tpu.memref_squeeze %dma_wait3A_404 : memref<1x128xi32, #tpu.memory_space<vmem>> -> memref<128xi32, #tpu.memory_space<vmem>>
          %dma_wait3A_406 = arith.constant 0 : i32
          %dma_wait3A_407 = arith.constant 0 : i32
          %dma_wait3A_408 = tpu.memref_slice %arg14[%dma_wait3A_406, %dma_wait3A_407] : memref<10008x128xf32, #tpu.memory_space<vmem_shared>> -> memref<10008x128xf32, #tpu.memory_space<vmem_shared>>
          tpu.wait_indirect_dma semaphore(%run_scoped3A : memref<!tpu.dma_semaphore, #tpu.memory_space<semaphore_mem>>) src(%arg11 : memref<128x128xf32, #tpu.memory_space<vmem>>) dst(%dma_wait3A_408 : memref<10008x128xf32, #tpu.memory_space<vmem_shared>>)
          tpu.yield
        }) : () -> ()
        %mul3A_131 = arith.constant 16 : i32
        %mul3A_132 = arith.muli %rem3A_47, %mul3A_131 : i32
        %add3A_133 = arith.constant 3 : i32
        %add3A_134 = arith.addi %mul3A_132, %add3A_133 : i32
        %add3A_135 = arith.constant 2 : i32
        %add3A_136 = arith.addi %add3A_134, %add3A_135 : i32
        %dma_start3A_137 = arith.constant 0 : i32
        %dma_start3A_138 = tpu.memref_slice %arg8[%add3A_136, %dma_start3A_137] : memref<32x128xi32, #tpu.memory_space<vmem>> -> memref<1x128xi32, #tpu.memory_space<vmem>>
        %dma_start3A_139 = tpu.memref_squeeze %dma_start3A_138 : memref<1x128xi32, #tpu.memory_space<vmem>> -> memref<128xi32, #tpu.memory_space<vmem>>
        %dma_start3A_140 = arith.constant 0 : i32
        %dma_start3A_141 = arith.constant 0 : i32
        %dma_start3A_142 = tpu.memref_slice %arg5[%dma_start3A_140, %dma_start3A_141] : memref<10000x128xf32, #tpu.memory_space<hbm>> -> memref<10000x128xf32, #tpu.memory_space<hbm>>
        tpu.enqueue_indirect_dma source(%dma_start3A_142 : memref<10000x128xf32, #tpu.memory_space<hbm>>) target(%arg11 : memref<128x128xf32, #tpu.memory_space<vmem>>) offsets(%dma_start3A_139 : memref<128xi32, #tpu.memory_space<vmem>>) semaphore(%arg13 : memref<!tpu.dma_semaphore, #tpu.memory_space<semaphore_mem>>)
        %dma_wait3A_143 = arith.constant 0 : i32
        %dma_wait3A_144 = arith.constant 0 : i32
        %dma_wait3A_145 = tpu.memref_slice %arg5[%dma_wait3A_143, %dma_wait3A_144] : memref<10000x128xf32, #tpu.memory_space<hbm>> -> memref<128x128xf32, #tpu.memory_space<hbm>>
        %dma_wait3A_146 = arith.constant 0 : i32
        %dma_wait3A_147 = arith.constant 0 : i32
        %dma_wait3A_148 = tpu.memref_slice %arg5[%dma_wait3A_146, %dma_wait3A_147] : memref<10000x128xf32, #tpu.memory_space<hbm>> -> memref<128x128xf32, #tpu.memory_space<hbm>>
        tpu.wait_dma2 semaphore(%arg12 : memref<!tpu.dma_semaphore, #tpu.memory_space<semaphore_mem>>) src(%dma_wait3A_148 : memref<128x128xf32, #tpu.memory_space<hbm>>) dst(%arg10 : memref<128x128xf32, #tpu.memory_space<vmem>>)
        %mul3A_149 = arith.constant 16 : i32
        %mul3A_150 = arith.muli %rem3A_47, %mul3A_149 : i32
        %add3A_151 = arith.constant 4 : i32
        %add3A_152 = arith.addi %mul3A_150, %add3A_151 : i32
        "tpu.region"() ({
          %run_scoped3A = tpu.sem_alloc : memref<!tpu.dma_semaphore, #tpu.memory_space<semaphore_mem>>
          %dma_start3A_397 = arith.constant 0 : i32
          %dma_start3A_398 = tpu.memref_slice %arg9[%add3A_152, %dma_start3A_397] : memref<32x128xi32, #tpu.memory_space<vmem>> -> memref<1x128xi32, #tpu.memory_space<vmem>>
          %dma_start3A_399 = tpu.memref_squeeze %dma_start3A_398 : memref<1x128xi32, #tpu.memory_space<vmem>> -> memref<128xi32, #tpu.memory_space<vmem>>
          %dma_start3A_400 = arith.constant 0 : i32
          %dma_start3A_401 = arith.constant 0 : i32
          %dma_start3A_402 = tpu.memref_slice %arg14[%dma_start3A_400, %dma_start3A_401] : memref<10008x128xf32, #tpu.memory_space<vmem_shared>> -> memref<10008x128xf32, #tpu.memory_space<vmem_shared>>
          tpu.enqueue_indirect_dma source(%arg10 : memref<128x128xf32, #tpu.memory_space<vmem>>) target(%dma_start3A_402 : memref<10008x128xf32, #tpu.memory_space<vmem_shared>>) offsets(%dma_start3A_399 : memref<128xi32, #tpu.memory_space<vmem>>) semaphore(%run_scoped3A : memref<!tpu.dma_semaphore, #tpu.memory_space<semaphore_mem>>) {add = true}
          %dma_wait3A_403 = arith.constant 0 : i32
          %dma_wait3A_404 = tpu.memref_slice %arg9[%add3A_152, %dma_wait3A_403] : memref<32x128xi32, #tpu.memory_space<vmem>> -> memref<1x128xi32, #tpu.memory_space<vmem>>
          %dma_wait3A_405 = tpu.memref_squeeze %dma_wait3A_404 : memref<1x128xi32, #tpu.memory_space<vmem>> -> memref<128xi32, #tpu.memory_space<vmem>>
          %dma_wait3A_406 = arith.constant 0 : i32
          %dma_wait3A_407 = arith.constant 0 : i32
          %dma_wait3A_408 = tpu.memref_slice %arg14[%dma_wait3A_406, %dma_wait3A_407] : memref<10008x128xf32, #tpu.memory_space<vmem_shared>> -> memref<10008x128xf32, #tpu.memory_space<vmem_shared>>
          tpu.wait_indirect_dma semaphore(%run_scoped3A : memref<!tpu.dma_semaphore, #tpu.memory_space<semaphore_mem>>) src(%arg10 : memref<128x128xf32, #tpu.memory_space<vmem>>) dst(%dma_wait3A_408 : memref<10008x128xf32, #tpu.memory_space<vmem_shared>>)
          tpu.yield
        }) : () -> ()
        %mul3A_153 = arith.constant 16 : i32
        %mul3A_154 = arith.muli %rem3A_47, %mul3A_153 : i32
        %add3A_155 = arith.constant 4 : i32
        %add3A_156 = arith.addi %mul3A_154, %add3A_155 : i32
        %add3A_157 = arith.constant 2 : i32
        %add3A_158 = arith.addi %add3A_156, %add3A_157 : i32
        %dma_start3A_159 = arith.constant 0 : i32
        %dma_start3A_160 = tpu.memref_slice %arg8[%add3A_158, %dma_start3A_159] : memref<32x128xi32, #tpu.memory_space<vmem>> -> memref<1x128xi32, #tpu.memory_space<vmem>>
        %dma_start3A_161 = tpu.memref_squeeze %dma_start3A_160 : memref<1x128xi32, #tpu.memory_space<vmem>> -> memref<128xi32, #tpu.memory_space<vmem>>
        %dma_start3A_162 = arith.constant 0 : i32
        %dma_start3A_163 = arith.constant 0 : i32
        %dma_start3A_164 = tpu.memref_slice %arg5[%dma_start3A_162, %dma_start3A_163] : memref<10000x128xf32, #tpu.memory_space<hbm>> -> memref<10000x128xf32, #tpu.memory_space<hbm>>
        tpu.enqueue_indirect_dma source(%dma_start3A_164 : memref<10000x128xf32, #tpu.memory_space<hbm>>) target(%arg10 : memref<128x128xf32, #tpu.memory_space<vmem>>) offsets(%dma_start3A_161 : memref<128xi32, #tpu.memory_space<vmem>>) semaphore(%arg12 : memref<!tpu.dma_semaphore, #tpu.memory_space<semaphore_mem>>)
        %dma_wait3A_165 = arith.constant 0 : i32
        %dma_wait3A_166 = arith.constant 0 : i32
        %dma_wait3A_167 = tpu.memref_slice %arg5[%dma_wait3A_165, %dma_wait3A_166] : memref<10000x128xf32, #tpu.memory_space<hbm>> -> memref<128x128xf32, #tpu.memory_space<hbm>>
        %dma_wait3A_168 = arith.constant 0 : i32
        %dma_wait3A_169 = arith.constant 0 : i32
        %dma_wait3A_170 = tpu.memref_slice %arg5[%dma_wait3A_168, %dma_wait3A_169] : memref<10000x128xf32, #tpu.memory_space<hbm>> -> memref<128x128xf32, #tpu.memory_space<hbm>>
        tpu.wait_dma2 semaphore(%arg13 : memref<!tpu.dma_semaphore, #tpu.memory_space<semaphore_mem>>) src(%dma_wait3A_170 : memref<128x128xf32, #tpu.memory_space<hbm>>) dst(%arg11 : memref<128x128xf32, #tpu.memory_space<vmem>>)
        %mul3A_171 = arith.constant 16 : i32
        %mul3A_172 = arith.muli %rem3A_47, %mul3A_171 : i32
        %add3A_173 = arith.constant 5 : i32
        %add3A_174 = arith.addi %mul3A_172, %add3A_173 : i32
        "tpu.region"() ({
          %run_scoped3A = tpu.sem_alloc : memref<!tpu.dma_semaphore, #tpu.memory_space<semaphore_mem>>
          %dma_start3A_397 = arith.constant 0 : i32
          %dma_start3A_398 = tpu.memref_slice %arg9[%add3A_174, %dma_start3A_397] : memref<32x128xi32, #tpu.memory_space<vmem>> -> memref<1x128xi32, #tpu.memory_space<vmem>>
          %dma_start3A_399 = tpu.memref_squeeze %dma_start3A_398 : memref<1x128xi32, #tpu.memory_space<vmem>> -> memref<128xi32, #tpu.memory_space<vmem>>
          %dma_start3A_400 = arith.constant 0 : i32
          %dma_start3A_401 = arith.constant 0 : i32
          %dma_start3A_402 = tpu.memref_slice %arg14[%dma_start3A_400, %dma_start3A_401] : memref<10008x128xf32, #tpu.memory_space<vmem_shared>> -> memref<10008x128xf32, #tpu.memory_space<vmem_shared>>
          tpu.enqueue_indirect_dma source(%arg11 : memref<128x128xf32, #tpu.memory_space<vmem>>) target(%dma_start3A_402 : memref<10008x128xf32, #tpu.memory_space<vmem_shared>>) offsets(%dma_start3A_399 : memref<128xi32, #tpu.memory_space<vmem>>) semaphore(%run_scoped3A : memref<!tpu.dma_semaphore, #tpu.memory_space<semaphore_mem>>) {add = true}
          %dma_wait3A_403 = arith.constant 0 : i32
          %dma_wait3A_404 = tpu.memref_slice %arg9[%add3A_174, %dma_wait3A_403] : memref<32x128xi32, #tpu.memory_space<vmem>> -> memref<1x128xi32, #tpu.memory_space<vmem>>
          %dma_wait3A_405 = tpu.memref_squeeze %dma_wait3A_404 : memref<1x128xi32, #tpu.memory_space<vmem>> -> memref<128xi32, #tpu.memory_space<vmem>>
          %dma_wait3A_406 = arith.constant 0 : i32
          %dma_wait3A_407 = arith.constant 0 : i32
          %dma_wait3A_408 = tpu.memref_slice %arg14[%dma_wait3A_406, %dma_wait3A_407] : memref<10008x128xf32, #tpu.memory_space<vmem_shared>> -> memref<10008x128xf32, #tpu.memory_space<vmem_shared>>
          tpu.wait_indirect_dma semaphore(%run_scoped3A : memref<!tpu.dma_semaphore, #tpu.memory_space<semaphore_mem>>) src(%arg11 : memref<128x128xf32, #tpu.memory_space<vmem>>) dst(%dma_wait3A_408 : memref<10008x128xf32, #tpu.memory_space<vmem_shared>>)
          tpu.yield
        }) : () -> ()
        %mul3A_175 = arith.constant 16 : i32
        %mul3A_176 = arith.muli %rem3A_47, %mul3A_175 : i32
        %add3A_177 = arith.constant 5 : i32
        %add3A_178 = arith.addi %mul3A_176, %add3A_177 : i32
        %add3A_179 = arith.constant 2 : i32
        %add3A_180 = arith.addi %add3A_178, %add3A_179 : i32
        %dma_start3A_181 = arith.constant 0 : i32
        %dma_start3A_182 = tpu.memref_slice %arg8[%add3A_180, %dma_start3A_181] : memref<32x128xi32, #tpu.memory_space<vmem>> -> memref<1x128xi32, #tpu.memory_space<vmem>>
        %dma_start3A_183 = tpu.memref_squeeze %dma_start3A_182 : memref<1x128xi32, #tpu.memory_space<vmem>> -> memref<128xi32, #tpu.memory_space<vmem>>
        %dma_start3A_184 = arith.constant 0 : i32
        %dma_start3A_185 = arith.constant 0 : i32
        %dma_start3A_186 = tpu.memref_slice %arg5[%dma_start3A_184, %dma_start3A_185] : memref<10000x128xf32, #tpu.memory_space<hbm>> -> memref<10000x128xf32, #tpu.memory_space<hbm>>
        tpu.enqueue_indirect_dma source(%dma_start3A_186 : memref<10000x128xf32, #tpu.memory_space<hbm>>) target(%arg11 : memref<128x128xf32, #tpu.memory_space<vmem>>) offsets(%dma_start3A_183 : memref<128xi32, #tpu.memory_space<vmem>>) semaphore(%arg13 : memref<!tpu.dma_semaphore, #tpu.memory_space<semaphore_mem>>)
        %dma_wait3A_187 = arith.constant 0 : i32
        %dma_wait3A_188 = arith.constant 0 : i32
        %dma_wait3A_189 = tpu.memref_slice %arg5[%dma_wait3A_187, %dma_wait3A_188] : memref<10000x128xf32, #tpu.memory_space<hbm>> -> memref<128x128xf32, #tpu.memory_space<hbm>>
        %dma_wait3A_190 = arith.constant 0 : i32
        %dma_wait3A_191 = arith.constant 0 : i32
        %dma_wait3A_192 = tpu.memref_slice %arg5[%dma_wait3A_190, %dma_wait3A_191] : memref<10000x128xf32, #tpu.memory_space<hbm>> -> memref<128x128xf32, #tpu.memory_space<hbm>>
        tpu.wait_dma2 semaphore(%arg12 : memref<!tpu.dma_semaphore, #tpu.memory_space<semaphore_mem>>) src(%dma_wait3A_192 : memref<128x128xf32, #tpu.memory_space<hbm>>) dst(%arg10 : memref<128x128xf32, #tpu.memory_space<vmem>>)
        %mul3A_193 = arith.constant 16 : i32
        %mul3A_194 = arith.muli %rem3A_47, %mul3A_193 : i32
        %add3A_195 = arith.constant 6 : i32
        %add3A_196 = arith.addi %mul3A_194, %add3A_195 : i32
        "tpu.region"() ({
          %run_scoped3A = tpu.sem_alloc : memref<!tpu.dma_semaphore, #tpu.memory_space<semaphore_mem>>
          %dma_start3A_397 = arith.constant 0 : i32
          %dma_start3A_398 = tpu.memref_slice %arg9[%add3A_196, %dma_start3A_397] : memref<32x128xi32, #tpu.memory_space<vmem>> -> memref<1x128xi32, #tpu.memory_space<vmem>>
          %dma_start3A_399 = tpu.memref_squeeze %dma_start3A_398 : memref<1x128xi32, #tpu.memory_space<vmem>> -> memref<128xi32, #tpu.memory_space<vmem>>
          %dma_start3A_400 = arith.constant 0 : i32
          %dma_start3A_401 = arith.constant 0 : i32
          %dma_start3A_402 = tpu.memref_slice %arg14[%dma_start3A_400, %dma_start3A_401] : memref<10008x128xf32, #tpu.memory_space<vmem_shared>> -> memref<10008x128xf32, #tpu.memory_space<vmem_shared>>
          tpu.enqueue_indirect_dma source(%arg10 : memref<128x128xf32, #tpu.memory_space<vmem>>) target(%dma_start3A_402 : memref<10008x128xf32, #tpu.memory_space<vmem_shared>>) offsets(%dma_start3A_399 : memref<128xi32, #tpu.memory_space<vmem>>) semaphore(%run_scoped3A : memref<!tpu.dma_semaphore, #tpu.memory_space<semaphore_mem>>) {add = true}
          %dma_wait3A_403 = arith.constant 0 : i32
          %dma_wait3A_404 = tpu.memref_slice %arg9[%add3A_196, %dma_wait3A_403] : memref<32x128xi32, #tpu.memory_space<vmem>> -> memref<1x128xi32, #tpu.memory_space<vmem>>
          %dma_wait3A_405 = tpu.memref_squeeze %dma_wait3A_404 : memref<1x128xi32, #tpu.memory_space<vmem>> -> memref<128xi32, #tpu.memory_space<vmem>>
          %dma_wait3A_406 = arith.constant 0 : i32
          %dma_wait3A_407 = arith.constant 0 : i32
          %dma_wait3A_408 = tpu.memref_slice %arg14[%dma_wait3A_406, %dma_wait3A_407] : memref<10008x128xf32, #tpu.memory_space<vmem_shared>> -> memref<10008x128xf32, #tpu.memory_space<vmem_shared>>
          tpu.wait_indirect_dma semaphore(%run_scoped3A : memref<!tpu.dma_semaphore, #tpu.memory_space<semaphore_mem>>) src(%arg10 : memref<128x128xf32, #tpu.memory_space<vmem>>) dst(%dma_wait3A_408 : memref<10008x128xf32, #tpu.memory_space<vmem_shared>>)
          tpu.yield
        }) : () -> ()
        %mul3A_197 = arith.constant 16 : i32
        %mul3A_198 = arith.muli %rem3A_47, %mul3A_197 : i32
        %add3A_199 = arith.constant 6 : i32
        %add3A_200 = arith.addi %mul3A_198, %add3A_199 : i32
        %add3A_201 = arith.constant 2 : i32
        %add3A_202 = arith.addi %add3A_200, %add3A_201 : i32
        %dma_start3A_203 = arith.constant 0 : i32
        %dma_start3A_204 = tpu.memref_slice %arg8[%add3A_202, %dma_start3A_203] : memref<32x128xi32, #tpu.memory_space<vmem>> -> memref<1x128xi32, #tpu.memory_space<vmem>>
        %dma_start3A_205 = tpu.memref_squeeze %dma_start3A_204 : memref<1x128xi32, #tpu.memory_space<vmem>> -> memref<128xi32, #tpu.memory_space<vmem>>
        %dma_start3A_206 = arith.constant 0 : i32
        %dma_start3A_207 = arith.constant 0 : i32
        %dma_start3A_208 = tpu.memref_slice %arg5[%dma_start3A_206, %dma_start3A_207] : memref<10000x128xf32, #tpu.memory_space<hbm>> -> memref<10000x128xf32, #tpu.memory_space<hbm>>
        tpu.enqueue_indirect_dma source(%dma_start3A_208 : memref<10000x128xf32, #tpu.memory_space<hbm>>) target(%arg10 : memref<128x128xf32, #tpu.memory_space<vmem>>) offsets(%dma_start3A_205 : memref<128xi32, #tpu.memory_space<vmem>>) semaphore(%arg12 : memref<!tpu.dma_semaphore, #tpu.memory_space<semaphore_mem>>)
        %dma_wait3A_209 = arith.constant 0 : i32
        %dma_wait3A_210 = arith.constant 0 : i32
        %dma_wait3A_211 = tpu.memref_slice %arg5[%dma_wait3A_209, %dma_wait3A_210] : memref<10000x128xf32, #tpu.memory_space<hbm>> -> memref<128x128xf32, #tpu.memory_space<hbm>>
        %dma_wait3A_212 = arith.constant 0 : i32
        %dma_wait3A_213 = arith.constant 0 : i32
        %dma_wait3A_214 = tpu.memref_slice %arg5[%dma_wait3A_212, %dma_wait3A_213] : memref<10000x128xf32, #tpu.memory_space<hbm>> -> memref<128x128xf32, #tpu.memory_space<hbm>>
        tpu.wait_dma2 semaphore(%arg13 : memref<!tpu.dma_semaphore, #tpu.memory_space<semaphore_mem>>) src(%dma_wait3A_214 : memref<128x128xf32, #tpu.memory_space<hbm>>) dst(%arg11 : memref<128x128xf32, #tpu.memory_space<vmem>>)
        %mul3A_215 = arith.constant 16 : i32
        %mul3A_216 = arith.muli %rem3A_47, %mul3A_215 : i32
        %add3A_217 = arith.constant 7 : i32
        %add3A_218 = arith.addi %mul3A_216, %add3A_217 : i32
        "tpu.region"() ({
          %run_scoped3A = tpu.sem_alloc : memref<!tpu.dma_semaphore, #tpu.memory_space<semaphore_mem>>
          %dma_start3A_397 = arith.constant 0 : i32
          %dma_start3A_398 = tpu.memref_slice %arg9[%add3A_218, %dma_start3A_397] : memref<32x128xi32, #tpu.memory_space<vmem>> -> memref<1x128xi32, #tpu.memory_space<vmem>>
          %dma_start3A_399 = tpu.memref_squeeze %dma_start3A_398 : memref<1x128xi32, #tpu.memory_space<vmem>> -> memref<128xi32, #tpu.memory_space<vmem>>
          %dma_start3A_400 = arith.constant 0 : i32
          %dma_start3A_401 = arith.constant 0 : i32
          %dma_start3A_402 = tpu.memref_slice %arg14[%dma_start3A_400, %dma_start3A_401] : memref<10008x128xf32, #tpu.memory_space<vmem_shared>> -> memref<10008x128xf32, #tpu.memory_space<vmem_shared>>
          tpu.enqueue_indirect_dma source(%arg11 : memref<128x128xf32, #tpu.memory_space<vmem>>) target(%dma_start3A_402 : memref<10008x128xf32, #tpu.memory_space<vmem_shared>>) offsets(%dma_start3A_399 : memref<128xi32, #tpu.memory_space<vmem>>) semaphore(%run_scoped3A : memref<!tpu.dma_semaphore, #tpu.memory_space<semaphore_mem>>) {add = true}
          %dma_wait3A_403 = arith.constant 0 : i32
          %dma_wait3A_404 = tpu.memref_slice %arg9[%add3A_218, %dma_wait3A_403] : memref<32x128xi32, #tpu.memory_space<vmem>> -> memref<1x128xi32, #tpu.memory_space<vmem>>
          %dma_wait3A_405 = tpu.memref_squeeze %dma_wait3A_404 : memref<1x128xi32, #tpu.memory_space<vmem>> -> memref<128xi32, #tpu.memory_space<vmem>>
          %dma_wait3A_406 = arith.constant 0 : i32
          %dma_wait3A_407 = arith.constant 0 : i32
          %dma_wait3A_408 = tpu.memref_slice %arg14[%dma_wait3A_406, %dma_wait3A_407] : memref<10008x128xf32, #tpu.memory_space<vmem_shared>> -> memref<10008x128xf32, #tpu.memory_space<vmem_shared>>
          tpu.wait_indirect_dma semaphore(%run_scoped3A : memref<!tpu.dma_semaphore, #tpu.memory_space<semaphore_mem>>) src(%arg11 : memref<128x128xf32, #tpu.memory_space<vmem>>) dst(%dma_wait3A_408 : memref<10008x128xf32, #tpu.memory_space<vmem_shared>>)
          tpu.yield
        }) : () -> ()
        %mul3A_219 = arith.constant 16 : i32
        %mul3A_220 = arith.muli %rem3A_47, %mul3A_219 : i32
        %add3A_221 = arith.constant 7 : i32
        %add3A_222 = arith.addi %mul3A_220, %add3A_221 : i32
        %add3A_223 = arith.constant 2 : i32
        %add3A_224 = arith.addi %add3A_222, %add3A_223 : i32
        %dma_start3A_225 = arith.constant 0 : i32
        %dma_start3A_226 = tpu.memref_slice %arg8[%add3A_224, %dma_start3A_225] : memref<32x128xi32, #tpu.memory_space<vmem>> -> memref<1x128xi32, #tpu.memory_space<vmem>>
        %dma_start3A_227 = tpu.memref_squeeze %dma_start3A_226 : memref<1x128xi32, #tpu.memory_space<vmem>> -> memref<128xi32, #tpu.memory_space<vmem>>
        %dma_start3A_228 = arith.constant 0 : i32
        %dma_start3A_229 = arith.constant 0 : i32
        %dma_start3A_230 = tpu.memref_slice %arg5[%dma_start3A_228, %dma_start3A_229] : memref<10000x128xf32, #tpu.memory_space<hbm>> -> memref<10000x128xf32, #tpu.memory_space<hbm>>
        tpu.enqueue_indirect_dma source(%dma_start3A_230 : memref<10000x128xf32, #tpu.memory_space<hbm>>) target(%arg11 : memref<128x128xf32, #tpu.memory_space<vmem>>) offsets(%dma_start3A_227 : memref<128xi32, #tpu.memory_space<vmem>>) semaphore(%arg13 : memref<!tpu.dma_semaphore, #tpu.memory_space<semaphore_mem>>)
        %dma_wait3A_231 = arith.constant 0 : i32
        %dma_wait3A_232 = arith.constant 0 : i32
        %dma_wait3A_233 = tpu.memref_slice %arg5[%dma_wait3A_231, %dma_wait3A_232] : memref<10000x128xf32, #tpu.memory_space<hbm>> -> memref<128x128xf32, #tpu.memory_space<hbm>>
        %dma_wait3A_234 = arith.constant 0 : i32
        %dma_wait3A_235 = arith.constant 0 : i32
        %dma_wait3A_236 = tpu.memref_slice %arg5[%dma_wait3A_234, %dma_wait3A_235] : memref<10000x128xf32, #tpu.memory_space<hbm>> -> memref<128x128xf32, #tpu.memory_space<hbm>>
        tpu.wait_dma2 semaphore(%arg12 : memref<!tpu.dma_semaphore, #tpu.memory_space<semaphore_mem>>) src(%dma_wait3A_236 : memref<128x128xf32, #tpu.memory_space<hbm>>) dst(%arg10 : memref<128x128xf32, #tpu.memory_space<vmem>>)
        %mul3A_237 = arith.constant 16 : i32
        %mul3A_238 = arith.muli %rem3A_47, %mul3A_237 : i32
        %add3A_239 = arith.constant 8 : i32
        %add3A_240 = arith.addi %mul3A_238, %add3A_239 : i32
        "tpu.region"() ({
          %run_scoped3A = tpu.sem_alloc : memref<!tpu.dma_semaphore, #tpu.memory_space<semaphore_mem>>
          %dma_start3A_397 = arith.constant 0 : i32
          %dma_start3A_398 = tpu.memref_slice %arg9[%add3A_240, %dma_start3A_397] : memref<32x128xi32, #tpu.memory_space<vmem>> -> memref<1x128xi32, #tpu.memory_space<vmem>>
          %dma_start3A_399 = tpu.memref_squeeze %dma_start3A_398 : memref<1x128xi32, #tpu.memory_space<vmem>> -> memref<128xi32, #tpu.memory_space<vmem>>
          %dma_start3A_400 = arith.constant 0 : i32
          %dma_start3A_401 = arith.constant 0 : i32
          %dma_start3A_402 = tpu.memref_slice %arg14[%dma_start3A_400, %dma_start3A_401] : memref<10008x128xf32, #tpu.memory_space<vmem_shared>> -> memref<10008x128xf32, #tpu.memory_space<vmem_shared>>
          tpu.enqueue_indirect_dma source(%arg10 : memref<128x128xf32, #tpu.memory_space<vmem>>) target(%dma_start3A_402 : memref<10008x128xf32, #tpu.memory_space<vmem_shared>>) offsets(%dma_start3A_399 : memref<128xi32, #tpu.memory_space<vmem>>) semaphore(%run_scoped3A : memref<!tpu.dma_semaphore, #tpu.memory_space<semaphore_mem>>) {add = true}
          %dma_wait3A_403 = arith.constant 0 : i32
          %dma_wait3A_404 = tpu.memref_slice %arg9[%add3A_240, %dma_wait3A_403] : memref<32x128xi32, #tpu.memory_space<vmem>> -> memref<1x128xi32, #tpu.memory_space<vmem>>
          %dma_wait3A_405 = tpu.memref_squeeze %dma_wait3A_404 : memref<1x128xi32, #tpu.memory_space<vmem>> -> memref<128xi32, #tpu.memory_space<vmem>>
          %dma_wait3A_406 = arith.constant 0 : i32
          %dma_wait3A_407 = arith.constant 0 : i32
          %dma_wait3A_408 = tpu.memref_slice %arg14[%dma_wait3A_406, %dma_wait3A_407] : memref<10008x128xf32, #tpu.memory_space<vmem_shared>> -> memref<10008x128xf32, #tpu.memory_space<vmem_shared>>
          tpu.wait_indirect_dma semaphore(%run_scoped3A : memref<!tpu.dma_semaphore, #tpu.memory_space<semaphore_mem>>) src(%arg10 : memref<128x128xf32, #tpu.memory_space<vmem>>) dst(%dma_wait3A_408 : memref<10008x128xf32, #tpu.memory_space<vmem_shared>>)
          tpu.yield
        }) : () -> ()
        %mul3A_241 = arith.constant 16 : i32
        %mul3A_242 = arith.muli %rem3A_47, %mul3A_241 : i32
        %add3A_243 = arith.constant 8 : i32
        %add3A_244 = arith.addi %mul3A_242, %add3A_243 : i32
        %add3A_245 = arith.constant 2 : i32
        %add3A_246 = arith.addi %add3A_244, %add3A_245 : i32
        %dma_start3A_247 = arith.constant 0 : i32
        %dma_start3A_248 = tpu.memref_slice %arg8[%add3A_246, %dma_start3A_247] : memref<32x128xi32, #tpu.memory_space<vmem>> -> memref<1x128xi32, #tpu.memory_space<vmem>>
        %dma_start3A_249 = tpu.memref_squeeze %dma_start3A_248 : memref<1x128xi32, #tpu.memory_space<vmem>> -> memref<128xi32, #tpu.memory_space<vmem>>
        %dma_start3A_250 = arith.constant 0 : i32
        %dma_start3A_251 = arith.constant 0 : i32
        %dma_start3A_252 = tpu.memref_slice %arg5[%dma_start3A_250, %dma_start3A_251] : memref<10000x128xf32, #tpu.memory_space<hbm>> -> memref<10000x128xf32, #tpu.memory_space<hbm>>
        tpu.enqueue_indirect_dma source(%dma_start3A_252 : memref<10000x128xf32, #tpu.memory_space<hbm>>) target(%arg10 : memref<128x128xf32, #tpu.memory_space<vmem>>) offsets(%dma_start3A_249 : memref<128xi32, #tpu.memory_space<vmem>>) semaphore(%arg12 : memref<!tpu.dma_semaphore, #tpu.memory_space<semaphore_mem>>)
        %dma_wait3A_253 = arith.constant 0 : i32
        %dma_wait3A_254 = arith.constant 0 : i32
        %dma_wait3A_255 = tpu.memref_slice %arg5[%dma_wait3A_253, %dma_wait3A_254] : memref<10000x128xf32, #tpu.memory_space<hbm>> -> memref<128x128xf32, #tpu.memory_space<hbm>>
        %dma_wait3A_256 = arith.constant 0 : i32
        %dma_wait3A_257 = arith.constant 0 : i32
        %dma_wait3A_258 = tpu.memref_slice %arg5[%dma_wait3A_256, %dma_wait3A_257] : memref<10000x128xf32, #tpu.memory_space<hbm>> -> memref<128x128xf32, #tpu.memory_space<hbm>>
        tpu.wait_dma2 semaphore(%arg13 : memref<!tpu.dma_semaphore, #tpu.memory_space<semaphore_mem>>) src(%dma_wait3A_258 : memref<128x128xf32, #tpu.memory_space<hbm>>) dst(%arg11 : memref<128x128xf32, #tpu.memory_space<vmem>>)
        %mul3A_259 = arith.constant 16 : i32
        %mul3A_260 = arith.muli %rem3A_47, %mul3A_259 : i32
        %add3A_261 = arith.constant 9 : i32
        %add3A_262 = arith.addi %mul3A_260, %add3A_261 : i32
        "tpu.region"() ({
          %run_scoped3A = tpu.sem_alloc : memref<!tpu.dma_semaphore, #tpu.memory_space<semaphore_mem>>
          %dma_start3A_397 = arith.constant 0 : i32
          %dma_start3A_398 = tpu.memref_slice %arg9[%add3A_262, %dma_start3A_397] : memref<32x128xi32, #tpu.memory_space<vmem>> -> memref<1x128xi32, #tpu.memory_space<vmem>>
          %dma_start3A_399 = tpu.memref_squeeze %dma_start3A_398 : memref<1x128xi32, #tpu.memory_space<vmem>> -> memref<128xi32, #tpu.memory_space<vmem>>
          %dma_start3A_400 = arith.constant 0 : i32
          %dma_start3A_401 = arith.constant 0 : i32
          %dma_start3A_402 = tpu.memref_slice %arg14[%dma_start3A_400, %dma_start3A_401] : memref<10008x128xf32, #tpu.memory_space<vmem_shared>> -> memref<10008x128xf32, #tpu.memory_space<vmem_shared>>
          tpu.enqueue_indirect_dma source(%arg11 : memref<128x128xf32, #tpu.memory_space<vmem>>) target(%dma_start3A_402 : memref<10008x128xf32, #tpu.memory_space<vmem_shared>>) offsets(%dma_start3A_399 : memref<128xi32, #tpu.memory_space<vmem>>) semaphore(%run_scoped3A : memref<!tpu.dma_semaphore, #tpu.memory_space<semaphore_mem>>) {add = true}
          %dma_wait3A_403 = arith.constant 0 : i32
          %dma_wait3A_404 = tpu.memref_slice %arg9[%add3A_262, %dma_wait3A_403] : memref<32x128xi32, #tpu.memory_space<vmem>> -> memref<1x128xi32, #tpu.memory_space<vmem>>
          %dma_wait3A_405 = tpu.memref_squeeze %dma_wait3A_404 : memref<1x128xi32, #tpu.memory_space<vmem>> -> memref<128xi32, #tpu.memory_space<vmem>>
          %dma_wait3A_406 = arith.constant 0 : i32
          %dma_wait3A_407 = arith.constant 0 : i32
          %dma_wait3A_408 = tpu.memref_slice %arg14[%dma_wait3A_406, %dma_wait3A_407] : memref<10008x128xf32, #tpu.memory_space<vmem_shared>> -> memref<10008x128xf32, #tpu.memory_space<vmem_shared>>
          tpu.wait_indirect_dma semaphore(%run_scoped3A : memref<!tpu.dma_semaphore, #tpu.memory_space<semaphore_mem>>) src(%arg11 : memref<128x128xf32, #tpu.memory_space<vmem>>) dst(%dma_wait3A_408 : memref<10008x128xf32, #tpu.memory_space<vmem_shared>>)
          tpu.yield
        }) : () -> ()
        %mul3A_263 = arith.constant 16 : i32
        %mul3A_264 = arith.muli %rem3A_47, %mul3A_263 : i32
        %add3A_265 = arith.constant 9 : i32
        %add3A_266 = arith.addi %mul3A_264, %add3A_265 : i32
        %add3A_267 = arith.constant 2 : i32
        %add3A_268 = arith.addi %add3A_266, %add3A_267 : i32
        %dma_start3A_269 = arith.constant 0 : i32
        %dma_start3A_270 = tpu.memref_slice %arg8[%add3A_268, %dma_start3A_269] : memref<32x128xi32, #tpu.memory_space<vmem>> -> memref<1x128xi32, #tpu.memory_space<vmem>>
        %dma_start3A_271 = tpu.memref_squeeze %dma_start3A_270 : memref<1x128xi32, #tpu.memory_space<vmem>> -> memref<128xi32, #tpu.memory_space<vmem>>
        %dma_start3A_272 = arith.constant 0 : i32
        %dma_start3A_273 = arith.constant 0 : i32
        %dma_start3A_274 = tpu.memref_slice %arg5[%dma_start3A_272, %dma_start3A_273] : memref<10000x128xf32, #tpu.memory_space<hbm>> -> memref<10000x128xf32, #tpu.memory_space<hbm>>
        tpu.enqueue_indirect_dma source(%dma_start3A_274 : memref<10000x128xf32, #tpu.memory_space<hbm>>) target(%arg11 : memref<128x128xf32, #tpu.memory_space<vmem>>) offsets(%dma_start3A_271 : memref<128xi32, #tpu.memory_space<vmem>>) semaphore(%arg13 : memref<!tpu.dma_semaphore, #tpu.memory_space<semaphore_mem>>)
        %dma_wait3A_275 = arith.constant 0 : i32
        %dma_wait3A_276 = arith.constant 0 : i32
        %dma_wait3A_277 = tpu.memref_slice %arg5[%dma_wait3A_275, %dma_wait3A_276] : memref<10000x128xf32, #tpu.memory_space<hbm>> -> memref<128x128xf32, #tpu.memory_space<hbm>>
        %dma_wait3A_278 = arith.constant 0 : i32
        %dma_wait3A_279 = arith.constant 0 : i32
        %dma_wait3A_280 = tpu.memref_slice %arg5[%dma_wait3A_278, %dma_wait3A_279] : memref<10000x128xf32, #tpu.memory_space<hbm>> -> memref<128x128xf32, #tpu.memory_space<hbm>>
        tpu.wait_dma2 semaphore(%arg12 : memref<!tpu.dma_semaphore, #tpu.memory_space<semaphore_mem>>) src(%dma_wait3A_280 : memref<128x128xf32, #tpu.memory_space<hbm>>) dst(%arg10 : memref<128x128xf32, #tpu.memory_space<vmem>>)
        %mul3A_281 = arith.constant 16 : i32
        %mul3A_282 = arith.muli %rem3A_47, %mul3A_281 : i32
        %add3A_283 = arith.constant 10 : i32
        %add3A_284 = arith.addi %mul3A_282, %add3A_283 : i32
        "tpu.region"() ({
          %run_scoped3A = tpu.sem_alloc : memref<!tpu.dma_semaphore, #tpu.memory_space<semaphore_mem>>
          %dma_start3A_397 = arith.constant 0 : i32
          %dma_start3A_398 = tpu.memref_slice %arg9[%add3A_284, %dma_start3A_397] : memref<32x128xi32, #tpu.memory_space<vmem>> -> memref<1x128xi32, #tpu.memory_space<vmem>>
          %dma_start3A_399 = tpu.memref_squeeze %dma_start3A_398 : memref<1x128xi32, #tpu.memory_space<vmem>> -> memref<128xi32, #tpu.memory_space<vmem>>
          %dma_start3A_400 = arith.constant 0 : i32
          %dma_start3A_401 = arith.constant 0 : i32
          %dma_start3A_402 = tpu.memref_slice %arg14[%dma_start3A_400, %dma_start3A_401] : memref<10008x128xf32, #tpu.memory_space<vmem_shared>> -> memref<10008x128xf32, #tpu.memory_space<vmem_shared>>
          tpu.enqueue_indirect_dma source(%arg10 : memref<128x128xf32, #tpu.memory_space<vmem>>) target(%dma_start3A_402 : memref<10008x128xf32, #tpu.memory_space<vmem_shared>>) offsets(%dma_start3A_399 : memref<128xi32, #tpu.memory_space<vmem>>) semaphore(%run_scoped3A : memref<!tpu.dma_semaphore, #tpu.memory_space<semaphore_mem>>) {add = true}
          %dma_wait3A_403 = arith.constant 0 : i32
          %dma_wait3A_404 = tpu.memref_slice %arg9[%add3A_284, %dma_wait3A_403] : memref<32x128xi32, #tpu.memory_space<vmem>> -> memref<1x128xi32, #tpu.memory_space<vmem>>
          %dma_wait3A_405 = tpu.memref_squeeze %dma_wait3A_404 : memref<1x128xi32, #tpu.memory_space<vmem>> -> memref<128xi32, #tpu.memory_space<vmem>>
          %dma_wait3A_406 = arith.constant 0 : i32
          %dma_wait3A_407 = arith.constant 0 : i32
          %dma_wait3A_408 = tpu.memref_slice %arg14[%dma_wait3A_406, %dma_wait3A_407] : memref<10008x128xf32, #tpu.memory_space<vmem_shared>> -> memref<10008x128xf32, #tpu.memory_space<vmem_shared>>
          tpu.wait_indirect_dma semaphore(%run_scoped3A : memref<!tpu.dma_semaphore, #tpu.memory_space<semaphore_mem>>) src(%arg10 : memref<128x128xf32, #tpu.memory_space<vmem>>) dst(%dma_wait3A_408 : memref<10008x128xf32, #tpu.memory_space<vmem_shared>>)
          tpu.yield
        }) : () -> ()
        %mul3A_285 = arith.constant 16 : i32
        %mul3A_286 = arith.muli %rem3A_47, %mul3A_285 : i32
        %add3A_287 = arith.constant 10 : i32
        %add3A_288 = arith.addi %mul3A_286, %add3A_287 : i32
        %add3A_289 = arith.constant 2 : i32
        %add3A_290 = arith.addi %add3A_288, %add3A_289 : i32
        %dma_start3A_291 = arith.constant 0 : i32
        %dma_start3A_292 = tpu.memref_slice %arg8[%add3A_290, %dma_start3A_291] : memref<32x128xi32, #tpu.memory_space<vmem>> -> memref<1x128xi32, #tpu.memory_space<vmem>>
        %dma_start3A_293 = tpu.memref_squeeze %dma_start3A_292 : memref<1x128xi32, #tpu.memory_space<vmem>> -> memref<128xi32, #tpu.memory_space<vmem>>
        %dma_start3A_294 = arith.constant 0 : i32
        %dma_start3A_295 = arith.constant 0 : i32
        %dma_start3A_296 = tpu.memref_slice %arg5[%dma_start3A_294, %dma_start3A_295] : memref<10000x128xf32, #tpu.memory_space<hbm>> -> memref<10000x128xf32, #tpu.memory_space<hbm>>
        tpu.enqueue_indirect_dma source(%dma_start3A_296 : memref<10000x128xf32, #tpu.memory_space<hbm>>) target(%arg10 : memref<128x128xf32, #tpu.memory_space<vmem>>) offsets(%dma_start3A_293 : memref<128xi32, #tpu.memory_space<vmem>>) semaphore(%arg12 : memref<!tpu.dma_semaphore, #tpu.memory_space<semaphore_mem>>)
        %dma_wait3A_297 = arith.constant 0 : i32
        %dma_wait3A_298 = arith.constant 0 : i32
        %dma_wait3A_299 = tpu.memref_slice %arg5[%dma_wait3A_297, %dma_wait3A_298] : memref<10000x128xf32, #tpu.memory_space<hbm>> -> memref<128x128xf32, #tpu.memory_space<hbm>>
        %dma_wait3A_300 = arith.constant 0 : i32
        %dma_wait3A_301 = arith.constant 0 : i32
        %dma_wait3A_302 = tpu.memref_slice %arg5[%dma_wait3A_300, %dma_wait3A_301] : memref<10000x128xf32, #tpu.memory_space<hbm>> -> memref<128x128xf32, #tpu.memory_space<hbm>>
        tpu.wait_dma2 semaphore(%arg13 : memref<!tpu.dma_semaphore, #tpu.memory_space<semaphore_mem>>) src(%dma_wait3A_302 : memref<128x128xf32, #tpu.memory_space<hbm>>) dst(%arg11 : memref<128x128xf32, #tpu.memory_space<vmem>>)
        %mul3A_303 = arith.constant 16 : i32
        %mul3A_304 = arith.muli %rem3A_47, %mul3A_303 : i32
        %add3A_305 = arith.constant 11 : i32
        %add3A_306 = arith.addi %mul3A_304, %add3A_305 : i32
        "tpu.region"() ({
          %run_scoped3A = tpu.sem_alloc : memref<!tpu.dma_semaphore, #tpu.memory_space<semaphore_mem>>
          %dma_start3A_397 = arith.constant 0 : i32
          %dma_start3A_398 = tpu.memref_slice %arg9[%add3A_306, %dma_start3A_397] : memref<32x128xi32, #tpu.memory_space<vmem>> -> memref<1x128xi32, #tpu.memory_space<vmem>>
          %dma_start3A_399 = tpu.memref_squeeze %dma_start3A_398 : memref<1x128xi32, #tpu.memory_space<vmem>> -> memref<128xi32, #tpu.memory_space<vmem>>
          %dma_start3A_400 = arith.constant 0 : i32
          %dma_start3A_401 = arith.constant 0 : i32
          %dma_start3A_402 = tpu.memref_slice %arg14[%dma_start3A_400, %dma_start3A_401] : memref<10008x128xf32, #tpu.memory_space<vmem_shared>> -> memref<10008x128xf32, #tpu.memory_space<vmem_shared>>
          tpu.enqueue_indirect_dma source(%arg11 : memref<128x128xf32, #tpu.memory_space<vmem>>) target(%dma_start3A_402 : memref<10008x128xf32, #tpu.memory_space<vmem_shared>>) offsets(%dma_start3A_399 : memref<128xi32, #tpu.memory_space<vmem>>) semaphore(%run_scoped3A : memref<!tpu.dma_semaphore, #tpu.memory_space<semaphore_mem>>) {add = true}
          %dma_wait3A_403 = arith.constant 0 : i32
          %dma_wait3A_404 = tpu.memref_slice %arg9[%add3A_306, %dma_wait3A_403] : memref<32x128xi32, #tpu.memory_space<vmem>> -> memref<1x128xi32, #tpu.memory_space<vmem>>
          %dma_wait3A_405 = tpu.memref_squeeze %dma_wait3A_404 : memref<1x128xi32, #tpu.memory_space<vmem>> -> memref<128xi32, #tpu.memory_space<vmem>>
          %dma_wait3A_406 = arith.constant 0 : i32
          %dma_wait3A_407 = arith.constant 0 : i32
          %dma_wait3A_408 = tpu.memref_slice %arg14[%dma_wait3A_406, %dma_wait3A_407] : memref<10008x128xf32, #tpu.memory_space<vmem_shared>> -> memref<10008x128xf32, #tpu.memory_space<vmem_shared>>
          tpu.wait_indirect_dma semaphore(%run_scoped3A : memref<!tpu.dma_semaphore, #tpu.memory_space<semaphore_mem>>) src(%arg11 : memref<128x128xf32, #tpu.memory_space<vmem>>) dst(%dma_wait3A_408 : memref<10008x128xf32, #tpu.memory_space<vmem_shared>>)
          tpu.yield
        }) : () -> ()
        %mul3A_307 = arith.constant 16 : i32
        %mul3A_308 = arith.muli %rem3A_47, %mul3A_307 : i32
        %add3A_309 = arith.constant 11 : i32
        %add3A_310 = arith.addi %mul3A_308, %add3A_309 : i32
        %add3A_311 = arith.constant 2 : i32
        %add3A_312 = arith.addi %add3A_310, %add3A_311 : i32
        %dma_start3A_313 = arith.constant 0 : i32
        %dma_start3A_314 = tpu.memref_slice %arg8[%add3A_312, %dma_start3A_313] : memref<32x128xi32, #tpu.memory_space<vmem>> -> memref<1x128xi32, #tpu.memory_space<vmem>>
        %dma_start3A_315 = tpu.memref_squeeze %dma_start3A_314 : memref<1x128xi32, #tpu.memory_space<vmem>> -> memref<128xi32, #tpu.memory_space<vmem>>
        %dma_start3A_316 = arith.constant 0 : i32
        %dma_start3A_317 = arith.constant 0 : i32
        %dma_start3A_318 = tpu.memref_slice %arg5[%dma_start3A_316, %dma_start3A_317] : memref<10000x128xf32, #tpu.memory_space<hbm>> -> memref<10000x128xf32, #tpu.memory_space<hbm>>
        tpu.enqueue_indirect_dma source(%dma_start3A_318 : memref<10000x128xf32, #tpu.memory_space<hbm>>) target(%arg11 : memref<128x128xf32, #tpu.memory_space<vmem>>) offsets(%dma_start3A_315 : memref<128xi32, #tpu.memory_space<vmem>>) semaphore(%arg13 : memref<!tpu.dma_semaphore, #tpu.memory_space<semaphore_mem>>)
        %dma_wait3A_319 = arith.constant 0 : i32
        %dma_wait3A_320 = arith.constant 0 : i32
        %dma_wait3A_321 = tpu.memref_slice %arg5[%dma_wait3A_319, %dma_wait3A_320] : memref<10000x128xf32, #tpu.memory_space<hbm>> -> memref<128x128xf32, #tpu.memory_space<hbm>>
        %dma_wait3A_322 = arith.constant 0 : i32
        %dma_wait3A_323 = arith.constant 0 : i32
        %dma_wait3A_324 = tpu.memref_slice %arg5[%dma_wait3A_322, %dma_wait3A_323] : memref<10000x128xf32, #tpu.memory_space<hbm>> -> memref<128x128xf32, #tpu.memory_space<hbm>>
        tpu.wait_dma2 semaphore(%arg12 : memref<!tpu.dma_semaphore, #tpu.memory_space<semaphore_mem>>) src(%dma_wait3A_324 : memref<128x128xf32, #tpu.memory_space<hbm>>) dst(%arg10 : memref<128x128xf32, #tpu.memory_space<vmem>>)
        %mul3A_325 = arith.constant 16 : i32
        %mul3A_326 = arith.muli %rem3A_47, %mul3A_325 : i32
        %add3A_327 = arith.constant 12 : i32
        %add3A_328 = arith.addi %mul3A_326, %add3A_327 : i32
        "tpu.region"() ({
          %run_scoped3A = tpu.sem_alloc : memref<!tpu.dma_semaphore, #tpu.memory_space<semaphore_mem>>
          %dma_start3A_397 = arith.constant 0 : i32
          %dma_start3A_398 = tpu.memref_slice %arg9[%add3A_328, %dma_start3A_397] : memref<32x128xi32, #tpu.memory_space<vmem>> -> memref<1x128xi32, #tpu.memory_space<vmem>>
          %dma_start3A_399 = tpu.memref_squeeze %dma_start3A_398 : memref<1x128xi32, #tpu.memory_space<vmem>> -> memref<128xi32, #tpu.memory_space<vmem>>
          %dma_start3A_400 = arith.constant 0 : i32
          %dma_start3A_401 = arith.constant 0 : i32
          %dma_start3A_402 = tpu.memref_slice %arg14[%dma_start3A_400, %dma_start3A_401] : memref<10008x128xf32, #tpu.memory_space<vmem_shared>> -> memref<10008x128xf32, #tpu.memory_space<vmem_shared>>
          tpu.enqueue_indirect_dma source(%arg10 : memref<128x128xf32, #tpu.memory_space<vmem>>) target(%dma_start3A_402 : memref<10008x128xf32, #tpu.memory_space<vmem_shared>>) offsets(%dma_start3A_399 : memref<128xi32, #tpu.memory_space<vmem>>) semaphore(%run_scoped3A : memref<!tpu.dma_semaphore, #tpu.memory_space<semaphore_mem>>) {add = true}
          %dma_wait3A_403 = arith.constant 0 : i32
          %dma_wait3A_404 = tpu.memref_slice %arg9[%add3A_328, %dma_wait3A_403] : memref<32x128xi32, #tpu.memory_space<vmem>> -> memref<1x128xi32, #tpu.memory_space<vmem>>
          %dma_wait3A_405 = tpu.memref_squeeze %dma_wait3A_404 : memref<1x128xi32, #tpu.memory_space<vmem>> -> memref<128xi32, #tpu.memory_space<vmem>>
          %dma_wait3A_406 = arith.constant 0 : i32
          %dma_wait3A_407 = arith.constant 0 : i32
          %dma_wait3A_408 = tpu.memref_slice %arg14[%dma_wait3A_406, %dma_wait3A_407] : memref<10008x128xf32, #tpu.memory_space<vmem_shared>> -> memref<10008x128xf32, #tpu.memory_space<vmem_shared>>
          tpu.wait_indirect_dma semaphore(%run_scoped3A : memref<!tpu.dma_semaphore, #tpu.memory_space<semaphore_mem>>) src(%arg10 : memref<128x128xf32, #tpu.memory_space<vmem>>) dst(%dma_wait3A_408 : memref<10008x128xf32, #tpu.memory_space<vmem_shared>>)
          tpu.yield
        }) : () -> ()
        %mul3A_329 = arith.constant 16 : i32
        %mul3A_330 = arith.muli %rem3A_47, %mul3A_329 : i32
        %add3A_331 = arith.constant 12 : i32
        %add3A_332 = arith.addi %mul3A_330, %add3A_331 : i32
        %add3A_333 = arith.constant 2 : i32
        %add3A_334 = arith.addi %add3A_332, %add3A_333 : i32
        %dma_start3A_335 = arith.constant 0 : i32
        %dma_start3A_336 = tpu.memref_slice %arg8[%add3A_334, %dma_start3A_335] : memref<32x128xi32, #tpu.memory_space<vmem>> -> memref<1x128xi32, #tpu.memory_space<vmem>>
        %dma_start3A_337 = tpu.memref_squeeze %dma_start3A_336 : memref<1x128xi32, #tpu.memory_space<vmem>> -> memref<128xi32, #tpu.memory_space<vmem>>
        %dma_start3A_338 = arith.constant 0 : i32
        %dma_start3A_339 = arith.constant 0 : i32
        %dma_start3A_340 = tpu.memref_slice %arg5[%dma_start3A_338, %dma_start3A_339] : memref<10000x128xf32, #tpu.memory_space<hbm>> -> memref<10000x128xf32, #tpu.memory_space<hbm>>
        tpu.enqueue_indirect_dma source(%dma_start3A_340 : memref<10000x128xf32, #tpu.memory_space<hbm>>) target(%arg10 : memref<128x128xf32, #tpu.memory_space<vmem>>) offsets(%dma_start3A_337 : memref<128xi32, #tpu.memory_space<vmem>>) semaphore(%arg12 : memref<!tpu.dma_semaphore, #tpu.memory_space<semaphore_mem>>)
        %dma_wait3A_341 = arith.constant 0 : i32
        %dma_wait3A_342 = arith.constant 0 : i32
        %dma_wait3A_343 = tpu.memref_slice %arg5[%dma_wait3A_341, %dma_wait3A_342] : memref<10000x128xf32, #tpu.memory_space<hbm>> -> memref<128x128xf32, #tpu.memory_space<hbm>>
        %dma_wait3A_344 = arith.constant 0 : i32
        %dma_wait3A_345 = arith.constant 0 : i32
        %dma_wait3A_346 = tpu.memref_slice %arg5[%dma_wait3A_344, %dma_wait3A_345] : memref<10000x128xf32, #tpu.memory_space<hbm>> -> memref<128x128xf32, #tpu.memory_space<hbm>>
        tpu.wait_dma2 semaphore(%arg13 : memref<!tpu.dma_semaphore, #tpu.memory_space<semaphore_mem>>) src(%dma_wait3A_346 : memref<128x128xf32, #tpu.memory_space<hbm>>) dst(%arg11 : memref<128x128xf32, #tpu.memory_space<vmem>>)
        %mul3A_347 = arith.constant 16 : i32
        %mul3A_348 = arith.muli %rem3A_47, %mul3A_347 : i32
        %add3A_349 = arith.constant 13 : i32
        %add3A_350 = arith.addi %mul3A_348, %add3A_349 : i32
        "tpu.region"() ({
          %run_scoped3A = tpu.sem_alloc : memref<!tpu.dma_semaphore, #tpu.memory_space<semaphore_mem>>
          %dma_start3A_397 = arith.constant 0 : i32
          %dma_start3A_398 = tpu.memref_slice %arg9[%add3A_350, %dma_start3A_397] : memref<32x128xi32, #tpu.memory_space<vmem>> -> memref<1x128xi32, #tpu.memory_space<vmem>>
          %dma_start3A_399 = tpu.memref_squeeze %dma_start3A_398 : memref<1x128xi32, #tpu.memory_space<vmem>> -> memref<128xi32, #tpu.memory_space<vmem>>
          %dma_start3A_400 = arith.constant 0 : i32
          %dma_start3A_401 = arith.constant 0 : i32
          %dma_start3A_402 = tpu.memref_slice %arg14[%dma_start3A_400, %dma_start3A_401] : memref<10008x128xf32, #tpu.memory_space<vmem_shared>> -> memref<10008x128xf32, #tpu.memory_space<vmem_shared>>
          tpu.enqueue_indirect_dma source(%arg11 : memref<128x128xf32, #tpu.memory_space<vmem>>) target(%dma_start3A_402 : memref<10008x128xf32, #tpu.memory_space<vmem_shared>>) offsets(%dma_start3A_399 : memref<128xi32, #tpu.memory_space<vmem>>) semaphore(%run_scoped3A : memref<!tpu.dma_semaphore, #tpu.memory_space<semaphore_mem>>) {add = true}
          %dma_wait3A_403 = arith.constant 0 : i32
          %dma_wait3A_404 = tpu.memref_slice %arg9[%add3A_350, %dma_wait3A_403] : memref<32x128xi32, #tpu.memory_space<vmem>> -> memref<1x128xi32, #tpu.memory_space<vmem>>
          %dma_wait3A_405 = tpu.memref_squeeze %dma_wait3A_404 : memref<1x128xi32, #tpu.memory_space<vmem>> -> memref<128xi32, #tpu.memory_space<vmem>>
          %dma_wait3A_406 = arith.constant 0 : i32
          %dma_wait3A_407 = arith.constant 0 : i32
          %dma_wait3A_408 = tpu.memref_slice %arg14[%dma_wait3A_406, %dma_wait3A_407] : memref<10008x128xf32, #tpu.memory_space<vmem_shared>> -> memref<10008x128xf32, #tpu.memory_space<vmem_shared>>
          tpu.wait_indirect_dma semaphore(%run_scoped3A : memref<!tpu.dma_semaphore, #tpu.memory_space<semaphore_mem>>) src(%arg11 : memref<128x128xf32, #tpu.memory_space<vmem>>) dst(%dma_wait3A_408 : memref<10008x128xf32, #tpu.memory_space<vmem_shared>>)
          tpu.yield
        }) : () -> ()
        %mul3A_351 = arith.constant 16 : i32
        %mul3A_352 = arith.muli %rem3A_47, %mul3A_351 : i32
        %add3A_353 = arith.constant 13 : i32
        %add3A_354 = arith.addi %mul3A_352, %add3A_353 : i32
        %add3A_355 = arith.constant 2 : i32
        %add3A_356 = arith.addi %add3A_354, %add3A_355 : i32
        %dma_start3A_357 = arith.constant 0 : i32
        %dma_start3A_358 = tpu.memref_slice %arg8[%add3A_356, %dma_start3A_357] : memref<32x128xi32, #tpu.memory_space<vmem>> -> memref<1x128xi32, #tpu.memory_space<vmem>>
        %dma_start3A_359 = tpu.memref_squeeze %dma_start3A_358 : memref<1x128xi32, #tpu.memory_space<vmem>> -> memref<128xi32, #tpu.memory_space<vmem>>
        %dma_start3A_360 = arith.constant 0 : i32
        %dma_start3A_361 = arith.constant 0 : i32
        %dma_start3A_362 = tpu.memref_slice %arg5[%dma_start3A_360, %dma_start3A_361] : memref<10000x128xf32, #tpu.memory_space<hbm>> -> memref<10000x128xf32, #tpu.memory_space<hbm>>
        tpu.enqueue_indirect_dma source(%dma_start3A_362 : memref<10000x128xf32, #tpu.memory_space<hbm>>) target(%arg11 : memref<128x128xf32, #tpu.memory_space<vmem>>) offsets(%dma_start3A_359 : memref<128xi32, #tpu.memory_space<vmem>>) semaphore(%arg13 : memref<!tpu.dma_semaphore, #tpu.memory_space<semaphore_mem>>)
        %dma_wait3A_363 = arith.constant 0 : i32
        %dma_wait3A_364 = arith.constant 0 : i32
        %dma_wait3A_365 = tpu.memref_slice %arg5[%dma_wait3A_363, %dma_wait3A_364] : memref<10000x128xf32, #tpu.memory_space<hbm>> -> memref<128x128xf32, #tpu.memory_space<hbm>>
        %dma_wait3A_366 = arith.constant 0 : i32
        %dma_wait3A_367 = arith.constant 0 : i32
        %dma_wait3A_368 = tpu.memref_slice %arg5[%dma_wait3A_366, %dma_wait3A_367] : memref<10000x128xf32, #tpu.memory_space<hbm>> -> memref<128x128xf32, #tpu.memory_space<hbm>>
        tpu.wait_dma2 semaphore(%arg12 : memref<!tpu.dma_semaphore, #tpu.memory_space<semaphore_mem>>) src(%dma_wait3A_368 : memref<128x128xf32, #tpu.memory_space<hbm>>) dst(%arg10 : memref<128x128xf32, #tpu.memory_space<vmem>>)
        %mul3A_369 = arith.constant 16 : i32
        %mul3A_370 = arith.muli %rem3A_47, %mul3A_369 : i32
        %add3A_371 = arith.constant 14 : i32
        %add3A_372 = arith.addi %mul3A_370, %add3A_371 : i32
        "tpu.region"() ({
          %run_scoped3A = tpu.sem_alloc : memref<!tpu.dma_semaphore, #tpu.memory_space<semaphore_mem>>
          %dma_start3A_397 = arith.constant 0 : i32
          %dma_start3A_398 = tpu.memref_slice %arg9[%add3A_372, %dma_start3A_397] : memref<32x128xi32, #tpu.memory_space<vmem>> -> memref<1x128xi32, #tpu.memory_space<vmem>>
          %dma_start3A_399 = tpu.memref_squeeze %dma_start3A_398 : memref<1x128xi32, #tpu.memory_space<vmem>> -> memref<128xi32, #tpu.memory_space<vmem>>
          %dma_start3A_400 = arith.constant 0 : i32
          %dma_start3A_401 = arith.constant 0 : i32
          %dma_start3A_402 = tpu.memref_slice %arg14[%dma_start3A_400, %dma_start3A_401] : memref<10008x128xf32, #tpu.memory_space<vmem_shared>> -> memref<10008x128xf32, #tpu.memory_space<vmem_shared>>
          tpu.enqueue_indirect_dma source(%arg10 : memref<128x128xf32, #tpu.memory_space<vmem>>) target(%dma_start3A_402 : memref<10008x128xf32, #tpu.memory_space<vmem_shared>>) offsets(%dma_start3A_399 : memref<128xi32, #tpu.memory_space<vmem>>) semaphore(%run_scoped3A : memref<!tpu.dma_semaphore, #tpu.memory_space<semaphore_mem>>) {add = true}
          %dma_wait3A_403 = arith.constant 0 : i32
          %dma_wait3A_404 = tpu.memref_slice %arg9[%add3A_372, %dma_wait3A_403] : memref<32x128xi32, #tpu.memory_space<vmem>> -> memref<1x128xi32, #tpu.memory_space<vmem>>
          %dma_wait3A_405 = tpu.memref_squeeze %dma_wait3A_404 : memref<1x128xi32, #tpu.memory_space<vmem>> -> memref<128xi32, #tpu.memory_space<vmem>>
          %dma_wait3A_406 = arith.constant 0 : i32
          %dma_wait3A_407 = arith.constant 0 : i32
          %dma_wait3A_408 = tpu.memref_slice %arg14[%dma_wait3A_406, %dma_wait3A_407] : memref<10008x128xf32, #tpu.memory_space<vmem_shared>> -> memref<10008x128xf32, #tpu.memory_space<vmem_shared>>
          tpu.wait_indirect_dma semaphore(%run_scoped3A : memref<!tpu.dma_semaphore, #tpu.memory_space<semaphore_mem>>) src(%arg10 : memref<128x128xf32, #tpu.memory_space<vmem>>) dst(%dma_wait3A_408 : memref<10008x128xf32, #tpu.memory_space<vmem_shared>>)
          tpu.yield
        }) : () -> ()
        %add3A_373 = arith.constant 1 : i32
        %add3A_374 = arith.addi %add3A_46, %add3A_373 : i32
        %lt3A_375 = arith.constant 5 : i32
        %lt3A_376 = arith.cmpi slt, %add3A_374, %lt3A_375 : i32
        %convert_element_type3A_377 = arith.extui %lt3A_376 : i1 to i32
        %cond3A_378 = arith.constant 0 : i32
        %cond3A_379 = arith.cmpi ne, %convert_element_type3A_377, %cond3A_378 : i32
        scf.if %cond3A_379 {
          %mul3A_397 = arith.constant 16 : i32
          %mul3A_398 = arith.muli %sub3A_48, %mul3A_397 : i32
          %add3A_399 = arith.constant 14 : i32
          %add3A_400 = arith.addi %mul3A_398, %add3A_399 : i32
          %add3A_401 = arith.constant 2 : i32
          %add3A_402 = arith.addi %add3A_400, %add3A_401 : i32
          %sub3A_403 = arith.constant 16 : i32
          %sub3A_404 = arith.subi %add3A_402, %sub3A_403 : i32
          %dma_start3A_405 = arith.constant 0 : i32
          %dma_start3A_406 = tpu.memref_slice %arg8[%sub3A_404, %dma_start3A_405] : memref<32x128xi32, #tpu.memory_space<vmem>> -> memref<1x128xi32, #tpu.memory_space<vmem>>
          %dma_start3A_407 = tpu.memref_squeeze %dma_start3A_406 : memref<1x128xi32, #tpu.memory_space<vmem>> -> memref<128xi32, #tpu.memory_space<vmem>>
          %dma_start3A_408 = arith.constant 0 : i32
          %dma_start3A_409 = arith.constant 0 : i32
          %dma_start3A_410 = tpu.memref_slice %arg5[%dma_start3A_408, %dma_start3A_409] : memref<10000x128xf32, #tpu.memory_space<hbm>> -> memref<10000x128xf32, #tpu.memory_space<hbm>>
          tpu.enqueue_indirect_dma source(%dma_start3A_410 : memref<10000x128xf32, #tpu.memory_space<hbm>>) target(%arg10 : memref<128x128xf32, #tpu.memory_space<vmem>>) offsets(%dma_start3A_407 : memref<128xi32, #tpu.memory_space<vmem>>) semaphore(%arg12 : memref<!tpu.dma_semaphore, #tpu.memory_space<semaphore_mem>>)
        } else {
        }
        %dma_wait3A_380 = arith.constant 0 : i32
        %dma_wait3A_381 = arith.constant 0 : i32
        %dma_wait3A_382 = tpu.memref_slice %arg5[%dma_wait3A_380, %dma_wait3A_381] : memref<10000x128xf32, #tpu.memory_space<hbm>> -> memref<128x128xf32, #tpu.memory_space<hbm>>
        %dma_wait3A_383 = arith.constant 0 : i32
        %dma_wait3A_384 = arith.constant 0 : i32
        %dma_wait3A_385 = tpu.memref_slice %arg5[%dma_wait3A_383, %dma_wait3A_384] : memref<10000x128xf32, #tpu.memory_space<hbm>> -> memref<128x128xf32, #tpu.memory_space<hbm>>
        tpu.wait_dma2 semaphore(%arg13 : memref<!tpu.dma_semaphore, #tpu.memory_space<semaphore_mem>>) src(%dma_wait3A_385 : memref<128x128xf32, #tpu.memory_space<hbm>>) dst(%arg11 : memref<128x128xf32, #tpu.memory_space<vmem>>)
        %mul3A_386 = arith.constant 16 : i32
        %mul3A_387 = arith.muli %rem3A_47, %mul3A_386 : i32
        %add3A_388 = arith.constant 15 : i32
        %add3A_389 = arith.addi %mul3A_387, %add3A_388 : i32
        "tpu.region"() ({
          %run_scoped3A = tpu.sem_alloc : memref<!tpu.dma_semaphore, #tpu.memory_space<semaphore_mem>>
          %dma_start3A_397 = arith.constant 0 : i32
          %dma_start3A_398 = tpu.memref_slice %arg9[%add3A_389, %dma_start3A_397] : memref<32x128xi32, #tpu.memory_space<vmem>> -> memref<1x128xi32, #tpu.memory_space<vmem>>
          %dma_start3A_399 = tpu.memref_squeeze %dma_start3A_398 : memref<1x128xi32, #tpu.memory_space<vmem>> -> memref<128xi32, #tpu.memory_space<vmem>>
          %dma_start3A_400 = arith.constant 0 : i32
          %dma_start3A_401 = arith.constant 0 : i32
          %dma_start3A_402 = tpu.memref_slice %arg14[%dma_start3A_400, %dma_start3A_401] : memref<10008x128xf32, #tpu.memory_space<vmem_shared>> -> memref<10008x128xf32, #tpu.memory_space<vmem_shared>>
          tpu.enqueue_indirect_dma source(%arg11 : memref<128x128xf32, #tpu.memory_space<vmem>>) target(%dma_start3A_402 : memref<10008x128xf32, #tpu.memory_space<vmem_shared>>) offsets(%dma_start3A_399 : memref<128xi32, #tpu.memory_space<vmem>>) semaphore(%run_scoped3A : memref<!tpu.dma_semaphore, #tpu.memory_space<semaphore_mem>>) {add = true}
          %dma_wait3A_403 = arith.constant 0 : i32
          %dma_wait3A_404 = tpu.memref_slice %arg9[%add3A_389, %dma_wait3A_403] : memref<32x128xi32, #tpu.memory_space<vmem>> -> memref<1x128xi32, #tpu.memory_space<vmem>>
          %dma_wait3A_405 = tpu.memref_squeeze %dma_wait3A_404 : memref<1x128xi32, #tpu.memory_space<vmem>> -> memref<128xi32, #tpu.memory_space<vmem>>
          %dma_wait3A_406 = arith.constant 0 : i32
          %dma_wait3A_407 = arith.constant 0 : i32
          %dma_wait3A_408 = tpu.memref_slice %arg14[%dma_wait3A_406, %dma_wait3A_407] : memref<10008x128xf32, #tpu.memory_space<vmem_shared>> -> memref<10008x128xf32, #tpu.memory_space<vmem_shared>>
          tpu.wait_indirect_dma semaphore(%run_scoped3A : memref<!tpu.dma_semaphore, #tpu.memory_space<semaphore_mem>>) src(%arg11 : memref<128x128xf32, #tpu.memory_space<vmem>>) dst(%dma_wait3A_408 : memref<10008x128xf32, #tpu.memory_space<vmem_shared>>)
          tpu.yield
        }) : () -> ()
        %add3A_390 = arith.constant 1 : i32
        %add3A_391 = arith.addi %add3A_46, %add3A_390 : i32
        %lt3A_392 = arith.constant 5 : i32
        %lt3A_393 = arith.cmpi slt, %add3A_391, %lt3A_392 : i32
        %convert_element_type3A_394 = arith.extui %lt3A_393 : i1 to i32
        %cond3A_395 = arith.constant 0 : i32
        %cond3A_396 = arith.cmpi ne, %convert_element_type3A_394, %cond3A_395 : i32
        scf.if %cond3A_396 {
          %mul3A_397 = arith.constant 16 : i32
          %mul3A_398 = arith.muli %sub3A_48, %mul3A_397 : i32
          %add3A_399 = arith.constant 15 : i32
          %add3A_400 = arith.addi %mul3A_398, %add3A_399 : i32
          %add3A_401 = arith.constant 2 : i32
          %add3A_402 = arith.addi %add3A_400, %add3A_401 : i32
          %sub3A_403 = arith.constant 16 : i32
          %sub3A_404 = arith.subi %add3A_402, %sub3A_403 : i32
          %dma_start3A_405 = arith.constant 0 : i32
          %dma_start3A_406 = tpu.memref_slice %arg8[%sub3A_404, %dma_start3A_405] : memref<32x128xi32, #tpu.memory_space<vmem>> -> memref<1x128xi32, #tpu.memory_space<vmem>>
          %dma_start3A_407 = tpu.memref_squeeze %dma_start3A_406 : memref<1x128xi32, #tpu.memory_space<vmem>> -> memref<128xi32, #tpu.memory_space<vmem>>
          %dma_start3A_408 = arith.constant 0 : i32
          %dma_start3A_409 = arith.constant 0 : i32
          %dma_start3A_410 = tpu.memref_slice %arg5[%dma_start3A_408, %dma_start3A_409] : memref<10000x128xf32, #tpu.memory_space<hbm>> -> memref<10000x128xf32, #tpu.memory_space<hbm>>
          tpu.enqueue_indirect_dma source(%dma_start3A_410 : memref<10000x128xf32, #tpu.memory_space<hbm>>) target(%arg11 : memref<128x128xf32, #tpu.memory_space<vmem>>) offsets(%dma_start3A_407 : memref<128xi32, #tpu.memory_space<vmem>>) semaphore(%arg13 : memref<!tpu.dma_semaphore, #tpu.memory_space<semaphore_mem>>)
        } else {
        }
      }
      %scan3A_32 = arith.constant 5 : i32
      %barrier3A_33 = arith.constant 0 : index
      tpu.barrier barrier_id(%barrier3A_33)
      %lt3A_34 = arith.constant 15 : i32
      %lt3A_35 = arith.cmpi slt, %arg1, %lt3A_34 : i32
      %convert_element_type3A_36 = arith.extui %lt3A_35 : i1 to i32
      %cond3A_37 = arith.constant 0 : i32
      %cond3A_38 = arith.cmpi ne, %convert_element_type3A_36, %cond3A_37 : i32
      scf.if %cond3A_38 {
        %mul3A = arith.constant 632 : i32
        %mul3A_44 = arith.muli %arg1, %mul3A : i32
        %mul3A_45 = arith.constant 632 : i32
        %mul3A_46 = arith.muli %arg1, %mul3A_45 : i32
        "tpu.region"() ({
          %run_scoped3A = tpu.sem_alloc : memref<!tpu.dma_semaphore, #tpu.memory_space<semaphore_mem>>
          %dma_start3A_47 = arith.constant 0 : i32
          %dma_start3A_48 = tpu.memref_slice %arg7[%mul3A_46, %dma_start3A_47] : memref<10000x128xf32, #tpu.memory_space<hbm>> -> memref<632x128xf32, #tpu.memory_space<hbm>>
          %dma_start3A_49 = arith.constant 0 : i32
          %dma_start3A_50 = tpu.memref_slice %arg14[%mul3A_44, %dma_start3A_49] : memref<10008x128xf32, #tpu.memory_space<vmem_shared>> -> memref<632x128xf32, #tpu.memory_space<vmem_shared>>
          tpu.enqueue_dma source(%dma_start3A_50 : memref<632x128xf32, #tpu.memory_space<vmem_shared>>) target(%dma_start3A_48 : memref<632x128xf32, #tpu.memory_space<hbm>>) target_semaphore(%run_scoped3A : memref<!tpu.dma_semaphore, #tpu.memory_space<semaphore_mem>>)
          %dma_wait3A = arith.constant 0 : i32
          %dma_wait3A_51 = tpu.memref_slice %arg7[%mul3A_46, %dma_wait3A] : memref<10000x128xf32, #tpu.memory_space<hbm>> -> memref<632x128xf32, #tpu.memory_space<hbm>>
          %dma_wait3A_52 = arith.constant 0 : i32
          %dma_wait3A_53 = tpu.memref_slice %arg14[%mul3A_44, %dma_wait3A_52] : memref<10008x128xf32, #tpu.memory_space<vmem_shared>> -> memref<632x128xf32, #tpu.memory_space<vmem_shared>>
          tpu.wait_dma2 semaphore(%run_scoped3A : memref<!tpu.dma_semaphore, #tpu.memory_space<semaphore_mem>>) src(%dma_wait3A_53 : memref<632x128xf32, #tpu.memory_space<vmem_shared>>) dst(%dma_wait3A_51 : memref<632x128xf32, #tpu.memory_space<hbm>>)
          tpu.yield
        }) : () -> ()
      } else {
      }
      %eq3A_39 = arith.constant 15 : i32
      %eq3A_40 = arith.cmpi eq, %arg1, %eq3A_39 : i32
      %convert_element_type3A_41 = arith.extui %eq3A_40 : i1 to i32
      %cond3A_42 = arith.constant 0 : i32
      %cond3A_43 = arith.cmpi ne, %convert_element_type3A_41, %cond3A_42 : i32
      scf.if %cond3A_43 {
        "tpu.region"() ({
          %run_scoped3A = tpu.sem_alloc : memref<!tpu.dma_semaphore, #tpu.memory_space<semaphore_mem>>
          %dma_start3A_44 = arith.constant 9480 : i32
          %dma_start3A_45 = arith.constant 0 : i32
          %dma_start3A_46 = tpu.memref_slice %arg7[%dma_start3A_44, %dma_start3A_45] : memref<10000x128xf32, #tpu.memory_space<hbm>> -> memref<520x128xf32, #tpu.memory_space<hbm>>
          %dma_start3A_47 = arith.constant 9480 : i32
          %dma_start3A_48 = arith.constant 0 : i32
          %dma_start3A_49 = tpu.memref_slice %arg14[%dma_start3A_47, %dma_start3A_48] : memref<10008x128xf32, #tpu.memory_space<vmem_shared>> -> memref<520x128xf32, #tpu.memory_space<vmem_shared>>
          tpu.enqueue_dma source(%dma_start3A_49 : memref<520x128xf32, #tpu.memory_space<vmem_shared>>) target(%dma_start3A_46 : memref<520x128xf32, #tpu.memory_space<hbm>>) target_semaphore(%run_scoped3A : memref<!tpu.dma_semaphore, #tpu.memory_space<semaphore_mem>>)
          %dma_wait3A = arith.constant 9480 : i32
          %dma_wait3A_50 = arith.constant 0 : i32
          %dma_wait3A_51 = tpu.memref_slice %arg7[%dma_wait3A, %dma_wait3A_50] : memref<10000x128xf32, #tpu.memory_space<hbm>> -> memref<520x128xf32, #tpu.memory_space<hbm>>
          %dma_wait3A_52 = arith.constant 9480 : i32
          %dma_wait3A_53 = arith.constant 0 : i32
          %dma_wait3A_54 = tpu.memref_slice %arg14[%dma_wait3A_52, %dma_wait3A_53] : memref<10008x128xf32, #tpu.memory_space<vmem_shared>> -> memref<520x128xf32, #tpu.memory_space<vmem_shared>>
          tpu.wait_dma2 semaphore(%run_scoped3A : memref<!tpu.dma_semaphore, #tpu.memory_space<semaphore_mem>>) src(%dma_wait3A_54 : memref<520x128xf32, #tpu.memory_space<vmem_shared>>) dst(%dma_wait3A_51 : memref<520x128xf32, #tpu.memory_space<hbm>>)
          tpu.yield
        }) : () -> ()
      } else {
      }
    } else {
    }
    return
  }
}

module attributes {stable_mosaic.version = 14 : i64} {
  func.func @_mm1a_body(%arg0: i32, %arg1: memref<2000x256xf32, #tpu.memory_space<vmem>>, %arg2: memref<256x256xf32, #tpu.memory_space<vmem>>, %arg3: memref<2000x256xf32, #tpu.memory_space<vmem>>) attributes {dimension_semantics = [#tpu.dimension_semantics<arbitrary>], iteration_bounds = array<i64: 5>, scalar_prefetch = 0 : i64, scratch_operands = 0 : i64, tpu.core_type = #tpu.core_type<tc>, window_params = [{transform_indices = @transform_0, window_bounds = array<i64: 2000, 256>}, {pipeline_mode = #tpu.pipeline_mode<synchronous>, transform_indices = @transform_1, window_bounds = array<i64: 256, 256>}, {transform_indices = @transform_2, window_bounds = array<i64: 2000, 256>}]} {
    %get3A = arith.constant 0 : index
    %get3A_0 = arith.constant 0 : index
    %get3A_1 = vector.load %arg1[%get3A, %get3A_0] : memref<2000x256xf32, #tpu.memory_space<vmem>>, vector<2000x256xf32>
    %get3A_2 = arith.constant 0 : index
    %get3A_3 = arith.constant 0 : index
    %get3A_4 = vector.load %arg2[%get3A_2, %get3A_3] : memref<256x256xf32, #tpu.memory_space<vmem>>, vector<256x256xf32>
    %dot_general3A = arith.constant dense<0.000000e+00> : vector<2000x256xf32>
    %dot_general3A_5 = tpu.matmul %get3A_1, %get3A_4, %dot_general3A {dimension_numbers = #tpu.dot_dimension_numbers<[1], [0], [0], [1], [0, 0, 1, 1], [], []>, transpose_lhs_hint = false} : vector<2000x256xf32>, vector<256x256xf32>, vector<2000x256xf32> -> vector<2000x256xf32>
    %swap3A = arith.constant 0 : index
    %swap3A_6 = arith.constant 0 : index
    %swap3A_7 = vector.load %arg3[%swap3A, %swap3A_6] : memref<2000x256xf32, #tpu.memory_space<vmem>>, vector<2000x256xf32>
    tpu.vector_store %arg3[%swap3A, %swap3A_6], %dot_general3A_5 {strides = array<i32>} : memref<2000x256xf32, #tpu.memory_space<vmem>>, vector<2000x256xf32>,
    return
  }
  func.func @transform_0(%arg0: i32) -> (i32, i32) {
    %c0_i32 = arith.constant 0 : i32
    %c0_i32_0 = arith.constant 0 : i32
    return %arg0, %c0_i32 : i32, i32
  }
  func.func @transform_1(%arg0: i32) -> (i32, i32) {
    %c0_i32 = arith.constant 0 : i32
    %c0_i32_0 = arith.constant 0 : i32
    %c0_i32_1 = arith.constant 0 : i32
    return %c0_i32, %c0_i32_0 : i32, i32
  }
  func.func @transform_2(%arg0: i32) -> (i32, i32) {
    %c0_i32 = arith.constant 0 : i32
    %c0_i32_0 = arith.constant 0 : i32
    return %arg0, %c0_i32 : i32, i32
  }
}

module attributes {stable_mosaic.version = 14 : i64} {
  func.func @_mm1b_body(%arg0: i32, %arg1: memref<2000x256xf32, #tpu.memory_space<vmem>>, %arg2: memref<2000x128xf32, #tpu.memory_space<vmem>>, %arg3: memref<2000x128xf32, #tpu.memory_space<vmem>>, %arg4: memref<2000x128xf32, #tpu.memory_space<vmem>>, %arg5: memref<2000x128xf32, #tpu.memory_space<vmem>>, %arg6: memref<2000x1xf32, #tpu.memory_space<vmem>>) attributes {dimension_semantics = [#tpu.dimension_semantics<arbitrary>], iteration_bounds = array<i64: 5>, scalar_prefetch = 0 : i64, scratch_operands = 0 : i64, tpu.core_type = #tpu.core_type<tc>, window_params = [{transform_indices = @transform_0, window_bounds = array<i64: 2000, 256>}, {transform_indices = @transform_1, window_bounds = array<i64: 2000, 128>}, {transform_indices = @transform_2, window_bounds = array<i64: 2000, 128>}, {transform_indices = @transform_3, window_bounds = array<i64: 2000, 128>}, {transform_indices = @transform_4, window_bounds = array<i64: 2000, 128>}, {transform_indices = @transform_5, window_bounds = array<i64: 2000, 1>}]} {
    %get3A = arith.constant 0 : index
    %get3A_0 = arith.constant 0 : index
    %get3A_1 = vector.load %arg2[%get3A, %get3A_0] : memref<2000x128xf32, #tpu.memory_space<vmem>>, vector<2000x1xf32>
    %get3A_2 = arith.constant 0 : index
    %get3A_3 = arith.constant 0 : index
    %get3A_4 = vector.load %arg3[%get3A_2, %get3A_3] : memref<2000x128xf32, #tpu.memory_space<vmem>>, vector<2000x1xf32>
    %add3A = arith.addf %get3A_1, %get3A_4 : vector<2000x1xf32>
    %add3A_5 = arith.constant 1.000000e+00 : f32
    %add3A_6 = vector.broadcast %add3A_5 : f32 to vector<2000x1xf32>
    %add3A_7 = arith.addf %add3A, %add3A_6 : vector<2000x1xf32>
    %rsqrt3A = math.rsqrt %add3A_7 : vector<2000x1xf32>
    %get3A_8 = arith.constant 0 : index
    %get3A_9 = arith.constant 0 : index
    %get3A_10 = vector.load %arg1[%get3A_8, %get3A_9] : memref<2000x256xf32, #tpu.memory_space<vmem>>, vector<2000x256xf32>
    %mul3A = vector.broadcast %rsqrt3A : vector<2000x1xf32> to vector<2000x256xf32>
    %mul3A_11 = arith.mulf %get3A_10, %mul3A : vector<2000x256xf32>
    %slice3A = vector.extract_strided_slice %mul3A_11 {offsets = [0, 0], sizes = [2000, 128], strides = [1, 1]} : vector<2000x256xf32> to vector<2000x128xf32>
    %swap3A = arith.constant 0 : index
    %swap3A_12 = arith.constant 0 : index
    %swap3A_13 = vector.load %arg4[%swap3A, %swap3A_12] : memref<2000x128xf32, #tpu.memory_space<vmem>>, vector<2000x128xf32>
    tpu.vector_store %arg4[%swap3A, %swap3A_12], %slice3A {strides = array<i32>} : memref<2000x128xf32, #tpu.memory_space<vmem>>, vector<2000x128xf32>,
    %slice3A_14 = vector.extract_strided_slice %mul3A_11 {offsets = [0, 128], sizes = [2000, 128], strides = [1, 1]} : vector<2000x256xf32> to vector<2000x128xf32>
    %swap3A_15 = arith.constant 0 : index
    %swap3A_16 = arith.constant 0 : index
    %swap3A_17 = vector.load %arg5[%swap3A_15, %swap3A_16] : memref<2000x128xf32, #tpu.memory_space<vmem>>, vector<2000x128xf32>
    tpu.vector_store %arg5[%swap3A_15, %swap3A_16], %slice3A_14 {strides = array<i32>} : memref<2000x128xf32, #tpu.memory_space<vmem>>, vector<2000x128xf32>,
    %swap3A_18 = arith.constant 0 : index
    %swap3A_19 = arith.constant 0 : index
    %swap3A_20 = vector.load %arg6[%swap3A_18, %swap3A_19] : memref<2000x1xf32, #tpu.memory_space<vmem>>, vector<2000x1xf32>
    tpu.vector_store %arg6[%swap3A_18, %swap3A_19], %rsqrt3A {strides = array<i32>} : memref<2000x1xf32, #tpu.memory_space<vmem>>, vector<2000x1xf32>,
    return
  }
  func.func @transform_0(%arg0: i32) -> (i32, i32) {
    %c0_i32 = arith.constant 0 : i32
    %c0_i32_0 = arith.constant 0 : i32
    return %arg0, %c0_i32 : i32, i32
  }
  func.func @transform_1(%arg0: i32) -> (i32, i32) {
    %c0_i32 = arith.constant 0 : i32
    %c0_i32_0 = arith.constant 0 : i32
    return %arg0, %c0_i32 : i32, i32
  }
  func.func @transform_2(%arg0: i32) -> (i32, i32) {
    %c0_i32 = arith.constant 0 : i32
    %c0_i32_0 = arith.constant 0 : i32
    return %arg0, %c0_i32 : i32, i32
  }
  func.func @transform_3(%arg0: i32) -> (i32, i32) {
    %c0_i32 = arith.constant 0 : i32
    %c0_i32_0 = arith.constant 0 : i32
    return %arg0, %c0_i32 : i32, i32
  }
  func.func @transform_4(%arg0: i32) -> (i32, i32) {
    %c0_i32 = arith.constant 0 : i32
    %c0_i32_0 = arith.constant 0 : i32
    return %arg0, %c0_i32 : i32, i32
  }
  func.func @transform_5(%arg0: i32) -> (i32, i32) {
    %c0_i32 = arith.constant 0 : i32
    %c0_i32_0 = arith.constant 0 : i32
    return %arg0, %c0_i32 : i32, i32
  }
}

module attributes {stable_mosaic.version = 14 : i64} {
  func.func @_mm2_body(%arg0: i32, %arg1: memref<2000x128xf32, #tpu.memory_space<vmem>>, %arg2: memref<2000x128xf32, #tpu.memory_space<vmem>>, %arg3: memref<2000x1xf32, #tpu.memory_space<vmem>>, %arg4: memref<1x256xf32, #tpu.memory_space<vmem>>, %arg5: memref<256x256xf32, #tpu.memory_space<vmem>>, %arg6: memref<2000x128xf32, #tpu.memory_space<vmem>>, %arg7: memref<2000x128xf32, #tpu.memory_space<vmem>>) attributes {dimension_semantics = [#tpu.dimension_semantics<arbitrary>], iteration_bounds = array<i64: 5>, scalar_prefetch = 0 : i64, scratch_operands = 0 : i64, tpu.core_type = #tpu.core_type<tc>, window_params = [{transform_indices = @transform_0, window_bounds = array<i64: 2000, 128>}, {transform_indices = @transform_1, window_bounds = array<i64: 2000, 128>}, {transform_indices = @transform_2, window_bounds = array<i64: 2000, 1>}, {pipeline_mode = #tpu.pipeline_mode<synchronous>, transform_indices = @transform_3, window_bounds = array<i64: 1, 256>}, {pipeline_mode = #tpu.pipeline_mode<synchronous>, transform_indices = @transform_4, window_bounds = array<i64: 256, 256>}, {transform_indices = @transform_5, window_bounds = array<i64: 2000, 128>}, {transform_indices = @transform_6, window_bounds = array<i64: 2000, 128>}]} {
    %get3A = arith.constant 0 : index
    %get3A_0 = arith.constant 0 : index
    %get3A_1 = vector.load %arg1[%get3A, %get3A_0] : memref<2000x128xf32, #tpu.memory_space<vmem>>, vector<2000x128xf32>
    %get3A_2 = arith.constant 0 : index
    %get3A_3 = arith.constant 0 : index
    %get3A_4 = vector.load %arg2[%get3A_2, %get3A_3] : memref<2000x128xf32, #tpu.memory_space<vmem>>, vector<2000x128xf32>
    %concatenate3A = tpu.concatenate %get3A_1, %get3A_4 in 1 : vector<2000x128xf32>, vector<2000x128xf32> -> vector<2000x256xf32>
    %get3A_5 = arith.constant 0 : index
    %get3A_6 = arith.constant 0 : index
    %get3A_7 = vector.load %arg3[%get3A_5, %get3A_6] : memref<2000x1xf32, #tpu.memory_space<vmem>>, vector<2000x1xf32>
    %mul3A = vector.broadcast %get3A_7 : vector<2000x1xf32> to vector<2000x256xf32>
    %mul3A_8 = arith.mulf %concatenate3A, %mul3A : vector<2000x256xf32>
    %get3A_9 = arith.constant 0 : index
    %get3A_10 = arith.constant 0 : index
    %get3A_11 = vector.load %arg4[%get3A_9, %get3A_10] : memref<1x256xf32, #tpu.memory_space<vmem>>, vector<1x256xf32>
    %add3A = vector.broadcast %get3A_11 : vector<1x256xf32> to vector<2000x256xf32>
    %add3A_12 = arith.addf %mul3A_8, %add3A : vector<2000x256xf32>
    %max3A = arith.constant 0.000000e+00 : f32
    %max3A_13 = vector.broadcast %max3A : f32 to vector<2000x256xf32>
    %max3A_14 = arith.maximumf %add3A_12, %max3A_13 : vector<2000x256xf32>
    %get3A_15 = arith.constant 0 : index
    %get3A_16 = arith.constant 0 : index
    %get3A_17 = vector.load %arg5[%get3A_15, %get3A_16] : memref<256x256xf32, #tpu.memory_space<vmem>>, vector<256x256xf32>
    %dot_general3A = arith.constant dense<0.000000e+00> : vector<2000x256xf32>
    %dot_general3A_18 = tpu.matmul %max3A_14, %get3A_17, %dot_general3A {dimension_numbers = #tpu.dot_dimension_numbers<[1], [0], [0], [1], [0, 0, 1, 1], [], []>, transpose_lhs_hint = false} : vector<2000x256xf32>, vector<256x256xf32>, vector<2000x256xf32> -> vector<2000x256xf32>
    %mul3A_19 = vector.broadcast %get3A_7 : vector<2000x1xf32> to vector<2000x256xf32>
    %mul3A_20 = arith.mulf %dot_general3A_18, %mul3A_19 : vector<2000x256xf32>
    %slice3A = vector.extract_strided_slice %mul3A_20 {offsets = [0, 0], sizes = [2000, 128], strides = [1, 1]} : vector<2000x256xf32> to vector<2000x128xf32>
    %swap3A = arith.constant 0 : index
    %swap3A_21 = arith.constant 0 : index
    %swap3A_22 = vector.load %arg6[%swap3A, %swap3A_21] : memref<2000x128xf32, #tpu.memory_space<vmem>>, vector<2000x128xf32>
    tpu.vector_store %arg6[%swap3A, %swap3A_21], %slice3A {strides = array<i32>} : memref<2000x128xf32, #tpu.memory_space<vmem>>, vector<2000x128xf32>,
    %slice3A_23 = vector.extract_strided_slice %mul3A_20 {offsets = [0, 128], sizes = [2000, 128], strides = [1, 1]} : vector<2000x256xf32> to vector<2000x128xf32>
    %swap3A_24 = arith.constant 0 : index
    %swap3A_25 = arith.constant 0 : index
    %swap3A_26 = vector.load %arg7[%swap3A_24, %swap3A_25] : memref<2000x128xf32, #tpu.memory_space<vmem>>, vector<2000x128xf32>
    tpu.vector_store %arg7[%swap3A_24, %swap3A_25], %slice3A_23 {strides = array<i32>} : memref<2000x128xf32, #tpu.memory_space<vmem>>, vector<2000x128xf32>,
    return
  }
  func.func @transform_0(%arg0: i32) -> (i32, i32) {
    %c0_i32 = arith.constant 0 : i32
    %c0_i32_0 = arith.constant 0 : i32
    return %arg0, %c0_i32 : i32, i32
  }
  func.func @transform_1(%arg0: i32) -> (i32, i32) {
    %c0_i32 = arith.constant 0 : i32
    %c0_i32_0 = arith.constant 0 : i32
    return %arg0, %c0_i32 : i32, i32
  }
  func.func @transform_2(%arg0: i32) -> (i32, i32) {
    %c0_i32 = arith.constant 0 : i32
    %c0_i32_0 = arith.constant 0 : i32
    return %arg0, %c0_i32 : i32, i32
  }
  func.func @transform_3(%arg0: i32) -> (i32, i32) {
    %c0_i32 = arith.constant 0 : i32
    %c0_i32_0 = arith.constant 0 : i32
    %c0_i32_1 = arith.constant 0 : i32
    return %c0_i32, %c0_i32_0 : i32, i32
  }
  func.func @transform_4(%arg0: i32) -> (i32, i32) {
    %c0_i32 = arith.constant 0 : i32
    %c0_i32_0 = arith.constant 0 : i32
    %c0_i32_1 = arith.constant 0 : i32
    return %c0_i32, %c0_i32_0 : i32, i32
  }
  func.func @transform_5(%arg0: i32) -> (i32, i32) {
    %c0_i32 = arith.constant 0 : i32
    %c0_i32_0 = arith.constant 0 : i32
    return %arg0, %c0_i32 : i32, i32
  }
  func.func @transform_6(%arg0: i32) -> (i32, i32) {
    %c0_i32 = arith.constant 0 : i32
    %c0_i32_0 = arith.constant 0 : i32
    return %arg0, %c0_i32 : i32, i32
  }
}

module attributes {stable_mosaic.version = 14 : i64} {
  func.func @_fin_body(%arg0: i32, %arg1: memref<2000x128xf32, #tpu.memory_space<vmem>>, %arg2: memref<2000x128xf32, #tpu.memory_space<vmem>>, %arg3: memref<2000x1xf32, #tpu.memory_space<vmem>>, %arg4: memref<1x256xf32, #tpu.memory_space<vmem>>, %arg5: memref<2000x256xf32, #tpu.memory_space<vmem>>) attributes {dimension_semantics = [#tpu.dimension_semantics<arbitrary>], iteration_bounds = array<i64: 5>, scalar_prefetch = 0 : i64, scratch_operands = 0 : i64, tpu.core_type = #tpu.core_type<tc>, window_params = [{transform_indices = @transform_0, window_bounds = array<i64: 2000, 128>}, {transform_indices = @transform_1, window_bounds = array<i64: 2000, 128>}, {transform_indices = @transform_2, window_bounds = array<i64: 2000, 1>}, {pipeline_mode = #tpu.pipeline_mode<synchronous>, transform_indices = @transform_3, window_bounds = array<i64: 1, 256>}, {transform_indices = @transform_4, window_bounds = array<i64: 2000, 256>}]} {
    %get3A = arith.constant 0 : index
    %get3A_0 = arith.constant 0 : index
    %get3A_1 = vector.load %arg1[%get3A, %get3A_0] : memref<2000x128xf32, #tpu.memory_space<vmem>>, vector<2000x128xf32>
    %get3A_2 = arith.constant 0 : index
    %get3A_3 = arith.constant 0 : index
    %get3A_4 = vector.load %arg2[%get3A_2, %get3A_3] : memref<2000x128xf32, #tpu.memory_space<vmem>>, vector<2000x128xf32>
    %concatenate3A = tpu.concatenate %get3A_1, %get3A_4 in 1 : vector<2000x128xf32>, vector<2000x128xf32> -> vector<2000x256xf32>
    %get3A_5 = arith.constant 0 : index
    %get3A_6 = arith.constant 0 : index
    %get3A_7 = vector.load %arg3[%get3A_5, %get3A_6] : memref<2000x1xf32, #tpu.memory_space<vmem>>, vector<2000x1xf32>
    %mul3A = vector.broadcast %get3A_7 : vector<2000x1xf32> to vector<2000x256xf32>
    %mul3A_8 = arith.mulf %concatenate3A, %mul3A : vector<2000x256xf32>
    %get3A_9 = arith.constant 0 : index
    %get3A_10 = arith.constant 0 : index
    %get3A_11 = vector.load %arg4[%get3A_9, %get3A_10] : memref<1x256xf32, #tpu.memory_space<vmem>>, vector<1x256xf32>
    %add3A = vector.broadcast %get3A_11 : vector<1x256xf32> to vector<2000x256xf32>
    %add3A_12 = arith.addf %mul3A_8, %add3A : vector<2000x256xf32>
    %swap3A = arith.constant 0 : index
    %swap3A_13 = arith.constant 0 : index
    %swap3A_14 = vector.load %arg5[%swap3A, %swap3A_13] : memref<2000x256xf32, #tpu.memory_space<vmem>>, vector<2000x256xf32>
    tpu.vector_store %arg5[%swap3A, %swap3A_13], %add3A_12 {strides = array<i32>} : memref<2000x256xf32, #tpu.memory_space<vmem>>, vector<2000x256xf32>,
    return
  }
  func.func @transform_0(%arg0: i32) -> (i32, i32) {
    %c0_i32 = arith.constant 0 : i32
    %c0_i32_0 = arith.constant 0 : i32
    return %arg0, %c0_i32 : i32, i32
  }
  func.func @transform_1(%arg0: i32) -> (i32, i32) {
    %c0_i32 = arith.constant 0 : i32
    %c0_i32_0 = arith.constant 0 : i32
    return %arg0, %c0_i32 : i32, i32
  }
  func.func @transform_2(%arg0: i32) -> (i32, i32) {
    %c0_i32 = arith.constant 0 : i32
    %c0_i32_0 = arith.constant 0 : i32
    return %arg0, %c0_i32 : i32, i32
  }
  func.func @transform_3(%arg0: i32) -> (i32, i32) {
    %c0_i32 = arith.constant 0 : i32
    %c0_i32_0 = arith.constant 0 : i32
    %c0_i32_1 = arith.constant 0 : i32
    return %c0_i32, %c0_i32_0 : i32, i32
  }
  func.func @transform_4(%arg0: i32) -> (i32, i32) {
    %c0_i32 = arith.constant 0 : i32
    %c0_i32_0 = arith.constant 0 : i32
    return %arg0, %c0_i32 : i32, i32
  }
}

</mosaic_0001>

<sc_bundles>
// kernel: kernel.12.cloned.1.call-start
scs
__scs_entry_jumppad:
0x0: {  	(pc) =	sbr.rel $0x88, $3  }
0x1: {  	(tag) =	ssettag $0x0;
	lr =	simm.s32 $0x1  }
0x2: {  	[smem:$0x3F9B] =	sst lr;
	_ =	strace $0xD0000000  }
0x3: {  	_ = 	snop  }
0x4: {  	_ = 	snop  }
0x5: {  	_ = 	snop  }
0x6: {  	_ = 	snop  }
0x7: {  	_ = 	snop  }
__scs_overlays_trampoline_lowered:
0x8: {  	[smem:$0x3FAA] =	sst s0  }
0x9: {  	[smem:$0x3FAB] =	sst s1  }
0xa: {  	[smem:$0x3FAC] =	sst s2  }
0xb: {  	[smem:$0x3FAD] =	sst s3  }
0xc: {  	[smem:$0x3FAE] =	sst s4  }
0xd: {  	[smem:$0x3FAF] =	sst s5  }
0xe: {  	[smem:$0x3FB0] =	sst s6  }
0xf: {  	[smem:$0x3FB1] =	sst s7  }
0x10: {  	[smem:$0x3FB2] =	sst s8  }
0x11: {  	[smem:$0x3FB3] =	sst s9;
	s0 =	simm.s32 @!p0 $0x0  }
0x12: {  	s1 =	sld [smem:$0x3F99];
	s0 =	simm.s32 @p0 $0x1  }
0x13: {  	[smem:$0x3FB4] =	sst s0;
	s0 =	simm.s32 @!p1 $0x0  }
0x14: {  	s2 =	sld [smem:$0x3F98];
	s0 =	simm.s32 @p1 $0x1  }
0x15: {  	[smem:$0x3FB5] =	sst s0;
	s0 =	simm.s32 @!p2 $0x0  }
0x16: {  	s3 =	sld [smem:$0x3FDB];
	s0 =	simm.s32 @p2 $0x1  }
0x17: {  	s4 =	simm.s32 $0x1BF5;
	[smem:$0x3FB7] =	sst s0  }
0x18: {  	s0 =	sld [smem:$0x3F9A];
	_ =	swait.ge [sflag:s4], $0x0  }
0x19: {  	s7 =	sld [smem:$0x3F9B]  }
0x1a: {  	s8 =	sadd.s32 $0xFFFFE003, lr  }
0x1b: {  	s9 =	sadd.s32 $0xFFFFFEF7, lr;
	s5 =	simm.s32 $0xFFFFFFFF;
	p2 =	slt.u32 s8, $0xFFFFF086  }
0x1c: {  	p1 =	slt.u32 s9, $0xF7A;
	s5 =	simm.s32 @!p2 $0x0  }
0x1d: {  	s5 =	simm.s32 @p1 $0x1;
	p0 =	seq.s32 s7, s2  }
0x1e: {  	s7 =	smul.u32 @!p0 $0xF7A, s2;
	p2 =	seq.s32 @!p0 s5, $0x0  }
0x1f: {  	s9 =	smul.u32 $0xF7A, s1;
	s8 =	simm.s32 @!p0 $0x1BF5;
	p2 =	por !p2, p0  }
0x20: {  	[sflag:s8] =	ssyncset.s32 @!p0 $0xFFFFF086;
	s6 =	sadd.s32 @!p0 s3, s7;
	s7 =	simm.s32 @!p0 $0x108  }
0x21: {  	s3 =	sadd.s32 s3, s9;
	s6 =	sadd.s32 @!p0 $0x88, s6;
	s7 =	simm.s32 @p2 $0x1082  }
0x22: {  	[simem:s7], [sflag:s8] =	dma.local @!p0 [hbm:s6], $0xF7A  }
0x23: {  	s9 =	sor.u32 $0xD0000000, s2;
	s6 =	simm.s32 $0x108;
	_ =	swait.ge @!p0 [sflag:s8], $0x0  }
0x24: {  	s3 =	sadd.s32 $0x88, s3;
	s6 =	simm.s32 @!p1 $0x1082;
	[sflag:s4] =	ssyncset.s32 $0xFFFFF086  }
0x25: {  	[simem:s6], [sflag:s4] =	dma.local [hbm:s3], $0xF7A  }
0x26: {  	[smem:$0x3F9B] =	sst s1;
	(tag) =	ssettag s2;
	_ =	strace s9  }
0x27: {  	s1 =	sld [smem:$0x3FAB]  }
0x28: {  	s2 =	sld [smem:$0x3FAC]  }
0x29: {  	s4 =	sld [smem:$0x3FAE]  }
0x2a: {  	p0 =	seq.s32 s5, $0x0;
	s5 =	sld [smem:$0x3FAF]  }
0x2b: {  	s6 =	sld [smem:$0x3FB0]  }
0x2c: {  	s7 =	sld [smem:$0x3FB1]  }
0x2d: {  	s3 =	simm.s32 $0x108;
	s8 =	sld [smem:$0x3FB2]  }
0x2e: {  	s3 =	simm.s32 @!p0 $0x1082;
	s9 =	sld [smem:$0x3FB3]  }
0x2f: {  	lr =	sadd.s32 s0, s3;
	s0 =	sld [smem:$0x3FAA]  }
0x30: {  	s3 =	sld [smem:$0x3FAD]  }
0x31: {  	[smem:$0x3FB6] =	sst s10  }
0x32: {  	s10 =	sld [smem:$0x3FB4];
	_ =	sdelay $0x3  }
0x33: {  	p0 =	seq.s32 s10, $0x1;
	s10 =	sld [smem:$0x3FB6];
	_ =	sdelay $0x3  }
0x34: {  	[smem:$0x3FB6] =	sst s10  }
0x35: {  	s10 =	sld [smem:$0x3FB5];
	_ =	sdelay $0x3  }
0x36: {  	p1 =	seq.s32 s10, $0x1;
	s10 =	sld [smem:$0x3FB6];
	_ =	sdelay $0x3  }
0x37: {  	[smem:$0x3FB6] =	sst s10  }
0x38: {  	s10 =	sld [smem:$0x3FB7]  }
0x39: {  	_ = 	snop;
	(pc) =	sbr.ind lr, $3  }
0x3a: {  	_ = 	snop  }
0x3b: {  	_ = 	snop  }
0x3c: {  	p2 =	seq.s32 s10, $0x1;
	s10 =	sld [smem:$0x3FB6]  }
0x3d: {  	_ =	shalt  }
0x3e: {  	_ =	shalt  }
0x3f: {  	_ =	shalt  }
0x40: {  	_ =	shalt  }
0x41: {  	_ =	shalt  }
0x42: {  	_ =	shalt  }
0x43: {  	_ =	shalt  }
0x44: {  	_ =	shalt  }
0x45: {  	_ =	shalt  }
0x46: {  	_ =	shalt  }
0x47: {  	_ =	shalt  }
0x48: {  	_ =	shalt  }
0x49: {  	_ =	shalt  }
0x4a: {  	_ =	shalt  }
0x4b: {  	_ =	shalt  }
0x4c: {  	_ =	shalt  }
0x4d: {  	_ =	shalt  }
0x4e: {  	_ =	shalt  }
0x4f: {  	_ =	shalt  }
0x50: {  	_ =	shalt  }
0x51: {  	_ =	shalt  }
0x52: {  	_ =	shalt  }
0x53: {  	_ =	shalt  }
0x54: {  	_ =	shalt  }
0x55: {  	_ =	shalt  }
0x56: {  	_ =	shalt  }
0x57: {  	_ =	shalt  }
0x58: {  	_ =	shalt  }
0x59: {  	_ =	shalt  }
0x5a: {  	_ =	shalt  }
0x5b: {  	_ =	shalt  }
0x5c: {  	_ =	shalt  }
0x5d: {  	_ =	shalt  }
0x5e: {  	_ =	shalt  }
0x5f: {  	_ =	shalt  }
0x60: {  	_ =	shalt  }
0x61: {  	_ =	shalt  }
0x62: {  	_ =	shalt  }
0x63: {  	_ =	shalt  }
0x64: {  	_ =	shalt  }
0x65: {  	_ =	shalt  }
0x66: {  	_ =	shalt  }
0x67: {  	_ =	shalt  }
0x68: {  	_ =	shalt  }
0x69: {  	_ =	shalt  }
0x6a: {  	_ =	shalt  }
0x6b: {  	_ =	shalt  }
0x6c: {  	_ =	shalt  }
0x6d: {  	_ =	shalt  }
0x6e: {  	_ =	shalt  }
0x6f: {  	_ =	shalt  }
0x70: {  	_ =	shalt  }
0x71: {  	_ =	shalt  }
0x72: {  	_ =	shalt  }
0x73: {  	_ =	shalt  }
0x74: {  	_ =	shalt  }
0x75: {  	_ =	shalt  }
0x76: {  	_ =	shalt  }
0x77: {  	_ =	shalt  }
0x78: {  	_ =	shalt  }
0x79: {  	_ =	shalt  }
0x7a: {  	_ =	shalt  }
0x7b: {  	_ =	shalt  }
0x7c: {  	_ =	shalt  }
0x7d: {  	_ =	shalt  }
0x7e: {  	_ =	shalt  }
0x7f: {  	_ =	shalt  }
0x80: {  	_ =	shalt  }
0x81: {  	_ =	shalt  }
0x82: {  	_ =	shalt  }
0x83: {  	_ =	shalt  }
0x84: {  	_ =	shalt  }
0x85: {  	_ =	shalt  }
0x86: {  	_ =	shalt  }
0x87: {  	_ =	shalt  }
.Lfunc_end0:
.L_simem_size_0:
called_computation.1_lowered:
.L_overlay_start_0:
0x88: {  	s2 =	sld [smem:$0x3FD9]  }
0x89: {  	s3 =	sld [smem:$0x3FFE];
	_ =	sdelay $0x1  }
0x8a: {  	s1 =	srdreg.scid  }
0x8b: {  	s0 =	sand.u32 $0x1, s1  }
0x8c: {  	s17 =	sshll.u32 s0, $0xA;
	s2 =	sadd.s32 s3, s2  }
0x8d: {  	s2 =	sadd.s32 s2, s17  }
0x8e: {  	[smem:$0x3FC2] =	sst s2  }
0x8f: {  	_ = 	snop  }
0x90: {  	s2 =	sld [smem:$0x3FD0];
	(tm) =	ssettm $0x1  }
0x91: {  	s18 =	sld [smem:$0x3FFB];
	_ =	sdelay $0x3  }
0x92: {  	_ =	strace s18  }
0x93: {  	s3 =	sld [smem:$0x3FFC];
	_ =	sdelay $0x3  }
0x94: {  	_ =	strace s3  }
0x95: {  	s3 =	sld [smem:$0x3FFD];
	_ =	sdelay $0x3  }
0x96: {  	_ =	strace s3  }
0x97: {  	_ =	strace $0x8FFFFFFF  }
0x98: {  	s19 =	sld [smem:$0x3FDB];
	_ =	sdelay $0x1  }
0x99: {  	s4 =	simm.s32 $_scs_section_size  }
0x9a: {  	s5 =	simm.s32 $_size__tile_overlayer_lowered;
	s6 =	simm.s32 $_tile_overlayer_lowered  }
0x9b: {  	s22 =	simm.s32 $0x1BFF;
	s21 =	sshll.u32 s6, $0x1;
	s3 =	sadd.s32 s4, s19  }
0x9c: {  	s7 =	simm.s32 $0x0;
	s20 =	sshll.u32 s5, $0x1;
	s5 =	sadd.s32 s21, s3  }
0x9d: {  	[timem:s7], [sflag:s22] =	dma.local [hbm:s5], s20  }
0x9e: {  	_ =	swait.ge [sflag:s22], s20  }
0x9f: {  	s4 =	ssub.s32 $0x0, s20;
	[sflag:s22] =	ssyncset.done $0x0  }
0xa0: {  	[sflag:s22] =	ssyncadd.s32 s4;
	_ =	sdelay $0x1  }
0xa1: {  	s23 =	simm.s32 $0x1B8B  }
0xa2: {  	_ =	swait.ge [sflag:s23], $0x1  }
0xa3: {  	[sflag:s23] =	ssyncset.done $0x0  }
0xa4: {  	s25 =	simm.s32 $0x1B8E;
	s24 =	sld [smem:$0x3FFE];
	[sflag:s23] =	ssyncadd.s32 $0xFFFFFFFF  }
0xa5: {  	s26 =	simm.s32 $execute0_lowered;
	[smem:$0x3FD2] =	sst s25  }
0xa6: {  	s5 =	sshll.u32 s26, $0x1;
	_ =	strace $0x80000049;
	[dreg:$0x1] =	wrdreg $0xFFFFFFFF  }
0xa7: {  	s28 =	simm.s32 $_size_execute0_lowered;
	s3 =	sadd.s32 s3, s5;
	[dreg:$0x0] =	wrdreg $0x0  }
0xa8: {  	s5 =	sshll.u32 s28, $0x1;
	[dreg:$0x2] =	wrdreg s3  }
0xa9: {  	[dreg:$0x3] =	wrdreg s5  }
0xaa: {  	[dreg:$0x4] =	wrdreg $0xC0  }
0xab: {  	_ =	task [dreg:s7], $0x5FFFF  }
0xac: {  	[dreg:$0x1] =	wrdreg $0xFFFFFFFF  }
0xad: {  	[dreg:$0x0] =	wrdreg $0x60  }
0xae: {  	[dreg:$0x2] =	wrdreg s24  }
0xaf: {  	[dreg:$0x3] =	wrdreg s2  }
0xb0: {  	[dreg:$0x4] =	wrdreg $0xA0000  }
0xb1: {  	[dreg:$0x5] =	wrdreg $0x9  }
0xb2: {  	_ =	task.clear_ibuf [dreg:s7], $0x6FFFF;
	_ =	strace $0x90000049  }
0xb3: {  	s29 =	simm.s32 $0x9;
	_ =	strace $0x8000004B  }
0xb4: {  	_ =	swait.ge [sflag:s29], $0x1  }
0xb5: {  	[sflag:s29] =	ssyncadd.s32 $0xFFFFFFFF  }
0xb6: {  	_ =	strace $0x9000004B  }
0xb7: {  	_ =	sfence  }
0xb8: {  	s30 =	sld [smem:$0x0];
	_ =	sdelay $0x2  }
0xb9: {  	s31 =	sshll.u32 s1, $0xD;
	s1 =	sshrl.u32 s1, $0x2  }
0xba: {  	s3 =	sand.u32 $0x4000, s31;
	s1 =	sadd.s32 s1, s30  }
0xbb: {  	s0 =	sor.u32 s3, s0;
	s1 =	sshll.u32 s1, $0x11  }
0xbc: {  	s0 =	sor.u32 s1, s0  }
0xbd: {  	s0 =	sadd.s32 $0x8F2B, s0  }
0xbe: {  	[sflag:s0] =	ssyncadd.remote.s32 $0x1  }
0xbf: {  	_ =	sfence.sel $0xFFFF  }
0xc0: {  	[dreg:$0x0] =	wrdreg $0xFFFFFFFF;
	(pc) =	sbr.abs _section_cstart, $3  }
0xc1: {  	[dreg:$0x1] =	wrdreg $0xFFFFFFFF  }
0xc2: {  	_ =	task.clear_ibuf [dreg:s7], $0x2FFFF;
	_ =	strace $0x9FFFFFFF  }
0xc3: {  	(tm) =	ssettm $0x7FFFFFFF  }
tec
execute0_lowered:
.L_overlay_start_1:
0x0: {  	(tag) =	ssettag $0x1  }
0x1: {  	s0 =	rddreg [dreg:$0x0]  }
0x2: {  	s1 =	rddreg [dreg:$0x1]  }
0x3: {  	s2 =	rddreg [dreg:$0x2]  }
0x4: {  	s4 =	simm.s32 $0x0;
	s3 =	stileid.u32;
	s5 =	srdreg.scid  }
0x5: {  	s28 =	simm.s32 $0x2;
	[smem:$0x7FF] =	sst s4;
	s12 =	smul.u32 $0x2780, s3  }
0x6: {  	s7 =	sadd.s32 $0x5A000, s0;
	s9 =	sadd.s32 $0x3C00, s0;
	s10 =	smul.u32 $0x4F000, s3  }
0x7: {  	s6 =	sand.u32 $0x1, s5;
	s5 =	sadd.s32 $0x8C00, s0;
	s14 =	smul.u32 $0x2800, s3  }
0x8: {  	s24 =	sadd.s32 $0x25080, s1;
	s19 =	smul.u32 $0x500, s3;
	s26 =	sadd.s32 $0x84080, s0  }
0x9: {  	s29 =	sadd.s32 $0x2DC80, s0;
	_ =	strace $0x8000004A;
	[dreg:$0x5] =	wrdreg s24  }
0xa: {  	s17 =	sadd.s32 $0xAB280, s0;
	p1 =	seq.s32 s3, $0xF;
	[dreg:$0x7] =	wrdreg s26  }
0xb: {  	s8 =	ssub.s32 $0x2, s6;
	p0 =	seq.s32 s6, $0x1;
	[dreg:$0x9] =	wrdreg s29  }
0xc: {  	s24 =	simm.s32 $0x2000;
	s26 =	simm.s32 $0x1;
	s13 =	sadd.s32 s12, s0  }
0xd: {  	s11 =	sshrl.u32 s8, $0x1;
	s21 =	sshrl.u32 s10, $0x2;
	s22 =	sadd.s32 s1, s12  }
0xe: {  	s23 =	sshrl.u32 s14, $0x3;
	s12 =	sadd.s32 s5, s12;
	s30 =	sadd.s32 s19, s9  }
0xf: {  	s31 =	sadd.s32 s19, s7;
	s18 =	ssub.s32 s8, s11;
	s6 =	sadd.s32 s21, s2  }
.Ltmp0:
0x10: {  	[dreg:$0x4] =	wrdreg s22;
	s8 =	sadd.s32 $0x128400, s2;
	(pc) =	sbr.rel .LBB2_1-.Ltmp0, $4  }
0x11: {  	s10 =	sadd.s32 s7, s23;
	s11 =	sadd.s32 s9, s23;
	s25 =	sadd.s32 $0x5F000, s13  }
0x12: {  	[dreg:$0x8] =	wrdreg s12;
	s16 =	sadd.s32 $0x86200, s13;
	s9 =	sadd.s32 $0x100, s30  }
0x13: {  	s7 =	sadd.s32 $0x100, s31;
	s21 =	simm.s32 $0x3;
	s23 =	simm.s32 $0x80  }
0x14: {  	[dreg:$0x6] =	wrdreg s25;
	s18 =	smax.u32 s18, $0x1;
	s25 =	simm.s32 $0x6000  }
.LBB2_9:
0x15: {  	_ =	swait.ge [sflag:s28], $0x4000  }
0x16: {  	[sflag:s28] =	ssyncset.done $0x0  }
0x17: {  	s0 =	sor.u32 $0x1000, s13;
	[sflag:s28] =	ssyncadd.s32 $0xFFFFC000  }
0x18: {  	[spmem:s2] =	stream.indirect.scatter.add.f32 [tilespmem:s25], [sflag:$0x3], $0x80, s0, s23, $0xb8;
	[tilespmem:$0x1D8C0] =	vst v63  }
0x19: {  	_ =	swait.ge [sflag:s21], $0x4000  }
0x1a: {  	[sflag:s21] =	ssyncset.done $0x0  }
0x1b: {  	[sflag:s21] =	ssyncadd.s32 $0xFFFFC000  }
.LBB2_11:
0x1c: {  	[bflag:$0x0] =	sbarrier.arrive $0xFFFF;
	s0 =	simm.s32 @p1 $0x1FC3  }
0x1d: {  	[hbm:s17], [sflag:s0] =	dma.local @p1 [spmem:s31], $0x2080  }
0x1e: {  	s0 =	simm.s32 @p1 $0x3  }
0x1f: {  	_ =	swait.ge @p1 [sflag:s0], $0x2080  }
0x20: {  	[sflag:s0] =	ssyncset.done @p1 $0x0  }
0x21: {  	[sflag:s0] =	ssyncadd.s32 @p1 $0xFFFFDF80;
	s0 =	simm.s32 @!p1 $0x3  }
0x22: {  	[hbm:s16], [sflag:s30] =	dma.local @!p1 [spmem:s29], $0x2780  }
0x23: {  	_ =	swait.ge @!p1 [sflag:s0], $0x2780  }
0x24: {  	[sflag:s0] =	ssyncset.done @!p1 $0x0  }
0x25: {  	[sflag:s0] =	ssyncadd.s32 @!p1 $0xFFFFD880  }
.LBB2_12:
0x26: {  	s4 =	sadd.s32 $0x1, s4  }
0x27: {  	p2 =	sne.s32 s4, s18  }
.Ltmp1:
0x28: {  	_ = 	snop;
	(pc) =	sbr.rel @!p2 .LBB2_13-.Ltmp1, $1  }
0x29: {  	_ =	sdelay $0x3  }
.LBB2_1:
.Ltmp2:
0x2a: {  	(pc) =	sbr.rel @!p0 .LBB2_2-.Ltmp2, $3  }
0x2b: {  	_ =	sdelay $0x1  }
0x2c: {  	s0 =	sshll.u32 @!p1 s3, $0x6  }
0x2d: {  	s31 =	sshrl.u32 @p1 s8, $0x3;
	s29 =	sshrl.u32 @!p1 s6, $0x3;
	s30 =	sor.u32 @!p1 $0x1C03, s0  }
0x2e: {  	s0 =	simm.s32 @p1 $0x1FC3;
	s12 =	rddreg [dreg:$0x9]  }
0x2f: {  	[spmem:s31], [sflag:s0] =	dma.local @p1 [hbm:s12], $0x2080  }
0x30: {  	s0 =	simm.s32 @p1 $0x3  }
0x31: {  	_ =	swait.ge @p1 [sflag:s0], $0x2080  }
0x32: {  	[sflag:s0] =	ssyncset.done @p1 $0x0  }
0x33: {  	[sflag:s0] =	ssyncadd.s32 @p1 $0xFFFFDF80;
	s0 =	rddreg [dreg:$0x8]  }
0x34: {  	[spmem:s29], [sflag:s30] =	dma.local @!p1 [hbm:s0], $0x2780  }
0x35: {  	s0 =	simm.s32 @!p1 $0x3  }
0x36: {  	_ =	swait.ge @!p1 [sflag:s0], $0x2780  }
0x37: {  	[sflag:s0] =	ssyncset.done @!p1 $0x0  }
0x38: {  	[sflag:s0] =	ssyncadd.s32 @!p1 $0xFFFFD880  }
0x39: {  	s0 =	simm.s32 $0x0;
	[bflag:$0x0] =	sbarrier.arrive $0xFFFF  }
0x3a: {  	[tilespmem:s0], [sflag:$0x3] =	stream.linear.gather [hbm4b:s10+s0], $0x800, $0x38;
	[tilespmem:$0x1D8C0] =	vst v63  }
0x3b: {  	_ =	swait.ge [sflag:s21], $0x800  }
0x3c: {  	[sflag:s21] =	ssyncset.done $0x0  }
0x3d: {  	s22 =	simm.s32 $0x1000;
	[sflag:s21] =	ssyncadd.s32 $0xFFFFF800  }
0x3e: {  	[tilespmem:s22], [sflag:$0x3] =	stream.linear.gather [hbm4b:s11+s0], $0x800, $0x38;
	[tilespmem:$0x1D8C0] =	vst v63  }
0x3f: {  	_ =	swait.ge [sflag:s21], $0x800  }
0x40: {  	[sflag:s21] =	ssyncset.done $0x0  }
0x41: {  	[sflag:s21] =	ssyncadd.s32 $0xFFFFF800  }
0x42: {  	[tilespmem:s24], [sflag:$0x1] =	stream.indirect.gather [hbm4b:s5+s23], $0x80, s0, s23, $0xb8;
	[tilespmem:$0x1D8C0] =	vst v63  }
0x43: {  	s20 =	smov.u32 s7;
	s19 =	smov.u32 s9  }
0x44: {  	[tilespmem:s25], [sflag:$0x2] =	stream.indirect.gather [hbm4b:s5+s23], $0x80, s23, s23, $0xb8;
	[tilespmem:$0x1D8C0] =	vst v63  }
.LBB2_8:
0x45: {  	s12 =	sand.u32 $0x1, s0  }
0x46: {  	p2 =	seq.s32 s0, $0x4;
	s22 =	sxor.u32 $0x1, s12  }
0x47: {  	s14 =	simm.s32 @!p2 $0x0;
	s15 =	simm.s32 @!p2 $0x3;
	s13 =	sshll.u32 @!p2 s22, $0xB  }
0x48: {  	[tilespmem:s13], [sflag:$0x3] =	stream.linear.gather @!p2 [hbm4b:s20+s14], $0x800, $0x38;
	[tilespmem:$0x1D8C0] =	vst v63  }
0x49: {  	_ =	swait.ge @!p2 [sflag:s15], $0x800  }
0x4a: {  	[sflag:s15] =	ssyncset.done @!p2 $0x0  }
0x4b: {  	s13 =	sor.u32 @!p2 $0x1000, s13;
	[sflag:s15] =	ssyncadd.s32 @!p2 $0xFFFFF800  }
0x4c: {  	[tilespmem:s13], [sflag:$0x3] =	stream.linear.gather @!p2 [hbm4b:s19+s14], $0x800, $0x38;
	[tilespmem:$0x1D8C0] =	vst v63  }
0x4d: {  	_ =	swait.ge @!p2 [sflag:s15], $0x800  }
0x4e: {  	[sflag:s15] =	ssyncset.done @!p2 $0x0  }
0x4f: {  	[sflag:s15] =	ssyncadd.s32 @!p2 $0xFFFFF800  }
0x50: {  	_ =	swait.ge [sflag:s26], $0x4000  }
0x51: {  	s12 =	sshll.u32 s12, $0xB;
	[sflag:s26] =	ssyncset.done $0x0  }
0x52: {  	s15 =	sor.u32 $0x1000, s12;
	[sflag:s26] =	ssyncadd.s32 $0xFFFFC000  }
0x53: {  	[spmem:s2] =	stream.indirect.scatter.add.f32 [tilespmem:s24], [sflag:$0x3], $0x80, s15, s23, $0xb8;
	[tilespmem:$0x1D8C0] =	vst v63  }
0x54: {  	_ =	swait.ge [sflag:s21], $0x4000  }
0x55: {  	[sflag:s21] =	ssyncset.done $0x0  }
0x56: {  	s14 =	sor.u32 $0x100, s12;
	[sflag:s21] =	ssyncadd.s32 $0xFFFFC000  }
0x57: {  	[tilespmem:s24], [sflag:$0x1] =	stream.indirect.gather [hbm4b:s5+s23], $0x80, s14, s23, $0xb8;
	[tilespmem:$0x1D8C0] =	vst v63  }
0x58: {  	_ =	swait.ge [sflag:s28], $0x4000  }
0x59: {  	[sflag:s28] =	ssyncset.done $0x0  }
0x5a: {  	s15 =	sor.u32 $0x1080, s12;
	[sflag:s28] =	ssyncadd.s32 $0xFFFFC000  }
0x5b: {  	[spmem:s2] =	stream.indirect.scatter.add.f32 [tilespmem:s25], [sflag:$0x3], $0x80, s15, s23, $0xb8;
	[tilespmem:$0x1D8C0] =	vst v63  }
0x5c: {  	_ =	swait.ge [sflag:s21], $0x4000  }
0x5d: {  	[sflag:s21] =	ssyncset.done $0x0  }
0x5e: {  	s14 =	sor.u32 $0x180, s12;
	[sflag:s21] =	ssyncadd.s32 $0xFFFFC000  }
0x5f: {  	[tilespmem:s25], [sflag:$0x2] =	stream.indirect.gather [hbm4b:s5+s23], $0x80, s14, s23, $0xb8;
	[tilespmem:$0x1D8C0] =	vst v63  }
0x60: {  	_ =	swait.ge [sflag:s26], $0x4000  }
0x61: {  	[sflag:s26] =	ssyncset.done $0x0  }
0x62: {  	s15 =	sor.u32 $0x1100, s12;
	[sflag:s26] =	ssyncadd.s32 $0xFFFFC000  }
0x63: {  	[spmem:s2] =	stream.indirect.scatter.add.f32 [tilespmem:s24], [sflag:$0x3], $0x80, s15, s23, $0xb8;
	[tilespmem:$0x1D8C0] =	vst v63  }
0x64: {  	_ =	swait.ge [sflag:s21], $0x4000  }
0x65: {  	[sflag:s21] =	ssyncset.done $0x0  }
0x66: {  	s14 =	sor.u32 $0x200, s12;
	[sflag:s21] =	ssyncadd.s32 $0xFFFFC000  }
0x67: {  	[tilespmem:s24], [sflag:$0x1] =	stream.indirect.gather [hbm4b:s5+s23], $0x80, s14, s23, $0xb8;
	[tilespmem:$0x1D8C0] =	vst v63  }
0x68: {  	_ =	swait.ge [sflag:s28], $0x4000  }
0x69: {  	[sflag:s28] =	ssyncset.done $0x0  }
0x6a: {  	s15 =	sor.u32 $0x1180, s12;
	[sflag:s28] =	ssyncadd.s32 $0xFFFFC000  }
0x6b: {  	[spmem:s2] =	stream.indirect.scatter.add.f32 [tilespmem:s25], [sflag:$0x3], $0x80, s15, s23, $0xb8;
	[tilespmem:$0x1D8C0] =	vst v63  }
0x6c: {  	_ =	swait.ge [sflag:s21], $0x4000  }
0x6d: {  	[sflag:s21] =	ssyncset.done $0x0  }
0x6e: {  	s14 =	sor.u32 $0x280, s12;
	[sflag:s21] =	ssyncadd.s32 $0xFFFFC000  }
0x6f: {  	[tilespmem:s25], [sflag:$0x2] =	stream.indirect.gather [hbm4b:s5+s23], $0x80, s14, s23, $0xb8;
	[tilespmem:$0x1D8C0] =	vst v63  }
0x70: {  	_ =	swait.ge [sflag:s26], $0x4000  }
0x71: {  	[sflag:s26] =	ssyncset.done $0x0  }
0x72: {  	s15 =	sor.u32 $0x1200, s12;
	[sflag:s26] =	ssyncadd.s32 $0xFFFFC000  }
0x73: {  	[spmem:s2] =	stream.indirect.scatter.add.f32 [tilespmem:s24], [sflag:$0x3], $0x80, s15, s23, $0xb8;
	[tilespmem:$0x1D8C0] =	vst v63  }
0x74: {  	_ =	swait.ge [sflag:s21], $0x4000  }
0x75: {  	[sflag:s21] =	ssyncset.done $0x0  }
0x76: {  	s14 =	sor.u32 $0x300, s12;
	[sflag:s21] =	ssyncadd.s32 $0xFFFFC000  }
0x77: {  	[tilespmem:s24], [sflag:$0x1] =	stream.indirect.gather [hbm4b:s5+s23], $0x80, s14, s23, $0xb8;
	[tilespmem:$0x1D8C0] =	vst v63  }
0x78: {  	_ =	swait.ge [sflag:s28], $0x4000  }
0x79: {  	[sflag:s28] =	ssyncset.done $0x0  }
0x7a: {  	s15 =	sor.u32 $0x1280, s12;
	[sflag:s28] =	ssyncadd.s32 $0xFFFFC000  }
0x7b: {  	[spmem:s2] =	stream.indirect.scatter.add.f32 [tilespmem:s25], [sflag:$0x3], $0x80, s15, s23, $0xb8;
	[tilespmem:$0x1D8C0] =	vst v63  }
0x7c: {  	_ =	swait.ge [sflag:s21], $0x4000  }
0x7d: {  	[sflag:s21] =	ssyncset.done $0x0  }
0x7e: {  	s14 =	sor.u32 $0x380, s12;
	[sflag:s21] =	ssyncadd.s32 $0xFFFFC000  }
0x7f: {  	[tilespmem:s25], [sflag:$0x2] =	stream.indirect.gather [hbm4b:s5+s23], $0x80, s14, s23, $0xb8;
	[tilespmem:$0x1D8C0] =	vst v63  }
0x80: {  	_ =	swait.ge [sflag:s26], $0x4000  }
0x81: {  	[sflag:s26] =	ssyncset.done $0x0  }
0x82: {  	s15 =	sor.u32 $0x1300, s12;
	[sflag:s26] =	ssyncadd.s32 $0xFFFFC000  }
0x83: {  	[spmem:s2] =	stream.indirect.scatter.add.f32 [tilespmem:s24], [sflag:$0x3], $0x80, s15, s23, $0xb8;
	[tilespmem:$0x1D8C0] =	vst v63  }
0x84: {  	_ =	swait.ge [sflag:s21], $0x4000  }
0x85: {  	[sflag:s21] =	ssyncset.done $0x0  }
0x86: {  	s14 =	sor.u32 $0x400, s12;
	[sflag:s21] =	ssyncadd.s32 $0xFFFFC000  }
0x87: {  	[tilespmem:s24], [sflag:$0x1] =	stream.indirect.gather [hbm4b:s5+s23], $0x80, s14, s23, $0xb8;
	[tilespmem:$0x1D8C0] =	vst v63  }
0x88: {  	_ =	swait.ge [sflag:s28], $0x4000  }
0x89: {  	[sflag:s28] =	ssyncset.done $0x0  }
0x8a: {  	s15 =	sor.u32 $0x1380, s12;
	[sflag:s28] =	ssyncadd.s32 $0xFFFFC000  }
0x8b: {  	[spmem:s2] =	stream.indirect.scatter.add.f32 [tilespmem:s25], [sflag:$0x3], $0x80, s15, s23, $0xb8;
	[tilespmem:$0x1D8C0] =	vst v63  }
0x8c: {  	_ =	swait.ge [sflag:s21], $0x4000  }
0x8d: {  	[sflag:s21] =	ssyncset.done $0x0  }
0x8e: {  	s14 =	sor.u32 $0x480, s12;
	[sflag:s21] =	ssyncadd.s32 $0xFFFFC000  }
0x8f: {  	[tilespmem:s25], [sflag:$0x2] =	stream.indirect.gather [hbm4b:s5+s23], $0x80, s14, s23, $0xb8;
	[tilespmem:$0x1D8C0] =	vst v63  }
0x90: {  	_ =	swait.ge [sflag:s26], $0x4000  }
0x91: {  	[sflag:s26] =	ssyncset.done $0x0  }
0x92: {  	s15 =	sor.u32 $0x1400, s12;
	[sflag:s26] =	ssyncadd.s32 $0xFFFFC000  }
0x93: {  	[spmem:s2] =	stream.indirect.scatter.add.f32 [tilespmem:s24], [sflag:$0x3], $0x80, s15, s23, $0xb8;
	[tilespmem:$0x1D8C0] =	vst v63  }
0x94: {  	_ =	swait.ge [sflag:s21], $0x4000  }
0x95: {  	[sflag:s21] =	ssyncset.done $0x0  }
0x96: {  	s14 =	sor.u32 $0x500, s12;
	[sflag:s21] =	ssyncadd.s32 $0xFFFFC000  }
0x97: {  	[tilespmem:s24], [sflag:$0x1] =	stream.indirect.gather [hbm4b:s5+s23], $0x80, s14, s23, $0xb8;
	[tilespmem:$0x1D8C0] =	vst v63  }
0x98: {  	_ =	swait.ge [sflag:s28], $0x4000  }
0x99: {  	[sflag:s28] =	ssyncset.done $0x0  }
0x9a: {  	s15 =	sor.u32 $0x1480, s12;
	[sflag:s28] =	ssyncadd.s32 $0xFFFFC000  }
0x9b: {  	[spmem:s2] =	stream.indirect.scatter.add.f32 [tilespmem:s25], [sflag:$0x3], $0x80, s15, s23, $0xb8;
	[tilespmem:$0x1D8C0] =	vst v63  }
0x9c: {  	_ =	swait.ge [sflag:s21], $0x4000  }
0x9d: {  	[sflag:s21] =	ssyncset.done $0x0  }
0x9e: {  	s14 =	sor.u32 $0x580, s12;
	[sflag:s21] =	ssyncadd.s32 $0xFFFFC000  }
0x9f: {  	[tilespmem:s25], [sflag:$0x2] =	stream.indirect.gather [hbm4b:s5+s23], $0x80, s14, s23, $0xb8;
	[tilespmem:$0x1D8C0] =	vst v63  }
0xa0: {  	_ =	swait.ge [sflag:s26], $0x4000  }
0xa1: {  	[sflag:s26] =	ssyncset.done $0x0  }
0xa2: {  	s15 =	sor.u32 $0x1500, s12;
	[sflag:s26] =	ssyncadd.s32 $0xFFFFC000  }
0xa3: {  	[spmem:s2] =	stream.indirect.scatter.add.f32 [tilespmem:s24], [sflag:$0x3], $0x80, s15, s23, $0xb8;
	[tilespmem:$0x1D8C0] =	vst v63  }
0xa4: {  	_ =	swait.ge [sflag:s21], $0x4000  }
0xa5: {  	[sflag:s21] =	ssyncset.done $0x0  }
0xa6: {  	s14 =	sor.u32 $0x600, s12;
	[sflag:s21] =	ssyncadd.s32 $0xFFFFC000  }
0xa7: {  	[tilespmem:s24], [sflag:$0x1] =	stream.indirect.gather [hbm4b:s5+s23], $0x80, s14, s23, $0xb8;
	[tilespmem:$0x1D8C0] =	vst v63  }
0xa8: {  	_ =	swait.ge [sflag:s28], $0x4000  }
0xa9: {  	[sflag:s28] =	ssyncset.done $0x0  }
0xaa: {  	s15 =	sor.u32 $0x1580, s12;
	[sflag:s28] =	ssyncadd.s32 $0xFFFFC000  }
0xab: {  	[spmem:s2] =	stream.indirect.scatter.add.f32 [tilespmem:s25], [sflag:$0x3], $0x80, s15, s23, $0xb8;
	[tilespmem:$0x1D8C0] =	vst v63  }
0xac: {  	_ =	swait.ge [sflag:s21], $0x4000  }
0xad: {  	[sflag:s21] =	ssyncset.done $0x0  }
0xae: {  	s14 =	sor.u32 $0x680, s12;
	[sflag:s21] =	ssyncadd.s32 $0xFFFFC000  }
0xaf: {  	[tilespmem:s25], [sflag:$0x2] =	stream.indirect.gather [hbm4b:s5+s23], $0x80, s14, s23, $0xb8;
	[tilespmem:$0x1D8C0] =	vst v63  }
0xb0: {  	_ =	swait.ge [sflag:s26], $0x4000  }
0xb1: {  	[sflag:s26] =	ssyncset.done $0x0  }
0xb2: {  	s15 =	sor.u32 $0x1600, s12;
	[sflag:s26] =	ssyncadd.s32 $0xFFFFC000  }
0xb3: {  	[spmem:s2] =	stream.indirect.scatter.add.f32 [tilespmem:s24], [sflag:$0x3], $0x80, s15, s23, $0xb8;
	[tilespmem:$0x1D8C0] =	vst v63  }
0xb4: {  	_ =	swait.ge [sflag:s21], $0x4000  }
0xb5: {  	[sflag:s21] =	ssyncset.done $0x0  }
0xb6: {  	s14 =	sor.u32 $0x700, s12;
	[sflag:s21] =	ssyncadd.s32 $0xFFFFC000  }
0xb7: {  	[tilespmem:s24], [sflag:$0x1] =	stream.indirect.gather [hbm4b:s5+s23], $0x80, s14, s23, $0xb8;
	[tilespmem:$0x1D8C0] =	vst v63  }
0xb8: {  	_ =	swait.ge [sflag:s28], $0x4000  }
0xb9: {  	[sflag:s28] =	ssyncset.done $0x0  }
0xba: {  	s15 =	sor.u32 $0x1680, s12;
	[sflag:s28] =	ssyncadd.s32 $0xFFFFC000  }
0xbb: {  	[spmem:s2] =	stream.indirect.scatter.add.f32 [tilespmem:s25], [sflag:$0x3], $0x80, s15, s23, $0xb8;
	[tilespmem:$0x1D8C0] =	vst v63  }
0xbc: {  	_ =	swait.ge [sflag:s21], $0x4000  }
0xbd: {  	[sflag:s21] =	ssyncset.done $0x0  }
0xbe: {  	s13 =	sor.u32 $0x780, s12;
	[sflag:s21] =	ssyncadd.s32 $0xFFFFC000  }
0xbf: {  	[tilespmem:s25], [sflag:$0x2] =	stream.indirect.gather [hbm4b:s5+s23], $0x80, s13, s23, $0xb8;
	[tilespmem:$0x1D8C0] =	vst v63  }
0xc0: {  	_ =	swait.ge [sflag:s26], $0x4000  }
0xc1: {  	p2 =	sne.s32 s0, $0x4;
	[sflag:s26] =	ssyncset.done $0x0  }
.Ltmp3:
0xc2: {  	s12 =	sor.u32 $0x1700, s12;
	[sflag:s26] =	ssyncadd.s32 $0xFFFFC000;
	(pc) =	sbr.rel @!p2 .LBB2_9-.Ltmp3, $4  }
0xc3: {  	[spmem:s2] =	stream.indirect.scatter.add.f32 [tilespmem:s24], [sflag:$0x3], $0x80, s12, s23, $0xb8;
	[tilespmem:$0x1D8C0] =	vst v63  }
0xc4: {  	_ =	swait.ge [sflag:s21], $0x4000  }
0xc5: {  	[sflag:s21] =	ssyncset.done $0x0  }
0xc6: {  	[sflag:s21] =	ssyncadd.s32 $0xFFFFC000  }
0xc7: {  	s12 =	sshll.u32 s22, $0xB  }
0xc8: {  	[tilespmem:s24], [sflag:$0x1] =	stream.indirect.gather [hbm4b:s5+s23], $0x80, s12, s23, $0xb8;
	[tilespmem:$0x1D8C0] =	vst v63  }
0xc9: {  	_ =	swait.ge [sflag:s28], $0x4000  }
0xca: {  	s0 =	sadd.s32 $0x1, s0;
	[sflag:s28] =	ssyncset.done $0x0  }
0xcb: {  	s13 =	sor.u32 $0x1000, s13;
	p2 =	sne.s32 s0, $0x5;
	[sflag:s28] =	ssyncadd.s32 $0xFFFFC000  }
0xcc: {  	[spmem:s2] =	stream.indirect.scatter.add.f32 [tilespmem:s25], [sflag:$0x3], $0x80, s13, s23, $0xb8;
	[tilespmem:$0x1D8C0] =	vst v63  }
.Ltmp4:
0xcd: {  	_ = 	snop;
	(pc) =	sbr.rel @p2 .LBB2_8-.Ltmp4, $4  }
.Ltmp5:
0xce: {  	_ =	swait.ge [sflag:s21], $0x4000;
	(pc) =	sbr.rel @!p2 .LBB2_11-.Ltmp5, $4  }
0xcf: {  	s19 =	sadd.s32 $0x100, s19;
	[sflag:s21] =	ssyncset.done $0x0  }
0xd0: {  	s20 =	sadd.s32 $0x100, s20;
	s12 =	sor.u32 $0x80, s12;
	[sflag:s21] =	ssyncadd.s32 $0xFFFFC000  }
0xd1: {  	[tilespmem:s25], [sflag:$0x2] =	stream.indirect.gather [hbm4b:s5+s23], $0x80, s12, s23, $0xb8;
	[tilespmem:$0x1D8C0] =	vst v63  }
0xd2: {  	_ = 	snop  }
.LBB2_2:
0xd3: {  	s0 =	simm.s32 @p1 $0x1FC3;
	s12 =	rddreg [dreg:$0x5]  }
0xd4: {  	[spmem:s31], [sflag:s0] =	dma.local @p1 [hbm:s12], $0x2080  }
0xd5: {  	s0 =	simm.s32 @p1 $0x3  }
0xd6: {  	_ =	swait.ge @p1 [sflag:s0], $0x2080  }
0xd7: {  	[sflag:s0] =	ssyncset.done @p1 $0x0  }
0xd8: {  	[sflag:s0] =	ssyncadd.s32 @p1 $0xFFFFDF80;
	s0 =	rddreg [dreg:$0x4]  }
0xd9: {  	[spmem:s29], [sflag:s30] =	dma.local @!p1 [hbm:s0], $0x2780  }
0xda: {  	s0 =	simm.s32 @!p1 $0x3  }
0xdb: {  	_ =	swait.ge @!p1 [sflag:s0], $0x2780  }
0xdc: {  	[sflag:s0] =	ssyncset.done @!p1 $0x0  }
0xdd: {  	[sflag:s0] =	ssyncadd.s32 @!p1 $0xFFFFD880  }
0xde: {  	s0 =	simm.s32 $0x0;
	[bflag:$0x0] =	sbarrier.arrive $0xFFFF  }
0xdf: {  	[tilespmem:s0], [sflag:$0x3] =	stream.linear.gather [hbm4b:s10+s0], $0x800, $0x38;
	[tilespmem:$0x1D8C0] =	vst v63  }
0xe0: {  	_ =	swait.ge [sflag:s21], $0x800  }
0xe1: {  	[sflag:s21] =	ssyncset.done $0x0  }
0xe2: {  	s22 =	simm.s32 $0x1000;
	[sflag:s21] =	ssyncadd.s32 $0xFFFFF800  }
0xe3: {  	[tilespmem:s22], [sflag:$0x3] =	stream.linear.gather [hbm4b:s11+s0], $0x800, $0x38;
	[tilespmem:$0x1D8C0] =	vst v63  }
0xe4: {  	_ =	swait.ge [sflag:s21], $0x800  }
0xe5: {  	[sflag:s21] =	ssyncset.done $0x0  }
0xe6: {  	[sflag:s21] =	ssyncadd.s32 $0xFFFFF800  }
0xe7: {  	[tilespmem:s24], [sflag:$0x1] =	stream.indirect.gather [hbm4b:s1+s23], $0x80, s0, s23, $0xb8;
	[tilespmem:$0x1D8C0] =	vst v63  }
0xe8: {  	s20 =	smov.u32 s7;
	s19 =	smov.u32 s9  }
0xe9: {  	[tilespmem:s25], [sflag:$0x2] =	stream.indirect.gather [hbm4b:s1+s23], $0x80, s23, s23, $0xb8;
	[tilespmem:$0x1D8C0] =	vst v63  }
.LBB2_3:
0xea: {  	s12 =	sand.u32 $0x1, s0  }
0xeb: {  	p2 =	seq.s32 s0, $0x4;
	s22 =	sxor.u32 $0x1, s12  }
0xec: {  	s14 =	simm.s32 @!p2 $0x0;
	s15 =	simm.s32 @!p2 $0x3;
	s13 =	sshll.u32 @!p2 s22, $0xB  }
0xed: {  	[tilespmem:s13], [sflag:$0x3] =	stream.linear.gather @!p2 [hbm4b:s20+s14], $0x800, $0x38;
	[tilespmem:$0x1D8C0] =	vst v63  }
0xee: {  	_ =	swait.ge @!p2 [sflag:s15], $0x800  }
0xef: {  	[sflag:s15] =	ssyncset.done @!p2 $0x0  }
0xf0: {  	s13 =	sor.u32 @!p2 $0x1000, s13;
	[sflag:s15] =	ssyncadd.s32 @!p2 $0xFFFFF800  }
0xf1: {  	[tilespmem:s13], [sflag:$0x3] =	stream.linear.gather @!p2 [hbm4b:s19+s14], $0x800, $0x38;
	[tilespmem:$0x1D8C0] =	vst v63  }
0xf2: {  	_ =	swait.ge @!p2 [sflag:s15], $0x800  }
0xf3: {  	[sflag:s15] =	ssyncset.done @!p2 $0x0  }
0xf4: {  	[sflag:s15] =	ssyncadd.s32 @!p2 $0xFFFFF800  }
0xf5: {  	_ =	swait.ge [sflag:s26], $0x4000  }
0xf6: {  	s12 =	sshll.u32 s12, $0xB;
	[sflag:s26] =	ssyncset.done $0x0  }
0xf7: {  	s15 =	sor.u32 $0x1000, s12;
	[sflag:s26] =	ssyncadd.s32 $0xFFFFC000  }
0xf8: {  	[spmem:s2] =	stream.indirect.scatter.add.f32 [tilespmem:s24], [sflag:$0x3], $0x80, s15, s23, $0xb8;
	[tilespmem:$0x1D8C0] =	vst v63  }
0xf9: {  	_ =	swait.ge [sflag:s21], $0x4000  }
0xfa: {  	[sflag:s21] =	ssyncset.done $0x0  }
0xfb: {  	s14 =	sor.u32 $0x100, s12;
	[sflag:s21] =	ssyncadd.s32 $0xFFFFC000  }
0xfc: {  	[tilespmem:s24], [sflag:$0x1] =	stream.indirect.gather [hbm4b:s1+s23], $0x80, s14, s23, $0xb8;
	[tilespmem:$0x1D8C0] =	vst v63  }
0xfd: {  	_ =	swait.ge [sflag:s28], $0x4000  }
0xfe: {  	[sflag:s28] =	ssyncset.done $0x0  }
0xff: {  	s15 =	sor.u32 $0x1080, s12;
	[sflag:s28] =	ssyncadd.s32 $0xFFFFC000  }
0x100: {  	[spmem:s2] =	stream.indirect.scatter.add.f32 [tilespmem:s25], [sflag:$0x3], $0x80, s15, s23, $0xb8;
	[tilespmem:$0x1D8C0] =	vst v63  }
0x101: {  	_ =	swait.ge [sflag:s21], $0x4000  }
0x102: {  	[sflag:s21] =	ssyncset.done $0x0  }
0x103: {  	s14 =	sor.u32 $0x180, s12;
	[sflag:s21] =	ssyncadd.s32 $0xFFFFC000  }
0x104: {  	[tilespmem:s25], [sflag:$0x2] =	stream.indirect.gather [hbm4b:s1+s23], $0x80, s14, s23, $0xb8;
	[tilespmem:$0x1D8C0] =	vst v63  }
0x105: {  	_ =	swait.ge [sflag:s26], $0x4000  }
0x106: {  	[sflag:s26] =	ssyncset.done $0x0  }
0x107: {  	s15 =	sor.u32 $0x1100, s12;
	[sflag:s26] =	ssyncadd.s32 $0xFFFFC000  }
0x108: {  	[spmem:s2] =	stream.indirect.scatter.add.f32 [tilespmem:s24], [sflag:$0x3], $0x80, s15, s23, $0xb8;
	[tilespmem:$0x1D8C0] =	vst v63  }
0x109: {  	_ =	swait.ge [sflag:s21], $0x4000  }
0x10a: {  	[sflag:s21] =	ssyncset.done $0x0  }
0x10b: {  	s14 =	sor.u32 $0x200, s12;
	[sflag:s21] =	ssyncadd.s32 $0xFFFFC000  }
0x10c: {  	[tilespmem:s24], [sflag:$0x1] =	stream.indirect.gather [hbm4b:s1+s23], $0x80, s14, s23, $0xb8;
	[tilespmem:$0x1D8C0] =	vst v63  }
0x10d: {  	_ =	swait.ge [sflag:s28], $0x4000  }
0x10e: {  	[sflag:s28] =	ssyncset.done $0x0  }
0x10f: {  	s15 =	sor.u32 $0x1180, s12;
	[sflag:s28] =	ssyncadd.s32 $0xFFFFC000  }
0x110: {  	[spmem:s2] =	stream.indirect.scatter.add.f32 [tilespmem:s25], [sflag:$0x3], $0x80, s15, s23, $0xb8;
	[tilespmem:$0x1D8C0] =	vst v63  }
0x111: {  	_ =	swait.ge [sflag:s21], $0x4000  }
0x112: {  	[sflag:s21] =	ssyncset.done $0x0  }
0x113: {  	s14 =	sor.u32 $0x280, s12;
	[sflag:s21] =	ssyncadd.s32 $0xFFFFC000  }
0x114: {  	[tilespmem:s25], [sflag:$0x2] =	stream.indirect.gather [hbm4b:s1+s23], $0x80, s14, s23, $0xb8;
	[tilespmem:$0x1D8C0] =	vst v63  }
0x115: {  	_ =	swait.ge [sflag:s26], $0x4000  }
0x116: {  	[sflag:s26] =	ssyncset.done $0x0  }
0x117: {  	s15 =	sor.u32 $0x1200, s12;
	[sflag:s26] =	ssyncadd.s32 $0xFFFFC000  }
0x118: {  	[spmem:s2] =	stream.indirect.scatter.add.f32 [tilespmem:s24], [sflag:$0x3], $0x80, s15, s23, $0xb8;
	[tilespmem:$0x1D8C0] =	vst v63  }
0x119: {  	_ =	swait.ge [sflag:s21], $0x4000  }
0x11a: {  	[sflag:s21] =	ssyncset.done $0x0  }
0x11b: {  	s14 =	sor.u32 $0x300, s12;
	[sflag:s21] =	ssyncadd.s32 $0xFFFFC000  }
0x11c: {  	[tilespmem:s24], [sflag:$0x1] =	stream.indirect.gather [hbm4b:s1+s23], $0x80, s14, s23, $0xb8;
	[tilespmem:$0x1D8C0] =	vst v63  }
0x11d: {  	_ =	swait.ge [sflag:s28], $0x4000  }
0x11e: {  	[sflag:s28] =	ssyncset.done $0x0  }
0x11f: {  	s15 =	sor.u32 $0x1280, s12;
	[sflag:s28] =	ssyncadd.s32 $0xFFFFC000  }
0x120: {  	[spmem:s2] =	stream.indirect.scatter.add.f32 [tilespmem:s25], [sflag:$0x3], $0x80, s15, s23, $0xb8;
	[tilespmem:$0x1D8C0] =	vst v63  }
0x121: {  	_ =	swait.ge [sflag:s21], $0x4000  }
0x122: {  	[sflag:s21] =	ssyncset.done $0x0  }
0x123: {  	s14 =	sor.u32 $0x380, s12;
	[sflag:s21] =	ssyncadd.s32 $0xFFFFC000  }
0x124: {  	[tilespmem:s25], [sflag:$0x2] =	stream.indirect.gather [hbm4b:s1+s23], $0x80, s14, s23, $0xb8;
	[tilespmem:$0x1D8C0] =	vst v63  }
0x125: {  	_ =	swait.ge [sflag:s26], $0x4000  }
0x126: {  	[sflag:s26] =	ssyncset.done $0x0  }
0x127: {  	s15 =	sor.u32 $0x1300, s12;
	[sflag:s26] =	ssyncadd.s32 $0xFFFFC000  }
0x128: {  	[spmem:s2] =	stream.indirect.scatter.add.f32 [tilespmem:s24], [sflag:$0x3], $0x80, s15, s23, $0xb8;
	[tilespmem:$0x1D8C0] =	vst v63  }
0x129: {  	_ =	swait.ge [sflag:s21], $0x4000  }
0x12a: {  	[sflag:s21] =	ssyncset.done $0x0  }
0x12b: {  	s14 =	sor.u32 $0x400, s12;
	[sflag:s21] =	ssyncadd.s32 $0xFFFFC000  }
0x12c: {  	[tilespmem:s24], [sflag:$0x1] =	stream.indirect.gather [hbm4b:s1+s23], $0x80, s14, s23, $0xb8;
	[tilespmem:$0x1D8C0] =	vst v63  }
0x12d: {  	_ =	swait.ge [sflag:s28], $0x4000  }
0x12e: {  	[sflag:s28] =	ssyncset.done $0x0  }
0x12f: {  	s15 =	sor.u32 $0x1380, s12;
	[sflag:s28] =	ssyncadd.s32 $0xFFFFC000  }
0x130: {  	[spmem:s2] =	stream.indirect.scatter.add.f32 [tilespmem:s25], [sflag:$0x3], $0x80, s15, s23, $0xb8;
	[tilespmem:$0x1D8C0] =	vst v63  }
0x131: {  	_ =	swait.ge [sflag:s21], $0x4000  }
0x132: {  	[sflag:s21] =	ssyncset.done $0x0  }
0x133: {  	s14 =	sor.u32 $0x480, s12;
	[sflag:s21] =	ssyncadd.s32 $0xFFFFC000  }
0x134: {  	[tilespmem:s25], [sflag:$0x2] =	stream.indirect.gather [hbm4b:s1+s23], $0x80, s14, s23, $0xb8;
	[tilespmem:$0x1D8C0] =	vst v63  }
0x135: {  	_ =	swait.ge [sflag:s26], $0x4000  }
0x136: {  	[sflag:s26] =	ssyncset.done $0x0  }
0x137: {  	s15 =	sor.u32 $0x1400, s12;
	[sflag:s26] =	ssyncadd.s32 $0xFFFFC000  }
0x138: {  	[spmem:s2] =	stream.indirect.scatter.add.f32 [tilespmem:s24], [sflag:$0x3], $0x80, s15, s23, $0xb8;
	[tilespmem:$0x1D8C0] =	vst v63  }
0x139: {  	_ =	swait.ge [sflag:s21], $0x4000  }
0x13a: {  	[sflag:s21] =	ssyncset.done $0x0  }
0x13b: {  	s14 =	sor.u32 $0x500, s12;
	[sflag:s21] =	ssyncadd.s32 $0xFFFFC000  }
0x13c: {  	[tilespmem:s24], [sflag:$0x1] =	stream.indirect.gather [hbm4b:s1+s23], $0x80, s14, s23, $0xb8;
	[tilespmem:$0x1D8C0] =	vst v63  }
0x13d: {  	_ =	swait.ge [sflag:s28], $0x4000  }
0x13e: {  	[sflag:s28] =	ssyncset.done $0x0  }
0x13f: {  	s15 =	sor.u32 $0x1480, s12;
	[sflag:s28] =	ssyncadd.s32 $0xFFFFC000  }
0x140: {  	[spmem:s2] =	stream.indirect.scatter.add.f32 [tilespmem:s25], [sflag:$0x3], $0x80, s15, s23, $0xb8;
	[tilespmem:$0x1D8C0] =	vst v63  }
0x141: {  	_ =	swait.ge [sflag:s21], $0x4000  }
0x142: {  	[sflag:s21] =	ssyncset.done $0x0  }
0x143: {  	s14 =	sor.u32 $0x580, s12;
	[sflag:s21] =	ssyncadd.s32 $0xFFFFC000  }
0x144: {  	[tilespmem:s25], [sflag:$0x2] =	stream.indirect.gather [hbm4b:s1+s23], $0x80, s14, s23, $0xb8;
	[tilespmem:$0x1D8C0] =	vst v63  }
0x145: {  	_ =	swait.ge [sflag:s26], $0x4000  }
0x146: {  	[sflag:s26] =	ssyncset.done $0x0  }
0x147: {  	s15 =	sor.u32 $0x1500, s12;
	[sflag:s26] =	ssyncadd.s32 $0xFFFFC000  }
0x148: {  	[spmem:s2] =	stream.indirect.scatter.add.f32 [tilespmem:s24], [sflag:$0x3], $0x80, s15, s23, $0xb8;
	[tilespmem:$0x1D8C0] =	vst v63  }
0x149: {  	_ =	swait.ge [sflag:s21], $0x4000  }
0x14a: {  	[sflag:s21] =	ssyncset.done $0x0  }
0x14b: {  	s14 =	sor.u32 $0x600, s12;
	[sflag:s21] =	ssyncadd.s32 $0xFFFFC000  }
0x14c: {  	[tilespmem:s24], [sflag:$0x1] =	stream.indirect.gather [hbm4b:s1+s23], $0x80, s14, s23, $0xb8;
	[tilespmem:$0x1D8C0] =	vst v63  }
0x14d: {  	_ =	swait.ge [sflag:s28], $0x4000  }
0x14e: {  	[sflag:s28] =	ssyncset.done $0x0  }
0x14f: {  	s15 =	sor.u32 $0x1580, s12;
	[sflag:s28] =	ssyncadd.s32 $0xFFFFC000  }
0x150: {  	[spmem:s2] =	stream.indirect.scatter.add.f32 [tilespmem:s25], [sflag:$0x3], $0x80, s15, s23, $0xb8;
	[tilespmem:$0x1D8C0] =	vst v63  }
0x151: {  	_ =	swait.ge [sflag:s21], $0x4000  }
0x152: {  	[sflag:s21] =	ssyncset.done $0x0  }
0x153: {  	s14 =	sor.u32 $0x680, s12;
	[sflag:s21] =	ssyncadd.s32 $0xFFFFC000  }
0x154: {  	[tilespmem:s25], [sflag:$0x2] =	stream.indirect.gather [hbm4b:s1+s23], $0x80, s14, s23, $0xb8;
	[tilespmem:$0x1D8C0] =	vst v63  }
0x155: {  	_ =	swait.ge [sflag:s26], $0x4000  }
0x156: {  	[sflag:s26] =	ssyncset.done $0x0  }
0x157: {  	s15 =	sor.u32 $0x1600, s12;
	[sflag:s26] =	ssyncadd.s32 $0xFFFFC000  }
0x158: {  	[spmem:s2] =	stream.indirect.scatter.add.f32 [tilespmem:s24], [sflag:$0x3], $0x80, s15, s23, $0xb8;
	[tilespmem:$0x1D8C0] =	vst v63  }
0x159: {  	_ =	swait.ge [sflag:s21], $0x4000  }
0x15a: {  	[sflag:s21] =	ssyncset.done $0x0  }
0x15b: {  	s14 =	sor.u32 $0x700, s12;
	[sflag:s21] =	ssyncadd.s32 $0xFFFFC000  }
0x15c: {  	[tilespmem:s24], [sflag:$0x1] =	stream.indirect.gather [hbm4b:s1+s23], $0x80, s14, s23, $0xb8;
	[tilespmem:$0x1D8C0] =	vst v63  }
0x15d: {  	_ =	swait.ge [sflag:s28], $0x4000  }
0x15e: {  	[sflag:s28] =	ssyncset.done $0x0  }
0x15f: {  	s15 =	sor.u32 $0x1680, s12;
	[sflag:s28] =	ssyncadd.s32 $0xFFFFC000  }
0x160: {  	[spmem:s2] =	stream.indirect.scatter.add.f32 [tilespmem:s25], [sflag:$0x3], $0x80, s15, s23, $0xb8;
	[tilespmem:$0x1D8C0] =	vst v63  }
0x161: {  	_ =	swait.ge [sflag:s21], $0x4000  }
0x162: {  	[sflag:s21] =	ssyncset.done $0x0  }
0x163: {  	s13 =	sor.u32 $0x780, s12;
	[sflag:s21] =	ssyncadd.s32 $0xFFFFC000  }
0x164: {  	[tilespmem:s25], [sflag:$0x2] =	stream.indirect.gather [hbm4b:s1+s23], $0x80, s13, s23, $0xb8;
	[tilespmem:$0x1D8C0] =	vst v63  }
0x165: {  	_ =	swait.ge [sflag:s26], $0x4000  }
0x166: {  	p2 =	sne.s32 s0, $0x4;
	[sflag:s26] =	ssyncset.done $0x0  }
.Ltmp6:
0x167: {  	s12 =	sor.u32 $0x1700, s12;
	[sflag:s26] =	ssyncadd.s32 $0xFFFFC000;
	(pc) =	sbr.rel @!p2 .LBB2_4-.Ltmp6, $4  }
0x168: {  	[spmem:s2] =	stream.indirect.scatter.add.f32 [tilespmem:s24], [sflag:$0x3], $0x80, s12, s23, $0xb8;
	[tilespmem:$0x1D8C0] =	vst v63  }
0x169: {  	_ =	swait.ge [sflag:s21], $0x4000  }
0x16a: {  	[sflag:s21] =	ssyncset.done $0x0  }
0x16b: {  	[sflag:s21] =	ssyncadd.s32 $0xFFFFC000  }
0x16c: {  	s12 =	sshll.u32 s22, $0xB  }
0x16d: {  	[tilespmem:s24], [sflag:$0x1] =	stream.indirect.gather [hbm4b:s1+s23], $0x80, s12, s23, $0xb8;
	[tilespmem:$0x1D8C0] =	vst v63  }
0x16e: {  	_ =	swait.ge [sflag:s28], $0x4000  }
0x16f: {  	s0 =	sadd.s32 $0x1, s0;
	[sflag:s28] =	ssyncset.done $0x0  }
0x170: {  	s13 =	sor.u32 $0x1000, s13;
	p2 =	sne.s32 s0, $0x5;
	[sflag:s28] =	ssyncadd.s32 $0xFFFFC000  }
0x171: {  	[spmem:s2] =	stream.indirect.scatter.add.f32 [tilespmem:s25], [sflag:$0x3], $0x80, s13, s23, $0xb8;
	[tilespmem:$0x1D8C0] =	vst v63  }
.Ltmp7:
0x172: {  	_ = 	snop;
	(pc) =	sbr.rel @p2 .LBB2_3-.Ltmp7, $4  }
.Ltmp8:
0x173: {  	_ =	swait.ge [sflag:s21], $0x4000;
	(pc) =	sbr.rel @!p2 .LBB2_6-.Ltmp8, $4  }
0x174: {  	s19 =	sadd.s32 $0x100, s19;
	[sflag:s21] =	ssyncset.done $0x0  }
0x175: {  	s20 =	sadd.s32 $0x100, s20;
	s12 =	sor.u32 $0x80, s12;
	[sflag:s21] =	ssyncadd.s32 $0xFFFFC000  }
0x176: {  	[tilespmem:s25], [sflag:$0x2] =	stream.indirect.gather [hbm4b:s1+s23], $0x80, s12, s23, $0xb8;
	[tilespmem:$0x1D8C0] =	vst v63  }
0x177: {  	_ = 	snop  }
.LBB2_4:
0x178: {  	_ =	swait.ge [sflag:s28], $0x4000  }
0x179: {  	[sflag:s28] =	ssyncset.done $0x0  }
0x17a: {  	s0 =	sor.u32 $0x1000, s13;
	[sflag:s28] =	ssyncadd.s32 $0xFFFFC000  }
0x17b: {  	[spmem:s2] =	stream.indirect.scatter.add.f32 [tilespmem:s25], [sflag:$0x3], $0x80, s0, s23, $0xb8;
	[tilespmem:$0x1D8C0] =	vst v63  }
0x17c: {  	_ =	swait.ge [sflag:s21], $0x4000  }
0x17d: {  	[sflag:s21] =	ssyncset.done $0x0  }
0x17e: {  	[sflag:s21] =	ssyncadd.s32 $0xFFFFC000  }
.LBB2_6:
0x17f: {  	[bflag:$0x0] =	sbarrier.arrive $0xFFFF  }
0x180: {  	s0 =	simm.s32 @p1 $0x1FC3;
	s12 =	rddreg [dreg:$0x7]  }
0x181: {  	[hbm:s12], [sflag:s0] =	dma.local @p1 [spmem:s31], $0x2080  }
0x182: {  	s0 =	simm.s32 @p1 $0x3  }
0x183: {  	_ =	swait.ge @p1 [sflag:s0], $0x2080  }
0x184: {  	[sflag:s0] =	ssyncset.done @p1 $0x0  }
0x185: {  	[sflag:s0] =	ssyncadd.s32 @p1 $0xFFFFDF80;
	s0 =	rddreg [dreg:$0x6]  }
0x186: {  	[hbm:s0], [sflag:s30] =	dma.local @!p1 [spmem:s29], $0x2780  }
.Ltmp9:
0x187: {  	_ = 	snop;
	(pc) =	sbr.rel .LBB2_12-.Ltmp9, $4  }
0x188: {  	s0 =	simm.s32 @!p1 $0x3  }
0x189: {  	_ =	swait.ge @!p1 [sflag:s0], $0x2780  }
0x18a: {  	[sflag:s0] =	ssyncset.done @!p1 $0x0  }
0x18b: {  	[sflag:s0] =	ssyncadd.s32 @!p1 $0xFFFFD880  }
.LBB2_13:
0x18c: {  	_ =	sfence.sel $0x180000  }
0x18d: {  	[bflag:$0x0] =	sbarrier.arrive $0xFFFF  }
0x18e: {  	_ =	strace $0x9000004A  }
0x18f: {  	[bflag:$0x2] =	sbarrier.arrive $0xFFFF  }
0x190: {  	p0 =	sne.s32 s3, $0x0;
	s0 =	rddreg [dreg:$0x3]  }
0x191: {  	s0 =	sadd.s32 @!p0 $0x100000, s0  }
0x192: {  	[sflag:s0] =	ssyncadd.tile.s32 @!p0 $0x1;
	_ =	shalt  }
.Lfunc_end2:
_tile_overlayer_lowered:
.L_overlay_start_2:
0x193: {  	(tag) =	ssettag $0x2  }
0x194: {  	s0 =	rddreg [dreg:$0x0];
	s2 =	stileid.u32  }
0x195: {  	s1 =	rddreg [dreg:$0x1];
	p0 =	sne.s32 s2, $0x0  }
0x196: {  	s3 =	rddreg [dreg:$0x2];
	[bflag:$0x3] =	sbarrier.arrive $0xFFFF;
	s2 =	simm.s32 @!p0 $0x1C03  }
0x197: {  	[timem:s3], [sflag:s2] =	dma.local @!p0 [hbm:s0], s1  }
0x198: {  	s0 =	simm.s32 @!p0 $0x3  }
0x199: {  	_ =	swait.ge @!p0 [sflag:s0], s1  }
0x19a: {  	s1 =	ssub.s32 @!p0 $0x0, s1;
	[sflag:s0] =	ssyncset.done @!p0 $0x0  }
0x19b: {  	[sflag:s0] =	ssyncadd.s32 @!p0 s1  }
0x19c: {  	[bflag:$0x3] =	sbarrier.arrive $0xFFFF  }
0x19d: {  	_ =	shalt  }

// kernel: kernel.15.cloned.1.call-start
scs
__scs_entry_jumppad:
0x0: {  	(pc) =	sbr.rel $0x88, $3  }
0x1: {  	(tag) =	ssettag $0x0;
	lr =	simm.s32 $0x1  }
0x2: {  	[smem:$0x3F9B] =	sst lr;
	_ =	strace $0xD0000000  }
0x3: {  	_ = 	snop  }
0x4: {  	_ = 	snop  }
0x5: {  	_ = 	snop  }
0x6: {  	_ = 	snop  }
0x7: {  	_ = 	snop  }
__scs_overlays_trampoline_lowered:
0x8: {  	[smem:$0x3FAA] =	sst s0  }
0x9: {  	[smem:$0x3FAB] =	sst s1  }
0xa: {  	[smem:$0x3FAC] =	sst s2  }
0xb: {  	[smem:$0x3FAD] =	sst s3  }
0xc: {  	[smem:$0x3FAE] =	sst s4  }
0xd: {  	[smem:$0x3FAF] =	sst s5  }
0xe: {  	[smem:$0x3FB0] =	sst s6  }
0xf: {  	[smem:$0x3FB1] =	sst s7  }
0x10: {  	[smem:$0x3FB2] =	sst s8  }
0x11: {  	[smem:$0x3FB3] =	sst s9;
	s0 =	simm.s32 @!p0 $0x0  }
0x12: {  	s1 =	sld [smem:$0x3F99];
	s0 =	simm.s32 @p0 $0x1  }
0x13: {  	[smem:$0x3FB4] =	sst s0;
	s0 =	simm.s32 @!p1 $0x0  }
0x14: {  	s2 =	sld [smem:$0x3F98];
	s0 =	simm.s32 @p1 $0x1  }
0x15: {  	[smem:$0x3FB5] =	sst s0;
	s0 =	simm.s32 @!p2 $0x0  }
0x16: {  	s3 =	sld [smem:$0x3FDB];
	s0 =	simm.s32 @p2 $0x1  }
0x17: {  	s4 =	simm.s32 $0x1BF5;
	[smem:$0x3FB7] =	sst s0  }
0x18: {  	s0 =	sld [smem:$0x3F9A];
	_ =	swait.ge [sflag:s4], $0x0  }
0x19: {  	s7 =	sld [smem:$0x3F9B]  }
0x1a: {  	s8 =	sadd.s32 $0xFFFFE003, lr  }
0x1b: {  	s9 =	sadd.s32 $0xFFFFFEF7, lr;
	s5 =	simm.s32 $0xFFFFFFFF;
	p2 =	slt.u32 s8, $0xFFFFF086  }
0x1c: {  	p1 =	slt.u32 s9, $0xF7A;
	s5 =	simm.s32 @!p2 $0x0  }
0x1d: {  	s5 =	simm.s32 @p1 $0x1;
	p0 =	seq.s32 s7, s2  }
0x1e: {  	s7 =	smul.u32 @!p0 $0xF7A, s2;
	p2 =	seq.s32 @!p0 s5, $0x0  }
0x1f: {  	s9 =	smul.u32 $0xF7A, s1;
	s8 =	simm.s32 @!p0 $0x1BF5;
	p2 =	por !p2, p0  }
0x20: {  	[sflag:s8] =	ssyncset.s32 @!p0 $0xFFFFF086;
	s6 =	sadd.s32 @!p0 s3, s7;
	s7 =	simm.s32 @!p0 $0x108  }
0x21: {  	s3 =	sadd.s32 s3, s9;
	s6 =	sadd.s32 @!p0 $0x88, s6;
	s7 =	simm.s32 @p2 $0x1082  }
0x22: {  	[simem:s7], [sflag:s8] =	dma.local @!p0 [hbm:s6], $0xF7A  }
0x23: {  	s9 =	sor.u32 $0xD0000000, s2;
	s6 =	simm.s32 $0x108;
	_ =	swait.ge @!p0 [sflag:s8], $0x0  }
0x24: {  	s3 =	sadd.s32 $0x88, s3;
	s6 =	simm.s32 @!p1 $0x1082;
	[sflag:s4] =	ssyncset.s32 $0xFFFFF086  }
0x25: {  	[simem:s6], [sflag:s4] =	dma.local [hbm:s3], $0xF7A  }
0x26: {  	[smem:$0x3F9B] =	sst s1;
	(tag) =	ssettag s2;
	_ =	strace s9  }
0x27: {  	s1 =	sld [smem:$0x3FAB]  }
0x28: {  	s2 =	sld [smem:$0x3FAC]  }
0x29: {  	s4 =	sld [smem:$0x3FAE]  }
0x2a: {  	p0 =	seq.s32 s5, $0x0;
	s5 =	sld [smem:$0x3FAF]  }
0x2b: {  	s6 =	sld [smem:$0x3FB0]  }
0x2c: {  	s7 =	sld [smem:$0x3FB1]  }
0x2d: {  	s3 =	simm.s32 $0x108;
	s8 =	sld [smem:$0x3FB2]  }
0x2e: {  	s3 =	simm.s32 @!p0 $0x1082;
	s9 =	sld [smem:$0x3FB3]  }
0x2f: {  	lr =	sadd.s32 s0, s3;
	s0 =	sld [smem:$0x3FAA]  }
0x30: {  	s3 =	sld [smem:$0x3FAD]  }
0x31: {  	[smem:$0x3FB6] =	sst s10  }
0x32: {  	s10 =	sld [smem:$0x3FB4];
	_ =	sdelay $0x3  }
0x33: {  	p0 =	seq.s32 s10, $0x1;
	s10 =	sld [smem:$0x3FB6];
	_ =	sdelay $0x3  }
0x34: {  	[smem:$0x3FB6] =	sst s10  }
0x35: {  	s10 =	sld [smem:$0x3FB5];
	_ =	sdelay $0x3  }
0x36: {  	p1 =	seq.s32 s10, $0x1;
	s10 =	sld [smem:$0x3FB6];
	_ =	sdelay $0x3  }
0x37: {  	[smem:$0x3FB6] =	sst s10  }
0x38: {  	s10 =	sld [smem:$0x3FB7]  }
0x39: {  	_ = 	snop;
	(pc) =	sbr.ind lr, $3  }
0x3a: {  	_ = 	snop  }
0x3b: {  	_ = 	snop  }
0x3c: {  	p2 =	seq.s32 s10, $0x1;
	s10 =	sld [smem:$0x3FB6]  }
0x3d: {  	_ =	shalt  }
0x3e: {  	_ =	shalt  }
0x3f: {  	_ =	shalt  }
0x40: {  	_ =	shalt  }
0x41: {  	_ =	shalt  }
0x42: {  	_ =	shalt  }
0x43: {  	_ =	shalt  }
0x44: {  	_ =	shalt  }
0x45: {  	_ =	shalt  }
0x46: {  	_ =	shalt  }
0x47: {  	_ =	shalt  }
0x48: {  	_ =	shalt  }
0x49: {  	_ =	shalt  }
0x4a: {  	_ =	shalt  }
0x4b: {  	_ =	shalt  }
0x4c: {  	_ =	shalt  }
0x4d: {  	_ =	shalt  }
0x4e: {  	_ =	shalt  }
0x4f: {  	_ =	shalt  }
0x50: {  	_ =	shalt  }
0x51: {  	_ =	shalt  }
0x52: {  	_ =	shalt  }
0x53: {  	_ =	shalt  }
0x54: {  	_ =	shalt  }
0x55: {  	_ =	shalt  }
0x56: {  	_ =	shalt  }
0x57: {  	_ =	shalt  }
0x58: {  	_ =	shalt  }
0x59: {  	_ =	shalt  }
0x5a: {  	_ =	shalt  }
0x5b: {  	_ =	shalt  }
0x5c: {  	_ =	shalt  }
0x5d: {  	_ =	shalt  }
0x5e: {  	_ =	shalt  }
0x5f: {  	_ =	shalt  }
0x60: {  	_ =	shalt  }
0x61: {  	_ =	shalt  }
0x62: {  	_ =	shalt  }
0x63: {  	_ =	shalt  }
0x64: {  	_ =	shalt  }
0x65: {  	_ =	shalt  }
0x66: {  	_ =	shalt  }
0x67: {  	_ =	shalt  }
0x68: {  	_ =	shalt  }
0x69: {  	_ =	shalt  }
0x6a: {  	_ =	shalt  }
0x6b: {  	_ =	shalt  }
0x6c: {  	_ =	shalt  }
0x6d: {  	_ =	shalt  }
0x6e: {  	_ =	shalt  }
0x6f: {  	_ =	shalt  }
0x70: {  	_ =	shalt  }
0x71: {  	_ =	shalt  }
0x72: {  	_ =	shalt  }
0x73: {  	_ =	shalt  }
0x74: {  	_ =	shalt  }
0x75: {  	_ =	shalt  }
0x76: {  	_ =	shalt  }
0x77: {  	_ =	shalt  }
0x78: {  	_ =	shalt  }
0x79: {  	_ =	shalt  }
0x7a: {  	_ =	shalt  }
0x7b: {  	_ =	shalt  }
0x7c: {  	_ =	shalt  }
0x7d: {  	_ =	shalt  }
0x7e: {  	_ =	shalt  }
0x7f: {  	_ =	shalt  }
0x80: {  	_ =	shalt  }
0x81: {  	_ =	shalt  }
0x82: {  	_ =	shalt  }
0x83: {  	_ =	shalt  }
0x84: {  	_ =	shalt  }
0x85: {  	_ =	shalt  }
0x86: {  	_ =	shalt  }
0x87: {  	_ =	shalt  }
.Lfunc_end0:
.L_simem_size_0:
called_computation.2_lowered:
.L_overlay_start_0:
0x88: {  	s2 =	sld [smem:$0x3FD9]  }
0x89: {  	s3 =	sld [smem:$0x3FFE];
	_ =	sdelay $0x1  }
0x8a: {  	s1 =	srdreg.scid  }
0x8b: {  	s0 =	sand.u32 $0x1, s1  }
0x8c: {  	s17 =	sshll.u32 s0, $0xA;
	s2 =	sadd.s32 s3, s2  }
0x8d: {  	s2 =	sadd.s32 s2, s17  }
0x8e: {  	[smem:$0x3FC2] =	sst s2  }
0x8f: {  	_ = 	snop  }
0x90: {  	s2 =	sld [smem:$0x3FD0];
	(tm) =	ssettm $0x1  }
0x91: {  	s18 =	sld [smem:$0x3FFB];
	_ =	sdelay $0x3  }
0x92: {  	_ =	strace s18  }
0x93: {  	s3 =	sld [smem:$0x3FFC];
	_ =	sdelay $0x3  }
0x94: {  	_ =	strace s3  }
0x95: {  	s3 =	sld [smem:$0x3FFD];
	_ =	sdelay $0x3  }
0x96: {  	_ =	strace s3  }
0x97: {  	_ =	strace $0x8FFFFFFF  }
0x98: {  	s19 =	sld [smem:$0x3FDB];
	_ =	sdelay $0x1  }
0x99: {  	s4 =	simm.s32 $_scs_section_size  }
0x9a: {  	s5 =	simm.s32 $_size__tile_overlayer_lowered;
	s6 =	simm.s32 $_tile_overlayer_lowered  }
0x9b: {  	s22 =	simm.s32 $0x1BFF;
	s21 =	sshll.u32 s6, $0x1;
	s3 =	sadd.s32 s4, s19  }
0x9c: {  	s7 =	simm.s32 $0x0;
	s20 =	sshll.u32 s5, $0x1;
	s5 =	sadd.s32 s21, s3  }
0x9d: {  	[timem:s7], [sflag:s22] =	dma.local [hbm:s5], s20  }
0x9e: {  	_ =	swait.ge [sflag:s22], s20  }
0x9f: {  	s4 =	ssub.s32 $0x0, s20;
	[sflag:s22] =	ssyncset.done $0x0  }
0xa0: {  	[sflag:s22] =	ssyncadd.s32 s4;
	_ =	sdelay $0x1  }
0xa1: {  	s23 =	simm.s32 $0x1B8B  }
0xa2: {  	_ =	swait.ge [sflag:s23], $0x1  }
0xa3: {  	[sflag:s23] =	ssyncset.done $0x0  }
0xa4: {  	s25 =	simm.s32 $0x1B8E;
	s24 =	sld [smem:$0x3FFE];
	[sflag:s23] =	ssyncadd.s32 $0xFFFFFFFF  }
0xa5: {  	s26 =	simm.s32 $execute0_lowered;
	[smem:$0x3FD2] =	sst s25  }
0xa6: {  	s5 =	sshll.u32 s26, $0x1;
	_ =	strace $0x8000004C;
	[dreg:$0x1] =	wrdreg $0xFFFFFFFF  }
0xa7: {  	s28 =	simm.s32 $_size_execute0_lowered;
	s3 =	sadd.s32 s3, s5;
	[dreg:$0x0] =	wrdreg $0x0  }
0xa8: {  	s5 =	sshll.u32 s28, $0x1;
	[dreg:$0x2] =	wrdreg s3  }
0xa9: {  	[dreg:$0x3] =	wrdreg s5  }
0xaa: {  	[dreg:$0x4] =	wrdreg $0xC0  }
0xab: {  	_ =	task [dreg:s7], $0x5FFFF  }
0xac: {  	[dreg:$0x1] =	wrdreg $0xFFFFFFFF  }
0xad: {  	[dreg:$0x0] =	wrdreg $0x60  }
0xae: {  	[dreg:$0x2] =	wrdreg s24  }
0xaf: {  	[dreg:$0x3] =	wrdreg s2  }
0xb0: {  	[dreg:$0x4] =	wrdreg $0xA0000  }
0xb1: {  	[dreg:$0x5] =	wrdreg $0x9  }
0xb2: {  	_ =	task.clear_ibuf [dreg:s7], $0x6FFFF;
	_ =	strace $0x9000004C  }
0xb3: {  	s29 =	simm.s32 $0x9;
	_ =	strace $0x8000004E  }
0xb4: {  	_ =	swait.ge [sflag:s29], $0x1  }
0xb5: {  	[sflag:s29] =	ssyncadd.s32 $0xFFFFFFFF  }
0xb6: {  	_ =	strace $0x9000004E  }
0xb7: {  	_ =	sfence  }
0xb8: {  	s30 =	sld [smem:$0x0];
	_ =	sdelay $0x2  }
0xb9: {  	s31 =	sshll.u32 s1, $0xD;
	s1 =	sshrl.u32 s1, $0x2  }
0xba: {  	s3 =	sand.u32 $0x4000, s31;
	s1 =	sadd.s32 s1, s30  }
0xbb: {  	s0 =	sor.u32 s3, s0;
	s1 =	sshll.u32 s1, $0x11  }
0xbc: {  	s0 =	sor.u32 s1, s0  }
0xbd: {  	s0 =	sadd.s32 $0x8F2B, s0  }
0xbe: {  	[sflag:s0] =	ssyncadd.remote.s32 $0x1  }
0xbf: {  	_ =	sfence.sel $0xFFFF  }
0xc0: {  	[dreg:$0x0] =	wrdreg $0xFFFFFFFF;
	(pc) =	sbr.abs _section_cstart, $3  }
0xc1: {  	[dreg:$0x1] =	wrdreg $0xFFFFFFFF  }
0xc2: {  	_ =	task.clear_ibuf [dreg:s7], $0x2FFFF;
	_ =	strace $0x9FFFFFFF  }
0xc3: {  	(tm) =	ssettm $0x7FFFFFFF  }
tec
execute0_lowered:
.L_overlay_start_1:
0x0: {  	(tag) =	ssettag $0x1  }
0x1: {  	s0 =	rddreg [dreg:$0x0]  }
0x2: {  	s1 =	rddreg [dreg:$0x1]  }
0x3: {  	s2 =	rddreg [dreg:$0x2]  }
0x4: {  	s4 =	simm.s32 $0x0;
	s3 =	stileid.u32;
	s5 =	srdreg.scid  }
0x5: {  	s28 =	simm.s32 $0x2;
	[smem:$0x7FF] =	sst s4;
	s12 =	smul.u32 $0x2780, s3  }
0x6: {  	s7 =	sadd.s32 $0x5A000, s0;
	s9 =	sadd.s32 $0x3C00, s0;
	s10 =	smul.u32 $0x4F000, s3  }
0x7: {  	s6 =	sand.u32 $0x1, s5;
	s5 =	sadd.s32 $0x8C00, s0;
	s14 =	smul.u32 $0x2800, s3  }
0x8: {  	s24 =	sadd.s32 $0x25080, s1;
	s19 =	smul.u32 $0x500, s3;
	s26 =	sadd.s32 $0x84080, s0  }
0x9: {  	s29 =	sadd.s32 $0x2DC80, s0;
	_ =	strace $0x8000004D;
	[dreg:$0x5] =	wrdreg s24  }
0xa: {  	s17 =	sadd.s32 $0xAB280, s0;
	p1 =	seq.s32 s3, $0xF;
	[dreg:$0x7] =	wrdreg s26  }
0xb: {  	s8 =	ssub.s32 $0x2, s6;
	p0 =	seq.s32 s6, $0x1;
	[dreg:$0x9] =	wrdreg s29  }
0xc: {  	s24 =	simm.s32 $0x2000;
	s26 =	simm.s32 $0x1;
	s13 =	sadd.s32 s12, s0  }
0xd: {  	s11 =	sshrl.u32 s8, $0x1;
	s21 =	sshrl.u32 s10, $0x2;
	s22 =	sadd.s32 s1, s12  }
0xe: {  	s23 =	sshrl.u32 s14, $0x3;
	s12 =	sadd.s32 s5, s12;
	s30 =	sadd.s32 s19, s9  }
0xf: {  	s31 =	sadd.s32 s19, s7;
	s18 =	ssub.s32 s8, s11;
	s6 =	sadd.s32 s21, s2  }
.Ltmp0:
0x10: {  	[dreg:$0x4] =	wrdreg s22;
	s8 =	sadd.s32 $0x128400, s2;
	(pc) =	sbr.rel .LBB2_1-.Ltmp0, $4  }
0x11: {  	s10 =	sadd.s32 s7, s23;
	s11 =	sadd.s32 s9, s23;
	s25 =	sadd.s32 $0x5F000, s13  }
0x12: {  	[dreg:$0x8] =	wrdreg s12;
	s16 =	sadd.s32 $0x86200, s13;
	s9 =	sadd.s32 $0x100, s30  }
0x13: {  	s7 =	sadd.s32 $0x100, s31;
	s21 =	simm.s32 $0x3;
	s23 =	simm.s32 $0x80  }
0x14: {  	[dreg:$0x6] =	wrdreg s25;
	s18 =	smax.u32 s18, $0x1;
	s25 =	simm.s32 $0x6000  }
.LBB2_9:
0x15: {  	_ =	swait.ge [sflag:s28], $0x4000  }
0x16: {  	[sflag:s28] =	ssyncset.done $0x0  }
0x17: {  	s0 =	sor.u32 $0x1000, s13;
	[sflag:s28] =	ssyncadd.s32 $0xFFFFC000  }
0x18: {  	[spmem:s2] =	stream.indirect.scatter.add.f32 [tilespmem:s25], [sflag:$0x3], $0x80, s0, s23, $0xb8;
	[tilespmem:$0x1D8C0] =	vst v63  }
0x19: {  	_ =	swait.ge [sflag:s21], $0x4000  }
0x1a: {  	[sflag:s21] =	ssyncset.done $0x0  }
0x1b: {  	[sflag:s21] =	ssyncadd.s32 $0xFFFFC000  }
.LBB2_11:
0x1c: {  	[bflag:$0x0] =	sbarrier.arrive $0xFFFF;
	s0 =	simm.s32 @p1 $0x1FC3  }
0x1d: {  	[hbm:s17], [sflag:s0] =	dma.local @p1 [spmem:s31], $0x2080  }
0x1e: {  	s0 =	simm.s32 @p1 $0x3  }
0x1f: {  	_ =	swait.ge @p1 [sflag:s0], $0x2080  }
0x20: {  	[sflag:s0] =	ssyncset.done @p1 $0x0  }
0x21: {  	[sflag:s0] =	ssyncadd.s32 @p1 $0xFFFFDF80;
	s0 =	simm.s32 @!p1 $0x3  }
0x22: {  	[hbm:s16], [sflag:s30] =	dma.local @!p1 [spmem:s29], $0x2780  }
0x23: {  	_ =	swait.ge @!p1 [sflag:s0], $0x2780  }
0x24: {  	[sflag:s0] =	ssyncset.done @!p1 $0x0  }
0x25: {  	[sflag:s0] =	ssyncadd.s32 @!p1 $0xFFFFD880  }
.LBB2_12:
0x26: {  	s4 =	sadd.s32 $0x1, s4  }
0x27: {  	p2 =	sne.s32 s4, s18  }
.Ltmp1:
0x28: {  	_ = 	snop;
	(pc) =	sbr.rel @!p2 .LBB2_13-.Ltmp1, $1  }
0x29: {  	_ =	sdelay $0x3  }
.LBB2_1:
.Ltmp2:
0x2a: {  	(pc) =	sbr.rel @!p0 .LBB2_2-.Ltmp2, $3  }
0x2b: {  	_ =	sdelay $0x1  }
0x2c: {  	s0 =	sshll.u32 @!p1 s3, $0x6  }
0x2d: {  	s31 =	sshrl.u32 @p1 s8, $0x3;
	s29 =	sshrl.u32 @!p1 s6, $0x3;
	s30 =	sor.u32 @!p1 $0x1C03, s0  }
0x2e: {  	s0 =	simm.s32 @p1 $0x1FC3;
	s12 =	rddreg [dreg:$0x9]  }
0x2f: {  	[spmem:s31], [sflag:s0] =	dma.local @p1 [hbm:s12], $0x2080  }
0x30: {  	s0 =	simm.s32 @p1 $0x3  }
0x31: {  	_ =	swait.ge @p1 [sflag:s0], $0x2080  }
0x32: {  	[sflag:s0] =	ssyncset.done @p1 $0x0  }
0x33: {  	[sflag:s0] =	ssyncadd.s32 @p1 $0xFFFFDF80;
	s0 =	rddreg [dreg:$0x8]  }
0x34: {  	[spmem:s29], [sflag:s30] =	dma.local @!p1 [hbm:s0], $0x2780  }
0x35: {  	s0 =	simm.s32 @!p1 $0x3  }
0x36: {  	_ =	swait.ge @!p1 [sflag:s0], $0x2780  }
0x37: {  	[sflag:s0] =	ssyncset.done @!p1 $0x0  }
0x38: {  	[sflag:s0] =	ssyncadd.s32 @!p1 $0xFFFFD880  }
0x39: {  	s0 =	simm.s32 $0x0;
	[bflag:$0x0] =	sbarrier.arrive $0xFFFF  }
0x3a: {  	[tilespmem:s0], [sflag:$0x3] =	stream.linear.gather [hbm4b:s10+s0], $0x800, $0x38;
	[tilespmem:$0x1D8C0] =	vst v63  }
0x3b: {  	_ =	swait.ge [sflag:s21], $0x800  }
0x3c: {  	[sflag:s21] =	ssyncset.done $0x0  }
0x3d: {  	s22 =	simm.s32 $0x1000;
	[sflag:s21] =	ssyncadd.s32 $0xFFFFF800  }
0x3e: {  	[tilespmem:s22], [sflag:$0x3] =	stream.linear.gather [hbm4b:s11+s0], $0x800, $0x38;
	[tilespmem:$0x1D8C0] =	vst v63  }
0x3f: {  	_ =	swait.ge [sflag:s21], $0x800  }
0x40: {  	[sflag:s21] =	ssyncset.done $0x0  }
0x41: {  	[sflag:s21] =	ssyncadd.s32 $0xFFFFF800  }
0x42: {  	[tilespmem:s24], [sflag:$0x1] =	stream.indirect.gather [hbm4b:s5+s23], $0x80, s0, s23, $0xb8;
	[tilespmem:$0x1D8C0] =	vst v63  }
0x43: {  	s20 =	smov.u32 s7;
	s19 =	smov.u32 s9  }
0x44: {  	[tilespmem:s25], [sflag:$0x2] =	stream.indirect.gather [hbm4b:s5+s23], $0x80, s23, s23, $0xb8;
	[tilespmem:$0x1D8C0] =	vst v63  }
.LBB2_8:
0x45: {  	s12 =	sand.u32 $0x1, s0  }
0x46: {  	p2 =	seq.s32 s0, $0x4;
	s22 =	sxor.u32 $0x1, s12  }
0x47: {  	s14 =	simm.s32 @!p2 $0x0;
	s15 =	simm.s32 @!p2 $0x3;
	s13 =	sshll.u32 @!p2 s22, $0xB  }
0x48: {  	[tilespmem:s13], [sflag:$0x3] =	stream.linear.gather @!p2 [hbm4b:s20+s14], $0x800, $0x38;
	[tilespmem:$0x1D8C0] =	vst v63  }
0x49: {  	_ =	swait.ge @!p2 [sflag:s15], $0x800  }
0x4a: {  	[sflag:s15] =	ssyncset.done @!p2 $0x0  }
0x4b: {  	s13 =	sor.u32 @!p2 $0x1000, s13;
	[sflag:s15] =	ssyncadd.s32 @!p2 $0xFFFFF800  }
0x4c: {  	[tilespmem:s13], [sflag:$0x3] =	stream.linear.gather @!p2 [hbm4b:s19+s14], $0x800, $0x38;
	[tilespmem:$0x1D8C0] =	vst v63  }
0x4d: {  	_ =	swait.ge @!p2 [sflag:s15], $0x800  }
0x4e: {  	[sflag:s15] =	ssyncset.done @!p2 $0x0  }
0x4f: {  	[sflag:s15] =	ssyncadd.s32 @!p2 $0xFFFFF800  }
0x50: {  	_ =	swait.ge [sflag:s26], $0x4000  }
0x51: {  	s12 =	sshll.u32 s12, $0xB;
	[sflag:s26] =	ssyncset.done $0x0  }
0x52: {  	s15 =	sor.u32 $0x1000, s12;
	[sflag:s26] =	ssyncadd.s32 $0xFFFFC000  }
0x53: {  	[spmem:s2] =	stream.indirect.scatter.add.f32 [tilespmem:s24], [sflag:$0x3], $0x80, s15, s23, $0xb8;
	[tilespmem:$0x1D8C0] =	vst v63  }
0x54: {  	_ =	swait.ge [sflag:s21], $0x4000  }
0x55: {  	[sflag:s21] =	ssyncset.done $0x0  }
0x56: {  	s14 =	sor.u32 $0x100, s12;
	[sflag:s21] =	ssyncadd.s32 $0xFFFFC000  }
0x57: {  	[tilespmem:s24], [sflag:$0x1] =	stream.indirect.gather [hbm4b:s5+s23], $0x80, s14, s23, $0xb8;
	[tilespmem:$0x1D8C0] =	vst v63  }
0x58: {  	_ =	swait.ge [sflag:s28], $0x4000  }
0x59: {  	[sflag:s28] =	ssyncset.done $0x0  }
0x5a: {  	s15 =	sor.u32 $0x1080, s12;
	[sflag:s28] =	ssyncadd.s32 $0xFFFFC000  }
0x5b: {  	[spmem:s2] =	stream.indirect.scatter.add.f32 [tilespmem:s25], [sflag:$0x3], $0x80, s15, s23, $0xb8;
	[tilespmem:$0x1D8C0] =	vst v63  }
0x5c: {  	_ =	swait.ge [sflag:s21], $0x4000  }
0x5d: {  	[sflag:s21] =	ssyncset.done $0x0  }
0x5e: {  	s14 =	sor.u32 $0x180, s12;
	[sflag:s21] =	ssyncadd.s32 $0xFFFFC000  }
0x5f: {  	[tilespmem:s25], [sflag:$0x2] =	stream.indirect.gather [hbm4b:s5+s23], $0x80, s14, s23, $0xb8;
	[tilespmem:$0x1D8C0] =	vst v63  }
0x60: {  	_ =	swait.ge [sflag:s26], $0x4000  }
0x61: {  	[sflag:s26] =	ssyncset.done $0x0  }
0x62: {  	s15 =	sor.u32 $0x1100, s12;
	[sflag:s26] =	ssyncadd.s32 $0xFFFFC000  }
0x63: {  	[spmem:s2] =	stream.indirect.scatter.add.f32 [tilespmem:s24], [sflag:$0x3], $0x80, s15, s23, $0xb8;
	[tilespmem:$0x1D8C0] =	vst v63  }
0x64: {  	_ =	swait.ge [sflag:s21], $0x4000  }
0x65: {  	[sflag:s21] =	ssyncset.done $0x0  }
0x66: {  	s14 =	sor.u32 $0x200, s12;
	[sflag:s21] =	ssyncadd.s32 $0xFFFFC000  }
0x67: {  	[tilespmem:s24], [sflag:$0x1] =	stream.indirect.gather [hbm4b:s5+s23], $0x80, s14, s23, $0xb8;
	[tilespmem:$0x1D8C0] =	vst v63  }
0x68: {  	_ =	swait.ge [sflag:s28], $0x4000  }
0x69: {  	[sflag:s28] =	ssyncset.done $0x0  }
0x6a: {  	s15 =	sor.u32 $0x1180, s12;
	[sflag:s28] =	ssyncadd.s32 $0xFFFFC000  }
0x6b: {  	[spmem:s2] =	stream.indirect.scatter.add.f32 [tilespmem:s25], [sflag:$0x3], $0x80, s15, s23, $0xb8;
	[tilespmem:$0x1D8C0] =	vst v63  }
0x6c: {  	_ =	swait.ge [sflag:s21], $0x4000  }
0x6d: {  	[sflag:s21] =	ssyncset.done $0x0  }
0x6e: {  	s14 =	sor.u32 $0x280, s12;
	[sflag:s21] =	ssyncadd.s32 $0xFFFFC000  }
0x6f: {  	[tilespmem:s25], [sflag:$0x2] =	stream.indirect.gather [hbm4b:s5+s23], $0x80, s14, s23, $0xb8;
	[tilespmem:$0x1D8C0] =	vst v63  }
0x70: {  	_ =	swait.ge [sflag:s26], $0x4000  }
0x71: {  	[sflag:s26] =	ssyncset.done $0x0  }
0x72: {  	s15 =	sor.u32 $0x1200, s12;
	[sflag:s26] =	ssyncadd.s32 $0xFFFFC000  }
0x73: {  	[spmem:s2] =	stream.indirect.scatter.add.f32 [tilespmem:s24], [sflag:$0x3], $0x80, s15, s23, $0xb8;
	[tilespmem:$0x1D8C0] =	vst v63  }
0x74: {  	_ =	swait.ge [sflag:s21], $0x4000  }
0x75: {  	[sflag:s21] =	ssyncset.done $0x0  }
0x76: {  	s14 =	sor.u32 $0x300, s12;
	[sflag:s21] =	ssyncadd.s32 $0xFFFFC000  }
0x77: {  	[tilespmem:s24], [sflag:$0x1] =	stream.indirect.gather [hbm4b:s5+s23], $0x80, s14, s23, $0xb8;
	[tilespmem:$0x1D8C0] =	vst v63  }
0x78: {  	_ =	swait.ge [sflag:s28], $0x4000  }
0x79: {  	[sflag:s28] =	ssyncset.done $0x0  }
0x7a: {  	s15 =	sor.u32 $0x1280, s12;
	[sflag:s28] =	ssyncadd.s32 $0xFFFFC000  }
0x7b: {  	[spmem:s2] =	stream.indirect.scatter.add.f32 [tilespmem:s25], [sflag:$0x3], $0x80, s15, s23, $0xb8;
	[tilespmem:$0x1D8C0] =	vst v63  }
0x7c: {  	_ =	swait.ge [sflag:s21], $0x4000  }
0x7d: {  	[sflag:s21] =	ssyncset.done $0x0  }
0x7e: {  	s14 =	sor.u32 $0x380, s12;
	[sflag:s21] =	ssyncadd.s32 $0xFFFFC000  }
0x7f: {  	[tilespmem:s25], [sflag:$0x2] =	stream.indirect.gather [hbm4b:s5+s23], $0x80, s14, s23, $0xb8;
	[tilespmem:$0x1D8C0] =	vst v63  }
0x80: {  	_ =	swait.ge [sflag:s26], $0x4000  }
0x81: {  	[sflag:s26] =	ssyncset.done $0x0  }
0x82: {  	s15 =	sor.u32 $0x1300, s12;
	[sflag:s26] =	ssyncadd.s32 $0xFFFFC000  }
0x83: {  	[spmem:s2] =	stream.indirect.scatter.add.f32 [tilespmem:s24], [sflag:$0x3], $0x80, s15, s23, $0xb8;
	[tilespmem:$0x1D8C0] =	vst v63  }
0x84: {  	_ =	swait.ge [sflag:s21], $0x4000  }
0x85: {  	[sflag:s21] =	ssyncset.done $0x0  }
0x86: {  	s14 =	sor.u32 $0x400, s12;
	[sflag:s21] =	ssyncadd.s32 $0xFFFFC000  }
0x87: {  	[tilespmem:s24], [sflag:$0x1] =	stream.indirect.gather [hbm4b:s5+s23], $0x80, s14, s23, $0xb8;
	[tilespmem:$0x1D8C0] =	vst v63  }
0x88: {  	_ =	swait.ge [sflag:s28], $0x4000  }
0x89: {  	[sflag:s28] =	ssyncset.done $0x0  }
0x8a: {  	s15 =	sor.u32 $0x1380, s12;
	[sflag:s28] =	ssyncadd.s32 $0xFFFFC000  }
0x8b: {  	[spmem:s2] =	stream.indirect.scatter.add.f32 [tilespmem:s25], [sflag:$0x3], $0x80, s15, s23, $0xb8;
	[tilespmem:$0x1D8C0] =	vst v63  }
0x8c: {  	_ =	swait.ge [sflag:s21], $0x4000  }
0x8d: {  	[sflag:s21] =	ssyncset.done $0x0  }
0x8e: {  	s14 =	sor.u32 $0x480, s12;
	[sflag:s21] =	ssyncadd.s32 $0xFFFFC000  }
0x8f: {  	[tilespmem:s25], [sflag:$0x2] =	stream.indirect.gather [hbm4b:s5+s23], $0x80, s14, s23, $0xb8;
	[tilespmem:$0x1D8C0] =	vst v63  }
0x90: {  	_ =	swait.ge [sflag:s26], $0x4000  }
0x91: {  	[sflag:s26] =	ssyncset.done $0x0  }
0x92: {  	s15 =	sor.u32 $0x1400, s12;
	[sflag:s26] =	ssyncadd.s32 $0xFFFFC000  }
0x93: {  	[spmem:s2] =	stream.indirect.scatter.add.f32 [tilespmem:s24], [sflag:$0x3], $0x80, s15, s23, $0xb8;
	[tilespmem:$0x1D8C0] =	vst v63  }
0x94: {  	_ =	swait.ge [sflag:s21], $0x4000  }
0x95: {  	[sflag:s21] =	ssyncset.done $0x0  }
0x96: {  	s14 =	sor.u32 $0x500, s12;
	[sflag:s21] =	ssyncadd.s32 $0xFFFFC000  }
0x97: {  	[tilespmem:s24], [sflag:$0x1] =	stream.indirect.gather [hbm4b:s5+s23], $0x80, s14, s23, $0xb8;
	[tilespmem:$0x1D8C0] =	vst v63  }
0x98: {  	_ =	swait.ge [sflag:s28], $0x4000  }
0x99: {  	[sflag:s28] =	ssyncset.done $0x0  }
0x9a: {  	s15 =	sor.u32 $0x1480, s12;
	[sflag:s28] =	ssyncadd.s32 $0xFFFFC000  }
0x9b: {  	[spmem:s2] =	stream.indirect.scatter.add.f32 [tilespmem:s25], [sflag:$0x3], $0x80, s15, s23, $0xb8;
	[tilespmem:$0x1D8C0] =	vst v63  }
0x9c: {  	_ =	swait.ge [sflag:s21], $0x4000  }
0x9d: {  	[sflag:s21] =	ssyncset.done $0x0  }
0x9e: {  	s14 =	sor.u32 $0x580, s12;
	[sflag:s21] =	ssyncadd.s32 $0xFFFFC000  }
0x9f: {  	[tilespmem:s25], [sflag:$0x2] =	stream.indirect.gather [hbm4b:s5+s23], $0x80, s14, s23, $0xb8;
	[tilespmem:$0x1D8C0] =	vst v63  }
0xa0: {  	_ =	swait.ge [sflag:s26], $0x4000  }
0xa1: {  	[sflag:s26] =	ssyncset.done $0x0  }
0xa2: {  	s15 =	sor.u32 $0x1500, s12;
	[sflag:s26] =	ssyncadd.s32 $0xFFFFC000  }
0xa3: {  	[spmem:s2] =	stream.indirect.scatter.add.f32 [tilespmem:s24], [sflag:$0x3], $0x80, s15, s23, $0xb8;
	[tilespmem:$0x1D8C0] =	vst v63  }
0xa4: {  	_ =	swait.ge [sflag:s21], $0x4000  }
0xa5: {  	[sflag:s21] =	ssyncset.done $0x0  }
0xa6: {  	s14 =	sor.u32 $0x600, s12;
	[sflag:s21] =	ssyncadd.s32 $0xFFFFC000  }
0xa7: {  	[tilespmem:s24], [sflag:$0x1] =	stream.indirect.gather [hbm4b:s5+s23], $0x80, s14, s23, $0xb8;
	[tilespmem:$0x1D8C0] =	vst v63  }
0xa8: {  	_ =	swait.ge [sflag:s28], $0x4000  }
0xa9: {  	[sflag:s28] =	ssyncset.done $0x0  }
0xaa: {  	s15 =	sor.u32 $0x1580, s12;
	[sflag:s28] =	ssyncadd.s32 $0xFFFFC000  }
0xab: {  	[spmem:s2] =	stream.indirect.scatter.add.f32 [tilespmem:s25], [sflag:$0x3], $0x80, s15, s23, $0xb8;
	[tilespmem:$0x1D8C0] =	vst v63  }
0xac: {  	_ =	swait.ge [sflag:s21], $0x4000  }
0xad: {  	[sflag:s21] =	ssyncset.done $0x0  }
0xae: {  	s14 =	sor.u32 $0x680, s12;
	[sflag:s21] =	ssyncadd.s32 $0xFFFFC000  }
0xaf: {  	[tilespmem:s25], [sflag:$0x2] =	stream.indirect.gather [hbm4b:s5+s23], $0x80, s14, s23, $0xb8;
	[tilespmem:$0x1D8C0] =	vst v63  }
0xb0: {  	_ =	swait.ge [sflag:s26], $0x4000  }
0xb1: {  	[sflag:s26] =	ssyncset.done $0x0  }
0xb2: {  	s15 =	sor.u32 $0x1600, s12;
	[sflag:s26] =	ssyncadd.s32 $0xFFFFC000  }
0xb3: {  	[spmem:s2] =	stream.indirect.scatter.add.f32 [tilespmem:s24], [sflag:$0x3], $0x80, s15, s23, $0xb8;
	[tilespmem:$0x1D8C0] =	vst v63  }
0xb4: {  	_ =	swait.ge [sflag:s21], $0x4000  }
0xb5: {  	[sflag:s21] =	ssyncset.done $0x0  }
0xb6: {  	s14 =	sor.u32 $0x700, s12;
	[sflag:s21] =	ssyncadd.s32 $0xFFFFC000  }
0xb7: {  	[tilespmem:s24], [sflag:$0x1] =	stream.indirect.gather [hbm4b:s5+s23], $0x80, s14, s23, $0xb8;
	[tilespmem:$0x1D8C0] =	vst v63  }
0xb8: {  	_ =	swait.ge [sflag:s28], $0x4000  }
0xb9: {  	[sflag:s28] =	ssyncset.done $0x0  }
0xba: {  	s15 =	sor.u32 $0x1680, s12;
	[sflag:s28] =	ssyncadd.s32 $0xFFFFC000  }
0xbb: {  	[spmem:s2] =	stream.indirect.scatter.add.f32 [tilespmem:s25], [sflag:$0x3], $0x80, s15, s23, $0xb8;
	[tilespmem:$0x1D8C0] =	vst v63  }
0xbc: {  	_ =	swait.ge [sflag:s21], $0x4000  }
0xbd: {  	[sflag:s21] =	ssyncset.done $0x0  }
0xbe: {  	s13 =	sor.u32 $0x780, s12;
	[sflag:s21] =	ssyncadd.s32 $0xFFFFC000  }
0xbf: {  	[tilespmem:s25], [sflag:$0x2] =	stream.indirect.gather [hbm4b:s5+s23], $0x80, s13, s23, $0xb8;
	[tilespmem:$0x1D8C0] =	vst v63  }
0xc0: {  	_ =	swait.ge [sflag:s26], $0x4000  }
0xc1: {  	p2 =	sne.s32 s0, $0x4;
	[sflag:s26] =	ssyncset.done $0x0  }
.Ltmp3:
0xc2: {  	s12 =	sor.u32 $0x1700, s12;
	[sflag:s26] =	ssyncadd.s32 $0xFFFFC000;
	(pc) =	sbr.rel @!p2 .LBB2_9-.Ltmp3, $4  }
0xc3: {  	[spmem:s2] =	stream.indirect.scatter.add.f32 [tilespmem:s24], [sflag:$0x3], $0x80, s12, s23, $0xb8;
	[tilespmem:$0x1D8C0] =	vst v63  }
0xc4: {  	_ =	swait.ge [sflag:s21], $0x4000  }
0xc5: {  	[sflag:s21] =	ssyncset.done $0x0  }
0xc6: {  	[sflag:s21] =	ssyncadd.s32 $0xFFFFC000  }
0xc7: {  	s12 =	sshll.u32 s22, $0xB  }
0xc8: {  	[tilespmem:s24], [sflag:$0x1] =	stream.indirect.gather [hbm4b:s5+s23], $0x80, s12, s23, $0xb8;
	[tilespmem:$0x1D8C0] =	vst v63  }
0xc9: {  	_ =	swait.ge [sflag:s28], $0x4000  }
0xca: {  	s0 =	sadd.s32 $0x1, s0;
	[sflag:s28] =	ssyncset.done $0x0  }
0xcb: {  	s13 =	sor.u32 $0x1000, s13;
	p2 =	sne.s32 s0, $0x5;
	[sflag:s28] =	ssyncadd.s32 $0xFFFFC000  }
0xcc: {  	[spmem:s2] =	stream.indirect.scatter.add.f32 [tilespmem:s25], [sflag:$0x3], $0x80, s13, s23, $0xb8;
	[tilespmem:$0x1D8C0] =	vst v63  }
.Ltmp4:
0xcd: {  	_ = 	snop;
	(pc) =	sbr.rel @p2 .LBB2_8-.Ltmp4, $4  }
.Ltmp5:
0xce: {  	_ =	swait.ge [sflag:s21], $0x4000;
	(pc) =	sbr.rel @!p2 .LBB2_11-.Ltmp5, $4  }
0xcf: {  	s19 =	sadd.s32 $0x100, s19;
	[sflag:s21] =	ssyncset.done $0x0  }
0xd0: {  	s20 =	sadd.s32 $0x100, s20;
	s12 =	sor.u32 $0x80, s12;
	[sflag:s21] =	ssyncadd.s32 $0xFFFFC000  }
0xd1: {  	[tilespmem:s25], [sflag:$0x2] =	stream.indirect.gather [hbm4b:s5+s23], $0x80, s12, s23, $0xb8;
	[tilespmem:$0x1D8C0] =	vst v63  }
0xd2: {  	_ = 	snop  }
.LBB2_2:
0xd3: {  	s0 =	simm.s32 @p1 $0x1FC3;
	s12 =	rddreg [dreg:$0x5]  }
0xd4: {  	[spmem:s31], [sflag:s0] =	dma.local @p1 [hbm:s12], $0x2080  }
0xd5: {  	s0 =	simm.s32 @p1 $0x3  }
0xd6: {  	_ =	swait.ge @p1 [sflag:s0], $0x2080  }
0xd7: {  	[sflag:s0] =	ssyncset.done @p1 $0x0  }
0xd8: {  	[sflag:s0] =	ssyncadd.s32 @p1 $0xFFFFDF80;
	s0 =	rddreg [dreg:$0x4]  }
0xd9: {  	[spmem:s29], [sflag:s30] =	dma.local @!p1 [hbm:s0], $0x2780  }
0xda: {  	s0 =	simm.s32 @!p1 $0x3  }
0xdb: {  	_ =	swait.ge @!p1 [sflag:s0], $0x2780  }
0xdc: {  	[sflag:s0] =	ssyncset.done @!p1 $0x0  }
0xdd: {  	[sflag:s0] =	ssyncadd.s32 @!p1 $0xFFFFD880  }
0xde: {  	s0 =	simm.s32 $0x0;
	[bflag:$0x0] =	sbarrier.arrive $0xFFFF  }
0xdf: {  	[tilespmem:s0], [sflag:$0x3] =	stream.linear.gather [hbm4b:s10+s0], $0x800, $0x38;
	[tilespmem:$0x1D8C0] =	vst v63  }
0xe0: {  	_ =	swait.ge [sflag:s21], $0x800  }
0xe1: {  	[sflag:s21] =	ssyncset.done $0x0  }
0xe2: {  	s22 =	simm.s32 $0x1000;
	[sflag:s21] =	ssyncadd.s32 $0xFFFFF800  }
0xe3: {  	[tilespmem:s22], [sflag:$0x3] =	stream.linear.gather [hbm4b:s11+s0], $0x800, $0x38;
	[tilespmem:$0x1D8C0] =	vst v63  }
0xe4: {  	_ =	swait.ge [sflag:s21], $0x800  }
0xe5: {  	[sflag:s21] =	ssyncset.done $0x0  }
0xe6: {  	[sflag:s21] =	ssyncadd.s32 $0xFFFFF800  }
0xe7: {  	[tilespmem:s24], [sflag:$0x1] =	stream.indirect.gather [hbm4b:s1+s23], $0x80, s0, s23, $0xb8;
	[tilespmem:$0x1D8C0] =	vst v63  }
0xe8: {  	s20 =	smov.u32 s7;
	s19 =	smov.u32 s9  }
0xe9: {  	[tilespmem:s25], [sflag:$0x2] =	stream.indirect.gather [hbm4b:s1+s23], $0x80, s23, s23, $0xb8;
	[tilespmem:$0x1D8C0] =	vst v63  }
.LBB2_3:
0xea: {  	s12 =	sand.u32 $0x1, s0  }
0xeb: {  	p2 =	seq.s32 s0, $0x4;
	s22 =	sxor.u32 $0x1, s12  }
0xec: {  	s14 =	simm.s32 @!p2 $0x0;
	s15 =	simm.s32 @!p2 $0x3;
	s13 =	sshll.u32 @!p2 s22, $0xB  }
0xed: {  	[tilespmem:s13], [sflag:$0x3] =	stream.linear.gather @!p2 [hbm4b:s20+s14], $0x800, $0x38;
	[tilespmem:$0x1D8C0] =	vst v63  }
0xee: {  	_ =	swait.ge @!p2 [sflag:s15], $0x800  }
0xef: {  	[sflag:s15] =	ssyncset.done @!p2 $0x0  }
0xf0: {  	s13 =	sor.u32 @!p2 $0x1000, s13;
	[sflag:s15] =	ssyncadd.s32 @!p2 $0xFFFFF800  }
0xf1: {  	[tilespmem:s13], [sflag:$0x3] =	stream.linear.gather @!p2 [hbm4b:s19+s14], $0x800, $0x38;
	[tilespmem:$0x1D8C0] =	vst v63  }
0xf2: {  	_ =	swait.ge @!p2 [sflag:s15], $0x800  }
0xf3: {  	[sflag:s15] =	ssyncset.done @!p2 $0x0  }
0xf4: {  	[sflag:s15] =	ssyncadd.s32 @!p2 $0xFFFFF800  }
0xf5: {  	_ =	swait.ge [sflag:s26], $0x4000  }
0xf6: {  	s12 =	sshll.u32 s12, $0xB;
	[sflag:s26] =	ssyncset.done $0x0  }
0xf7: {  	s15 =	sor.u32 $0x1000, s12;
	[sflag:s26] =	ssyncadd.s32 $0xFFFFC000  }
0xf8: {  	[spmem:s2] =	stream.indirect.scatter.add.f32 [tilespmem:s24], [sflag:$0x3], $0x80, s15, s23, $0xb8;
	[tilespmem:$0x1D8C0] =	vst v63  }
0xf9: {  	_ =	swait.ge [sflag:s21], $0x4000  }
0xfa: {  	[sflag:s21] =	ssyncset.done $0x0  }
0xfb: {  	s14 =	sor.u32 $0x100, s12;
	[sflag:s21] =	ssyncadd.s32 $0xFFFFC000  }
0xfc: {  	[tilespmem:s24], [sflag:$0x1] =	stream.indirect.gather [hbm4b:s1+s23], $0x80, s14, s23, $0xb8;
	[tilespmem:$0x1D8C0] =	vst v63  }
0xfd: {  	_ =	swait.ge [sflag:s28], $0x4000  }
0xfe: {  	[sflag:s28] =	ssyncset.done $0x0  }
0xff: {  	s15 =	sor.u32 $0x1080, s12;
	[sflag:s28] =	ssyncadd.s32 $0xFFFFC000  }
0x100: {  	[spmem:s2] =	stream.indirect.scatter.add.f32 [tilespmem:s25], [sflag:$0x3], $0x80, s15, s23, $0xb8;
	[tilespmem:$0x1D8C0] =	vst v63  }
0x101: {  	_ =	swait.ge [sflag:s21], $0x4000  }
0x102: {  	[sflag:s21] =	ssyncset.done $0x0  }
0x103: {  	s14 =	sor.u32 $0x180, s12;
	[sflag:s21] =	ssyncadd.s32 $0xFFFFC000  }
0x104: {  	[tilespmem:s25], [sflag:$0x2] =	stream.indirect.gather [hbm4b:s1+s23], $0x80, s14, s23, $0xb8;
	[tilespmem:$0x1D8C0] =	vst v63  }
0x105: {  	_ =	swait.ge [sflag:s26], $0x4000  }
0x106: {  	[sflag:s26] =	ssyncset.done $0x0  }
0x107: {  	s15 =	sor.u32 $0x1100, s12;
	[sflag:s26] =	ssyncadd.s32 $0xFFFFC000  }
0x108: {  	[spmem:s2] =	stream.indirect.scatter.add.f32 [tilespmem:s24], [sflag:$0x3], $0x80, s15, s23, $0xb8;
	[tilespmem:$0x1D8C0] =	vst v63  }
0x109: {  	_ =	swait.ge [sflag:s21], $0x4000  }
0x10a: {  	[sflag:s21] =	ssyncset.done $0x0  }
0x10b: {  	s14 =	sor.u32 $0x200, s12;
	[sflag:s21] =	ssyncadd.s32 $0xFFFFC000  }
0x10c: {  	[tilespmem:s24], [sflag:$0x1] =	stream.indirect.gather [hbm4b:s1+s23], $0x80, s14, s23, $0xb8;
	[tilespmem:$0x1D8C0] =	vst v63  }
0x10d: {  	_ =	swait.ge [sflag:s28], $0x4000  }
0x10e: {  	[sflag:s28] =	ssyncset.done $0x0  }
0x10f: {  	s15 =	sor.u32 $0x1180, s12;
	[sflag:s28] =	ssyncadd.s32 $0xFFFFC000  }
0x110: {  	[spmem:s2] =	stream.indirect.scatter.add.f32 [tilespmem:s25], [sflag:$0x3], $0x80, s15, s23, $0xb8;
	[tilespmem:$0x1D8C0] =	vst v63  }
0x111: {  	_ =	swait.ge [sflag:s21], $0x4000  }
0x112: {  	[sflag:s21] =	ssyncset.done $0x0  }
0x113: {  	s14 =	sor.u32 $0x280, s12;
	[sflag:s21] =	ssyncadd.s32 $0xFFFFC000  }
0x114: {  	[tilespmem:s25], [sflag:$0x2] =	stream.indirect.gather [hbm4b:s1+s23], $0x80, s14, s23, $0xb8;
	[tilespmem:$0x1D8C0] =	vst v63  }
0x115: {  	_ =	swait.ge [sflag:s26], $0x4000  }
0x116: {  	[sflag:s26] =	ssyncset.done $0x0  }
0x117: {  	s15 =	sor.u32 $0x1200, s12;
	[sflag:s26] =	ssyncadd.s32 $0xFFFFC000  }
0x118: {  	[spmem:s2] =	stream.indirect.scatter.add.f32 [tilespmem:s24], [sflag:$0x3], $0x80, s15, s23, $0xb8;
	[tilespmem:$0x1D8C0] =	vst v63  }
0x119: {  	_ =	swait.ge [sflag:s21], $0x4000  }
0x11a: {  	[sflag:s21] =	ssyncset.done $0x0  }
0x11b: {  	s14 =	sor.u32 $0x300, s12;
	[sflag:s21] =	ssyncadd.s32 $0xFFFFC000  }
0x11c: {  	[tilespmem:s24], [sflag:$0x1] =	stream.indirect.gather [hbm4b:s1+s23], $0x80, s14, s23, $0xb8;
	[tilespmem:$0x1D8C0] =	vst v63  }
0x11d: {  	_ =	swait.ge [sflag:s28], $0x4000  }
0x11e: {  	[sflag:s28] =	ssyncset.done $0x0  }
0x11f: {  	s15 =	sor.u32 $0x1280, s12;
	[sflag:s28] =	ssyncadd.s32 $0xFFFFC000  }
0x120: {  	[spmem:s2] =	stream.indirect.scatter.add.f32 [tilespmem:s25], [sflag:$0x3], $0x80, s15, s23, $0xb8;
	[tilespmem:$0x1D8C0] =	vst v63  }
0x121: {  	_ =	swait.ge [sflag:s21], $0x4000  }
0x122: {  	[sflag:s21] =	ssyncset.done $0x0  }
0x123: {  	s14 =	sor.u32 $0x380, s12;
	[sflag:s21] =	ssyncadd.s32 $0xFFFFC000  }
0x124: {  	[tilespmem:s25], [sflag:$0x2] =	stream.indirect.gather [hbm4b:s1+s23], $0x80, s14, s23, $0xb8;
	[tilespmem:$0x1D8C0] =	vst v63  }
0x125: {  	_ =	swait.ge [sflag:s26], $0x4000  }
0x126: {  	[sflag:s26] =	ssyncset.done $0x0  }
0x127: {  	s15 =	sor.u32 $0x1300, s12;
	[sflag:s26] =	ssyncadd.s32 $0xFFFFC000  }
0x128: {  	[spmem:s2] =	stream.indirect.scatter.add.f32 [tilespmem:s24], [sflag:$0x3], $0x80, s15, s23, $0xb8;
	[tilespmem:$0x1D8C0] =	vst v63  }
0x129: {  	_ =	swait.ge [sflag:s21], $0x4000  }
0x12a: {  	[sflag:s21] =	ssyncset.done $0x0  }
0x12b: {  	s14 =	sor.u32 $0x400, s12;
	[sflag:s21] =	ssyncadd.s32 $0xFFFFC000  }
0x12c: {  	[tilespmem:s24], [sflag:$0x1] =	stream.indirect.gather [hbm4b:s1+s23], $0x80, s14, s23, $0xb8;
	[tilespmem:$0x1D8C0] =	vst v63  }
0x12d: {  	_ =	swait.ge [sflag:s28], $0x4000  }
0x12e: {  	[sflag:s28] =	ssyncset.done $0x0  }
0x12f: {  	s15 =	sor.u32 $0x1380, s12;
	[sflag:s28] =	ssyncadd.s32 $0xFFFFC000  }
0x130: {  	[spmem:s2] =	stream.indirect.scatter.add.f32 [tilespmem:s25], [sflag:$0x3], $0x80, s15, s23, $0xb8;
	[tilespmem:$0x1D8C0] =	vst v63  }
0x131: {  	_ =	swait.ge [sflag:s21], $0x4000  }
0x132: {  	[sflag:s21] =	ssyncset.done $0x0  }
0x133: {  	s14 =	sor.u32 $0x480, s12;
	[sflag:s21] =	ssyncadd.s32 $0xFFFFC000  }
0x134: {  	[tilespmem:s25], [sflag:$0x2] =	stream.indirect.gather [hbm4b:s1+s23], $0x80, s14, s23, $0xb8;
	[tilespmem:$0x1D8C0] =	vst v63  }
0x135: {  	_ =	swait.ge [sflag:s26], $0x4000  }
0x136: {  	[sflag:s26] =	ssyncset.done $0x0  }
0x137: {  	s15 =	sor.u32 $0x1400, s12;
	[sflag:s26] =	ssyncadd.s32 $0xFFFFC000  }
0x138: {  	[spmem:s2] =	stream.indirect.scatter.add.f32 [tilespmem:s24], [sflag:$0x3], $0x80, s15, s23, $0xb8;
	[tilespmem:$0x1D8C0] =	vst v63  }
0x139: {  	_ =	swait.ge [sflag:s21], $0x4000  }
0x13a: {  	[sflag:s21] =	ssyncset.done $0x0  }
0x13b: {  	s14 =	sor.u32 $0x500, s12;
	[sflag:s21] =	ssyncadd.s32 $0xFFFFC000  }
0x13c: {  	[tilespmem:s24], [sflag:$0x1] =	stream.indirect.gather [hbm4b:s1+s23], $0x80, s14, s23, $0xb8;
	[tilespmem:$0x1D8C0] =	vst v63  }
0x13d: {  	_ =	swait.ge [sflag:s28], $0x4000  }
0x13e: {  	[sflag:s28] =	ssyncset.done $0x0  }
0x13f: {  	s15 =	sor.u32 $0x1480, s12;
	[sflag:s28] =	ssyncadd.s32 $0xFFFFC000  }
0x140: {  	[spmem:s2] =	stream.indirect.scatter.add.f32 [tilespmem:s25], [sflag:$0x3], $0x80, s15, s23, $0xb8;
	[tilespmem:$0x1D8C0] =	vst v63  }
0x141: {  	_ =	swait.ge [sflag:s21], $0x4000  }
0x142: {  	[sflag:s21] =	ssyncset.done $0x0  }
0x143: {  	s14 =	sor.u32 $0x580, s12;
	[sflag:s21] =	ssyncadd.s32 $0xFFFFC000  }
0x144: {  	[tilespmem:s25], [sflag:$0x2] =	stream.indirect.gather [hbm4b:s1+s23], $0x80, s14, s23, $0xb8;
	[tilespmem:$0x1D8C0] =	vst v63  }
0x145: {  	_ =	swait.ge [sflag:s26], $0x4000  }
0x146: {  	[sflag:s26] =	ssyncset.done $0x0  }
0x147: {  	s15 =	sor.u32 $0x1500, s12;
	[sflag:s26] =	ssyncadd.s32 $0xFFFFC000  }
0x148: {  	[spmem:s2] =	stream.indirect.scatter.add.f32 [tilespmem:s24], [sflag:$0x3], $0x80, s15, s23, $0xb8;
	[tilespmem:$0x1D8C0] =	vst v63  }
0x149: {  	_ =	swait.ge [sflag:s21], $0x4000  }
0x14a: {  	[sflag:s21] =	ssyncset.done $0x0  }
0x14b: {  	s14 =	sor.u32 $0x600, s12;
	[sflag:s21] =	ssyncadd.s32 $0xFFFFC000  }
0x14c: {  	[tilespmem:s24], [sflag:$0x1] =	stream.indirect.gather [hbm4b:s1+s23], $0x80, s14, s23, $0xb8;
	[tilespmem:$0x1D8C0] =	vst v63  }
0x14d: {  	_ =	swait.ge [sflag:s28], $0x4000  }
0x14e: {  	[sflag:s28] =	ssyncset.done $0x0  }
0x14f: {  	s15 =	sor.u32 $0x1580, s12;
	[sflag:s28] =	ssyncadd.s32 $0xFFFFC000  }
0x150: {  	[spmem:s2] =	stream.indirect.scatter.add.f32 [tilespmem:s25], [sflag:$0x3], $0x80, s15, s23, $0xb8;
	[tilespmem:$0x1D8C0] =	vst v63  }
0x151: {  	_ =	swait.ge [sflag:s21], $0x4000  }
0x152: {  	[sflag:s21] =	ssyncset.done $0x0  }
0x153: {  	s14 =	sor.u32 $0x680, s12;
	[sflag:s21] =	ssyncadd.s32 $0xFFFFC000  }
0x154: {  	[tilespmem:s25], [sflag:$0x2] =	stream.indirect.gather [hbm4b:s1+s23], $0x80, s14, s23, $0xb8;
	[tilespmem:$0x1D8C0] =	vst v63  }
0x155: {  	_ =	swait.ge [sflag:s26], $0x4000  }
0x156: {  	[sflag:s26] =	ssyncset.done $0x0  }
0x157: {  	s15 =	sor.u32 $0x1600, s12;
	[sflag:s26] =	ssyncadd.s32 $0xFFFFC000  }
0x158: {  	[spmem:s2] =	stream.indirect.scatter.add.f32 [tilespmem:s24], [sflag:$0x3], $0x80, s15, s23, $0xb8;
	[tilespmem:$0x1D8C0] =	vst v63  }
0x159: {  	_ =	swait.ge [sflag:s21], $0x4000  }
0x15a: {  	[sflag:s21] =	ssyncset.done $0x0  }
0x15b: {  	s14 =	sor.u32 $0x700, s12;
	[sflag:s21] =	ssyncadd.s32 $0xFFFFC000  }
0x15c: {  	[tilespmem:s24], [sflag:$0x1] =	stream.indirect.gather [hbm4b:s1+s23], $0x80, s14, s23, $0xb8;
	[tilespmem:$0x1D8C0] =	vst v63  }
0x15d: {  	_ =	swait.ge [sflag:s28], $0x4000  }
0x15e: {  	[sflag:s28] =	ssyncset.done $0x0  }
0x15f: {  	s15 =	sor.u32 $0x1680, s12;
	[sflag:s28] =	ssyncadd.s32 $0xFFFFC000  }
0x160: {  	[spmem:s2] =	stream.indirect.scatter.add.f32 [tilespmem:s25], [sflag:$0x3], $0x80, s15, s23, $0xb8;
	[tilespmem:$0x1D8C0] =	vst v63  }
0x161: {  	_ =	swait.ge [sflag:s21], $0x4000  }
0x162: {  	[sflag:s21] =	ssyncset.done $0x0  }
0x163: {  	s13 =	sor.u32 $0x780, s12;
	[sflag:s21] =	ssyncadd.s32 $0xFFFFC000  }
0x164: {  	[tilespmem:s25], [sflag:$0x2] =	stream.indirect.gather [hbm4b:s1+s23], $0x80, s13, s23, $0xb8;
	[tilespmem:$0x1D8C0] =	vst v63  }
0x165: {  	_ =	swait.ge [sflag:s26], $0x4000  }
0x166: {  	p2 =	sne.s32 s0, $0x4;
	[sflag:s26] =	ssyncset.done $0x0  }
.Ltmp6:
0x167: {  	s12 =	sor.u32 $0x1700, s12;
	[sflag:s26] =	ssyncadd.s32 $0xFFFFC000;
	(pc) =	sbr.rel @!p2 .LBB2_4-.Ltmp6, $4  }
0x168: {  	[spmem:s2] =	stream.indirect.scatter.add.f32 [tilespmem:s24], [sflag:$0x3], $0x80, s12, s23, $0xb8;
	[tilespmem:$0x1D8C0] =	vst v63  }
0x169: {  	_ =	swait.ge [sflag:s21], $0x4000  }
0x16a: {  	[sflag:s21] =	ssyncset.done $0x0  }
0x16b: {  	[sflag:s21] =	ssyncadd.s32 $0xFFFFC000  }
0x16c: {  	s12 =	sshll.u32 s22, $0xB  }
0x16d: {  	[tilespmem:s24], [sflag:$0x1] =	stream.indirect.gather [hbm4b:s1+s23], $0x80, s12, s23, $0xb8;
	[tilespmem:$0x1D8C0] =	vst v63  }
0x16e: {  	_ =	swait.ge [sflag:s28], $0x4000  }
0x16f: {  	s0 =	sadd.s32 $0x1, s0;
	[sflag:s28] =	ssyncset.done $0x0  }
0x170: {  	s13 =	sor.u32 $0x1000, s13;
	p2 =	sne.s32 s0, $0x5;
	[sflag:s28] =	ssyncadd.s32 $0xFFFFC000  }
0x171: {  	[spmem:s2] =	stream.indirect.scatter.add.f32 [tilespmem:s25], [sflag:$0x3], $0x80, s13, s23, $0xb8;
	[tilespmem:$0x1D8C0] =	vst v63  }
.Ltmp7:
0x172: {  	_ = 	snop;
	(pc) =	sbr.rel @p2 .LBB2_3-.Ltmp7, $4  }
.Ltmp8:
0x173: {  	_ =	swait.ge [sflag:s21], $0x4000;
	(pc) =	sbr.rel @!p2 .LBB2_6-.Ltmp8, $4  }
0x174: {  	s19 =	sadd.s32 $0x100, s19;
	[sflag:s21] =	ssyncset.done $0x0  }
0x175: {  	s20 =	sadd.s32 $0x100, s20;
	s12 =	sor.u32 $0x80, s12;
	[sflag:s21] =	ssyncadd.s32 $0xFFFFC000  }
0x176: {  	[tilespmem:s25], [sflag:$0x2] =	stream.indirect.gather [hbm4b:s1+s23], $0x80, s12, s23, $0xb8;
	[tilespmem:$0x1D8C0] =	vst v63  }
0x177: {  	_ = 	snop  }
.LBB2_4:
0x178: {  	_ =	swait.ge [sflag:s28], $0x4000  }
0x179: {  	[sflag:s28] =	ssyncset.done $0x0  }
0x17a: {  	s0 =	sor.u32 $0x1000, s13;
	[sflag:s28] =	ssyncadd.s32 $0xFFFFC000  }
0x17b: {  	[spmem:s2] =	stream.indirect.scatter.add.f32 [tilespmem:s25], [sflag:$0x3], $0x80, s0, s23, $0xb8;
	[tilespmem:$0x1D8C0] =	vst v63  }
0x17c: {  	_ =	swait.ge [sflag:s21], $0x4000  }
0x17d: {  	[sflag:s21] =	ssyncset.done $0x0  }
0x17e: {  	[sflag:s21] =	ssyncadd.s32 $0xFFFFC000  }
.LBB2_6:
0x17f: {  	[bflag:$0x0] =	sbarrier.arrive $0xFFFF  }
0x180: {  	s0 =	simm.s32 @p1 $0x1FC3;
	s12 =	rddreg [dreg:$0x7]  }
0x181: {  	[hbm:s12], [sflag:s0] =	dma.local @p1 [spmem:s31], $0x2080  }
0x182: {  	s0 =	simm.s32 @p1 $0x3  }
0x183: {  	_ =	swait.ge @p1 [sflag:s0], $0x2080  }
0x184: {  	[sflag:s0] =	ssyncset.done @p1 $0x0  }
0x185: {  	[sflag:s0] =	ssyncadd.s32 @p1 $0xFFFFDF80;
	s0 =	rddreg [dreg:$0x6]  }
0x186: {  	[hbm:s0], [sflag:s30] =	dma.local @!p1 [spmem:s29], $0x2780  }
.Ltmp9:
0x187: {  	_ = 	snop;
	(pc) =	sbr.rel .LBB2_12-.Ltmp9, $4  }
0x188: {  	s0 =	simm.s32 @!p1 $0x3  }
0x189: {  	_ =	swait.ge @!p1 [sflag:s0], $0x2780  }
0x18a: {  	[sflag:s0] =	ssyncset.done @!p1 $0x0  }
0x18b: {  	[sflag:s0] =	ssyncadd.s32 @!p1 $0xFFFFD880  }
.LBB2_13:
0x18c: {  	_ =	sfence.sel $0x180000  }
0x18d: {  	[bflag:$0x0] =	sbarrier.arrive $0xFFFF  }
0x18e: {  	_ =	strace $0x9000004D  }
0x18f: {  	[bflag:$0x2] =	sbarrier.arrive $0xFFFF  }
0x190: {  	p0 =	sne.s32 s3, $0x0;
	s0 =	rddreg [dreg:$0x3]  }
0x191: {  	s0 =	sadd.s32 @!p0 $0x100000, s0  }
0x192: {  	[sflag:s0] =	ssyncadd.tile.s32 @!p0 $0x1;
	_ =	shalt  }
.Lfunc_end2:
_tile_overlayer_lowered:
.L_overlay_start_2:
0x193: {  	(tag) =	ssettag $0x2  }
0x194: {  	s0 =	rddreg [dreg:$0x0];
	s2 =	stileid.u32  }
0x195: {  	s1 =	rddreg [dreg:$0x1];
	p0 =	sne.s32 s2, $0x0  }
0x196: {  	s3 =	rddreg [dreg:$0x2];
	[bflag:$0x3] =	sbarrier.arrive $0xFFFF;
	s2 =	simm.s32 @!p0 $0x1C03  }
0x197: {  	[timem:s3], [sflag:s2] =	dma.local @!p0 [hbm:s0], s1  }
0x198: {  	s0 =	simm.s32 @!p0 $0x3  }
0x199: {  	_ =	swait.ge @!p0 [sflag:s0], s1  }
0x19a: {  	s1 =	ssub.s32 @!p0 $0x0, s1;
	[sflag:s0] =	ssyncset.done @!p0 $0x0  }
0x19b: {  	[sflag:s0] =	ssyncadd.s32 @!p0 s1  }
0x19c: {  	[bflag:$0x3] =	sbarrier.arrive $0xFFFF  }
0x19d: {  	_ =	shalt  }

// kernel: kernel.9.cloned.1.call-start
scs
__scs_entry_jumppad:
0x0: {  	(pc) =	sbr.rel $0x88, $3  }
0x1: {  	(tag) =	ssettag $0x0;
	lr =	simm.s32 $0x1  }
0x2: {  	[smem:$0x3F9B] =	sst lr;
	_ =	strace $0xD0000000  }
0x3: {  	_ = 	snop  }
0x4: {  	_ = 	snop  }
0x5: {  	_ = 	snop  }
0x6: {  	_ = 	snop  }
0x7: {  	_ = 	snop  }
__scs_overlays_trampoline_lowered:
0x8: {  	[smem:$0x3FAA] =	sst s0  }
0x9: {  	[smem:$0x3FAB] =	sst s1  }
0xa: {  	[smem:$0x3FAC] =	sst s2  }
0xb: {  	[smem:$0x3FAD] =	sst s3  }
0xc: {  	[smem:$0x3FAE] =	sst s4  }
0xd: {  	[smem:$0x3FAF] =	sst s5  }
0xe: {  	[smem:$0x3FB0] =	sst s6  }
0xf: {  	[smem:$0x3FB1] =	sst s7  }
0x10: {  	[smem:$0x3FB2] =	sst s8  }
0x11: {  	[smem:$0x3FB3] =	sst s9;
	s0 =	simm.s32 @!p0 $0x0  }
0x12: {  	s1 =	sld [smem:$0x3F99];
	s0 =	simm.s32 @p0 $0x1  }
0x13: {  	[smem:$0x3FB4] =	sst s0;
	s0 =	simm.s32 @!p1 $0x0  }
0x14: {  	s2 =	sld [smem:$0x3F98];
	s0 =	simm.s32 @p1 $0x1  }
0x15: {  	[smem:$0x3FB5] =	sst s0;
	s0 =	simm.s32 @!p2 $0x0  }
0x16: {  	s3 =	sld [smem:$0x3FDB];
	s0 =	simm.s32 @p2 $0x1  }
0x17: {  	s4 =	simm.s32 $0x1BF5;
	[smem:$0x3FB7] =	sst s0  }
0x18: {  	s0 =	sld [smem:$0x3F9A];
	_ =	swait.ge [sflag:s4], $0x0  }
0x19: {  	s7 =	sld [smem:$0x3F9B]  }
0x1a: {  	s8 =	sadd.s32 $0xFFFFE003, lr  }
0x1b: {  	s9 =	sadd.s32 $0xFFFFFEF7, lr;
	s5 =	simm.s32 $0xFFFFFFFF;
	p2 =	slt.u32 s8, $0xFFFFF086  }
0x1c: {  	p1 =	slt.u32 s9, $0xF7A;
	s5 =	simm.s32 @!p2 $0x0  }
0x1d: {  	s5 =	simm.s32 @p1 $0x1;
	p0 =	seq.s32 s7, s2  }
0x1e: {  	s7 =	smul.u32 @!p0 $0xF7A, s2;
	p2 =	seq.s32 @!p0 s5, $0x0  }
0x1f: {  	s9 =	smul.u32 $0xF7A, s1;
	s8 =	simm.s32 @!p0 $0x1BF5;
	p2 =	por !p2, p0  }
0x20: {  	[sflag:s8] =	ssyncset.s32 @!p0 $0xFFFFF086;
	s6 =	sadd.s32 @!p0 s3, s7;
	s7 =	simm.s32 @!p0 $0x108  }
0x21: {  	s3 =	sadd.s32 s3, s9;
	s6 =	sadd.s32 @!p0 $0x88, s6;
	s7 =	simm.s32 @p2 $0x1082  }
0x22: {  	[simem:s7], [sflag:s8] =	dma.local @!p0 [hbm:s6], $0xF7A  }
0x23: {  	s9 =	sor.u32 $0xD0000000, s2;
	s6 =	simm.s32 $0x108;
	_ =	swait.ge @!p0 [sflag:s8], $0x0  }
0x24: {  	s3 =	sadd.s32 $0x88, s3;
	s6 =	simm.s32 @!p1 $0x1082;
	[sflag:s4] =	ssyncset.s32 $0xFFFFF086  }
0x25: {  	[simem:s6], [sflag:s4] =	dma.local [hbm:s3], $0xF7A  }
0x26: {  	[smem:$0x3F9B] =	sst s1;
	(tag) =	ssettag s2;
	_ =	strace s9  }
0x27: {  	s1 =	sld [smem:$0x3FAB]  }
0x28: {  	s2 =	sld [smem:$0x3FAC]  }
0x29: {  	s4 =	sld [smem:$0x3FAE]  }
0x2a: {  	p0 =	seq.s32 s5, $0x0;
	s5 =	sld [smem:$0x3FAF]  }
0x2b: {  	s6 =	sld [smem:$0x3FB0]  }
0x2c: {  	s7 =	sld [smem:$0x3FB1]  }
0x2d: {  	s3 =	simm.s32 $0x108;
	s8 =	sld [smem:$0x3FB2]  }
0x2e: {  	s3 =	simm.s32 @!p0 $0x1082;
	s9 =	sld [smem:$0x3FB3]  }
0x2f: {  	lr =	sadd.s32 s0, s3;
	s0 =	sld [smem:$0x3FAA]  }
0x30: {  	s3 =	sld [smem:$0x3FAD]  }
0x31: {  	[smem:$0x3FB6] =	sst s10  }
0x32: {  	s10 =	sld [smem:$0x3FB4];
	_ =	sdelay $0x3  }
0x33: {  	p0 =	seq.s32 s10, $0x1;
	s10 =	sld [smem:$0x3FB6];
	_ =	sdelay $0x3  }
0x34: {  	[smem:$0x3FB6] =	sst s10  }
0x35: {  	s10 =	sld [smem:$0x3FB5];
	_ =	sdelay $0x3  }
0x36: {  	p1 =	seq.s32 s10, $0x1;
	s10 =	sld [smem:$0x3FB6];
	_ =	sdelay $0x3  }
0x37: {  	[smem:$0x3FB6] =	sst s10  }
0x38: {  	s10 =	sld [smem:$0x3FB7]  }
0x39: {  	_ = 	snop;
	(pc) =	sbr.ind lr, $3  }
0x3a: {  	_ = 	snop  }
0x3b: {  	_ = 	snop  }
0x3c: {  	p2 =	seq.s32 s10, $0x1;
	s10 =	sld [smem:$0x3FB6]  }
0x3d: {  	_ =	shalt  }
0x3e: {  	_ =	shalt  }
0x3f: {  	_ =	shalt  }
0x40: {  	_ =	shalt  }
0x41: {  	_ =	shalt  }
0x42: {  	_ =	shalt  }
0x43: {  	_ =	shalt  }
0x44: {  	_ =	shalt  }
0x45: {  	_ =	shalt  }
0x46: {  	_ =	shalt  }
0x47: {  	_ =	shalt  }
0x48: {  	_ =	shalt  }
0x49: {  	_ =	shalt  }
0x4a: {  	_ =	shalt  }
0x4b: {  	_ =	shalt  }
0x4c: {  	_ =	shalt  }
0x4d: {  	_ =	shalt  }
0x4e: {  	_ =	shalt  }
0x4f: {  	_ =	shalt  }
0x50: {  	_ =	shalt  }
0x51: {  	_ =	shalt  }
0x52: {  	_ =	shalt  }
0x53: {  	_ =	shalt  }
0x54: {  	_ =	shalt  }
0x55: {  	_ =	shalt  }
0x56: {  	_ =	shalt  }
0x57: {  	_ =	shalt  }
0x58: {  	_ =	shalt  }
0x59: {  	_ =	shalt  }
0x5a: {  	_ =	shalt  }
0x5b: {  	_ =	shalt  }
0x5c: {  	_ =	shalt  }
0x5d: {  	_ =	shalt  }
0x5e: {  	_ =	shalt  }
0x5f: {  	_ =	shalt  }
0x60: {  	_ =	shalt  }
0x61: {  	_ =	shalt  }
0x62: {  	_ =	shalt  }
0x63: {  	_ =	shalt  }
0x64: {  	_ =	shalt  }
0x65: {  	_ =	shalt  }
0x66: {  	_ =	shalt  }
0x67: {  	_ =	shalt  }
0x68: {  	_ =	shalt  }
0x69: {  	_ =	shalt  }
0x6a: {  	_ =	shalt  }
0x6b: {  	_ =	shalt  }
0x6c: {  	_ =	shalt  }
0x6d: {  	_ =	shalt  }
0x6e: {  	_ =	shalt  }
0x6f: {  	_ =	shalt  }
0x70: {  	_ =	shalt  }
0x71: {  	_ =	shalt  }
0x72: {  	_ =	shalt  }
0x73: {  	_ =	shalt  }
0x74: {  	_ =	shalt  }
0x75: {  	_ =	shalt  }
0x76: {  	_ =	shalt  }
0x77: {  	_ =	shalt  }
0x78: {  	_ =	shalt  }
0x79: {  	_ =	shalt  }
0x7a: {  	_ =	shalt  }
0x7b: {  	_ =	shalt  }
0x7c: {  	_ =	shalt  }
0x7d: {  	_ =	shalt  }
0x7e: {  	_ =	shalt  }
0x7f: {  	_ =	shalt  }
0x80: {  	_ =	shalt  }
0x81: {  	_ =	shalt  }
0x82: {  	_ =	shalt  }
0x83: {  	_ =	shalt  }
0x84: {  	_ =	shalt  }
0x85: {  	_ =	shalt  }
0x86: {  	_ =	shalt  }
0x87: {  	_ =	shalt  }
.Lfunc_end0:
.L_simem_size_0:
called_computation_lowered:
.L_overlay_start_0:
0x88: {  	s2 =	sld [smem:$0x3FD9]  }
0x89: {  	s3 =	sld [smem:$0x3FFE];
	_ =	sdelay $0x1  }
0x8a: {  	s1 =	srdreg.scid  }
0x8b: {  	s0 =	sand.u32 $0x1, s1  }
0x8c: {  	s16 =	sshll.u32 s0, $0xA;
	s2 =	sadd.s32 s3, s2  }
0x8d: {  	s2 =	sadd.s32 s2, s16  }
0x8e: {  	[smem:$0x3FC2] =	sst s2  }
0x8f: {  	_ = 	snop  }
0x90: {  	(tm) =	ssettm $0x1  }
0x91: {  	s17 =	sld [smem:$0x3FFB];
	_ =	sdelay $0x3  }
0x92: {  	_ =	strace s17  }
0x93: {  	s2 =	sld [smem:$0x3FFC];
	_ =	sdelay $0x3  }
0x94: {  	_ =	strace s2  }
0x95: {  	s2 =	sld [smem:$0x3FFD];
	_ =	sdelay $0x3  }
0x96: {  	_ =	strace s2  }
0x97: {  	_ =	strace $0x8FFFFFFF  }
0x98: {  	s18 =	sld [smem:$0x3FDB];
	_ =	sdelay $0x1  }
0x99: {  	s19 =	simm.s32 $_scs_section_size  }
0x9a: {  	s4 =	simm.s32 $_size__tile_overlayer_lowered;
	s5 =	simm.s32 $_tile_overlayer_lowered  }
0x9b: {  	s22 =	simm.s32 $0x1BFF;
	s21 =	sshll.u32 s5, $0x1;
	s2 =	sadd.s32 s19, s18  }
0x9c: {  	s6 =	simm.s32 $0x0;
	s20 =	sshll.u32 s4, $0x1;
	s4 =	sadd.s32 s21, s2  }
0x9d: {  	[timem:s6], [sflag:s22] =	dma.local [hbm:s4], s20  }
0x9e: {  	_ =	swait.ge [sflag:s22], s20  }
0x9f: {  	s3 =	ssub.s32 $0x0, s20;
	[sflag:s22] =	ssyncset.done $0x0  }
0xa0: {  	[sflag:s22] =	ssyncadd.s32 s3;
	_ =	sdelay $0x1  }
0xa1: {  	s23 =	simm.s32 $0x1B8B  }
0xa2: {  	_ =	swait.ge [sflag:s23], $0x1  }
0xa3: {  	[sflag:s23] =	ssyncset.done $0x0  }
0xa4: {  	s25 =	simm.s32 $0x1B8E;
	s24 =	sld [smem:$0x3FFE];
	[sflag:s23] =	ssyncadd.s32 $0xFFFFFFFF  }
0xa5: {  	s26 =	simm.s32 $execute0_lowered;
	[smem:$0x3FD2] =	sst s25  }
0xa6: {  	s4 =	sshll.u32 s26, $0x1;
	_ =	strace $0x80000046;
	[dreg:$0x1] =	wrdreg $0xFFFFFFFF  }
0xa7: {  	s28 =	simm.s32 $_size_execute0_lowered;
	s2 =	sadd.s32 s2, s4;
	[dreg:$0x0] =	wrdreg $0x0  }
0xa8: {  	s4 =	sshll.u32 s28, $0x1;
	[dreg:$0x2] =	wrdreg s2  }
0xa9: {  	[dreg:$0x3] =	wrdreg s4  }
0xaa: {  	[dreg:$0x4] =	wrdreg $0xC0  }
0xab: {  	_ =	task [dreg:s6], $0x5FFFF  }
0xac: {  	[dreg:$0x1] =	wrdreg $0xFFFFFFFF  }
0xad: {  	[dreg:$0x0] =	wrdreg $0x60  }
0xae: {  	[dreg:$0x2] =	wrdreg s24  }
0xaf: {  	[dreg:$0x3] =	wrdreg $0x54000  }
0xb0: {  	[dreg:$0x4] =	wrdreg $0x9  }
0xb1: {  	_ =	task.clear_ibuf [dreg:s6], $0x5FFFF;
	_ =	strace $0x90000046  }
0xb2: {  	s29 =	simm.s32 $0x9;
	_ =	strace $0x80000048  }
0xb3: {  	_ =	swait.ge [sflag:s29], $0x1  }
0xb4: {  	[sflag:s29] =	ssyncadd.s32 $0xFFFFFFFF  }
0xb5: {  	_ =	strace $0x90000048  }
0xb6: {  	_ =	sfence  }
0xb7: {  	s30 =	sld [smem:$0x0];
	_ =	sdelay $0x2  }
0xb8: {  	s31 =	sshll.u32 s1, $0xD;
	s1 =	sshrl.u32 s1, $0x2  }
0xb9: {  	s3 =	sand.u32 $0x4000, s31;
	s1 =	sadd.s32 s1, s30  }
0xba: {  	s0 =	sor.u32 s3, s0;
	s1 =	sshll.u32 s1, $0x11  }
0xbb: {  	s0 =	sor.u32 s1, s0  }
0xbc: {  	s0 =	sadd.s32 $0x8F2B, s0  }
0xbd: {  	[sflag:s0] =	ssyncadd.remote.s32 $0x1  }
0xbe: {  	_ =	sfence.sel $0xFFFF  }
0xbf: {  	[dreg:$0x0] =	wrdreg $0xFFFFFFFF;
	(pc) =	sbr.abs _section_cstart, $3  }
0xc0: {  	[dreg:$0x1] =	wrdreg $0xFFFFFFFF  }
0xc1: {  	_ =	task.clear_ibuf [dreg:s6], $0x2FFFF;
	_ =	strace $0x9FFFFFFF  }
0xc2: {  	(tm) =	ssettm $0x7FFFFFFF  }
0xc3: {  	_ =	shalt  }
tec
execute0_lowered:
.L_overlay_start_1:
0x0: {  	(tag) =	ssettag $0x1  }
0x1: {  	s1 =	srdreg.scid;
	s10 =	rddreg [dreg:$0x0]  }
0x2: {  	s0 =	stileid.u32;
	s2 =	rddreg [dreg:$0x1]  }
0x3: {  	s3 =	simm.s32 $0x0;
	s15 =	simm.s32 $0x1400;
	s16 =	simm.s32 $0x1  }
0x4: {  	s17 =	simm.s32 $0x80;
	s24 =	simm.s32 $0x0;
	s4 =	smul.u32 $0x2800, s0  }
0x5: {  	s7 =	sand.u32 $0x1, s1;
	s1 =	rddreg [dreg:$0x2];
	s6 =	smul.u32 $0x2780, s0  }
0x6: {  	[smem:$0x7FF] =	sst s3;
	s9 =	smul.u32 $0x4F000, s0;
	s21 =	sadd.s32 $0x128400, s2  }
0x7: {  	p0 =	seq.s32 s0, $0xF;
	s5 =	smul.u32 $0x1400, s7;
	_ =	strace $0x80000047  }
0x8: {  	s11 =	ssub.s32 $0x2, s7;
	p4 =	seq.s32 s7, $0x1;
	s13 =	sshll.u32 @!p0 s0, $0x6  }
0x9: {  	s12 =	sadd.s32 s6, s10;
	s31 =	sshrl.u32 s11, $0x1;
	s9 =	sshrl.u32 s9, $0x2  }
0xa: {  	s13 =	sor.u32 @!p0 $0x1C01, s13;
	p2 =	seq.s32 @p4 s0, $0xF;
	p5 =	seq.s32 @!p4 s0, $0xF  }
0xb: {  	s4 =	sadd.s32 s5, s4;
	s5 =	sadd.s32 $0x8C00, s10;
	s11 =	ssub.s32 s11, s31  }
0xc: {  	s23 =	sadd.s32 s9, s2;
	s7 =	sadd.s32 $0xBC00, s12;
	s9 =	sadd.s32 $0x32E00, s12  }
0xd: {  	s12 =	sshrl.u32 @p0 s21, $0x3;
	p1 =	por !p2, !p4;
	p2 =	por p2, !p4  }
0xe: {  	p3 =	por !p5, p4;
	p4 =	por p5, p4;
	s4 =	sshrl.u32 s4, $0x3  }
0xf: {  	s11 =	smax.u32 s11, $0x1;
	s14 =	sshrl.u32 @!p0 s23, $0x3;
	s18 =	sshrl.u32 @!p1 s21, $0x3  }
0x10: {  	s19 =	sshll.u32 @!p2 s0, $0x6;
	s20 =	sshrl.u32 @!p2 s23, $0x3;
	s21 =	sshrl.u32 @!p3 s21, $0x3  }
0x11: {  	s22 =	sshll.u32 @!p4 s0, $0x6;
	s23 =	sshrl.u32 @!p4 s23, $0x3;
	s8 =	sadd.s32 s4, s10  }
0x12: {  	s4 =	sadd.s32 $0xB400, s10;
	s19 =	sor.u32 @!p2 $0x1C01, s19;
	s22 =	sor.u32 @!p4 $0x1C01, s22  }
0x13: {  	s6 =	sadd.s32 $0x3C00, s8;
	s8 =	sadd.s32 $0x30C80, s10;
	s10 =	sadd.s32 $0x57E80, s10  }
.LBB2_1:
0x14: {  	s25 =	simm.s32 @p0 $0x1FC1  }
0x15: {  	[spmem:s12], [sflag:s25] =	dma.local @p0 [hbm:s5], $0x2080  }
0x16: {  	s25 =	simm.s32 @p0 $0x1  }
0x17: {  	_ =	swait.ge @p0 [sflag:s25], $0x2080  }
0x18: {  	[sflag:s25] =	ssyncset.done @p0 $0x0  }
0x19: {  	[sflag:s25] =	ssyncadd.s32 @p0 $0xFFFFDF80;
	s25 =	simm.s32 @!p0 $0x1  }
0x1a: {  	[spmem:s14], [sflag:s13] =	dma.local @!p0 [hbm:s5], $0x2780  }
0x1b: {  	_ =	swait.ge @!p0 [sflag:s25], $0x2780  }
0x1c: {  	[sflag:s25] =	ssyncset.done @!p0 $0x0  }
0x1d: {  	[sflag:s25] =	ssyncadd.s32 @!p0 $0xFFFFD880  }
0x1e: {  	[tilespmem:s15], [sflag:$0x1] =	stream.linear.gather [hbm4b:s4+s3], $0x4000, $0x38;
	[tilespmem:$0x18CC0] =	vst v63  }
0x1f: {  	_ =	swait.ge [sflag:s16], $0x4000  }
0x20: {  	[sflag:s16] =	ssyncset.done $0x0  }
0x21: {  	[sflag:s16] =	ssyncadd.s32 $0xFFFFC000  }
0x22: {  	[tilespmem:s3], [sflag:$0x1] =	stream.linear.gather [hbm4b:s6+s3], $0x1400, $0x38;
	[tilespmem:$0x18CC0] =	vst v63  }
0x23: {  	_ =	swait.ge [sflag:s16], $0x1400  }
0x24: {  	[sflag:s16] =	ssyncset.done $0x0  }
0x25: {  	[sflag:s16] =	ssyncadd.s32 $0xFFFFEC00  }
0x26: {  	s31 =	simm.s32 $0x0;
	[bflag:$0x0] =	sbarrier.arrive $0xFFFF  }
0x27: {  	[spmem:s2] =	stream.indirect.scatter.add.f32 [tilespmem:s15], [sflag:$0x1], $0x80, s31, s17, $0xb8;
	[tilespmem:$0x18CC0] =	vst v63  }
0x28: {  	_ =	swait.ge [sflag:s16], $0x4000  }
0x29: {  	s25 =	simm.s32 $0x200;
	[sflag:s16] =	ssyncset.done $0x0  }
.LBB2_2:
0x2a: {  	s26 =	sshra.s32 s25, $0x2;
	[sflag:s16] =	ssyncadd.s32 $0xFFFFC000;
	p5 =	sne.s32 s25, $0x4E00  }
0x2b: {  	[spmem:s2] =	stream.indirect.scatter.add.f32 [tilespmem:s15], [sflag:$0x1], $0x80, s26, s17, $0xb8;
	[tilespmem:$0x18CC0] =	vst v63  }
.Ltmp0:
0x2c: {  	_ = 	snop;
	(pc) =	sbr.rel @p5 .LBB2_2-.Ltmp0, $4  }
0x2d: {  	_ = 	snop  }
0x2e: {  	s25 =	sadd.s32 $0x200, s25  }
0x2f: {  	_ =	swait.ge [sflag:s16], $0x4000  }
0x30: {  	[sflag:s16] =	ssyncset.done $0x0  }
0x31: {  	[sflag:s16] =	ssyncadd.s32 $0xFFFFC000  }
0x32: {  	s25 =	simm.s32 @!p1 $0x1FC1;
	[bflag:$0x0] =	sbarrier.arrive $0xFFFF  }
0x33: {  	[hbm:s10], [sflag:s25] =	dma.local @!p1 [spmem:s18], $0x2080  }
0x34: {  	s25 =	simm.s32 @!p1 $0x1  }
0x35: {  	_ =	swait.ge @!p1 [sflag:s25], $0x2080  }
0x36: {  	[sflag:s25] =	ssyncset.done @!p1 $0x0  }
0x37: {  	[sflag:s25] =	ssyncadd.s32 @!p1 $0xFFFFDF80;
	s25 =	simm.s32 @!p2 $0x1  }
0x38: {  	[hbm:s9], [sflag:s19] =	dma.local @!p2 [spmem:s20], $0x2780  }
0x39: {  	_ =	swait.ge @!p2 [sflag:s25], $0x2780  }
0x3a: {  	[sflag:s25] =	ssyncset.done @!p2 $0x0  }
0x3b: {  	[sflag:s25] =	ssyncadd.s32 @!p2 $0xFFFFD880;
	s25 =	simm.s32 @!p3 $0x1FC1  }
0x3c: {  	[hbm:s8], [sflag:s25] =	dma.local @!p3 [spmem:s21], $0x2080  }
0x3d: {  	s25 =	simm.s32 @!p3 $0x1  }
0x3e: {  	s24 =	sadd.s32 $0x1, s24;
	_ =	swait.ge @!p3 [sflag:s25], $0x2080  }
0x3f: {  	p5 =	sne.s32 s24, s11;
	[sflag:s25] =	ssyncset.done @!p3 $0x0  }
.Ltmp1:
0x40: {  	[sflag:s25] =	ssyncadd.s32 @!p3 $0xFFFFDF80;
	s25 =	simm.s32 @!p4 $0x1;
	(pc) =	sbr.rel @p5 .LBB2_1-.Ltmp1, $4  }
0x41: {  	[hbm:s7], [sflag:s22] =	dma.local @!p4 [spmem:s23], $0x2780  }
0x42: {  	_ =	swait.ge @!p4 [sflag:s25], $0x2780  }
0x43: {  	[sflag:s25] =	ssyncset.done @!p4 $0x0  }
0x44: {  	[sflag:s25] =	ssyncadd.s32 @!p4 $0xFFFFD880  }
0x45: {  	_ =	sfence.sel $0x180000  }
0x46: {  	[bflag:$0x0] =	sbarrier.arrive $0xFFFF  }
0x47: {  	p0 =	sne.s32 s0, $0x0;
	_ =	strace $0x90000047  }
0x48: {  	s0 =	sadd.s32 @!p0 $0x100000, s1;
	[bflag:$0x2] =	sbarrier.arrive $0xFFFF  }
0x49: {  	[sflag:s0] =	ssyncadd.tile.s32 @!p0 $0x1;
	_ =	shalt  }
.Lfunc_end2:
_tile_overlayer_lowered:
.L_overlay_start_2:
0x4a: {  	(tag) =	ssettag $0x2  }
0x4b: {  	s0 =	rddreg [dreg:$0x0];
	s2 =	stileid.u32  }
0x4c: {  	s1 =	rddreg [dreg:$0x1];
	p0 =	sne.s32 s2, $0x0  }
0x4d: {  	s3 =	rddreg [dreg:$0x2];
	[bflag:$0x3] =	sbarrier.arrive $0xFFFF;
	s2 =	simm.s32 @!p0 $0x1C01  }
0x4e: {  	[timem:s3], [sflag:s2] =	dma.local @!p0 [hbm:s0], s1  }
0x4f: {  	s0 =	simm.s32 @!p0 $0x1  }
0x50: {  	_ =	swait.ge @!p0 [sflag:s0], s1  }
0x51: {  	s1 =	ssub.s32 @!p0 $0x0, s1;
	[sflag:s0] =	ssyncset.done @!p0 $0x0  }
0x52: {  	[sflag:s0] =	ssyncadd.s32 @!p0 s1  }
0x53: {  	[bflag:$0x3] =	sbarrier.arrive $0xFFFF  }
0x54: {  	_ =	shalt  }

</sc_bundles>
